<compile_context>
chip_gen: v7x
topology: tpu7x:2x2x1
jax: 0.10.2.dev20260603
libtpu: 0.0.44.dev20260713+nightly
codegen_flags: <defaults>
</compile_context>

<pallas_src>
import functools

import jax
import jax.numpy as jnp
import numpy as np
from jax import lax
from jax.experimental import pallas as pl
from jax.experimental.pallas import tpu as pltpu
from jax.experimental.pallas import tpu_sc as plsc

_NPOINTS = [1024, 256, 128, 64]
_RADII = [[0.05, 0.1], [0.1, 0.2], [0.2, 0.4], [0.4, 0.8]]
_K_A, _K_B = 16, 32
_BN_EPS = 1e-5


def _rup(x, m):
    return (x + m - 1) // m * m


def _fps_body(npoint, n, b, xyz_ref, out_ref):
    x = xyz_ref[0]
    y = xyz_ref[1]
    z = xyz_ref[2]
    ji = lax.broadcasted_iota(jnp.int32, (b, n), 1)
    lane = lax.broadcasted_iota(jnp.int32, (b, 128), 1)
    tile = min(npoint, 128)

    def body(i, st, base):
        dists, far, tx, ty, tz = st
        msk = ji == far
        cx = jnp.sum(jnp.where(msk, x, 0.0), axis=1, keepdims=True)
        cy = jnp.sum(jnp.where(msk, y, 0.0), axis=1, keepdims=True)
        cz = jnp.sum(jnp.where(msk, z, 0.0), axis=1, keepdims=True)
        lm = lane == (i - base)
        tx = jnp.where(lm, cx, tx)
        ty = jnp.where(lm, cy, ty)
        tz = jnp.where(lm, cz, tz)
        dx = x - cx
        dy = y - cy
        dz = z - cz
        d = dx * dx + dy * dy + dz * dz
        dists = jnp.minimum(dists, d)
        m = jnp.max(dists, axis=1, keepdims=True)
        far = jnp.min(jnp.where(dists == m, ji, n), axis=1, keepdims=True)
        return dists, far, tx, ty, tz

    dists = jnp.full((b, n), 1e10, dtype=jnp.float32)
    far = jnp.zeros((b, 1), dtype=jnp.int32)
    z128 = jnp.zeros((b, 128), dtype=jnp.float32)
    for o in range(npoint // tile):
        dists, far, tx, ty, tz = lax.fori_loop(
            o * tile, (o + 1) * tile,
            functools.partial(body, base=o * tile),
            (dists, far, z128, z128, z128))
        out_ref[0, :, o * tile:o * tile + tile] = tx[:, :tile]
        out_ref[1, :, o * tile:o * tile + tile] = ty[:, :tile]
        out_ref[2, :, o * tile:o * tile + tile] = tz[:, :tile]


def _run_fps(xyz3, npoint):
    _, b, n = xyz3.shape
    out = pl.pallas_call(
        functools.partial(_fps_body, npoint, n, b),
        in_specs=[pl.BlockSpec((3, b, n), lambda: (0, 0, 0))],
        out_specs=pl.BlockSpec((3, b, npoint), lambda: (0, 0, 0)),
        out_shape=jax.ShapeDtypeStruct((3, b, npoint), jnp.float32),
    )(xyz3)
    ctr = jnp.transpose(out, (1, 2, 0))
    return jnp.concatenate(
        [ctr, jnp.zeros((b, npoint, 5), jnp.float32)], axis=2)


def _ball_body(n, r2a, r2b, sblk, xyz_ref, ctr_ref, out_ref):
    x = xyz_ref[0, 0:1, :]
    y = xyz_ref[0, 1:2, :]
    z = xyz_ref[0, 2:3, :]
    cx = ctr_ref[0, :, 0:1]
    cy = ctr_ref[0, :, 1:2]
    cz = ctr_ref[0, :, 2:3]
    dx = x - cx
    dy = y - cy
    dz = z - cz
    d2 = dx * dx + dy * dy + dz * dz
    jf = lax.broadcasted_iota(jnp.int32, (1, 1, n), 2).astype(jnp.float32)
    nlog = int(np.ceil(np.log2(n)))

    ma = (d2 < r2a).astype(jnp.int32)
    mb = (d2 < r2b).astype(jnp.int32)
    c = ma + (mb << 13)
    for sh in [1 << t for t in range(nlog)]:
        c = c + jnp.concatenate(
            [jnp.zeros((sblk, sh), jnp.int32), c[:, : n - sh]], axis=1)
    ca = c & 8191
    cb = c >> 13
    rva = jnp.where(ma == 1, ca - ma, -1)
    rvb = jnp.where(mb == 1, cb - mb, -1)

    def select(rankv, cnt, k_slots):
        kk = lax.broadcasted_iota(jnp.int32, (1, k_slots, 1), 1)
        idxs = jnp.sum(
            jnp.where(rankv[:, None, :] == kk, jf, 0.0), axis=2)
        first = jnp.where(cnt > 0, idxs[:, 0:1], jnp.float32(n - 1))
        kcol = lax.broadcasted_iota(jnp.int32, (sblk, k_slots), 1)
        return jnp.where(kcol < cnt, idxs, first)

    ia = select(rva, ca[:, n - 1:n], _K_A)
    ib = select(rvb, cb[:, n - 1:n], _K_B)
    pad = jnp.zeros((sblk, 128 - _K_A - _K_B), jnp.float32)
    out_ref[0] = jnp.concatenate([ia, ib, pad], axis=1).astype(jnp.int32)


def _run_ball(xyz_t8, centers, r2a, r2b, sblk=8):
    b, _, n = xyz_t8.shape
    s = centers.shape[1]
    sblk = min(sblk, s)
    return pl.pallas_call(
        functools.partial(_ball_body, n, r2a, r2b, sblk),
        grid=(b, s // sblk),
        in_specs=[
            pl.BlockSpec((1, 8, n), lambda i, j: (i, 0, 0)),
            pl.BlockSpec((1, sblk, 8), lambda i, j: (i, j, 0)),
        ],
        out_specs=pl.BlockSpec((1, sblk, 128), lambda i, j: (i, j, 0)),
        out_shape=jax.ShapeDtypeStruct((b, s, 128), jnp.int32),
    )(xyz_t8, centers)


def _sc_gather(table, idx_flat):
    tot = idx_flat.shape[0]
    dp = table.shape[1]
    nc, ns = 2, 16
    nw = nc * ns
    b_per_w = tot // nw
    chunk = 8
    for c in range(min(b_per_w, 512), 7, -8):
        if b_per_w % c == 0 and c * dp * 4 <= 140_000:
            chunk = c
            break
    assert tot % (8 * nw) == 0 and b_per_w % chunk == 0
    nchunks = b_per_w // chunk
    mesh = plsc.VectorSubcoreMesh(core_axis_name="c", subcore_axis_name="s")

    @functools.partial(
        pl.kernel, mesh=mesh,
        out_type=jax.ShapeDtypeStruct((tot, dp), jnp.float32),
        scratch_types=[
            pltpu.VMEM((chunk,), jnp.int32),
            pltpu.VMEM((chunk, dp), jnp.float32),
            pltpu.SemaphoreType.DMA,
        ],
    )
    def k(table_hbm, idx_hbm, out_hbm, idx_v, rows_v, sem):
        wid = lax.axis_index("s") * nc + lax.axis_index("c")
        base = wid * b_per_w

        def body(ci, _):
            off = base + ci * chunk
            pltpu.sync_copy(idx_hbm.at[pl.ds(off, chunk)], idx_v)
            pltpu.async_copy(table_hbm.at[idx_v], rows_v, sem).wait()
            pltpu.sync_copy(rows_v, out_hbm.at[pl.ds(off, chunk)])
            return 0

        lax.fori_loop(0, nchunks, body, 0)

    return k(table, idx_flat)


def _sa_body(dp, k, sblk, g_ref, ctr_ref, *refs):
    out_ref = refs[-1]
    wrefs = refs[:-1]
    m = sblk * k
    g = g_ref[0, 0]
    ctr = ctr_ref[0, 0]
    cpad = jnp.concatenate(
        [ctr[:, 0:3], jnp.zeros((m, dp - 3), jnp.float32)], axis=1)
    h = g - cpad
    for li in range(len(wrefs) // 2):
        w = wrefs[2 * li][...]
        bb = wrefs[2 * li + 1][...]
        h = jnp.maximum(
            jnp.dot(h, w, preferred_element_type=jnp.float32) + bb, 0.0)
    cout = h.shape[1]
    out_ref[0] = jnp.max(h.reshape(sblk, k, cout), axis=1)


def _run_sa(g4, ctr_rep, weights, k):
    b, nblocks, m, dp = g4.shape
    sblk = m // k
    s = nblocks * sblk
    cout = weights[-1][0].shape[1]
    wargs = []
    in_specs = [
        pl.BlockSpec((1, 1, m, dp), lambda i, j: (i, j, 0, 0)),
        pl.BlockSpec((1, 1, m, 8), lambda i, j: (i, j, 0, 0)),
    ]
    for w, bb in weights:
        wargs += [w, bb]
        in_specs += [
            pl.BlockSpec(w.shape, lambda i, j: (0, 0)),
            pl.BlockSpec(bb.shape, lambda i, j: (0, 0)),
        ]
    return pl.pallas_call(
        functools.partial(_sa_body, dp, k, sblk),
        grid=(b, nblocks),
        in_specs=in_specs,
        out_specs=pl.BlockSpec((1, sblk, cout), lambda i, j: (i, j, 0)),
        out_shape=jax.ShapeDtypeStruct((b, s, cout), jnp.float32),
    )(g4, ctr_rep, *wargs)


def _fp_body(mp, nblk, unk_ref, kn_ref, f_ref, out_ref):
    ux = unk_ref[0, 0:1, :]
    uy = unk_ref[0, 1:2, :]
    uz = unk_ref[0, 2:3, :]
    kx = kn_ref[0, :, 0:1]
    ky = kn_ref[0, :, 1:2]
    kz = kn_ref[0, :, 2:3]
    dx = kx - ux
    dy = ky - uy
    dz = kz - uz
    d2 = dx * dx + dy * dy + dz * dz
    si = lax.broadcasted_iota(jnp.int32, (mp, nblk), 0)
    dists, ams = [], []
    dcur = d2
    for _ in range(3):
        mn = jnp.min(dcur, axis=0, keepdims=True)
        am = jnp.min(jnp.where(dcur == mn, si, mp), axis=0, keepdims=True)
        dists.append(mn)
        ams.append(am)
        dcur = jnp.where(si == am, jnp.float32(1e30), dcur)
    w = [1.0 / (d + 1e-8) for d in dists]
    norm = (w[0] + w[1]) + w[2]
    w = [wt / norm for wt in w]
    a = jnp.zeros((mp, nblk), jnp.float32)
    for t in range(3):
        a = a + jnp.where(si == ams[t], w[t], 0.0)
    out_ref[0] = jnp.dot(f_ref[0], a, preferred_element_type=jnp.float32)


def _run_fp_interp(unk_t8, kn, feats, nblk):
    b, _, n = unk_t8.shape
    mp = kn.shape[1]
    cp = feats.shape[1]
    nblk = min(nblk, n)
    return pl.pallas_call(
        functools.partial(_fp_body, mp, nblk),
        grid=(b, n // nblk),
        in_specs=[
            pl.BlockSpec((1, 8, nblk), lambda i, j: (i, 0, j)),
            pl.BlockSpec((1, mp, 8), lambda i, j: (i, 0, 0)),
            pl.BlockSpec((1, cp, mp), lambda i, j: (i, 0, 0)),
        ],
        out_specs=pl.BlockSpec((1, cp, nblk), lambda i, j: (i, 0, j)),
        out_shape=jax.ShapeDtypeStruct((b, cp, n), jnp.float32),
    )(unk_t8, kn, feats)


def _chain_body(maxpool_n, x_ref, *refs):
    out_ref = refs[-1]
    wrefs = refs[:-1]
    h = x_ref[0]
    for li in range(len(wrefs) // 2):
        w = wrefs[2 * li][...]
        bb = wrefs[2 * li + 1][...]
        h = jnp.maximum(
            jnp.dot(w, h, preferred_element_type=jnp.float32) + bb, 0.0)
    if maxpool_n:
        out_ref[0] = jnp.max(h[:, :maxpool_n], axis=1, keepdims=True)
    else:
        out_ref[0] = h


def _run_chain(x, weights, nblk=512, maxpool_n=0):
    b, cinp, n = x.shape
    cout = weights[-1][0].shape[0]
    nblk = min(nblk, n)
    wargs = []
    in_specs = [pl.BlockSpec((1, cinp, nblk), lambda i, j: (i, 0, j))]
    for w, bb in weights:
        wargs += [w, bb]
        in_specs += [
            pl.BlockSpec(w.shape, lambda i, j: (0, 0)),
            pl.BlockSpec(bb.shape, lambda i, j: (0, 0)),
        ]
    if maxpool_n:
        out_specs = pl.BlockSpec((1, cout, 1), lambda i, j: (i, 0, 0))
        out_shape = jax.ShapeDtypeStruct((b, cout, 1), jnp.float32)
    else:
        out_specs = pl.BlockSpec((1, cout, nblk), lambda i, j: (i, 0, j))
        out_shape = jax.ShapeDtypeStruct((b, cout, n), jnp.float32)
    return pl.pallas_call(
        functools.partial(_chain_body, maxpool_n),
        grid=(b, n // nblk),
        in_specs=in_specs,
        out_specs=out_specs,
        out_shape=out_shape,
    )(x, *wargs)


def _fold(layer):
    scale = layer["gamma"] / np.sqrt(1.0 + _BN_EPS)
    return layer["W"] * scale[:, None], layer["beta"]


def _prep_chain_weights(layers, cin):
    out = []
    cin_p = _rup(max(cin, 8), 8)
    for lyr in layers:
        w, bvec = _fold(lyr)
        cout, cw = w.shape
        cout_p = _rup(max(cout, 8), 8)
        wp = jnp.zeros((cout_p, cin_p), jnp.float32).at[:cout, :cw].set(w)
        bp = jnp.zeros((cout_p, 1), jnp.float32).at[:cout, 0].set(bvec)
        out.append((wp, bp))
        cin_p = cout_p
    return out


def _prep_sa_weights(layers, cin_p):
    out = []
    for lyr in layers:
        w, bvec = _fold(lyr)
        cout, cw = w.shape
        cout_p = _rup(max(cout, 128), 128)
        wp = jnp.zeros((cin_p, cout_p), jnp.float32).at[:cw, :cout].set(w.T)
        bp = jnp.zeros((1, cout_p), jnp.float32).at[0, :cout].set(bvec)
        out.append((wp, bp))
        cin_p = cout_p
    return out


def kernel(pointcloud, params):
    b, n0, _ = pointcloud.shape
    t0 = jnp.transpose(pointcloud, (0, 2, 1))
    xc = jnp.transpose(pointcloud, (2, 0, 1))
    t8 = jnp.concatenate([t0, jnp.zeros((b, 5, n0), jnp.float32)], axis=1)

    feats0 = _run_chain(t8, _prep_chain_weights([params["fc_in"]], 8),
                        nblk=1024)

    l_xyz_t8 = [t8]
    l_centers = [None]
    l_feat = [feats0]

    for li in range(4):
        s = _NPOINTS[li]
        r_a, r_b = _RADII[li]
        centers = _run_fps(xc, s)
        idx = _run_ball(t8, centers, r_a * r_a, r_b * r_b)
        feats = l_feat[li]
        c = feats.shape[1]
        npts = t8.shape[2]
        d = 3 + c
        dp = _rup(d, 128)
        p = jnp.concatenate(
            [jnp.transpose(t8[:, 0:3, :], (0, 2, 1)),
             jnp.transpose(feats, (0, 2, 1)),
             jnp.zeros((b, npts, dp - d), jnp.float32)], axis=2)
        ktot = _K_A + _K_B
        idx_off = (idx[:, :, :ktot]
                   + (jnp.arange(b, dtype=jnp.int32) * npts)[:, None, None])
        rows = _sc_gather(p.reshape(b * npts, dp),
                          idx_off.reshape(b * s * ktot))
        rows = rows.reshape(b, s, ktot, dp)
        outs = []
        for sc, (k, lo) in enumerate([(_K_A, 0), (_K_B, _K_A)]):
            sblk = min(16, s)
            nblocks = s // sblk
            m = sblk * k
            g4 = rows[:, :, lo:lo + k, :].reshape(b, nblocks, m, dp)
            ctr_rep = jnp.repeat(centers, k, axis=1).reshape(b, nblocks, m, 8)
            wlist = _prep_sa_weights(params["sa"][li][sc], dp)
            pooled = _run_sa(g4, ctr_rep, wlist, k)
            cout = params["sa"][li][sc][-1]["W"].shape[0]
            outs.append(jnp.transpose(pooled[:, :, :cout], (0, 2, 1)))
        l_feat.append(jnp.concatenate(outs, axis=1))
        nxt = jnp.transpose(centers[:, :, 0:3], (0, 2, 1))
        t8 = jnp.concatenate([nxt, jnp.zeros((b, 5, s), jnp.float32)], axis=1)
        xc = jnp.transpose(centers[:, :, 0:3], (2, 0, 1))
        l_xyz_t8.append(t8)
        l_centers.append(centers)

    for fp_i, unk_i, kn_i in [(-1, 3, 4), (-2, 2, 3), (-3, 1, 2), (-4, 0, 1)]:
        unk_t8 = l_xyz_t8[unk_i]
        n_unk = unk_t8.shape[2]
        kn = l_centers[kn_i]
        m = kn.shape[1]
        mp = _rup(m, 128)
        kf = l_feat[kn_i]
        c = kf.shape[1]
        if mp != m:
            kn = jnp.concatenate(
                [kn, jnp.full((b, mp - m, 8), 1e6, jnp.float32)], axis=1)
            kf = jnp.concatenate(
                [kf, jnp.zeros((b, c, mp - m), jnp.float32)], axis=2)
        interp = _run_fp_interp(unk_t8, kn, kf, nblk=min(n_unk, 1024))
        x = jnp.concatenate([interp, l_feat[unk_i]], axis=1)
        cin = x.shape[1]
        wlist = _prep_chain_weights(params["fp"][fp_i], cin)
        cin_p = wlist[0][0].shape[1]
        if cin_p != cin:
            x = jnp.concatenate(
                [x, jnp.zeros((b, cin_p - cin, n_unk), jnp.float32)], axis=1)
        l_feat[unk_i] = _run_chain(x, wlist, nblk=min(n_unk, 512))

    feat_pt = _run_chain(l_feat[0], _prep_chain_weights([params["fc_pt"]], 128),
                         nblk=1024)
    feat_pt = jnp.transpose(feat_pt, (0, 2, 1))

    g_in = l_feat[4]
    n_g = g_in.shape[2]
    g_pad = jnp.concatenate(
        [g_in, jnp.zeros((b, g_in.shape[1], 128 - n_g), jnp.float32)], axis=2)
    feat_g = _run_chain(g_pad, _prep_chain_weights([params["fc_g"]], 1024),
                        nblk=128, maxpool_n=n_g)
    return feat_g[:, :, 0], feat_pt

# --- scband reference (transcript-rebuilt; emitter-appended) ---
"""Pipeline reference for scband-point-net2-89756226552186 (READ-ONLY COPY).

The authoritative reference and input builder live on the scoring server;
editing this copy changes nothing except your own understanding.
"""

import jax, jax.numpy as jnp
import numpy as np

NPOINTS = [1024, 256, 128, 64]
RADII = [[0.05, 0.1], [0.1, 0.2], [0.2, 0.4], [0.4, 0.8]]
NSAMPLES = [[16, 32], [16, 32], [16, 32], [16, 32]]
SA_MLPS = [
    [[35, 16, 16, 32], [35, 32, 32, 64]],
    [[99, 64, 64, 128], [99, 64, 96, 128]],
    [[259, 128, 196, 256], [259, 128, 196, 256]],
    [[515, 256, 256, 512], [515, 256, 384, 512]],
]
FP_MLPS = [[288, 128, 128], [608, 256, 256], [768, 512, 512], [1536, 512, 512]]
BN_EPS = 1e-5


def make_layer(key, cin, cout):
    W = jax.random.normal(key, (cout, cin), dtype=jnp.float32) * (1.0 / np.sqrt(cin))
    return {"W": W, "gamma": jnp.ones((cout,), jnp.float32), "beta": jnp.zeros((cout,), jnp.float32)}


def make_mlp(key, dims):
    keys = jax.random.split(key, len(dims) - 1)
    return [make_layer(keys[j], dims[j], dims[j + 1]) for j in range(len(dims) - 1)]


def init_params(key):
    ks = jax.random.split(key, 12)
    params = {}
    params["fc_in"] = make_layer(ks[0], 3, 32)
    params["sa"] = []
    for i in range(4):
        sks = jax.random.split(ks[1 + i], len(SA_MLPS[i]))
        params["sa"].append([make_mlp(sks[s], SA_MLPS[i][s]) for s in range(len(SA_MLPS[i]))])
    params["fp"] = [make_mlp(ks[5 + i], FP_MLPS[i]) for i in range(4)]
    params["fc_pt"] = make_layer(ks[9], 128, 128)
    params["fc_g"] = make_layer(ks[10], 1024, 128)
    return params


def conv_bn_relu(x, p):
    # 1x1 conv (shared MLP) + BatchNorm (eval mode, running_mean=0, running_var=1) + ReLU
    y = jnp.einsum("oc,bc...->bo...", p["W"], x)
    shape = (1, -1) + (1,) * (y.ndim - 2)
    y = y / np.sqrt(1.0 + BN_EPS)
    y = y * p["gamma"].reshape(shape) + p["beta"].reshape(shape)
    return jax.nn.relu(y)


def sqdist(a, b):
    return jnp.sum((a[:, :, None, :] - b[:, None, :, :]) ** 2, axis=-1)


def gather_points(x, idx):
    # x [B, N, C], idx [B, ...] -> [B, ..., C]
    return jax.vmap(lambda xx, ii: xx[ii])(x, idx)


def gather_feats(f, idx):
    # f [B, C, N], idx [B, S, K] -> [B, C, S, K]
    return jax.vmap(lambda ff, ii: ff[:, ii])(f, idx)


def fps(xyz, npoint):
    # farthest point sampling, xyz [B, N, 3] -> int32 [B, npoint]
    B, N, _ = xyz.shape

    def body(i, state):
        idxs, dists, farthest = state
        idxs = idxs.at[:, i].set(farthest)
        centroid = gather_points(xyz, farthest[:, None])  # [B,1,3]
        d = jnp.sum((xyz - centroid) ** 2, axis=-1)
        dists = jnp.minimum(dists, d)
        farthest = jnp.argmax(dists, axis=-1).astype(jnp.int32)
        return idxs, dists, farthest

    idxs = jnp.zeros((B, npoint), dtype=jnp.int32)
    dists = jnp.full((B, N), 1e10, dtype=jnp.float32)
    farthest = jnp.zeros((B,), dtype=jnp.int32)
    idxs, _, _ = jax.lax.fori_loop(0, npoint, body, (idxs, dists, farthest))
    return idxs


def ball_query(radius, nsample, xyz, new_xyz):
    # first-nsample points within radius of each center (torch ball_query semantics)
    B, N, _ = xyz.shape
    d2 = sqdist(new_xyz, xyz)  # [B,S,N]
    mask = d2 < radius * radius
    cand = jnp.where(mask, jnp.arange(N, dtype=jnp.int32)[None, None, :], N)
    neg, _ = jax.lax.top_k(-cand, nsample)
    idx = -neg  # ascending smallest indices
    first = idx[..., :1]
    idx = jnp.where(idx == N, first, idx)  # pad with first in-ball index
    return jnp.minimum(idx, N - 1)


def sa_module(xyz, features, npoint, radii, nsamples, mlps):
    fps_idx = fps(jax.lax.stop_gradient(xyz), npoint)
    new_xyz = gather_points(xyz, fps_idx)  # [B,S,3]
    outs = []
    for radius, nsample, layers in zip(radii, nsamples, mlps):
        idx = ball_query(radius, nsample, jax.lax.stop_gradient(xyz), jax.lax.stop_gradient(new_xyz))
        gx = gather_points(xyz, idx)  # [B,S,K,3]
        gx = jnp.transpose(gx, (0, 3, 1, 2)) - jnp.transpose(new_xyz, (0, 2, 1))[..., None]
        gf = gather_feats(features, idx)  # [B,C,S,K]
        nf = jnp.concatenate([gx, gf], axis=1)  # use_xyz=True
        for lyr in layers:
            nf = conv_bn_relu(nf, lyr)
        outs.append(jnp.max(nf, axis=-1))  # max pool over neighborhood
    return new_xyz, jnp.concatenate(outs, axis=1)


def fp_module(unknown, known, skip, known_feats, layers):
    d2 = sqdist(jax.lax.stop_gradient(unknown), jax.lax.stop_gradient(known))
    neg, idx = jax.lax.top_k(-d2, 3)
    dist = -neg
    w = 1.0 / (dist + 1e-8)
    w = w / jnp.sum(w, axis=-1, keepdims=True)
    gf = gather_feats(known_feats, idx)  # [B,C,n,3]
    interp = jnp.sum(gf * w[:, None, :, :], axis=-1)  # [B,C,n]
    nf = jnp.concatenate([interp, skip], axis=1)
    for lyr in layers:
        nf = conv_bn_relu(nf, lyr)
    return nf


def pointnet2_forward(pointcloud, params):
    xyz = pointcloud
    features = conv_bn_relu(jnp.transpose(pointcloud, (0, 2, 1)), params["fc_in"])  # [B,32,N]
    l_xyz, l_feat = [xyz], [features]
    for i in range(4):
        nx, nf = sa_module(l_xyz[i], l_feat[i], NPOINTS[i], RADII[i], NSAMPLES[i], params["sa"][i])
        l_xyz.append(nx)
        l_feat.append(nf)
    for i in range(-1, -5, -1):
        l_feat[i - 1] = fp_module(l_xyz[i - 1], l_xyz[i], l_feat[i - 1], l_feat[i], params["fp"][i])
    feat_pt = jnp.transpose(conv_bn_relu(l_feat[0], params["fc_pt"]), (0, 2, 1))  # [B,N,128]
    feat_g = jnp.max(conv_bn_relu(l_feat[4], params["fc_g"]), axis=-1)  # [B,128]
    return feat_g, feat_pt


def setup_inputs(seed: int = 0):
    key = jax.random.key(seed)
    kp, kw = jax.random.split(key)
    pointcloud = jax.random.uniform(kp, (8, 4096, 3), dtype=jnp.float32)
    params = init_params(kw)
    return {"pointcloud": pointcloud, "params": params}


def reference(pointcloud, params):
    return pointnet2_forward(pointcloud, params)

if __name__ == "__main__":
    import jax
    _d = setup_inputs()
    print(jax.jit(kernel)(*tuple(_d.values())))

</pallas_src>

<mosaic_0001>
#map = affine_map<(d0, d1) -> (0, 0)>
#map1 = affine_map<(d0, d1) -> (0)>
module attributes {stable_mosaic.version = 14 : i64} {
  func.func @k(%arg0: i32, %arg1: i32, %arg2: memref<2048x384xf32, #tpu.memory_space<hbm>>, %arg3: memref<49152xi32, #tpu.memory_space<hbm>>, %arg4: memref<49152x384xf32, #tpu.memory_space<hbm>>, %arg5: memref<64xi32, #tpu.memory_space<vmem>>, %arg6: memref<64x384xf32, #tpu.memory_space<vmem>>, %arg7: memref<!tpu.dma_semaphore, #tpu.memory_space<semaphore_mem>>) attributes {dimension_semantics = [#tpu.dimension_semantics<core_parallel>, #tpu.dimension_semantics<subcore_parallel>], iteration_bounds = array<i64: 2, 16>, scalar_prefetch = 0 : i64, scratch_operands = 3 : i64, tpu.core_type = #tpu.core_type<sc_vector_subcore>, window_params = [{transform_indices = #map}, {transform_indices = #map1}, {transform_indices = #map}]} {
    %mul3A = arith.constant 2 : i32
    %mul3A_0 = arith.muli %arg1, %mul3A : i32
    %add3A = arith.addi %mul3A_0, %arg0 : i32
    %mul3A_1 = arith.constant 1536 : i32
    %mul3A_2 = arith.muli %add3A, %mul3A_1 : i32
    %scan3A = arith.constant 0 : i32
    %scan3A_3 = arith.constant 0 : i32
    %scan3A_4 = arith.constant 24 : i32
    %scan3A_5 = arith.addi %scan3A_3, %scan3A_4 : i32
    %scan3A_6 = arith.constant 1 : i32
    %scan3A_7 = scf.for %scan3A_9 = %scan3A_3 to %scan3A_5 step %scan3A_6 iter_args(%scan3A_10 = %scan3A) -> (i32)  : i32 {
      %mul3A_11 = arith.constant 64 : i32
      %mul3A_12 = arith.muli %scan3A_9, %mul3A_11 : i32
      %add3A_13 = arith.addi %mul3A_2, %mul3A_12 : i32
      "tpu.region"() ({
        %run_scoped3A = tpu.sem_alloc : memref<!tpu.dma_semaphore, #tpu.memory_space<semaphore_mem>>
        %dma_start3A_19 = tpu.memref_slice %arg3[%add3A_13] : memref<49152xi32, #tpu.memory_space<hbm>> -> memref<64xi32, #tpu.memory_space<hbm>>
        %dma_start3A_20 = tpu.memref_slice %arg3[%add3A_13] : memref<49152xi32, #tpu.memory_space<hbm>> -> memref<64xi32, #tpu.memory_space<hbm>>
        tpu.enqueue_dma source(%dma_start3A_20 : memref<64xi32, #tpu.memory_space<hbm>>) target(%arg5 : memref<64xi32, #tpu.memory_space<vmem>>) target_semaphore(%run_scoped3A : memref<!tpu.dma_semaphore, #tpu.memory_space<semaphore_mem>>)
        %dma_wait3A_21 = tpu.memref_slice %arg3[%add3A_13] : memref<49152xi32, #tpu.memory_space<hbm>> -> memref<64xi32, #tpu.memory_space<hbm>>
        %dma_wait3A_22 = tpu.memref_slice %arg3[%add3A_13] : memref<49152xi32, #tpu.memory_space<hbm>> -> memref<64xi32, #tpu.memory_space<hbm>>
        tpu.wait_dma2 semaphore(%run_scoped3A : memref<!tpu.dma_semaphore, #tpu.memory_space<semaphore_mem>>) src(%dma_wait3A_22 : memref<64xi32, #tpu.memory_space<hbm>>) dst(%arg5 : memref<64xi32, #tpu.memory_space<vmem>>)
        tpu.yield
      }) : () -> ()
      %dma_start3A = arith.constant 0 : i32
      %dma_start3A_14 = arith.constant 0 : i32
      %dma_start3A_15 = tpu.memref_slice %arg2[%dma_start3A, %dma_start3A_14] : memref<2048x384xf32, #tpu.memory_space<hbm>> -> memref<2048x384xf32, #tpu.memory_space<hbm>>
      tpu.enqueue_indirect_dma source(%dma_start3A_15 : memref<2048x384xf32, #tpu.memory_space<hbm>>) target(%arg6 : memref<64x384xf32, #tpu.memory_space<vmem>>) offsets(%arg5 : memref<64xi32, #tpu.memory_space<vmem>>) semaphore(%arg7 : memref<!tpu.dma_semaphore, #tpu.memory_space<semaphore_mem>>)
      %dma_wait3A = arith.constant 0 : i32
      %dma_wait3A_16 = arith.constant 0 : i32
      %dma_wait3A_17 = tpu.memref_slice %arg2[%dma_wait3A, %dma_wait3A_16] : memref<2048x384xf32, #tpu.memory_space<hbm>> -> memref<2048x384xf32, #tpu.memory_space<hbm>>
      tpu.wait_indirect_dma semaphore(%arg7 : memref<!tpu.dma_semaphore, #tpu.memory_space<semaphore_mem>>) src(%dma_wait3A_17 : memref<2048x384xf32, #tpu.memory_space<hbm>>) dst(%arg6 : memref<64x384xf32, #tpu.memory_space<vmem>>)
      "tpu.region"() ({
        %run_scoped3A = tpu.sem_alloc : memref<!tpu.dma_semaphore, #tpu.memory_space<semaphore_mem>>
        %dma_start3A_19 = arith.constant 0 : i32
        %dma_start3A_20 = tpu.memref_slice %arg4[%add3A_13, %dma_start3A_19] : memref<49152x384xf32, #tpu.memory_space<hbm>> -> memref<64x384xf32, #tpu.memory_space<hbm>>
        %dma_start3A_21 = arith.constant 0 : i32
        %dma_start3A_22 = tpu.memref_slice %arg4[%add3A_13, %dma_start3A_21] : memref<49152x384xf32, #tpu.memory_space<hbm>> -> memref<64x384xf32, #tpu.memory_space<hbm>>
        tpu.enqueue_dma source(%arg6 : memref<64x384xf32, #tpu.memory_space<vmem>>) target(%dma_start3A_22 : memref<64x384xf32, #tpu.memory_space<hbm>>) target_semaphore(%run_scoped3A : memref<!tpu.dma_semaphore, #tpu.memory_space<semaphore_mem>>)
        %dma_wait3A_23 = arith.constant 0 : i32
        %dma_wait3A_24 = tpu.memref_slice %arg4[%add3A_13, %dma_wait3A_23] : memref<49152x384xf32, #tpu.memory_space<hbm>> -> memref<64x384xf32, #tpu.memory_space<hbm>>
        %dma_wait3A_25 = arith.constant 0 : i32
        %dma_wait3A_26 = tpu.memref_slice %arg4[%add3A_13, %dma_wait3A_25] : memref<49152x384xf32, #tpu.memory_space<hbm>> -> memref<64x384xf32, #tpu.memory_space<hbm>>
        tpu.wait_dma2 semaphore(%run_scoped3A : memref<!tpu.dma_semaphore, #tpu.memory_space<semaphore_mem>>) src(%arg6 : memref<64x384xf32, #tpu.memory_space<vmem>>) dst(%dma_wait3A_26 : memref<64x384xf32, #tpu.memory_space<hbm>>)
        tpu.yield
      }) : () -> ()
      %scan3A_18 = arith.constant 0 : i32
      scf.yield %scan3A_18 : i32
    }
    %scan3A_8 = arith.constant 24 : i32
    return
  }
}

#map = affine_map<(d0, d1) -> (0, 0)>
#map1 = affine_map<(d0, d1) -> (0)>
module attributes {stable_mosaic.version = 14 : i64} {
  func.func @k(%arg0: i32, %arg1: i32, %arg2: memref<32768x128xf32, #tpu.memory_space<hbm>>, %arg3: memref<393216xi32, #tpu.memory_space<hbm>>, %arg4: memref<393216x128xf32, #tpu.memory_space<hbm>>, %arg5: memref<256xi32, #tpu.memory_space<vmem>>, %arg6: memref<256x128xf32, #tpu.memory_space<vmem>>, %arg7: memref<!tpu.dma_semaphore, #tpu.memory_space<semaphore_mem>>) attributes {dimension_semantics = [#tpu.dimension_semantics<core_parallel>, #tpu.dimension_semantics<subcore_parallel>], iteration_bounds = array<i64: 2, 16>, scalar_prefetch = 0 : i64, scratch_operands = 3 : i64, tpu.core_type = #tpu.core_type<sc_vector_subcore>, window_params = [{transform_indices = #map}, {transform_indices = #map1}, {transform_indices = #map}]} {
    %mul3A = arith.constant 2 : i32
    %mul3A_0 = arith.muli %arg1, %mul3A : i32
    %add3A = arith.addi %mul3A_0, %arg0 : i32
    %mul3A_1 = arith.constant 12288 : i32
    %mul3A_2 = arith.muli %add3A, %mul3A_1 : i32
    %scan3A = arith.constant 0 : i32
    %scan3A_3 = arith.constant 0 : i32
    %scan3A_4 = arith.constant 48 : i32
    %scan3A_5 = arith.addi %scan3A_3, %scan3A_4 : i32
    %scan3A_6 = arith.constant 1 : i32
    %scan3A_7 = scf.for %scan3A_9 = %scan3A_3 to %scan3A_5 step %scan3A_6 iter_args(%scan3A_10 = %scan3A) -> (i32)  : i32 {
      %mul3A_11 = arith.constant 256 : i32
      %mul3A_12 = arith.muli %scan3A_9, %mul3A_11 : i32
      %add3A_13 = arith.addi %mul3A_2, %mul3A_12 : i32
      "tpu.region"() ({
        %run_scoped3A = tpu.sem_alloc : memref<!tpu.dma_semaphore, #tpu.memory_space<semaphore_mem>>
        %dma_start3A_19 = tpu.memref_slice %arg3[%add3A_13] : memref<393216xi32, #tpu.memory_space<hbm>> -> memref<256xi32, #tpu.memory_space<hbm>>
        %dma_start3A_20 = tpu.memref_slice %arg3[%add3A_13] : memref<393216xi32, #tpu.memory_space<hbm>> -> memref<256xi32, #tpu.memory_space<hbm>>
        tpu.enqueue_dma source(%dma_start3A_20 : memref<256xi32, #tpu.memory_space<hbm>>) target(%arg5 : memref<256xi32, #tpu.memory_space<vmem>>) target_semaphore(%run_scoped3A : memref<!tpu.dma_semaphore, #tpu.memory_space<semaphore_mem>>)
        %dma_wait3A_21 = tpu.memref_slice %arg3[%add3A_13] : memref<393216xi32, #tpu.memory_space<hbm>> -> memref<256xi32, #tpu.memory_space<hbm>>
        %dma_wait3A_22 = tpu.memref_slice %arg3[%add3A_13] : memref<393216xi32, #tpu.memory_space<hbm>> -> memref<256xi32, #tpu.memory_space<hbm>>
        tpu.wait_dma2 semaphore(%run_scoped3A : memref<!tpu.dma_semaphore, #tpu.memory_space<semaphore_mem>>) src(%dma_wait3A_22 : memref<256xi32, #tpu.memory_space<hbm>>) dst(%arg5 : memref<256xi32, #tpu.memory_space<vmem>>)
        tpu.yield
      }) : () -> ()
      %dma_start3A = arith.constant 0 : i32
      %dma_start3A_14 = arith.constant 0 : i32
      %dma_start3A_15 = tpu.memref_slice %arg2[%dma_start3A, %dma_start3A_14] : memref<32768x128xf32, #tpu.memory_space<hbm>> -> memref<32768x128xf32, #tpu.memory_space<hbm>>
      tpu.enqueue_indirect_dma source(%dma_start3A_15 : memref<32768x128xf32, #tpu.memory_space<hbm>>) target(%arg6 : memref<256x128xf32, #tpu.memory_space<vmem>>) offsets(%arg5 : memref<256xi32, #tpu.memory_space<vmem>>) semaphore(%arg7 : memref<!tpu.dma_semaphore, #tpu.memory_space<semaphore_mem>>)
      %dma_wait3A = arith.constant 0 : i32
      %dma_wait3A_16 = arith.constant 0 : i32
      %dma_wait3A_17 = tpu.memref_slice %arg2[%dma_wait3A, %dma_wait3A_16] : memref<32768x128xf32, #tpu.memory_space<hbm>> -> memref<32768x128xf32, #tpu.memory_space<hbm>>
      tpu.wait_indirect_dma semaphore(%arg7 : memref<!tpu.dma_semaphore, #tpu.memory_space<semaphore_mem>>) src(%dma_wait3A_17 : memref<32768x128xf32, #tpu.memory_space<hbm>>) dst(%arg6 : memref<256x128xf32, #tpu.memory_space<vmem>>)
      "tpu.region"() ({
        %run_scoped3A = tpu.sem_alloc : memref<!tpu.dma_semaphore, #tpu.memory_space<semaphore_mem>>
        %dma_start3A_19 = arith.constant 0 : i32
        %dma_start3A_20 = tpu.memref_slice %arg4[%add3A_13, %dma_start3A_19] : memref<393216x128xf32, #tpu.memory_space<hbm>> -> memref<256x128xf32, #tpu.memory_space<hbm>>
        %dma_start3A_21 = arith.constant 0 : i32
        %dma_start3A_22 = tpu.memref_slice %arg4[%add3A_13, %dma_start3A_21] : memref<393216x128xf32, #tpu.memory_space<hbm>> -> memref<256x128xf32, #tpu.memory_space<hbm>>
        tpu.enqueue_dma source(%arg6 : memref<256x128xf32, #tpu.memory_space<vmem>>) target(%dma_start3A_22 : memref<256x128xf32, #tpu.memory_space<hbm>>) target_semaphore(%run_scoped3A : memref<!tpu.dma_semaphore, #tpu.memory_space<semaphore_mem>>)
        %dma_wait3A_23 = arith.constant 0 : i32
        %dma_wait3A_24 = tpu.memref_slice %arg4[%add3A_13, %dma_wait3A_23] : memref<393216x128xf32, #tpu.memory_space<hbm>> -> memref<256x128xf32, #tpu.memory_space<hbm>>
        %dma_wait3A_25 = arith.constant 0 : i32
        %dma_wait3A_26 = tpu.memref_slice %arg4[%add3A_13, %dma_wait3A_25] : memref<393216x128xf32, #tpu.memory_space<hbm>> -> memref<256x128xf32, #tpu.memory_space<hbm>>
        tpu.wait_dma2 semaphore(%run_scoped3A : memref<!tpu.dma_semaphore, #tpu.memory_space<semaphore_mem>>) src(%arg6 : memref<256x128xf32, #tpu.memory_space<vmem>>) dst(%dma_wait3A_26 : memref<256x128xf32, #tpu.memory_space<hbm>>)
        tpu.yield
      }) : () -> ()
      %scan3A_18 = arith.constant 0 : i32
      scf.yield %scan3A_18 : i32
    }
    %scan3A_8 = arith.constant 48 : i32
    return
  }
}

#map = affine_map<(d0, d1) -> (0, 0)>
#map1 = affine_map<(d0, d1) -> (0)>
module attributes {stable_mosaic.version = 14 : i64} {
  func.func @k(%arg0: i32, %arg1: i32, %arg2: memref<1024x640xf32, #tpu.memory_space<hbm>>, %arg3: memref<24576xi32, #tpu.memory_space<hbm>>, %arg4: memref<24576x640xf32, #tpu.memory_space<hbm>>, %arg5: memref<48xi32, #tpu.memory_space<vmem>>, %arg6: memref<48x640xf32, #tpu.memory_space<vmem>>, %arg7: memref<!tpu.dma_semaphore, #tpu.memory_space<semaphore_mem>>) attributes {dimension_semantics = [#tpu.dimension_semantics<core_parallel>, #tpu.dimension_semantics<subcore_parallel>], iteration_bounds = array<i64: 2, 16>, scalar_prefetch = 0 : i64, scratch_operands = 3 : i64, tpu.core_type = #tpu.core_type<sc_vector_subcore>, window_params = [{transform_indices = #map}, {transform_indices = #map1}, {transform_indices = #map}]} {
    %mul3A = arith.constant 2 : i32
    %mul3A_0 = arith.muli %arg1, %mul3A : i32
    %add3A = arith.addi %mul3A_0, %arg0 : i32
    %mul3A_1 = arith.constant 768 : i32
    %mul3A_2 = arith.muli %add3A, %mul3A_1 : i32
    %scan3A = arith.constant 0 : i32
    %scan3A_3 = arith.constant 0 : i32
    %scan3A_4 = arith.constant 16 : i32
    %scan3A_5 = arith.addi %scan3A_3, %scan3A_4 : i32
    %scan3A_6 = arith.constant 1 : i32
    %scan3A_7 = scf.for %scan3A_9 = %scan3A_3 to %scan3A_5 step %scan3A_6 iter_args(%scan3A_10 = %scan3A) -> (i32)  : i32 {
      %mul3A_11 = arith.constant 48 : i32
      %mul3A_12 = arith.muli %scan3A_9, %mul3A_11 : i32
      %add3A_13 = arith.addi %mul3A_2, %mul3A_12 : i32
      "tpu.region"() ({
        %run_scoped3A = tpu.sem_alloc : memref<!tpu.dma_semaphore, #tpu.memory_space<semaphore_mem>>
        %dma_start3A_19 = tpu.memref_slice %arg3[%add3A_13] : memref<24576xi32, #tpu.memory_space<hbm>> -> memref<48xi32, #tpu.memory_space<hbm>>
        %dma_start3A_20 = tpu.memref_slice %arg3[%add3A_13] : memref<24576xi32, #tpu.memory_space<hbm>> -> memref<48xi32, #tpu.memory_space<hbm>>
        tpu.enqueue_dma source(%dma_start3A_20 : memref<48xi32, #tpu.memory_space<hbm>>) target(%arg5 : memref<48xi32, #tpu.memory_space<vmem>>) target_semaphore(%run_scoped3A : memref<!tpu.dma_semaphore, #tpu.memory_space<semaphore_mem>>)
        %dma_wait3A_21 = tpu.memref_slice %arg3[%add3A_13] : memref<24576xi32, #tpu.memory_space<hbm>> -> memref<48xi32, #tpu.memory_space<hbm>>
        %dma_wait3A_22 = tpu.memref_slice %arg3[%add3A_13] : memref<24576xi32, #tpu.memory_space<hbm>> -> memref<48xi32, #tpu.memory_space<hbm>>
        tpu.wait_dma2 semaphore(%run_scoped3A : memref<!tpu.dma_semaphore, #tpu.memory_space<semaphore_mem>>) src(%dma_wait3A_22 : memref<48xi32, #tpu.memory_space<hbm>>) dst(%arg5 : memref<48xi32, #tpu.memory_space<vmem>>)
        tpu.yield
      }) : () -> ()
      %dma_start3A = arith.constant 0 : i32
      %dma_start3A_14 = arith.constant 0 : i32
      %dma_start3A_15 = tpu.memref_slice %arg2[%dma_start3A, %dma_start3A_14] : memref<1024x640xf32, #tpu.memory_space<hbm>> -> memref<1024x640xf32, #tpu.memory_space<hbm>>
      tpu.enqueue_indirect_dma source(%dma_start3A_15 : memref<1024x640xf32, #tpu.memory_space<hbm>>) target(%arg6 : memref<48x640xf32, #tpu.memory_space<vmem>>) offsets(%arg5 : memref<48xi32, #tpu.memory_space<vmem>>) semaphore(%arg7 : memref<!tpu.dma_semaphore, #tpu.memory_space<semaphore_mem>>)
      %dma_wait3A = arith.constant 0 : i32
      %dma_wait3A_16 = arith.constant 0 : i32
      %dma_wait3A_17 = tpu.memref_slice %arg2[%dma_wait3A, %dma_wait3A_16] : memref<1024x640xf32, #tpu.memory_space<hbm>> -> memref<1024x640xf32, #tpu.memory_space<hbm>>
      tpu.wait_indirect_dma semaphore(%arg7 : memref<!tpu.dma_semaphore, #tpu.memory_space<semaphore_mem>>) src(%dma_wait3A_17 : memref<1024x640xf32, #tpu.memory_space<hbm>>) dst(%arg6 : memref<48x640xf32, #tpu.memory_space<vmem>>)
      "tpu.region"() ({
        %run_scoped3A = tpu.sem_alloc : memref<!tpu.dma_semaphore, #tpu.memory_space<semaphore_mem>>
        %dma_start3A_19 = arith.constant 0 : i32
        %dma_start3A_20 = tpu.memref_slice %arg4[%add3A_13, %dma_start3A_19] : memref<24576x640xf32, #tpu.memory_space<hbm>> -> memref<48x640xf32, #tpu.memory_space<hbm>>
        %dma_start3A_21 = arith.constant 0 : i32
        %dma_start3A_22 = tpu.memref_slice %arg4[%add3A_13, %dma_start3A_21] : memref<24576x640xf32, #tpu.memory_space<hbm>> -> memref<48x640xf32, #tpu.memory_space<hbm>>
        tpu.enqueue_dma source(%arg6 : memref<48x640xf32, #tpu.memory_space<vmem>>) target(%dma_start3A_22 : memref<48x640xf32, #tpu.memory_space<hbm>>) target_semaphore(%run_scoped3A : memref<!tpu.dma_semaphore, #tpu.memory_space<semaphore_mem>>)
        %dma_wait3A_23 = arith.constant 0 : i32
        %dma_wait3A_24 = tpu.memref_slice %arg4[%add3A_13, %dma_wait3A_23] : memref<24576x640xf32, #tpu.memory_space<hbm>> -> memref<48x640xf32, #tpu.memory_space<hbm>>
        %dma_wait3A_25 = arith.constant 0 : i32
        %dma_wait3A_26 = tpu.memref_slice %arg4[%add3A_13, %dma_wait3A_25] : memref<24576x640xf32, #tpu.memory_space<hbm>> -> memref<48x640xf32, #tpu.memory_space<hbm>>
        tpu.wait_dma2 semaphore(%run_scoped3A : memref<!tpu.dma_semaphore, #tpu.memory_space<semaphore_mem>>) src(%arg6 : memref<48x640xf32, #tpu.memory_space<vmem>>) dst(%dma_wait3A_26 : memref<48x640xf32, #tpu.memory_space<hbm>>)
        tpu.yield
      }) : () -> ()
      %scan3A_18 = arith.constant 0 : i32
      scf.yield %scan3A_18 : i32
    }
    %scan3A_8 = arith.constant 16 : i32
    return
  }
}

#map = affine_map<(d0, d1) -> (0, 0)>
#map1 = affine_map<(d0, d1) -> (0)>
module attributes {stable_mosaic.version = 14 : i64} {
  func.func @k(%arg0: i32, %arg1: i32, %arg2: memref<8192x128xf32, #tpu.memory_space<hbm>>, %arg3: memref<98304xi32, #tpu.memory_space<hbm>>, %arg4: memref<98304x128xf32, #tpu.memory_space<hbm>>, %arg5: memref<256xi32, #tpu.memory_space<vmem>>, %arg6: memref<256x128xf32, #tpu.memory_space<vmem>>, %arg7: memref<!tpu.dma_semaphore, #tpu.memory_space<semaphore_mem>>) attributes {dimension_semantics = [#tpu.dimension_semantics<core_parallel>, #tpu.dimension_semantics<subcore_parallel>], iteration_bounds = array<i64: 2, 16>, scalar_prefetch = 0 : i64, scratch_operands = 3 : i64, tpu.core_type = #tpu.core_type<sc_vector_subcore>, window_params = [{transform_indices = #map}, {transform_indices = #map1}, {transform_indices = #map}]} {
    %mul3A = arith.constant 2 : i32
    %mul3A_0 = arith.muli %arg1, %mul3A : i32
    %add3A = arith.addi %mul3A_0, %arg0 : i32
    %mul3A_1 = arith.constant 3072 : i32
    %mul3A_2 = arith.muli %add3A, %mul3A_1 : i32
    %scan3A = arith.constant 0 : i32
    %scan3A_3 = arith.constant 0 : i32
    %scan3A_4 = arith.constant 12 : i32
    %scan3A_5 = arith.addi %scan3A_3, %scan3A_4 : i32
    %scan3A_6 = arith.constant 1 : i32
    %scan3A_7 = scf.for %scan3A_9 = %scan3A_3 to %scan3A_5 step %scan3A_6 iter_args(%scan3A_10 = %scan3A) -> (i32)  : i32 {
      %mul3A_11 = arith.constant 256 : i32
      %mul3A_12 = arith.muli %scan3A_9, %mul3A_11 : i32
      %add3A_13 = arith.addi %mul3A_2, %mul3A_12 : i32
      "tpu.region"() ({
        %run_scoped3A = tpu.sem_alloc : memref<!tpu.dma_semaphore, #tpu.memory_space<semaphore_mem>>
        %dma_start3A_19 = tpu.memref_slice %arg3[%add3A_13] : memref<98304xi32, #tpu.memory_space<hbm>> -> memref<256xi32, #tpu.memory_space<hbm>>
        %dma_start3A_20 = tpu.memref_slice %arg3[%add3A_13] : memref<98304xi32, #tpu.memory_space<hbm>> -> memref<256xi32, #tpu.memory_space<hbm>>
        tpu.enqueue_dma source(%dma_start3A_20 : memref<256xi32, #tpu.memory_space<hbm>>) target(%arg5 : memref<256xi32, #tpu.memory_space<vmem>>) target_semaphore(%run_scoped3A : memref<!tpu.dma_semaphore, #tpu.memory_space<semaphore_mem>>)
        %dma_wait3A_21 = tpu.memref_slice %arg3[%add3A_13] : memref<98304xi32, #tpu.memory_space<hbm>> -> memref<256xi32, #tpu.memory_space<hbm>>
        %dma_wait3A_22 = tpu.memref_slice %arg3[%add3A_13] : memref<98304xi32, #tpu.memory_space<hbm>> -> memref<256xi32, #tpu.memory_space<hbm>>
        tpu.wait_dma2 semaphore(%run_scoped3A : memref<!tpu.dma_semaphore, #tpu.memory_space<semaphore_mem>>) src(%dma_wait3A_22 : memref<256xi32, #tpu.memory_space<hbm>>) dst(%arg5 : memref<256xi32, #tpu.memory_space<vmem>>)
        tpu.yield
      }) : () -> ()
      %dma_start3A = arith.constant 0 : i32
      %dma_start3A_14 = arith.constant 0 : i32
      %dma_start3A_15 = tpu.memref_slice %arg2[%dma_start3A, %dma_start3A_14] : memref<8192x128xf32, #tpu.memory_space<hbm>> -> memref<8192x128xf32, #tpu.memory_space<hbm>>
      tpu.enqueue_indirect_dma source(%dma_start3A_15 : memref<8192x128xf32, #tpu.memory_space<hbm>>) target(%arg6 : memref<256x128xf32, #tpu.memory_space<vmem>>) offsets(%arg5 : memref<256xi32, #tpu.memory_space<vmem>>) semaphore(%arg7 : memref<!tpu.dma_semaphore, #tpu.memory_space<semaphore_mem>>)
      %dma_wait3A = arith.constant 0 : i32
      %dma_wait3A_16 = arith.constant 0 : i32
      %dma_wait3A_17 = tpu.memref_slice %arg2[%dma_wait3A, %dma_wait3A_16] : memref<8192x128xf32, #tpu.memory_space<hbm>> -> memref<8192x128xf32, #tpu.memory_space<hbm>>
      tpu.wait_indirect_dma semaphore(%arg7 : memref<!tpu.dma_semaphore, #tpu.memory_space<semaphore_mem>>) src(%dma_wait3A_17 : memref<8192x128xf32, #tpu.memory_space<hbm>>) dst(%arg6 : memref<256x128xf32, #tpu.memory_space<vmem>>)
      "tpu.region"() ({
        %run_scoped3A = tpu.sem_alloc : memref<!tpu.dma_semaphore, #tpu.memory_space<semaphore_mem>>
        %dma_start3A_19 = arith.constant 0 : i32
        %dma_start3A_20 = tpu.memref_slice %arg4[%add3A_13, %dma_start3A_19] : memref<98304x128xf32, #tpu.memory_space<hbm>> -> memref<256x128xf32, #tpu.memory_space<hbm>>
        %dma_start3A_21 = arith.constant 0 : i32
        %dma_start3A_22 = tpu.memref_slice %arg4[%add3A_13, %dma_start3A_21] : memref<98304x128xf32, #tpu.memory_space<hbm>> -> memref<256x128xf32, #tpu.memory_space<hbm>>
        tpu.enqueue_dma source(%arg6 : memref<256x128xf32, #tpu.memory_space<vmem>>) target(%dma_start3A_22 : memref<256x128xf32, #tpu.memory_space<hbm>>) target_semaphore(%run_scoped3A : memref<!tpu.dma_semaphore, #tpu.memory_space<semaphore_mem>>)
        %dma_wait3A_23 = arith.constant 0 : i32
        %dma_wait3A_24 = tpu.memref_slice %arg4[%add3A_13, %dma_wait3A_23] : memref<98304x128xf32, #tpu.memory_space<hbm>> -> memref<256x128xf32, #tpu.memory_space<hbm>>
        %dma_wait3A_25 = arith.constant 0 : i32
        %dma_wait3A_26 = tpu.memref_slice %arg4[%add3A_13, %dma_wait3A_25] : memref<98304x128xf32, #tpu.memory_space<hbm>> -> memref<256x128xf32, #tpu.memory_space<hbm>>
        tpu.wait_dma2 semaphore(%run_scoped3A : memref<!tpu.dma_semaphore, #tpu.memory_space<semaphore_mem>>) src(%arg6 : memref<256x128xf32, #tpu.memory_space<vmem>>) dst(%dma_wait3A_26 : memref<256x128xf32, #tpu.memory_space<hbm>>)
        tpu.yield
      }) : () -> ()
      %scan3A_18 = arith.constant 0 : i32
      scf.yield %scan3A_18 : i32
    }
    %scan3A_8 = arith.constant 12 : i32
    return
  }
}

module attributes {stable_mosaic.version = 14 : i64} {
  func.func @_fps_body(%arg0: memref<3x8x4096xf32, #tpu.memory_space<vmem>>, %arg1: memref<3x8x1024xf32, #tpu.memory_space<vmem>>) attributes {dimension_semantics = [], scalar_prefetch = 0 : i64, scratch_operands = 0 : i64, tpu.core_type = #tpu.core_type<tc>} {
    %get3A = arith.constant 0 : index
    %get3A_0 = arith.constant 0 : index
    %get3A_1 = arith.constant 0 : index
    %get3A_2 = vector.load %arg0[%get3A, %get3A_0, %get3A_1] : memref<3x8x4096xf32, #tpu.memory_space<vmem>>, vector<1x8x4096xf32>
    %get3A_3 = vector.shape_cast %get3A_2 : vector<1x8x4096xf32> to vector<8x4096xf32>
    %get3A_4 = arith.constant 1 : index
    %get3A_5 = arith.constant 0 : index
    %get3A_6 = arith.constant 0 : index
    %get3A_7 = vector.load %arg0[%get3A_4, %get3A_5, %get3A_6] : memref<3x8x4096xf32, #tpu.memory_space<vmem>>, vector<1x8x4096xf32>
    %get3A_8 = vector.shape_cast %get3A_7 : vector<1x8x4096xf32> to vector<8x4096xf32>
    %get3A_9 = arith.constant 2 : index
    %get3A_10 = arith.constant 0 : index
    %get3A_11 = arith.constant 0 : index
    %get3A_12 = vector.load %arg0[%get3A_9, %get3A_10, %get3A_11] : memref<3x8x4096xf32, #tpu.memory_space<vmem>>, vector<1x8x4096xf32>
    %get3A_13 = vector.shape_cast %get3A_12 : vector<1x8x4096xf32> to vector<8x4096xf32>
    %iota3A = tpu.iota {dimensions = array<i32: 1>} : vector<8x4096xi32>
    %iota3A_14 = tpu.iota {dimensions = array<i32: 1>} : vector<8x128xi32>
    %broadcast_in_dim3A = arith.constant 1.000000e+10 : f32
    %broadcast_in_dim3A_15 = vector.broadcast %broadcast_in_dim3A : f32 to vector<8x4096xf32>
    %broadcast_in_dim3A_16 = arith.constant 0 : i32
    %broadcast_in_dim3A_17 = vector.broadcast %broadcast_in_dim3A_16 : i32 to vector<8x1xi32>
    %broadcast_in_dim3A_18 = arith.constant 0.000000e+00 : f32
    %broadcast_in_dim3A_19 = vector.broadcast %broadcast_in_dim3A_18 : f32 to vector<8x128xf32>
    %scan3A = arith.constant 0 : i32
    %scan3A_20 = arith.constant 128 : i32
    %scan3A_21 = arith.addi %scan3A, %scan3A_20 : i32
    %scan3A_22 = arith.constant 1 : i32
    %scan3A_23:5 = scf.for %scan3A_210 = %scan3A to %scan3A_21 step %scan3A_22 iter_args(%scan3A_211 = %broadcast_in_dim3A_15, %scan3A_212 = %broadcast_in_dim3A_17, %scan3A_213 = %broadcast_in_dim3A_19, %scan3A_214 = %broadcast_in_dim3A_19, %scan3A_215 = %broadcast_in_dim3A_19) -> (vector<8x4096xf32>, vector<8x1xi32>, vector<8x128xf32>, vector<8x128xf32>, vector<8x128xf32>)  : i32 {
      %eq3A = vector.broadcast %scan3A_212 : vector<8x1xi32> to vector<8x4096xi32>
      %eq3A_216 = arith.cmpi eq, %iota3A, %eq3A : vector<8x4096xi32>
      %jit3A = arith.constant 0.000000e+00 : f32
      %broadcast_in_dim3A_217 = vector.broadcast %jit3A : f32 to vector<8x4096xf32>
      %select_n3A = arith.select %eq3A_216, %get3A_3, %broadcast_in_dim3A_217 : vector<8x4096xi1>, vector<8x4096xf32>
      %reduce_sum3A = arith.constant dense<0.000000e+00> : vector<8xf32>
      %reduce_sum3A_218 = vector.multi_reduction <add>, %select_n3A, %reduce_sum3A [1] : vector<8x4096xf32> to vector<8xf32>
      %broadcast_in_dim3A_219 = vector.shape_cast %reduce_sum3A_218 : vector<8xf32> to vector<8x1xf32>
      %jit3A_220 = arith.constant 0.000000e+00 : f32
      %broadcast_in_dim3A_221 = vector.broadcast %jit3A_220 : f32 to vector<8x4096xf32>
      %select_n3A_222 = arith.select %eq3A_216, %get3A_8, %broadcast_in_dim3A_221 : vector<8x4096xi1>, vector<8x4096xf32>
      %reduce_sum3A_223 = arith.constant dense<0.000000e+00> : vector<8xf32>
      %reduce_sum3A_224 = vector.multi_reduction <add>, %select_n3A_222, %reduce_sum3A_223 [1] : vector<8x4096xf32> to vector<8xf32>
      %broadcast_in_dim3A_225 = vector.shape_cast %reduce_sum3A_224 : vector<8xf32> to vector<8x1xf32>
      %jit3A_226 = arith.constant 0.000000e+00 : f32
      %broadcast_in_dim3A_227 = vector.broadcast %jit3A_226 : f32 to vector<8x4096xf32>
      %select_n3A_228 = arith.select %eq3A_216, %get3A_13, %broadcast_in_dim3A_227 : vector<8x4096xi1>, vector<8x4096xf32>
      %reduce_sum3A_229 = arith.constant dense<0.000000e+00> : vector<8xf32>
      %reduce_sum3A_230 = vector.multi_reduction <add>, %select_n3A_228, %reduce_sum3A_229 [1] : vector<8x4096xf32> to vector<8xf32>
      %broadcast_in_dim3A_231 = vector.shape_cast %reduce_sum3A_230 : vector<8xf32> to vector<8x1xf32>
      %sub3A = arith.constant 0 : i32
      %sub3A_232 = arith.subi %scan3A_210, %sub3A : i32
      %eq3A_233 = vector.broadcast %sub3A_232 : i32 to vector<8x128xi32>
      %eq3A_234 = arith.cmpi eq, %iota3A_14, %eq3A_233 : vector<8x128xi32>
      %broadcast_in_dim3A_235 = vector.shape_cast %broadcast_in_dim3A_219 : vector<8x1xf32> to vector<8x1xf32>
      %broadcast_in_dim3A_236 = vector.broadcast %broadcast_in_dim3A_235 : vector<8x1xf32> to vector<8x128xf32>
      %select_n3A_237 = arith.select %eq3A_234, %broadcast_in_dim3A_236, %scan3A_213 : vector<8x128xi1>, vector<8x128xf32>
      %broadcast_in_dim3A_238 = vector.shape_cast %broadcast_in_dim3A_225 : vector<8x1xf32> to vector<8x1xf32>
      %broadcast_in_dim3A_239 = vector.broadcast %broadcast_in_dim3A_238 : vector<8x1xf32> to vector<8x128xf32>
      %select_n3A_240 = arith.select %eq3A_234, %broadcast_in_dim3A_239, %scan3A_214 : vector<8x128xi1>, vector<8x128xf32>
      %broadcast_in_dim3A_241 = vector.shape_cast %broadcast_in_dim3A_231 : vector<8x1xf32> to vector<8x1xf32>
      %broadcast_in_dim3A_242 = vector.broadcast %broadcast_in_dim3A_241 : vector<8x1xf32> to vector<8x128xf32>
      %select_n3A_243 = arith.select %eq3A_234, %broadcast_in_dim3A_242, %scan3A_215 : vector<8x128xi1>, vector<8x128xf32>
      %sub3A_244 = vector.broadcast %broadcast_in_dim3A_219 : vector<8x1xf32> to vector<8x4096xf32>
      %sub3A_245 = arith.subf %get3A_3, %sub3A_244 : vector<8x4096xf32>
      %sub3A_246 = vector.broadcast %broadcast_in_dim3A_225 : vector<8x1xf32> to vector<8x4096xf32>
      %sub3A_247 = arith.subf %get3A_8, %sub3A_246 : vector<8x4096xf32>
      %sub3A_248 = vector.broadcast %broadcast_in_dim3A_231 : vector<8x1xf32> to vector<8x4096xf32>
      %sub3A_249 = arith.subf %get3A_13, %sub3A_248 : vector<8x4096xf32>
      %mul3A = arith.mulf %sub3A_245, %sub3A_245 : vector<8x4096xf32>
      %mul3A_250 = arith.mulf %sub3A_247, %sub3A_247 : vector<8x4096xf32>
      %add3A = arith.addf %mul3A, %mul3A_250 : vector<8x4096xf32>
      %mul3A_251 = arith.mulf %sub3A_249, %sub3A_249 : vector<8x4096xf32>
      %add3A_252 = arith.addf %add3A, %mul3A_251 : vector<8x4096xf32>
      %min3A = arith.minimumf %scan3A_211, %add3A_252 : vector<8x4096xf32>
      %reduce_max3A = arith.constant dense<0xFF800000> : vector<8xf32>
      %reduce_max3A_253 = vector.multi_reduction <maximumf>, %min3A, %reduce_max3A [1] : vector<8x4096xf32> to vector<8xf32>
      %broadcast_in_dim3A_254 = vector.shape_cast %reduce_max3A_253 : vector<8xf32> to vector<8x1xf32>
      %eq3A_255 = vector.broadcast %broadcast_in_dim3A_254 : vector<8x1xf32> to vector<8x4096xf32>
      %eq3A_256 = arith.cmpf oeq, %min3A, %eq3A_255 : vector<8x4096xf32>
      %jit3A_257 = arith.constant 4096 : i32
      %broadcast_in_dim3A_258 = vector.broadcast %jit3A_257 : i32 to vector<8x4096xi32>
      %select_n3A_259 = arith.select %eq3A_256, %iota3A, %broadcast_in_dim3A_258 : vector<8x4096xi1>, vector<8x4096xi32>
      %reduce_min3A = arith.constant dense<2147483647> : vector<8xi32>
      %reduce_min3A_260 = vector.multi_reduction <minsi>, %select_n3A_259, %reduce_min3A [1] : vector<8x4096xi32> to vector<8xi32>
      %broadcast_in_dim3A_261 = vector.shape_cast %reduce_min3A_260 : vector<8xi32> to vector<8x1xi32>
      scf.yield %min3A, %broadcast_in_dim3A_261, %select_n3A_237, %select_n3A_240, %select_n3A_243 : vector<8x4096xf32>, vector<8x1xi32>, vector<8x128xf32>, vector<8x128xf32>, vector<8x128xf32>
    }
    %scan3A_24 = arith.constant 128 : i32
    %swap3A = arith.constant 0 : index
    %swap3A_25 = arith.constant 0 : index
    %swap3A_26 = arith.constant 0 : index
    %swap3A_27 = vector.load %arg1[%swap3A, %swap3A_25, %swap3A_26] : memref<3x8x1024xf32, #tpu.memory_space<vmem>>, vector<1x8x128xf32>
    %swap3A_28 = vector.shape_cast %swap3A_27 : vector<1x8x128xf32> to vector<8x128xf32>
    %swap3A_29 = vector.shape_cast %scan3A_23#2 : vector<8x128xf32> to vector<1x8x128xf32>
    tpu.vector_store %arg1[%swap3A, %swap3A_25, %swap3A_26], %swap3A_29 {strides = array<i32>} : memref<3x8x1024xf32, #tpu.memory_space<vmem>>, vector<1x8x128xf32>,
    %swap3A_30 = arith.constant 1 : index
    %swap3A_31 = arith.constant 0 : index
    %swap3A_32 = arith.constant 0 : index
    %swap3A_33 = vector.load %arg1[%swap3A_30, %swap3A_31, %swap3A_32] : memref<3x8x1024xf32, #tpu.memory_space<vmem>>, vector<1x8x128xf32>
    %swap3A_34 = vector.shape_cast %swap3A_33 : vector<1x8x128xf32> to vector<8x128xf32>
    %swap3A_35 = vector.shape_cast %scan3A_23#3 : vector<8x128xf32> to vector<1x8x128xf32>
    tpu.vector_store %arg1[%swap3A_30, %swap3A_31, %swap3A_32], %swap3A_35 {strides = array<i32>} : memref<3x8x1024xf32, #tpu.memory_space<vmem>>, vector<1x8x128xf32>,
    %swap3A_36 = arith.constant 2 : index
    %swap3A_37 = arith.constant 0 : index
    %swap3A_38 = arith.constant 0 : index
    %swap3A_39 = vector.load %arg1[%swap3A_36, %swap3A_37, %swap3A_38] : memref<3x8x1024xf32, #tpu.memory_space<vmem>>, vector<1x8x128xf32>
    %swap3A_40 = vector.shape_cast %swap3A_39 : vector<1x8x128xf32> to vector<8x128xf32>
    %swap3A_41 = vector.shape_cast %scan3A_23#4 : vector<8x128xf32> to vector<1x8x128xf32>
    tpu.vector_store %arg1[%swap3A_36, %swap3A_37, %swap3A_38], %swap3A_41 {strides = array<i32>} : memref<3x8x1024xf32, #tpu.memory_space<vmem>>, vector<1x8x128xf32>,
    %scan3A_42 = arith.constant 128 : i32
    %scan3A_43 = arith.constant 128 : i32
    %scan3A_44 = arith.addi %scan3A_42, %scan3A_43 : i32
    %scan3A_45 = arith.constant 1 : i32
    %scan3A_46:5 = scf.for %scan3A_210 = %scan3A_42 to %scan3A_44 step %scan3A_45 iter_args(%scan3A_211 = %scan3A_23#0, %scan3A_212 = %scan3A_23#1, %scan3A_213 = %broadcast_in_dim3A_19, %scan3A_214 = %broadcast_in_dim3A_19, %scan3A_215 = %broadcast_in_dim3A_19) -> (vector<8x4096xf32>, vector<8x1xi32>, vector<8x128xf32>, vector<8x128xf32>, vector<8x128xf32>)  : i32 {
      %eq3A = vector.broadcast %scan3A_212 : vector<8x1xi32> to vector<8x4096xi32>
      %eq3A_216 = arith.cmpi eq, %iota3A, %eq3A : vector<8x4096xi32>
      %jit3A = arith.constant 0.000000e+00 : f32
      %broadcast_in_dim3A_217 = vector.broadcast %jit3A : f32 to vector<8x4096xf32>
      %select_n3A = arith.select %eq3A_216, %get3A_3, %broadcast_in_dim3A_217 : vector<8x4096xi1>, vector<8x4096xf32>
      %reduce_sum3A = arith.constant dense<0.000000e+00> : vector<8xf32>
      %reduce_sum3A_218 = vector.multi_reduction <add>, %select_n3A, %reduce_sum3A [1] : vector<8x4096xf32> to vector<8xf32>
      %broadcast_in_dim3A_219 = vector.shape_cast %reduce_sum3A_218 : vector<8xf32> to vector<8x1xf32>
      %jit3A_220 = arith.constant 0.000000e+00 : f32
      %broadcast_in_dim3A_221 = vector.broadcast %jit3A_220 : f32 to vector<8x4096xf32>
      %select_n3A_222 = arith.select %eq3A_216, %get3A_8, %broadcast_in_dim3A_221 : vector<8x4096xi1>, vector<8x4096xf32>
      %reduce_sum3A_223 = arith.constant dense<0.000000e+00> : vector<8xf32>
      %reduce_sum3A_224 = vector.multi_reduction <add>, %select_n3A_222, %reduce_sum3A_223 [1] : vector<8x4096xf32> to vector<8xf32>
      %broadcast_in_dim3A_225 = vector.shape_cast %reduce_sum3A_224 : vector<8xf32> to vector<8x1xf32>
      %jit3A_226 = arith.constant 0.000000e+00 : f32
      %broadcast_in_dim3A_227 = vector.broadcast %jit3A_226 : f32 to vector<8x4096xf32>
      %select_n3A_228 = arith.select %eq3A_216, %get3A_13, %broadcast_in_dim3A_227 : vector<8x4096xi1>, vector<8x4096xf32>
      %reduce_sum3A_229 = arith.constant dense<0.000000e+00> : vector<8xf32>
      %reduce_sum3A_230 = vector.multi_reduction <add>, %select_n3A_228, %reduce_sum3A_229 [1] : vector<8x4096xf32> to vector<8xf32>
      %broadcast_in_dim3A_231 = vector.shape_cast %reduce_sum3A_230 : vector<8xf32> to vector<8x1xf32>
      %sub3A = arith.constant 128 : i32
      %sub3A_232 = arith.subi %scan3A_210, %sub3A : i32
      %eq3A_233 = vector.broadcast %sub3A_232 : i32 to vector<8x128xi32>
      %eq3A_234 = arith.cmpi eq, %iota3A_14, %eq3A_233 : vector<8x128xi32>
      %broadcast_in_dim3A_235 = vector.shape_cast %broadcast_in_dim3A_219 : vector<8x1xf32> to vector<8x1xf32>
      %broadcast_in_dim3A_236 = vector.broadcast %broadcast_in_dim3A_235 : vector<8x1xf32> to vector<8x128xf32>
      %select_n3A_237 = arith.select %eq3A_234, %broadcast_in_dim3A_236, %scan3A_213 : vector<8x128xi1>, vector<8x128xf32>
      %broadcast_in_dim3A_238 = vector.shape_cast %broadcast_in_dim3A_225 : vector<8x1xf32> to vector<8x1xf32>
      %broadcast_in_dim3A_239 = vector.broadcast %broadcast_in_dim3A_238 : vector<8x1xf32> to vector<8x128xf32>
      %select_n3A_240 = arith.select %eq3A_234, %broadcast_in_dim3A_239, %scan3A_214 : vector<8x128xi1>, vector<8x128xf32>
      %broadcast_in_dim3A_241 = vector.shape_cast %broadcast_in_dim3A_231 : vector<8x1xf32> to vector<8x1xf32>
      %broadcast_in_dim3A_242 = vector.broadcast %broadcast_in_dim3A_241 : vector<8x1xf32> to vector<8x128xf32>
      %select_n3A_243 = arith.select %eq3A_234, %broadcast_in_dim3A_242, %scan3A_215 : vector<8x128xi1>, vector<8x128xf32>
      %sub3A_244 = vector.broadcast %broadcast_in_dim3A_219 : vector<8x1xf32> to vector<8x4096xf32>
      %sub3A_245 = arith.subf %get3A_3, %sub3A_244 : vector<8x4096xf32>
      %sub3A_246 = vector.broadcast %broadcast_in_dim3A_225 : vector<8x1xf32> to vector<8x4096xf32>
      %sub3A_247 = arith.subf %get3A_8, %sub3A_246 : vector<8x4096xf32>
      %sub3A_248 = vector.broadcast %broadcast_in_dim3A_231 : vector<8x1xf32> to vector<8x4096xf32>
      %sub3A_249 = arith.subf %get3A_13, %sub3A_248 : vector<8x4096xf32>
      %mul3A = arith.mulf %sub3A_245, %sub3A_245 : vector<8x4096xf32>
      %mul3A_250 = arith.mulf %sub3A_247, %sub3A_247 : vector<8x4096xf32>
      %add3A = arith.addf %mul3A, %mul3A_250 : vector<8x4096xf32>
      %mul3A_251 = arith.mulf %sub3A_249, %sub3A_249 : vector<8x4096xf32>
      %add3A_252 = arith.addf %add3A, %mul3A_251 : vector<8x4096xf32>
      %min3A = arith.minimumf %scan3A_211, %add3A_252 : vector<8x4096xf32>
      %reduce_max3A = arith.constant dense<0xFF800000> : vector<8xf32>
      %reduce_max3A_253 = vector.multi_reduction <maximumf>, %min3A, %reduce_max3A [1] : vector<8x4096xf32> to vector<8xf32>
      %broadcast_in_dim3A_254 = vector.shape_cast %reduce_max3A_253 : vector<8xf32> to vector<8x1xf32>
      %eq3A_255 = vector.broadcast %broadcast_in_dim3A_254 : vector<8x1xf32> to vector<8x4096xf32>
      %eq3A_256 = arith.cmpf oeq, %min3A, %eq3A_255 : vector<8x4096xf32>
      %jit3A_257 = arith.constant 4096 : i32
      %broadcast_in_dim3A_258 = vector.broadcast %jit3A_257 : i32 to vector<8x4096xi32>
      %select_n3A_259 = arith.select %eq3A_256, %iota3A, %broadcast_in_dim3A_258 : vector<8x4096xi1>, vector<8x4096xi32>
      %reduce_min3A = arith.constant dense<2147483647> : vector<8xi32>
      %reduce_min3A_260 = vector.multi_reduction <minsi>, %select_n3A_259, %reduce_min3A [1] : vector<8x4096xi32> to vector<8xi32>
      %broadcast_in_dim3A_261 = vector.shape_cast %reduce_min3A_260 : vector<8xi32> to vector<8x1xi32>
      scf.yield %min3A, %broadcast_in_dim3A_261, %select_n3A_237, %select_n3A_240, %select_n3A_243 : vector<8x4096xf32>, vector<8x1xi32>, vector<8x128xf32>, vector<8x128xf32>, vector<8x128xf32>
    }
    %scan3A_47 = arith.constant 128 : i32
    %swap3A_48 = arith.constant 0 : index
    %swap3A_49 = arith.constant 0 : index
    %swap3A_50 = arith.constant 128 : index
    %swap3A_51 = vector.load %arg1[%swap3A_48, %swap3A_49, %swap3A_50] : memref<3x8x1024xf32, #tpu.memory_space<vmem>>, vector<1x8x128xf32>
    %swap3A_52 = vector.shape_cast %swap3A_51 : vector<1x8x128xf32> to vector<8x128xf32>
    %swap3A_53 = vector.shape_cast %scan3A_46#2 : vector<8x128xf32> to vector<1x8x128xf32>
    tpu.vector_store %arg1[%swap3A_48, %swap3A_49, %swap3A_50], %swap3A_53 {strides = array<i32>} : memref<3x8x1024xf32, #tpu.memory_space<vmem>>, vector<1x8x128xf32>,
    %swap3A_54 = arith.constant 1 : index
    %swap3A_55 = arith.constant 0 : index
    %swap3A_56 = arith.constant 128 : index
    %swap3A_57 = vector.load %arg1[%swap3A_54, %swap3A_55, %swap3A_56] : memref<3x8x1024xf32, #tpu.memory_space<vmem>>, vector<1x8x128xf32>
    %swap3A_58 = vector.shape_cast %swap3A_57 : vector<1x8x128xf32> to vector<8x128xf32>
    %swap3A_59 = vector.shape_cast %scan3A_46#3 : vector<8x128xf32> to vector<1x8x128xf32>
    tpu.vector_store %arg1[%swap3A_54, %swap3A_55, %swap3A_56], %swap3A_59 {strides = array<i32>} : memref<3x8x1024xf32, #tpu.memory_space<vmem>>, vector<1x8x128xf32>,
    %swap3A_60 = arith.constant 2 : index
    %swap3A_61 = arith.constant 0 : index
    %swap3A_62 = arith.constant 128 : index
    %swap3A_63 = vector.load %arg1[%swap3A_60, %swap3A_61, %swap3A_62] : memref<3x8x1024xf32, #tpu.memory_space<vmem>>, vector<1x8x128xf32>
    %swap3A_64 = vector.shape_cast %swap3A_63 : vector<1x8x128xf32> to vector<8x128xf32>
    %swap3A_65 = vector.shape_cast %scan3A_46#4 : vector<8x128xf32> to vector<1x8x128xf32>
    tpu.vector_store %arg1[%swap3A_60, %swap3A_61, %swap3A_62], %swap3A_65 {strides = array<i32>} : memref<3x8x1024xf32, #tpu.memory_space<vmem>>, vector<1x8x128xf32>,
    %scan3A_66 = arith.constant 256 : i32
    %scan3A_67 = arith.constant 128 : i32
    %scan3A_68 = arith.addi %scan3A_66, %scan3A_67 : i32
    %scan3A_69 = arith.constant 1 : i32
    %scan3A_70:5 = scf.for %scan3A_210 = %scan3A_66 to %scan3A_68 step %scan3A_69 iter_args(%scan3A_211 = %scan3A_46#0, %scan3A_212 = %scan3A_46#1, %scan3A_213 = %broadcast_in_dim3A_19, %scan3A_214 = %broadcast_in_dim3A_19, %scan3A_215 = %broadcast_in_dim3A_19) -> (vector<8x4096xf32>, vector<8x1xi32>, vector<8x128xf32>, vector<8x128xf32>, vector<8x128xf32>)  : i32 {
      %eq3A = vector.broadcast %scan3A_212 : vector<8x1xi32> to vector<8x4096xi32>
      %eq3A_216 = arith.cmpi eq, %iota3A, %eq3A : vector<8x4096xi32>
      %jit3A = arith.constant 0.000000e+00 : f32
      %broadcast_in_dim3A_217 = vector.broadcast %jit3A : f32 to vector<8x4096xf32>
      %select_n3A = arith.select %eq3A_216, %get3A_3, %broadcast_in_dim3A_217 : vector<8x4096xi1>, vector<8x4096xf32>
      %reduce_sum3A = arith.constant dense<0.000000e+00> : vector<8xf32>
      %reduce_sum3A_218 = vector.multi_reduction <add>, %select_n3A, %reduce_sum3A [1] : vector<8x4096xf32> to vector<8xf32>
      %broadcast_in_dim3A_219 = vector.shape_cast %reduce_sum3A_218 : vector<8xf32> to vector<8x1xf32>
      %jit3A_220 = arith.constant 0.000000e+00 : f32
      %broadcast_in_dim3A_221 = vector.broadcast %jit3A_220 : f32 to vector<8x4096xf32>
      %select_n3A_222 = arith.select %eq3A_216, %get3A_8, %broadcast_in_dim3A_221 : vector<8x4096xi1>, vector<8x4096xf32>
      %reduce_sum3A_223 = arith.constant dense<0.000000e+00> : vector<8xf32>
      %reduce_sum3A_224 = vector.multi_reduction <add>, %select_n3A_222, %reduce_sum3A_223 [1] : vector<8x4096xf32> to vector<8xf32>
      %broadcast_in_dim3A_225 = vector.shape_cast %reduce_sum3A_224 : vector<8xf32> to vector<8x1xf32>
      %jit3A_226 = arith.constant 0.000000e+00 : f32
      %broadcast_in_dim3A_227 = vector.broadcast %jit3A_226 : f32 to vector<8x4096xf32>
      %select_n3A_228 = arith.select %eq3A_216, %get3A_13, %broadcast_in_dim3A_227 : vector<8x4096xi1>, vector<8x4096xf32>
      %reduce_sum3A_229 = arith.constant dense<0.000000e+00> : vector<8xf32>
      %reduce_sum3A_230 = vector.multi_reduction <add>, %select_n3A_228, %reduce_sum3A_229 [1] : vector<8x4096xf32> to vector<8xf32>
      %broadcast_in_dim3A_231 = vector.shape_cast %reduce_sum3A_230 : vector<8xf32> to vector<8x1xf32>
      %sub3A = arith.constant 256 : i32
      %sub3A_232 = arith.subi %scan3A_210, %sub3A : i32
      %eq3A_233 = vector.broadcast %sub3A_232 : i32 to vector<8x128xi32>
      %eq3A_234 = arith.cmpi eq, %iota3A_14, %eq3A_233 : vector<8x128xi32>
      %broadcast_in_dim3A_235 = vector.shape_cast %broadcast_in_dim3A_219 : vector<8x1xf32> to vector<8x1xf32>
      %broadcast_in_dim3A_236 = vector.broadcast %broadcast_in_dim3A_235 : vector<8x1xf32> to vector<8x128xf32>
      %select_n3A_237 = arith.select %eq3A_234, %broadcast_in_dim3A_236, %scan3A_213 : vector<8x128xi1>, vector<8x128xf32>
      %broadcast_in_dim3A_238 = vector.shape_cast %broadcast_in_dim3A_225 : vector<8x1xf32> to vector<8x1xf32>
      %broadcast_in_dim3A_239 = vector.broadcast %broadcast_in_dim3A_238 : vector<8x1xf32> to vector<8x128xf32>
      %select_n3A_240 = arith.select %eq3A_234, %broadcast_in_dim3A_239, %scan3A_214 : vector<8x128xi1>, vector<8x128xf32>
      %broadcast_in_dim3A_241 = vector.shape_cast %broadcast_in_dim3A_231 : vector<8x1xf32> to vector<8x1xf32>
      %broadcast_in_dim3A_242 = vector.broadcast %broadcast_in_dim3A_241 : vector<8x1xf32> to vector<8x128xf32>
      %select_n3A_243 = arith.select %eq3A_234, %broadcast_in_dim3A_242, %scan3A_215 : vector<8x128xi1>, vector<8x128xf32>
      %sub3A_244 = vector.broadcast %broadcast_in_dim3A_219 : vector<8x1xf32> to vector<8x4096xf32>
      %sub3A_245 = arith.subf %get3A_3, %sub3A_244 : vector<8x4096xf32>
      %sub3A_246 = vector.broadcast %broadcast_in_dim3A_225 : vector<8x1xf32> to vector<8x4096xf32>
      %sub3A_247 = arith.subf %get3A_8, %sub3A_246 : vector<8x4096xf32>
      %sub3A_248 = vector.broadcast %broadcast_in_dim3A_231 : vector<8x1xf32> to vector<8x4096xf32>
      %sub3A_249 = arith.subf %get3A_13, %sub3A_248 : vector<8x4096xf32>
      %mul3A = arith.mulf %sub3A_245, %sub3A_245 : vector<8x4096xf32>
      %mul3A_250 = arith.mulf %sub3A_247, %sub3A_247 : vector<8x4096xf32>
      %add3A = arith.addf %mul3A, %mul3A_250 : vector<8x4096xf32>
      %mul3A_251 = arith.mulf %sub3A_249, %sub3A_249 : vector<8x4096xf32>
      %add3A_252 = arith.addf %add3A, %mul3A_251 : vector<8x4096xf32>
      %min3A = arith.minimumf %scan3A_211, %add3A_252 : vector<8x4096xf32>
      %reduce_max3A = arith.constant dense<0xFF800000> : vector<8xf32>
      %reduce_max3A_253 = vector.multi_reduction <maximumf>, %min3A, %reduce_max3A [1] : vector<8x4096xf32> to vector<8xf32>
      %broadcast_in_dim3A_254 = vector.shape_cast %reduce_max3A_253 : vector<8xf32> to vector<8x1xf32>
      %eq3A_255 = vector.broadcast %broadcast_in_dim3A_254 : vector<8x1xf32> to vector<8x4096xf32>
      %eq3A_256 = arith.cmpf oeq, %min3A, %eq3A_255 : vector<8x4096xf32>
      %jit3A_257 = arith.constant 4096 : i32
      %broadcast_in_dim3A_258 = vector.broadcast %jit3A_257 : i32 to vector<8x4096xi32>
      %select_n3A_259 = arith.select %eq3A_256, %iota3A, %broadcast_in_dim3A_258 : vector<8x4096xi1>, vector<8x4096xi32>
      %reduce_min3A = arith.constant dense<2147483647> : vector<8xi32>
      %reduce_min3A_260 = vector.multi_reduction <minsi>, %select_n3A_259, %reduce_min3A [1] : vector<8x4096xi32> to vector<8xi32>
      %broadcast_in_dim3A_261 = vector.shape_cast %reduce_min3A_260 : vector<8xi32> to vector<8x1xi32>
      scf.yield %min3A, %broadcast_in_dim3A_261, %select_n3A_237, %select_n3A_240, %select_n3A_243 : vector<8x4096xf32>, vector<8x1xi32>, vector<8x128xf32>, vector<8x128xf32>, vector<8x128xf32>
    }
    %scan3A_71 = arith.constant 128 : i32
    %swap3A_72 = arith.constant 0 : index
    %swap3A_73 = arith.constant 0 : index
    %swap3A_74 = arith.constant 256 : index
    %swap3A_75 = vector.load %arg1[%swap3A_72, %swap3A_73, %swap3A_74] : memref<3x8x1024xf32, #tpu.memory_space<vmem>>, vector<1x8x128xf32>
    %swap3A_76 = vector.shape_cast %swap3A_75 : vector<1x8x128xf32> to vector<8x128xf32>
    %swap3A_77 = vector.shape_cast %scan3A_70#2 : vector<8x128xf32> to vector<1x8x128xf32>
    tpu.vector_store %arg1[%swap3A_72, %swap3A_73, %swap3A_74], %swap3A_77 {strides = array<i32>} : memref<3x8x1024xf32, #tpu.memory_space<vmem>>, vector<1x8x128xf32>,
    %swap3A_78 = arith.constant 1 : index
    %swap3A_79 = arith.constant 0 : index
    %swap3A_80 = arith.constant 256 : index
    %swap3A_81 = vector.load %arg1[%swap3A_78, %swap3A_79, %swap3A_80] : memref<3x8x1024xf32, #tpu.memory_space<vmem>>, vector<1x8x128xf32>
    %swap3A_82 = vector.shape_cast %swap3A_81 : vector<1x8x128xf32> to vector<8x128xf32>
    %swap3A_83 = vector.shape_cast %scan3A_70#3 : vector<8x128xf32> to vector<1x8x128xf32>
    tpu.vector_store %arg1[%swap3A_78, %swap3A_79, %swap3A_80], %swap3A_83 {strides = array<i32>} : memref<3x8x1024xf32, #tpu.memory_space<vmem>>, vector<1x8x128xf32>,
    %swap3A_84 = arith.constant 2 : index
    %swap3A_85 = arith.constant 0 : index
    %swap3A_86 = arith.constant 256 : index
    %swap3A_87 = vector.load %arg1[%swap3A_84, %swap3A_85, %swap3A_86] : memref<3x8x1024xf32, #tpu.memory_space<vmem>>, vector<1x8x128xf32>
    %swap3A_88 = vector.shape_cast %swap3A_87 : vector<1x8x128xf32> to vector<8x128xf32>
    %swap3A_89 = vector.shape_cast %scan3A_70#4 : vector<8x128xf32> to vector<1x8x128xf32>
    tpu.vector_store %arg1[%swap3A_84, %swap3A_85, %swap3A_86], %swap3A_89 {strides = array<i32>} : memref<3x8x1024xf32, #tpu.memory_space<vmem>>, vector<1x8x128xf32>,
    %scan3A_90 = arith.constant 384 : i32
    %scan3A_91 = arith.constant 128 : i32
    %scan3A_92 = arith.addi %scan3A_90, %scan3A_91 : i32
    %scan3A_93 = arith.constant 1 : i32
    %scan3A_94:5 = scf.for %scan3A_210 = %scan3A_90 to %scan3A_92 step %scan3A_93 iter_args(%scan3A_211 = %scan3A_70#0, %scan3A_212 = %scan3A_70#1, %scan3A_213 = %broadcast_in_dim3A_19, %scan3A_214 = %broadcast_in_dim3A_19, %scan3A_215 = %broadcast_in_dim3A_19) -> (vector<8x4096xf32>, vector<8x1xi32>, vector<8x128xf32>, vector<8x128xf32>, vector<8x128xf32>)  : i32 {
      %eq3A = vector.broadcast %scan3A_212 : vector<8x1xi32> to vector<8x4096xi32>
      %eq3A_216 = arith.cmpi eq, %iota3A, %eq3A : vector<8x4096xi32>
      %jit3A = arith.constant 0.000000e+00 : f32
      %broadcast_in_dim3A_217 = vector.broadcast %jit3A : f32 to vector<8x4096xf32>
      %select_n3A = arith.select %eq3A_216, %get3A_3, %broadcast_in_dim3A_217 : vector<8x4096xi1>, vector<8x4096xf32>
      %reduce_sum3A = arith.constant dense<0.000000e+00> : vector<8xf32>
      %reduce_sum3A_218 = vector.multi_reduction <add>, %select_n3A, %reduce_sum3A [1] : vector<8x4096xf32> to vector<8xf32>
      %broadcast_in_dim3A_219 = vector.shape_cast %reduce_sum3A_218 : vector<8xf32> to vector<8x1xf32>
      %jit3A_220 = arith.constant 0.000000e+00 : f32
      %broadcast_in_dim3A_221 = vector.broadcast %jit3A_220 : f32 to vector<8x4096xf32>
      %select_n3A_222 = arith.select %eq3A_216, %get3A_8, %broadcast_in_dim3A_221 : vector<8x4096xi1>, vector<8x4096xf32>
      %reduce_sum3A_223 = arith.constant dense<0.000000e+00> : vector<8xf32>
      %reduce_sum3A_224 = vector.multi_reduction <add>, %select_n3A_222, %reduce_sum3A_223 [1] : vector<8x4096xf32> to vector<8xf32>
      %broadcast_in_dim3A_225 = vector.shape_cast %reduce_sum3A_224 : vector<8xf32> to vector<8x1xf32>
      %jit3A_226 = arith.constant 0.000000e+00 : f32
      %broadcast_in_dim3A_227 = vector.broadcast %jit3A_226 : f32 to vector<8x4096xf32>
      %select_n3A_228 = arith.select %eq3A_216, %get3A_13, %broadcast_in_dim3A_227 : vector<8x4096xi1>, vector<8x4096xf32>
      %reduce_sum3A_229 = arith.constant dense<0.000000e+00> : vector<8xf32>
      %reduce_sum3A_230 = vector.multi_reduction <add>, %select_n3A_228, %reduce_sum3A_229 [1] : vector<8x4096xf32> to vector<8xf32>
      %broadcast_in_dim3A_231 = vector.shape_cast %reduce_sum3A_230 : vector<8xf32> to vector<8x1xf32>
      %sub3A = arith.constant 384 : i32
      %sub3A_232 = arith.subi %scan3A_210, %sub3A : i32
      %eq3A_233 = vector.broadcast %sub3A_232 : i32 to vector<8x128xi32>
      %eq3A_234 = arith.cmpi eq, %iota3A_14, %eq3A_233 : vector<8x128xi32>
      %broadcast_in_dim3A_235 = vector.shape_cast %broadcast_in_dim3A_219 : vector<8x1xf32> to vector<8x1xf32>
      %broadcast_in_dim3A_236 = vector.broadcast %broadcast_in_dim3A_235 : vector<8x1xf32> to vector<8x128xf32>
      %select_n3A_237 = arith.select %eq3A_234, %broadcast_in_dim3A_236, %scan3A_213 : vector<8x128xi1>, vector<8x128xf32>
      %broadcast_in_dim3A_238 = vector.shape_cast %broadcast_in_dim3A_225 : vector<8x1xf32> to vector<8x1xf32>
      %broadcast_in_dim3A_239 = vector.broadcast %broadcast_in_dim3A_238 : vector<8x1xf32> to vector<8x128xf32>
      %select_n3A_240 = arith.select %eq3A_234, %broadcast_in_dim3A_239, %scan3A_214 : vector<8x128xi1>, vector<8x128xf32>
      %broadcast_in_dim3A_241 = vector.shape_cast %broadcast_in_dim3A_231 : vector<8x1xf32> to vector<8x1xf32>
      %broadcast_in_dim3A_242 = vector.broadcast %broadcast_in_dim3A_241 : vector<8x1xf32> to vector<8x128xf32>
      %select_n3A_243 = arith.select %eq3A_234, %broadcast_in_dim3A_242, %scan3A_215 : vector<8x128xi1>, vector<8x128xf32>
      %sub3A_244 = vector.broadcast %broadcast_in_dim3A_219 : vector<8x1xf32> to vector<8x4096xf32>
      %sub3A_245 = arith.subf %get3A_3, %sub3A_244 : vector<8x4096xf32>
      %sub3A_246 = vector.broadcast %broadcast_in_dim3A_225 : vector<8x1xf32> to vector<8x4096xf32>
      %sub3A_247 = arith.subf %get3A_8, %sub3A_246 : vector<8x4096xf32>
      %sub3A_248 = vector.broadcast %broadcast_in_dim3A_231 : vector<8x1xf32> to vector<8x4096xf32>
      %sub3A_249 = arith.subf %get3A_13, %sub3A_248 : vector<8x4096xf32>
      %mul3A = arith.mulf %sub3A_245, %sub3A_245 : vector<8x4096xf32>
      %mul3A_250 = arith.mulf %sub3A_247, %sub3A_247 : vector<8x4096xf32>
      %add3A = arith.addf %mul3A, %mul3A_250 : vector<8x4096xf32>
      %mul3A_251 = arith.mulf %sub3A_249, %sub3A_249 : vector<8x4096xf32>
      %add3A_252 = arith.addf %add3A, %mul3A_251 : vector<8x4096xf32>
      %min3A = arith.minimumf %scan3A_211, %add3A_252 : vector<8x4096xf32>
      %reduce_max3A = arith.constant dense<0xFF800000> : vector<8xf32>
      %reduce_max3A_253 = vector.multi_reduction <maximumf>, %min3A, %reduce_max3A [1] : vector<8x4096xf32> to vector<8xf32>
      %broadcast_in_dim3A_254 = vector.shape_cast %reduce_max3A_253 : vector<8xf32> to vector<8x1xf32>
      %eq3A_255 = vector.broadcast %broadcast_in_dim3A_254 : vector<8x1xf32> to vector<8x4096xf32>
      %eq3A_256 = arith.cmpf oeq, %min3A, %eq3A_255 : vector<8x4096xf32>
      %jit3A_257 = arith.constant 4096 : i32
      %broadcast_in_dim3A_258 = vector.broadcast %jit3A_257 : i32 to vector<8x4096xi32>
      %select_n3A_259 = arith.select %eq3A_256, %iota3A, %broadcast_in_dim3A_258 : vector<8x4096xi1>, vector<8x4096xi32>
      %reduce_min3A = arith.constant dense<2147483647> : vector<8xi32>
      %reduce_min3A_260 = vector.multi_reduction <minsi>, %select_n3A_259, %reduce_min3A [1] : vector<8x4096xi32> to vector<8xi32>
      %broadcast_in_dim3A_261 = vector.shape_cast %reduce_min3A_260 : vector<8xi32> to vector<8x1xi32>
      scf.yield %min3A, %broadcast_in_dim3A_261, %select_n3A_237, %select_n3A_240, %select_n3A_243 : vector<8x4096xf32>, vector<8x1xi32>, vector<8x128xf32>, vector<8x128xf32>, vector<8x128xf32>
    }
    %scan3A_95 = arith.constant 128 : i32
    %swap3A_96 = arith.constant 0 : index
    %swap3A_97 = arith.constant 0 : index
    %swap3A_98 = arith.constant 384 : index
    %swap3A_99 = vector.load %arg1[%swap3A_96, %swap3A_97, %swap3A_98] : memref<3x8x1024xf32, #tpu.memory_space<vmem>>, vector<1x8x128xf32>
    %swap3A_100 = vector.shape_cast %swap3A_99 : vector<1x8x128xf32> to vector<8x128xf32>
    %swap3A_101 = vector.shape_cast %scan3A_94#2 : vector<8x128xf32> to vector<1x8x128xf32>
    tpu.vector_store %arg1[%swap3A_96, %swap3A_97, %swap3A_98], %swap3A_101 {strides = array<i32>} : memref<3x8x1024xf32, #tpu.memory_space<vmem>>, vector<1x8x128xf32>,
    %swap3A_102 = arith.constant 1 : index
    %swap3A_103 = arith.constant 0 : index
    %swap3A_104 = arith.constant 384 : index
    %swap3A_105 = vector.load %arg1[%swap3A_102, %swap3A_103, %swap3A_104] : memref<3x8x1024xf32, #tpu.memory_space<vmem>>, vector<1x8x128xf32>
    %swap3A_106 = vector.shape_cast %swap3A_105 : vector<1x8x128xf32> to vector<8x128xf32>
    %swap3A_107 = vector.shape_cast %scan3A_94#3 : vector<8x128xf32> to vector<1x8x128xf32>
    tpu.vector_store %arg1[%swap3A_102, %swap3A_103, %swap3A_104], %swap3A_107 {strides = array<i32>} : memref<3x8x1024xf32, #tpu.memory_space<vmem>>, vector<1x8x128xf32>,
    %swap3A_108 = arith.constant 2 : index
    %swap3A_109 = arith.constant 0 : index
    %swap3A_110 = arith.constant 384 : index
    %swap3A_111 = vector.load %arg1[%swap3A_108, %swap3A_109, %swap3A_110] : memref<3x8x1024xf32, #tpu.memory_space<vmem>>, vector<1x8x128xf32>
    %swap3A_112 = vector.shape_cast %swap3A_111 : vector<1x8x128xf32> to vector<8x128xf32>
    %swap3A_113 = vector.shape_cast %scan3A_94#4 : vector<8x128xf32> to vector<1x8x128xf32>
    tpu.vector_store %arg1[%swap3A_108, %swap3A_109, %swap3A_110], %swap3A_113 {strides = array<i32>} : memref<3x8x1024xf32, #tpu.memory_space<vmem>>, vector<1x8x128xf32>,
    %scan3A_114 = arith.constant 512 : i32
    %scan3A_115 = arith.constant 128 : i32
    %scan3A_116 = arith.addi %scan3A_114, %scan3A_115 : i32
    %scan3A_117 = arith.constant 1 : i32
    %scan3A_118:5 = scf.for %scan3A_210 = %scan3A_114 to %scan3A_116 step %scan3A_117 iter_args(%scan3A_211 = %scan3A_94#0, %scan3A_212 = %scan3A_94#1, %scan3A_213 = %broadcast_in_dim3A_19, %scan3A_214 = %broadcast_in_dim3A_19, %scan3A_215 = %broadcast_in_dim3A_19) -> (vector<8x4096xf32>, vector<8x1xi32>, vector<8x128xf32>, vector<8x128xf32>, vector<8x128xf32>)  : i32 {
      %eq3A = vector.broadcast %scan3A_212 : vector<8x1xi32> to vector<8x4096xi32>
      %eq3A_216 = arith.cmpi eq, %iota3A, %eq3A : vector<8x4096xi32>
      %jit3A = arith.constant 0.000000e+00 : f32
      %broadcast_in_dim3A_217 = vector.broadcast %jit3A : f32 to vector<8x4096xf32>
      %select_n3A = arith.select %eq3A_216, %get3A_3, %broadcast_in_dim3A_217 : vector<8x4096xi1>, vector<8x4096xf32>
      %reduce_sum3A = arith.constant dense<0.000000e+00> : vector<8xf32>
      %reduce_sum3A_218 = vector.multi_reduction <add>, %select_n3A, %reduce_sum3A [1] : vector<8x4096xf32> to vector<8xf32>
      %broadcast_in_dim3A_219 = vector.shape_cast %reduce_sum3A_218 : vector<8xf32> to vector<8x1xf32>
      %jit3A_220 = arith.constant 0.000000e+00 : f32
      %broadcast_in_dim3A_221 = vector.broadcast %jit3A_220 : f32 to vector<8x4096xf32>
      %select_n3A_222 = arith.select %eq3A_216, %get3A_8, %broadcast_in_dim3A_221 : vector<8x4096xi1>, vector<8x4096xf32>
      %reduce_sum3A_223 = arith.constant dense<0.000000e+00> : vector<8xf32>
      %reduce_sum3A_224 = vector.multi_reduction <add>, %select_n3A_222, %reduce_sum3A_223 [1] : vector<8x4096xf32> to vector<8xf32>
      %broadcast_in_dim3A_225 = vector.shape_cast %reduce_sum3A_224 : vector<8xf32> to vector<8x1xf32>
      %jit3A_226 = arith.constant 0.000000e+00 : f32
      %broadcast_in_dim3A_227 = vector.broadcast %jit3A_226 : f32 to vector<8x4096xf32>
      %select_n3A_228 = arith.select %eq3A_216, %get3A_13, %broadcast_in_dim3A_227 : vector<8x4096xi1>, vector<8x4096xf32>
      %reduce_sum3A_229 = arith.constant dense<0.000000e+00> : vector<8xf32>
      %reduce_sum3A_230 = vector.multi_reduction <add>, %select_n3A_228, %reduce_sum3A_229 [1] : vector<8x4096xf32> to vector<8xf32>
      %broadcast_in_dim3A_231 = vector.shape_cast %reduce_sum3A_230 : vector<8xf32> to vector<8x1xf32>
      %sub3A = arith.constant 512 : i32
      %sub3A_232 = arith.subi %scan3A_210, %sub3A : i32
      %eq3A_233 = vector.broadcast %sub3A_232 : i32 to vector<8x128xi32>
      %eq3A_234 = arith.cmpi eq, %iota3A_14, %eq3A_233 : vector<8x128xi32>
      %broadcast_in_dim3A_235 = vector.shape_cast %broadcast_in_dim3A_219 : vector<8x1xf32> to vector<8x1xf32>
      %broadcast_in_dim3A_236 = vector.broadcast %broadcast_in_dim3A_235 : vector<8x1xf32> to vector<8x128xf32>
      %select_n3A_237 = arith.select %eq3A_234, %broadcast_in_dim3A_236, %scan3A_213 : vector<8x128xi1>, vector<8x128xf32>
      %broadcast_in_dim3A_238 = vector.shape_cast %broadcast_in_dim3A_225 : vector<8x1xf32> to vector<8x1xf32>
      %broadcast_in_dim3A_239 = vector.broadcast %broadcast_in_dim3A_238 : vector<8x1xf32> to vector<8x128xf32>
      %select_n3A_240 = arith.select %eq3A_234, %broadcast_in_dim3A_239, %scan3A_214 : vector<8x128xi1>, vector<8x128xf32>
      %broadcast_in_dim3A_241 = vector.shape_cast %broadcast_in_dim3A_231 : vector<8x1xf32> to vector<8x1xf32>
      %broadcast_in_dim3A_242 = vector.broadcast %broadcast_in_dim3A_241 : vector<8x1xf32> to vector<8x128xf32>
      %select_n3A_243 = arith.select %eq3A_234, %broadcast_in_dim3A_242, %scan3A_215 : vector<8x128xi1>, vector<8x128xf32>
      %sub3A_244 = vector.broadcast %broadcast_in_dim3A_219 : vector<8x1xf32> to vector<8x4096xf32>
      %sub3A_245 = arith.subf %get3A_3, %sub3A_244 : vector<8x4096xf32>
      %sub3A_246 = vector.broadcast %broadcast_in_dim3A_225 : vector<8x1xf32> to vector<8x4096xf32>
      %sub3A_247 = arith.subf %get3A_8, %sub3A_246 : vector<8x4096xf32>
      %sub3A_248 = vector.broadcast %broadcast_in_dim3A_231 : vector<8x1xf32> to vector<8x4096xf32>
      %sub3A_249 = arith.subf %get3A_13, %sub3A_248 : vector<8x4096xf32>
      %mul3A = arith.mulf %sub3A_245, %sub3A_245 : vector<8x4096xf32>
      %mul3A_250 = arith.mulf %sub3A_247, %sub3A_247 : vector<8x4096xf32>
      %add3A = arith.addf %mul3A, %mul3A_250 : vector<8x4096xf32>
      %mul3A_251 = arith.mulf %sub3A_249, %sub3A_249 : vector<8x4096xf32>
      %add3A_252 = arith.addf %add3A, %mul3A_251 : vector<8x4096xf32>
      %min3A = arith.minimumf %scan3A_211, %add3A_252 : vector<8x4096xf32>
      %reduce_max3A = arith.constant dense<0xFF800000> : vector<8xf32>
      %reduce_max3A_253 = vector.multi_reduction <maximumf>, %min3A, %reduce_max3A [1] : vector<8x4096xf32> to vector<8xf32>
      %broadcast_in_dim3A_254 = vector.shape_cast %reduce_max3A_253 : vector<8xf32> to vector<8x1xf32>
      %eq3A_255 = vector.broadcast %broadcast_in_dim3A_254 : vector<8x1xf32> to vector<8x4096xf32>
      %eq3A_256 = arith.cmpf oeq, %min3A, %eq3A_255 : vector<8x4096xf32>
      %jit3A_257 = arith.constant 4096 : i32
      %broadcast_in_dim3A_258 = vector.broadcast %jit3A_257 : i32 to vector<8x4096xi32>
      %select_n3A_259 = arith.select %eq3A_256, %iota3A, %broadcast_in_dim3A_258 : vector<8x4096xi1>, vector<8x4096xi32>
      %reduce_min3A = arith.constant dense<2147483647> : vector<8xi32>
      %reduce_min3A_260 = vector.multi_reduction <minsi>, %select_n3A_259, %reduce_min3A [1] : vector<8x4096xi32> to vector<8xi32>
      %broadcast_in_dim3A_261 = vector.shape_cast %reduce_min3A_260 : vector<8xi32> to vector<8x1xi32>
      scf.yield %min3A, %broadcast_in_dim3A_261, %select_n3A_237, %select_n3A_240, %select_n3A_243 : vector<8x4096xf32>, vector<8x1xi32>, vector<8x128xf32>, vector<8x128xf32>, vector<8x128xf32>
    }
    %scan3A_119 = arith.constant 128 : i32
    %swap3A_120 = arith.constant 0 : index
    %swap3A_121 = arith.constant 0 : index
    %swap3A_122 = arith.constant 512 : index
    %swap3A_123 = vector.load %arg1[%swap3A_120, %swap3A_121, %swap3A_122] : memref<3x8x1024xf32, #tpu.memory_space<vmem>>, vector<1x8x128xf32>
    %swap3A_124 = vector.shape_cast %swap3A_123 : vector<1x8x128xf32> to vector<8x128xf32>
    %swap3A_125 = vector.shape_cast %scan3A_118#2 : vector<8x128xf32> to vector<1x8x128xf32>
    tpu.vector_store %arg1[%swap3A_120, %swap3A_121, %swap3A_122], %swap3A_125 {strides = array<i32>} : memref<3x8x1024xf32, #tpu.memory_space<vmem>>, vector<1x8x128xf32>,
    %swap3A_126 = arith.constant 1 : index
    %swap3A_127 = arith.constant 0 : index
    %swap3A_128 = arith.constant 512 : index
    %swap3A_129 = vector.load %arg1[%swap3A_126, %swap3A_127, %swap3A_128] : memref<3x8x1024xf32, #tpu.memory_space<vmem>>, vector<1x8x128xf32>
    %swap3A_130 = vector.shape_cast %swap3A_129 : vector<1x8x128xf32> to vector<8x128xf32>
    %swap3A_131 = vector.shape_cast %scan3A_118#3 : vector<8x128xf32> to vector<1x8x128xf32>
    tpu.vector_store %arg1[%swap3A_126, %swap3A_127, %swap3A_128], %swap3A_131 {strides = array<i32>} : memref<3x8x1024xf32, #tpu.memory_space<vmem>>, vector<1x8x128xf32>,
    %swap3A_132 = arith.constant 2 : index
    %swap3A_133 = arith.constant 0 : index
    %swap3A_134 = arith.constant 512 : index
    %swap3A_135 = vector.load %arg1[%swap3A_132, %swap3A_133, %swap3A_134] : memref<3x8x1024xf32, #tpu.memory_space<vmem>>, vector<1x8x128xf32>
    %swap3A_136 = vector.shape_cast %swap3A_135 : vector<1x8x128xf32> to vector<8x128xf32>
    %swap3A_137 = vector.shape_cast %scan3A_118#4 : vector<8x128xf32> to vector<1x8x128xf32>
    tpu.vector_store %arg1[%swap3A_132, %swap3A_133, %swap3A_134], %swap3A_137 {strides = array<i32>} : memref<3x8x1024xf32, #tpu.memory_space<vmem>>, vector<1x8x128xf32>,
    %scan3A_138 = arith.constant 640 : i32
    %scan3A_139 = arith.constant 128 : i32
    %scan3A_140 = arith.addi %scan3A_138, %scan3A_139 : i32
    %scan3A_141 = arith.constant 1 : i32
    %scan3A_142:5 = scf.for %scan3A_210 = %scan3A_138 to %scan3A_140 step %scan3A_141 iter_args(%scan3A_211 = %scan3A_118#0, %scan3A_212 = %scan3A_118#1, %scan3A_213 = %broadcast_in_dim3A_19, %scan3A_214 = %broadcast_in_dim3A_19, %scan3A_215 = %broadcast_in_dim3A_19) -> (vector<8x4096xf32>, vector<8x1xi32>, vector<8x128xf32>, vector<8x128xf32>, vector<8x128xf32>)  : i32 {
      %eq3A = vector.broadcast %scan3A_212 : vector<8x1xi32> to vector<8x4096xi32>
      %eq3A_216 = arith.cmpi eq, %iota3A, %eq3A : vector<8x4096xi32>
      %jit3A = arith.constant 0.000000e+00 : f32
      %broadcast_in_dim3A_217 = vector.broadcast %jit3A : f32 to vector<8x4096xf32>
      %select_n3A = arith.select %eq3A_216, %get3A_3, %broadcast_in_dim3A_217 : vector<8x4096xi1>, vector<8x4096xf32>
      %reduce_sum3A = arith.constant dense<0.000000e+00> : vector<8xf32>
      %reduce_sum3A_218 = vector.multi_reduction <add>, %select_n3A, %reduce_sum3A [1] : vector<8x4096xf32> to vector<8xf32>
      %broadcast_in_dim3A_219 = vector.shape_cast %reduce_sum3A_218 : vector<8xf32> to vector<8x1xf32>
      %jit3A_220 = arith.constant 0.000000e+00 : f32
      %broadcast_in_dim3A_221 = vector.broadcast %jit3A_220 : f32 to vector<8x4096xf32>
      %select_n3A_222 = arith.select %eq3A_216, %get3A_8, %broadcast_in_dim3A_221 : vector<8x4096xi1>, vector<8x4096xf32>
      %reduce_sum3A_223 = arith.constant dense<0.000000e+00> : vector<8xf32>
      %reduce_sum3A_224 = vector.multi_reduction <add>, %select_n3A_222, %reduce_sum3A_223 [1] : vector<8x4096xf32> to vector<8xf32>
      %broadcast_in_dim3A_225 = vector.shape_cast %reduce_sum3A_224 : vector<8xf32> to vector<8x1xf32>
      %jit3A_226 = arith.constant 0.000000e+00 : f32
      %broadcast_in_dim3A_227 = vector.broadcast %jit3A_226 : f32 to vector<8x4096xf32>
      %select_n3A_228 = arith.select %eq3A_216, %get3A_13, %broadcast_in_dim3A_227 : vector<8x4096xi1>, vector<8x4096xf32>
      %reduce_sum3A_229 = arith.constant dense<0.000000e+00> : vector<8xf32>
      %reduce_sum3A_230 = vector.multi_reduction <add>, %select_n3A_228, %reduce_sum3A_229 [1] : vector<8x4096xf32> to vector<8xf32>
      %broadcast_in_dim3A_231 = vector.shape_cast %reduce_sum3A_230 : vector<8xf32> to vector<8x1xf32>
      %sub3A = arith.constant 640 : i32
      %sub3A_232 = arith.subi %scan3A_210, %sub3A : i32
      %eq3A_233 = vector.broadcast %sub3A_232 : i32 to vector<8x128xi32>
      %eq3A_234 = arith.cmpi eq, %iota3A_14, %eq3A_233 : vector<8x128xi32>
      %broadcast_in_dim3A_235 = vector.shape_cast %broadcast_in_dim3A_219 : vector<8x1xf32> to vector<8x1xf32>
      %broadcast_in_dim3A_236 = vector.broadcast %broadcast_in_dim3A_235 : vector<8x1xf32> to vector<8x128xf32>
      %select_n3A_237 = arith.select %eq3A_234, %broadcast_in_dim3A_236, %scan3A_213 : vector<8x128xi1>, vector<8x128xf32>
      %broadcast_in_dim3A_238 = vector.shape_cast %broadcast_in_dim3A_225 : vector<8x1xf32> to vector<8x1xf32>
      %broadcast_in_dim3A_239 = vector.broadcast %broadcast_in_dim3A_238 : vector<8x1xf32> to vector<8x128xf32>
      %select_n3A_240 = arith.select %eq3A_234, %broadcast_in_dim3A_239, %scan3A_214 : vector<8x128xi1>, vector<8x128xf32>
      %broadcast_in_dim3A_241 = vector.shape_cast %broadcast_in_dim3A_231 : vector<8x1xf32> to vector<8x1xf32>
      %broadcast_in_dim3A_242 = vector.broadcast %broadcast_in_dim3A_241 : vector<8x1xf32> to vector<8x128xf32>
      %select_n3A_243 = arith.select %eq3A_234, %broadcast_in_dim3A_242, %scan3A_215 : vector<8x128xi1>, vector<8x128xf32>
      %sub3A_244 = vector.broadcast %broadcast_in_dim3A_219 : vector<8x1xf32> to vector<8x4096xf32>
      %sub3A_245 = arith.subf %get3A_3, %sub3A_244 : vector<8x4096xf32>
      %sub3A_246 = vector.broadcast %broadcast_in_dim3A_225 : vector<8x1xf32> to vector<8x4096xf32>
      %sub3A_247 = arith.subf %get3A_8, %sub3A_246 : vector<8x4096xf32>
      %sub3A_248 = vector.broadcast %broadcast_in_dim3A_231 : vector<8x1xf32> to vector<8x4096xf32>
      %sub3A_249 = arith.subf %get3A_13, %sub3A_248 : vector<8x4096xf32>
      %mul3A = arith.mulf %sub3A_245, %sub3A_245 : vector<8x4096xf32>
      %mul3A_250 = arith.mulf %sub3A_247, %sub3A_247 : vector<8x4096xf32>
      %add3A = arith.addf %mul3A, %mul3A_250 : vector<8x4096xf32>
      %mul3A_251 = arith.mulf %sub3A_249, %sub3A_249 : vector<8x4096xf32>
      %add3A_252 = arith.addf %add3A, %mul3A_251 : vector<8x4096xf32>
      %min3A = arith.minimumf %scan3A_211, %add3A_252 : vector<8x4096xf32>
      %reduce_max3A = arith.constant dense<0xFF800000> : vector<8xf32>
      %reduce_max3A_253 = vector.multi_reduction <maximumf>, %min3A, %reduce_max3A [1] : vector<8x4096xf32> to vector<8xf32>
      %broadcast_in_dim3A_254 = vector.shape_cast %reduce_max3A_253 : vector<8xf32> to vector<8x1xf32>
      %eq3A_255 = vector.broadcast %broadcast_in_dim3A_254 : vector<8x1xf32> to vector<8x4096xf32>
      %eq3A_256 = arith.cmpf oeq, %min3A, %eq3A_255 : vector<8x4096xf32>
      %jit3A_257 = arith.constant 4096 : i32
      %broadcast_in_dim3A_258 = vector.broadcast %jit3A_257 : i32 to vector<8x4096xi32>
      %select_n3A_259 = arith.select %eq3A_256, %iota3A, %broadcast_in_dim3A_258 : vector<8x4096xi1>, vector<8x4096xi32>
      %reduce_min3A = arith.constant dense<2147483647> : vector<8xi32>
      %reduce_min3A_260 = vector.multi_reduction <minsi>, %select_n3A_259, %reduce_min3A [1] : vector<8x4096xi32> to vector<8xi32>
      %broadcast_in_dim3A_261 = vector.shape_cast %reduce_min3A_260 : vector<8xi32> to vector<8x1xi32>
      scf.yield %min3A, %broadcast_in_dim3A_261, %select_n3A_237, %select_n3A_240, %select_n3A_243 : vector<8x4096xf32>, vector<8x1xi32>, vector<8x128xf32>, vector<8x128xf32>, vector<8x128xf32>
    }
    %scan3A_143 = arith.constant 128 : i32
    %swap3A_144 = arith.constant 0 : index
    %swap3A_145 = arith.constant 0 : index
    %swap3A_146 = arith.constant 640 : index
    %swap3A_147 = vector.load %arg1[%swap3A_144, %swap3A_145, %swap3A_146] : memref<3x8x1024xf32, #tpu.memory_space<vmem>>, vector<1x8x128xf32>
    %swap3A_148 = vector.shape_cast %swap3A_147 : vector<1x8x128xf32> to vector<8x128xf32>
    %swap3A_149 = vector.shape_cast %scan3A_142#2 : vector<8x128xf32> to vector<1x8x128xf32>
    tpu.vector_store %arg1[%swap3A_144, %swap3A_145, %swap3A_146], %swap3A_149 {strides = array<i32>} : memref<3x8x1024xf32, #tpu.memory_space<vmem>>, vector<1x8x128xf32>,
    %swap3A_150 = arith.constant 1 : index
    %swap3A_151 = arith.constant 0 : index
    %swap3A_152 = arith.constant 640 : index
    %swap3A_153 = vector.load %arg1[%swap3A_150, %swap3A_151, %swap3A_152] : memref<3x8x1024xf32, #tpu.memory_space<vmem>>, vector<1x8x128xf32>
    %swap3A_154 = vector.shape_cast %swap3A_153 : vector<1x8x128xf32> to vector<8x128xf32>
    %swap3A_155 = vector.shape_cast %scan3A_142#3 : vector<8x128xf32> to vector<1x8x128xf32>
    tpu.vector_store %arg1[%swap3A_150, %swap3A_151, %swap3A_152], %swap3A_155 {strides = array<i32>} : memref<3x8x1024xf32, #tpu.memory_space<vmem>>, vector<1x8x128xf32>,
    %swap3A_156 = arith.constant 2 : index
    %swap3A_157 = arith.constant 0 : index
    %swap3A_158 = arith.constant 640 : index
    %swap3A_159 = vector.load %arg1[%swap3A_156, %swap3A_157, %swap3A_158] : memref<3x8x1024xf32, #tpu.memory_space<vmem>>, vector<1x8x128xf32>
    %swap3A_160 = vector.shape_cast %swap3A_159 : vector<1x8x128xf32> to vector<8x128xf32>
    %swap3A_161 = vector.shape_cast %scan3A_142#4 : vector<8x128xf32> to vector<1x8x128xf32>
    tpu.vector_store %arg1[%swap3A_156, %swap3A_157, %swap3A_158], %swap3A_161 {strides = array<i32>} : memref<3x8x1024xf32, #tpu.memory_space<vmem>>, vector<1x8x128xf32>,
    %scan3A_162 = arith.constant 768 : i32
    %scan3A_163 = arith.constant 128 : i32
    %scan3A_164 = arith.addi %scan3A_162, %scan3A_163 : i32
    %scan3A_165 = arith.constant 1 : i32
    %scan3A_166:5 = scf.for %scan3A_210 = %scan3A_162 to %scan3A_164 step %scan3A_165 iter_args(%scan3A_211 = %scan3A_142#0, %scan3A_212 = %scan3A_142#1, %scan3A_213 = %broadcast_in_dim3A_19, %scan3A_214 = %broadcast_in_dim3A_19, %scan3A_215 = %broadcast_in_dim3A_19) -> (vector<8x4096xf32>, vector<8x1xi32>, vector<8x128xf32>, vector<8x128xf32>, vector<8x128xf32>)  : i32 {
      %eq3A = vector.broadcast %scan3A_212 : vector<8x1xi32> to vector<8x4096xi32>
      %eq3A_216 = arith.cmpi eq, %iota3A, %eq3A : vector<8x4096xi32>
      %jit3A = arith.constant 0.000000e+00 : f32
      %broadcast_in_dim3A_217 = vector.broadcast %jit3A : f32 to vector<8x4096xf32>
      %select_n3A = arith.select %eq3A_216, %get3A_3, %broadcast_in_dim3A_217 : vector<8x4096xi1>, vector<8x4096xf32>
      %reduce_sum3A = arith.constant dense<0.000000e+00> : vector<8xf32>
      %reduce_sum3A_218 = vector.multi_reduction <add>, %select_n3A, %reduce_sum3A [1] : vector<8x4096xf32> to vector<8xf32>
      %broadcast_in_dim3A_219 = vector.shape_cast %reduce_sum3A_218 : vector<8xf32> to vector<8x1xf32>
      %jit3A_220 = arith.constant 0.000000e+00 : f32
      %broadcast_in_dim3A_221 = vector.broadcast %jit3A_220 : f32 to vector<8x4096xf32>
      %select_n3A_222 = arith.select %eq3A_216, %get3A_8, %broadcast_in_dim3A_221 : vector<8x4096xi1>, vector<8x4096xf32>
      %reduce_sum3A_223 = arith.constant dense<0.000000e+00> : vector<8xf32>
      %reduce_sum3A_224 = vector.multi_reduction <add>, %select_n3A_222, %reduce_sum3A_223 [1] : vector<8x4096xf32> to vector<8xf32>
      %broadcast_in_dim3A_225 = vector.shape_cast %reduce_sum3A_224 : vector<8xf32> to vector<8x1xf32>
      %jit3A_226 = arith.constant 0.000000e+00 : f32
      %broadcast_in_dim3A_227 = vector.broadcast %jit3A_226 : f32 to vector<8x4096xf32>
      %select_n3A_228 = arith.select %eq3A_216, %get3A_13, %broadcast_in_dim3A_227 : vector<8x4096xi1>, vector<8x4096xf32>
      %reduce_sum3A_229 = arith.constant dense<0.000000e+00> : vector<8xf32>
      %reduce_sum3A_230 = vector.multi_reduction <add>, %select_n3A_228, %reduce_sum3A_229 [1] : vector<8x4096xf32> to vector<8xf32>
      %broadcast_in_dim3A_231 = vector.shape_cast %reduce_sum3A_230 : vector<8xf32> to vector<8x1xf32>
      %sub3A = arith.constant 768 : i32
      %sub3A_232 = arith.subi %scan3A_210, %sub3A : i32
      %eq3A_233 = vector.broadcast %sub3A_232 : i32 to vector<8x128xi32>
      %eq3A_234 = arith.cmpi eq, %iota3A_14, %eq3A_233 : vector<8x128xi32>
      %broadcast_in_dim3A_235 = vector.shape_cast %broadcast_in_dim3A_219 : vector<8x1xf32> to vector<8x1xf32>
      %broadcast_in_dim3A_236 = vector.broadcast %broadcast_in_dim3A_235 : vector<8x1xf32> to vector<8x128xf32>
      %select_n3A_237 = arith.select %eq3A_234, %broadcast_in_dim3A_236, %scan3A_213 : vector<8x128xi1>, vector<8x128xf32>
      %broadcast_in_dim3A_238 = vector.shape_cast %broadcast_in_dim3A_225 : vector<8x1xf32> to vector<8x1xf32>
      %broadcast_in_dim3A_239 = vector.broadcast %broadcast_in_dim3A_238 : vector<8x1xf32> to vector<8x128xf32>
      %select_n3A_240 = arith.select %eq3A_234, %broadcast_in_dim3A_239, %scan3A_214 : vector<8x128xi1>, vector<8x128xf32>
      %broadcast_in_dim3A_241 = vector.shape_cast %broadcast_in_dim3A_231 : vector<8x1xf32> to vector<8x1xf32>
      %broadcast_in_dim3A_242 = vector.broadcast %broadcast_in_dim3A_241 : vector<8x1xf32> to vector<8x128xf32>
      %select_n3A_243 = arith.select %eq3A_234, %broadcast_in_dim3A_242, %scan3A_215 : vector<8x128xi1>, vector<8x128xf32>
      %sub3A_244 = vector.broadcast %broadcast_in_dim3A_219 : vector<8x1xf32> to vector<8x4096xf32>
      %sub3A_245 = arith.subf %get3A_3, %sub3A_244 : vector<8x4096xf32>
      %sub3A_246 = vector.broadcast %broadcast_in_dim3A_225 : vector<8x1xf32> to vector<8x4096xf32>
      %sub3A_247 = arith.subf %get3A_8, %sub3A_246 : vector<8x4096xf32>
      %sub3A_248 = vector.broadcast %broadcast_in_dim3A_231 : vector<8x1xf32> to vector<8x4096xf32>
      %sub3A_249 = arith.subf %get3A_13, %sub3A_248 : vector<8x4096xf32>
      %mul3A = arith.mulf %sub3A_245, %sub3A_245 : vector<8x4096xf32>
      %mul3A_250 = arith.mulf %sub3A_247, %sub3A_247 : vector<8x4096xf32>
      %add3A = arith.addf %mul3A, %mul3A_250 : vector<8x4096xf32>
      %mul3A_251 = arith.mulf %sub3A_249, %sub3A_249 : vector<8x4096xf32>
      %add3A_252 = arith.addf %add3A, %mul3A_251 : vector<8x4096xf32>
      %min3A = arith.minimumf %scan3A_211, %add3A_252 : vector<8x4096xf32>
      %reduce_max3A = arith.constant dense<0xFF800000> : vector<8xf32>
      %reduce_max3A_253 = vector.multi_reduction <maximumf>, %min3A, %reduce_max3A [1] : vector<8x4096xf32> to vector<8xf32>
      %broadcast_in_dim3A_254 = vector.shape_cast %reduce_max3A_253 : vector<8xf32> to vector<8x1xf32>
      %eq3A_255 = vector.broadcast %broadcast_in_dim3A_254 : vector<8x1xf32> to vector<8x4096xf32>
      %eq3A_256 = arith.cmpf oeq, %min3A, %eq3A_255 : vector<8x4096xf32>
      %jit3A_257 = arith.constant 4096 : i32
      %broadcast_in_dim3A_258 = vector.broadcast %jit3A_257 : i32 to vector<8x4096xi32>
      %select_n3A_259 = arith.select %eq3A_256, %iota3A, %broadcast_in_dim3A_258 : vector<8x4096xi1>, vector<8x4096xi32>
      %reduce_min3A = arith.constant dense<2147483647> : vector<8xi32>
      %reduce_min3A_260 = vector.multi_reduction <minsi>, %select_n3A_259, %reduce_min3A [1] : vector<8x4096xi32> to vector<8xi32>
      %broadcast_in_dim3A_261 = vector.shape_cast %reduce_min3A_260 : vector<8xi32> to vector<8x1xi32>
      scf.yield %min3A, %broadcast_in_dim3A_261, %select_n3A_237, %select_n3A_240, %select_n3A_243 : vector<8x4096xf32>, vector<8x1xi32>, vector<8x128xf32>, vector<8x128xf32>, vector<8x128xf32>
    }
    %scan3A_167 = arith.constant 128 : i32
    %swap3A_168 = arith.constant 0 : index
    %swap3A_169 = arith.constant 0 : index
    %swap3A_170 = arith.constant 768 : index
    %swap3A_171 = vector.load %arg1[%swap3A_168, %swap3A_169, %swap3A_170] : memref<3x8x1024xf32, #tpu.memory_space<vmem>>, vector<1x8x128xf32>
    %swap3A_172 = vector.shape_cast %swap3A_171 : vector<1x8x128xf32> to vector<8x128xf32>
    %swap3A_173 = vector.shape_cast %scan3A_166#2 : vector<8x128xf32> to vector<1x8x128xf32>
    tpu.vector_store %arg1[%swap3A_168, %swap3A_169, %swap3A_170], %swap3A_173 {strides = array<i32>} : memref<3x8x1024xf32, #tpu.memory_space<vmem>>, vector<1x8x128xf32>,
    %swap3A_174 = arith.constant 1 : index
    %swap3A_175 = arith.constant 0 : index
    %swap3A_176 = arith.constant 768 : index
    %swap3A_177 = vector.load %arg1[%swap3A_174, %swap3A_175, %swap3A_176] : memref<3x8x1024xf32, #tpu.memory_space<vmem>>, vector<1x8x128xf32>
    %swap3A_178 = vector.shape_cast %swap3A_177 : vector<1x8x128xf32> to vector<8x128xf32>
    %swap3A_179 = vector.shape_cast %scan3A_166#3 : vector<8x128xf32> to vector<1x8x128xf32>
    tpu.vector_store %arg1[%swap3A_174, %swap3A_175, %swap3A_176], %swap3A_179 {strides = array<i32>} : memref<3x8x1024xf32, #tpu.memory_space<vmem>>, vector<1x8x128xf32>,
    %swap3A_180 = arith.constant 2 : index
    %swap3A_181 = arith.constant 0 : index
    %swap3A_182 = arith.constant 768 : index
    %swap3A_183 = vector.load %arg1[%swap3A_180, %swap3A_181, %swap3A_182] : memref<3x8x1024xf32, #tpu.memory_space<vmem>>, vector<1x8x128xf32>
    %swap3A_184 = vector.shape_cast %swap3A_183 : vector<1x8x128xf32> to vector<8x128xf32>
    %swap3A_185 = vector.shape_cast %scan3A_166#4 : vector<8x128xf32> to vector<1x8x128xf32>
    tpu.vector_store %arg1[%swap3A_180, %swap3A_181, %swap3A_182], %swap3A_185 {strides = array<i32>} : memref<3x8x1024xf32, #tpu.memory_space<vmem>>, vector<1x8x128xf32>,
    %scan3A_186 = arith.constant 896 : i32
    %scan3A_187 = arith.constant 128 : i32
    %scan3A_188 = arith.addi %scan3A_186, %scan3A_187 : i32
    %scan3A_189 = arith.constant 1 : i32
    %scan3A_190:5 = scf.for %scan3A_210 = %scan3A_186 to %scan3A_188 step %scan3A_189 iter_args(%scan3A_211 = %scan3A_166#0, %scan3A_212 = %scan3A_166#1, %scan3A_213 = %broadcast_in_dim3A_19, %scan3A_214 = %broadcast_in_dim3A_19, %scan3A_215 = %broadcast_in_dim3A_19) -> (vector<8x4096xf32>, vector<8x1xi32>, vector<8x128xf32>, vector<8x128xf32>, vector<8x128xf32>)  : i32 {
      %eq3A = vector.broadcast %scan3A_212 : vector<8x1xi32> to vector<8x4096xi32>
      %eq3A_216 = arith.cmpi eq, %iota3A, %eq3A : vector<8x4096xi32>
      %jit3A = arith.constant 0.000000e+00 : f32
      %broadcast_in_dim3A_217 = vector.broadcast %jit3A : f32 to vector<8x4096xf32>
      %select_n3A = arith.select %eq3A_216, %get3A_3, %broadcast_in_dim3A_217 : vector<8x4096xi1>, vector<8x4096xf32>
      %reduce_sum3A = arith.constant dense<0.000000e+00> : vector<8xf32>
      %reduce_sum3A_218 = vector.multi_reduction <add>, %select_n3A, %reduce_sum3A [1] : vector<8x4096xf32> to vector<8xf32>
      %broadcast_in_dim3A_219 = vector.shape_cast %reduce_sum3A_218 : vector<8xf32> to vector<8x1xf32>
      %jit3A_220 = arith.constant 0.000000e+00 : f32
      %broadcast_in_dim3A_221 = vector.broadcast %jit3A_220 : f32 to vector<8x4096xf32>
      %select_n3A_222 = arith.select %eq3A_216, %get3A_8, %broadcast_in_dim3A_221 : vector<8x4096xi1>, vector<8x4096xf32>
      %reduce_sum3A_223 = arith.constant dense<0.000000e+00> : vector<8xf32>
      %reduce_sum3A_224 = vector.multi_reduction <add>, %select_n3A_222, %reduce_sum3A_223 [1] : vector<8x4096xf32> to vector<8xf32>
      %broadcast_in_dim3A_225 = vector.shape_cast %reduce_sum3A_224 : vector<8xf32> to vector<8x1xf32>
      %jit3A_226 = arith.constant 0.000000e+00 : f32
      %broadcast_in_dim3A_227 = vector.broadcast %jit3A_226 : f32 to vector<8x4096xf32>
      %select_n3A_228 = arith.select %eq3A_216, %get3A_13, %broadcast_in_dim3A_227 : vector<8x4096xi1>, vector<8x4096xf32>
      %reduce_sum3A_229 = arith.constant dense<0.000000e+00> : vector<8xf32>
      %reduce_sum3A_230 = vector.multi_reduction <add>, %select_n3A_228, %reduce_sum3A_229 [1] : vector<8x4096xf32> to vector<8xf32>
      %broadcast_in_dim3A_231 = vector.shape_cast %reduce_sum3A_230 : vector<8xf32> to vector<8x1xf32>
      %sub3A = arith.constant 896 : i32
      %sub3A_232 = arith.subi %scan3A_210, %sub3A : i32
      %eq3A_233 = vector.broadcast %sub3A_232 : i32 to vector<8x128xi32>
      %eq3A_234 = arith.cmpi eq, %iota3A_14, %eq3A_233 : vector<8x128xi32>
      %broadcast_in_dim3A_235 = vector.shape_cast %broadcast_in_dim3A_219 : vector<8x1xf32> to vector<8x1xf32>
      %broadcast_in_dim3A_236 = vector.broadcast %broadcast_in_dim3A_235 : vector<8x1xf32> to vector<8x128xf32>
      %select_n3A_237 = arith.select %eq3A_234, %broadcast_in_dim3A_236, %scan3A_213 : vector<8x128xi1>, vector<8x128xf32>
      %broadcast_in_dim3A_238 = vector.shape_cast %broadcast_in_dim3A_225 : vector<8x1xf32> to vector<8x1xf32>
      %broadcast_in_dim3A_239 = vector.broadcast %broadcast_in_dim3A_238 : vector<8x1xf32> to vector<8x128xf32>
      %select_n3A_240 = arith.select %eq3A_234, %broadcast_in_dim3A_239, %scan3A_214 : vector<8x128xi1>, vector<8x128xf32>
      %broadcast_in_dim3A_241 = vector.shape_cast %broadcast_in_dim3A_231 : vector<8x1xf32> to vector<8x1xf32>
      %broadcast_in_dim3A_242 = vector.broadcast %broadcast_in_dim3A_241 : vector<8x1xf32> to vector<8x128xf32>
      %select_n3A_243 = arith.select %eq3A_234, %broadcast_in_dim3A_242, %scan3A_215 : vector<8x128xi1>, vector<8x128xf32>
      %sub3A_244 = vector.broadcast %broadcast_in_dim3A_219 : vector<8x1xf32> to vector<8x4096xf32>
      %sub3A_245 = arith.subf %get3A_3, %sub3A_244 : vector<8x4096xf32>
      %sub3A_246 = vector.broadcast %broadcast_in_dim3A_225 : vector<8x1xf32> to vector<8x4096xf32>
      %sub3A_247 = arith.subf %get3A_8, %sub3A_246 : vector<8x4096xf32>
      %sub3A_248 = vector.broadcast %broadcast_in_dim3A_231 : vector<8x1xf32> to vector<8x4096xf32>
      %sub3A_249 = arith.subf %get3A_13, %sub3A_248 : vector<8x4096xf32>
      %mul3A = arith.mulf %sub3A_245, %sub3A_245 : vector<8x4096xf32>
      %mul3A_250 = arith.mulf %sub3A_247, %sub3A_247 : vector<8x4096xf32>
      %add3A = arith.addf %mul3A, %mul3A_250 : vector<8x4096xf32>
      %mul3A_251 = arith.mulf %sub3A_249, %sub3A_249 : vector<8x4096xf32>
      %add3A_252 = arith.addf %add3A, %mul3A_251 : vector<8x4096xf32>
      %min3A = arith.minimumf %scan3A_211, %add3A_252 : vector<8x4096xf32>
      %reduce_max3A = arith.constant dense<0xFF800000> : vector<8xf32>
      %reduce_max3A_253 = vector.multi_reduction <maximumf>, %min3A, %reduce_max3A [1] : vector<8x4096xf32> to vector<8xf32>
      %broadcast_in_dim3A_254 = vector.shape_cast %reduce_max3A_253 : vector<8xf32> to vector<8x1xf32>
      %eq3A_255 = vector.broadcast %broadcast_in_dim3A_254 : vector<8x1xf32> to vector<8x4096xf32>
      %eq3A_256 = arith.cmpf oeq, %min3A, %eq3A_255 : vector<8x4096xf32>
      %jit3A_257 = arith.constant 4096 : i32
      %broadcast_in_dim3A_258 = vector.broadcast %jit3A_257 : i32 to vector<8x4096xi32>
      %select_n3A_259 = arith.select %eq3A_256, %iota3A, %broadcast_in_dim3A_258 : vector<8x4096xi1>, vector<8x4096xi32>
      %reduce_min3A = arith.constant dense<2147483647> : vector<8xi32>
      %reduce_min3A_260 = vector.multi_reduction <minsi>, %select_n3A_259, %reduce_min3A [1] : vector<8x4096xi32> to vector<8xi32>
      %broadcast_in_dim3A_261 = vector.shape_cast %reduce_min3A_260 : vector<8xi32> to vector<8x1xi32>
      scf.yield %min3A, %broadcast_in_dim3A_261, %select_n3A_237, %select_n3A_240, %select_n3A_243 : vector<8x4096xf32>, vector<8x1xi32>, vector<8x128xf32>, vector<8x128xf32>, vector<8x128xf32>
    }
    %scan3A_191 = arith.constant 128 : i32
    %swap3A_192 = arith.constant 0 : index
    %swap3A_193 = arith.constant 0 : index
    %swap3A_194 = arith.constant 896 : index
    %swap3A_195 = vector.load %arg1[%swap3A_192, %swap3A_193, %swap3A_194] : memref<3x8x1024xf32, #tpu.memory_space<vmem>>, vector<1x8x128xf32>
    %swap3A_196 = vector.shape_cast %swap3A_195 : vector<1x8x128xf32> to vector<8x128xf32>
    %swap3A_197 = vector.shape_cast %scan3A_190#2 : vector<8x128xf32> to vector<1x8x128xf32>
    tpu.vector_store %arg1[%swap3A_192, %swap3A_193, %swap3A_194], %swap3A_197 {strides = array<i32>} : memref<3x8x1024xf32, #tpu.memory_space<vmem>>, vector<1x8x128xf32>,
    %swap3A_198 = arith.constant 1 : index
    %swap3A_199 = arith.constant 0 : index
    %swap3A_200 = arith.constant 896 : index
    %swap3A_201 = vector.load %arg1[%swap3A_198, %swap3A_199, %swap3A_200] : memref<3x8x1024xf32, #tpu.memory_space<vmem>>, vector<1x8x128xf32>
    %swap3A_202 = vector.shape_cast %swap3A_201 : vector<1x8x128xf32> to vector<8x128xf32>
    %swap3A_203 = vector.shape_cast %scan3A_190#3 : vector<8x128xf32> to vector<1x8x128xf32>
    tpu.vector_store %arg1[%swap3A_198, %swap3A_199, %swap3A_200], %swap3A_203 {strides = array<i32>} : memref<3x8x1024xf32, #tpu.memory_space<vmem>>, vector<1x8x128xf32>,
    %swap3A_204 = arith.constant 2 : index
    %swap3A_205 = arith.constant 0 : index
    %swap3A_206 = arith.constant 896 : index
    %swap3A_207 = vector.load %arg1[%swap3A_204, %swap3A_205, %swap3A_206] : memref<3x8x1024xf32, #tpu.memory_space<vmem>>, vector<1x8x128xf32>
    %swap3A_208 = vector.shape_cast %swap3A_207 : vector<1x8x128xf32> to vector<8x128xf32>
    %swap3A_209 = vector.shape_cast %scan3A_190#4 : vector<8x128xf32> to vector<1x8x128xf32>
    tpu.vector_store %arg1[%swap3A_204, %swap3A_205, %swap3A_206], %swap3A_209 {strides = array<i32>} : memref<3x8x1024xf32, #tpu.memory_space<vmem>>, vector<1x8x128xf32>,
    return
  }
}

module attributes {stable_mosaic.version = 14 : i64} {
  func.func @_ball_body(%arg0: i32, %arg1: i32, %arg2: memref<1x8x4096xf32, #tpu.memory_space<vmem>>, %arg3: memref<1x8x8xf32, #tpu.memory_space<vmem>>, %arg4: memref<1x8x128xi32, #tpu.memory_space<vmem>>) attributes {dimension_semantics = [#tpu.dimension_semantics<arbitrary>, #tpu.dimension_semantics<arbitrary>], iteration_bounds = array<i64: 8, 128>, scalar_prefetch = 0 : i64, scratch_operands = 0 : i64, tpu.core_type = #tpu.core_type<tc>, window_params = [{transform_indices = @transform_0, window_bounds = array<i64: 1, 8, 4096>}, {transform_indices = @transform_1, window_bounds = array<i64: 1, 8, 8>}, {transform_indices = @transform_2, window_bounds = array<i64: 1, 8, 128>}]} {
    %get3A = arith.constant 0 : index
    %get3A_0 = arith.constant 0 : index
    %get3A_1 = arith.constant 0 : index
    %get3A_2 = vector.load %arg2[%get3A, %get3A_0, %get3A_1] : memref<1x8x4096xf32, #tpu.memory_space<vmem>>, vector<1x1x4096xf32>
    %get3A_3 = vector.shape_cast %get3A_2 : vector<1x1x4096xf32> to vector<1x4096xf32>
    %get3A_4 = arith.constant 0 : index
    %get3A_5 = arith.constant 1 : index
    %get3A_6 = arith.constant 0 : index
    %get3A_7 = vector.load %arg2[%get3A_4, %get3A_5, %get3A_6] : memref<1x8x4096xf32, #tpu.memory_space<vmem>>, vector<1x1x4096xf32>
    %get3A_8 = vector.shape_cast %get3A_7 : vector<1x1x4096xf32> to vector<1x4096xf32>
    %get3A_9 = arith.constant 0 : index
    %get3A_10 = arith.constant 2 : index
    %get3A_11 = arith.constant 0 : index
    %get3A_12 = vector.load %arg2[%get3A_9, %get3A_10, %get3A_11] : memref<1x8x4096xf32, #tpu.memory_space<vmem>>, vector<1x1x4096xf32>
    %get3A_13 = vector.shape_cast %get3A_12 : vector<1x1x4096xf32> to vector<1x4096xf32>
    %get3A_14 = arith.constant 0 : index
    %get3A_15 = arith.constant 0 : index
    %get3A_16 = arith.constant 0 : index
    %get3A_17 = vector.load %arg3[%get3A_14, %get3A_15, %get3A_16] : memref<1x8x8xf32, #tpu.memory_space<vmem>>, vector<1x8x1xf32>
    %get3A_18 = vector.shape_cast %get3A_17 : vector<1x8x1xf32> to vector<8x1xf32>
    %get3A_19 = arith.constant 0 : index
    %get3A_20 = arith.constant 0 : index
    %get3A_21 = arith.constant 1 : index
    %get3A_22 = vector.load %arg3[%get3A_19, %get3A_20, %get3A_21] : memref<1x8x8xf32, #tpu.memory_space<vmem>>, vector<1x8x1xf32>
    %get3A_23 = vector.shape_cast %get3A_22 : vector<1x8x1xf32> to vector<8x1xf32>
    %get3A_24 = arith.constant 0 : index
    %get3A_25 = arith.constant 0 : index
    %get3A_26 = arith.constant 2 : index
    %get3A_27 = vector.load %arg3[%get3A_24, %get3A_25, %get3A_26] : memref<1x8x8xf32, #tpu.memory_space<vmem>>, vector<1x8x1xf32>
    %get3A_28 = vector.shape_cast %get3A_27 : vector<1x8x1xf32> to vector<8x1xf32>
    %sub3A = vector.broadcast %get3A_3 : vector<1x4096xf32> to vector<8x4096xf32>
    %sub3A_29 = vector.broadcast %get3A_18 : vector<8x1xf32> to vector<8x4096xf32>
    %sub3A_30 = arith.subf %sub3A, %sub3A_29 : vector<8x4096xf32>
    %sub3A_31 = vector.broadcast %get3A_8 : vector<1x4096xf32> to vector<8x4096xf32>
    %sub3A_32 = vector.broadcast %get3A_23 : vector<8x1xf32> to vector<8x4096xf32>
    %sub3A_33 = arith.subf %sub3A_31, %sub3A_32 : vector<8x4096xf32>
    %sub3A_34 = vector.broadcast %get3A_13 : vector<1x4096xf32> to vector<8x4096xf32>
    %sub3A_35 = vector.broadcast %get3A_28 : vector<8x1xf32> to vector<8x4096xf32>
    %sub3A_36 = arith.subf %sub3A_34, %sub3A_35 : vector<8x4096xf32>
    %mul3A = arith.mulf %sub3A_30, %sub3A_30 : vector<8x4096xf32>
    %mul3A_37 = arith.mulf %sub3A_33, %sub3A_33 : vector<8x4096xf32>
    %add3A = arith.addf %mul3A, %mul3A_37 : vector<8x4096xf32>
    %mul3A_38 = arith.mulf %sub3A_36, %sub3A_36 : vector<8x4096xf32>
    %add3A_39 = arith.addf %add3A, %mul3A_38 : vector<8x4096xf32>
    %iota3A = tpu.iota {dimensions = array<i32: 2>} : vector<1x1x4096xi32>
    %convert_element_type3A = arith.sitofp %iota3A : vector<1x1x4096xi32> to vector<1x1x4096xf32>
    %lt3A = arith.constant 2.500000e-03 : f32
    %lt3A_40 = vector.broadcast %lt3A : f32 to vector<8x4096xf32>
    %lt3A_41 = arith.cmpf olt, %add3A_39, %lt3A_40 : vector<8x4096xf32>
    %convert_element_type3A_42 = arith.extui %lt3A_41 : vector<8x4096xi1> to vector<8x4096xi32>
    %lt3A_43 = arith.constant 0.00999999977 : f32
    %lt3A_44 = vector.broadcast %lt3A_43 : f32 to vector<8x4096xf32>
    %lt3A_45 = arith.cmpf olt, %add3A_39, %lt3A_44 : vector<8x4096xf32>
    %convert_element_type3A_46 = arith.extui %lt3A_45 : vector<8x4096xi1> to vector<8x4096xi32>
    %shift_left3A = arith.constant 13 : i32
    %shift_left3A_47 = vector.broadcast %shift_left3A : i32 to vector<8x4096xi32>
    %shift_left3A_48 = arith.shli %convert_element_type3A_46, %shift_left3A_47 : vector<8x4096xi32>
    %add3A_49 = arith.addi %convert_element_type3A_42, %shift_left3A_48 : vector<8x4096xi32>
    %broadcast_in_dim3A = arith.constant 0 : i32
    %broadcast_in_dim3A_50 = vector.broadcast %broadcast_in_dim3A : i32 to vector<8x1xi32>
    %slice3A = vector.extract_strided_slice %add3A_49 {offsets = [0, 0], sizes = [8, 4095], strides = [1, 1]} : vector<8x4096xi32> to vector<8x4095xi32>
    %concatenate3A = tpu.concatenate %broadcast_in_dim3A_50, %slice3A in 1 : vector<8x1xi32>, vector<8x4095xi32> -> vector<8x4096xi32>
    %add3A_51 = arith.addi %add3A_49, %concatenate3A : vector<8x4096xi32>
    %broadcast_in_dim3A_52 = arith.constant 0 : i32
    %broadcast_in_dim3A_53 = vector.broadcast %broadcast_in_dim3A_52 : i32 to vector<8x2xi32>
    %slice3A_54 = vector.extract_strided_slice %add3A_51 {offsets = [0, 0], sizes = [8, 4094], strides = [1, 1]} : vector<8x4096xi32> to vector<8x4094xi32>
    %concatenate3A_55 = tpu.concatenate %broadcast_in_dim3A_53, %slice3A_54 in 1 : vector<8x2xi32>, vector<8x4094xi32> -> vector<8x4096xi32>
    %add3A_56 = arith.addi %add3A_51, %concatenate3A_55 : vector<8x4096xi32>
    %broadcast_in_dim3A_57 = arith.constant 0 : i32
    %broadcast_in_dim3A_58 = vector.broadcast %broadcast_in_dim3A_57 : i32 to vector<8x4xi32>
    %slice3A_59 = vector.extract_strided_slice %add3A_56 {offsets = [0, 0], sizes = [8, 4092], strides = [1, 1]} : vector<8x4096xi32> to vector<8x4092xi32>
    %concatenate3A_60 = tpu.concatenate %broadcast_in_dim3A_58, %slice3A_59 in 1 : vector<8x4xi32>, vector<8x4092xi32> -> vector<8x4096xi32>
    %add3A_61 = arith.addi %add3A_56, %concatenate3A_60 : vector<8x4096xi32>
    %broadcast_in_dim3A_62 = arith.constant 0 : i32
    %broadcast_in_dim3A_63 = vector.broadcast %broadcast_in_dim3A_62 : i32 to vector<8x8xi32>
    %slice3A_64 = vector.extract_strided_slice %add3A_61 {offsets = [0, 0], sizes = [8, 4088], strides = [1, 1]} : vector<8x4096xi32> to vector<8x4088xi32>
    %concatenate3A_65 = tpu.concatenate %broadcast_in_dim3A_63, %slice3A_64 in 1 : vector<8x8xi32>, vector<8x4088xi32> -> vector<8x4096xi32>
    %add3A_66 = arith.addi %add3A_61, %concatenate3A_65 : vector<8x4096xi32>
    %broadcast_in_dim3A_67 = arith.constant 0 : i32
    %broadcast_in_dim3A_68 = vector.broadcast %broadcast_in_dim3A_67 : i32 to vector<8x16xi32>
    %slice3A_69 = vector.extract_strided_slice %add3A_66 {offsets = [0, 0], sizes = [8, 4080], strides = [1, 1]} : vector<8x4096xi32> to vector<8x4080xi32>
    %concatenate3A_70 = tpu.concatenate %broadcast_in_dim3A_68, %slice3A_69 in 1 : vector<8x16xi32>, vector<8x4080xi32> -> vector<8x4096xi32>
    %add3A_71 = arith.addi %add3A_66, %concatenate3A_70 : vector<8x4096xi32>
    %broadcast_in_dim3A_72 = arith.constant 0 : i32
    %broadcast_in_dim3A_73 = vector.broadcast %broadcast_in_dim3A_72 : i32 to vector<8x32xi32>
    %slice3A_74 = vector.extract_strided_slice %add3A_71 {offsets = [0, 0], sizes = [8, 4064], strides = [1, 1]} : vector<8x4096xi32> to vector<8x4064xi32>
    %concatenate3A_75 = tpu.concatenate %broadcast_in_dim3A_73, %slice3A_74 in 1 : vector<8x32xi32>, vector<8x4064xi32> -> vector<8x4096xi32>
    %add3A_76 = arith.addi %add3A_71, %concatenate3A_75 : vector<8x4096xi32>
    %broadcast_in_dim3A_77 = arith.constant 0 : i32
    %broadcast_in_dim3A_78 = vector.broadcast %broadcast_in_dim3A_77 : i32 to vector<8x64xi32>
    %slice3A_79 = vector.extract_strided_slice %add3A_76 {offsets = [0, 0], sizes = [8, 4032], strides = [1, 1]} : vector<8x4096xi32> to vector<8x4032xi32>
    %concatenate3A_80 = tpu.concatenate %broadcast_in_dim3A_78, %slice3A_79 in 1 : vector<8x64xi32>, vector<8x4032xi32> -> vector<8x4096xi32>
    %add3A_81 = arith.addi %add3A_76, %concatenate3A_80 : vector<8x4096xi32>
    %broadcast_in_dim3A_82 = arith.constant 0 : i32
    %broadcast_in_dim3A_83 = vector.broadcast %broadcast_in_dim3A_82 : i32 to vector<8x128xi32>
    %slice3A_84 = vector.extract_strided_slice %add3A_81 {offsets = [0, 0], sizes = [8, 3968], strides = [1, 1]} : vector<8x4096xi32> to vector<8x3968xi32>
    %concatenate3A_85 = tpu.concatenate %broadcast_in_dim3A_83, %slice3A_84 in 1 : vector<8x128xi32>, vector<8x3968xi32> -> vector<8x4096xi32>
    %add3A_86 = arith.addi %add3A_81, %concatenate3A_85 : vector<8x4096xi32>
    %broadcast_in_dim3A_87 = arith.constant 0 : i32
    %broadcast_in_dim3A_88 = vector.broadcast %broadcast_in_dim3A_87 : i32 to vector<8x256xi32>
    %slice3A_89 = vector.extract_strided_slice %add3A_86 {offsets = [0, 0], sizes = [8, 3840], strides = [1, 1]} : vector<8x4096xi32> to vector<8x3840xi32>
    %concatenate3A_90 = tpu.concatenate %broadcast_in_dim3A_88, %slice3A_89 in 1 : vector<8x256xi32>, vector<8x3840xi32> -> vector<8x4096xi32>
    %add3A_91 = arith.addi %add3A_86, %concatenate3A_90 : vector<8x4096xi32>
    %broadcast_in_dim3A_92 = arith.constant 0 : i32
    %broadcast_in_dim3A_93 = vector.broadcast %broadcast_in_dim3A_92 : i32 to vector<8x512xi32>
    %slice3A_94 = vector.extract_strided_slice %add3A_91 {offsets = [0, 0], sizes = [8, 3584], strides = [1, 1]} : vector<8x4096xi32> to vector<8x3584xi32>
    %concatenate3A_95 = tpu.concatenate %broadcast_in_dim3A_93, %slice3A_94 in 1 : vector<8x512xi32>, vector<8x3584xi32> -> vector<8x4096xi32>
    %add3A_96 = arith.addi %add3A_91, %concatenate3A_95 : vector<8x4096xi32>
    %broadcast_in_dim3A_97 = arith.constant 0 : i32
    %broadcast_in_dim3A_98 = vector.broadcast %broadcast_in_dim3A_97 : i32 to vector<8x1024xi32>
    %slice3A_99 = vector.extract_strided_slice %add3A_96 {offsets = [0, 0], sizes = [8, 3072], strides = [1, 1]} : vector<8x4096xi32> to vector<8x3072xi32>
    %concatenate3A_100 = tpu.concatenate %broadcast_in_dim3A_98, %slice3A_99 in 1 : vector<8x1024xi32>, vector<8x3072xi32> -> vector<8x4096xi32>
    %add3A_101 = arith.addi %add3A_96, %concatenate3A_100 : vector<8x4096xi32>
    %broadcast_in_dim3A_102 = arith.constant 0 : i32
    %broadcast_in_dim3A_103 = vector.broadcast %broadcast_in_dim3A_102 : i32 to vector<8x2048xi32>
    %slice3A_104 = vector.extract_strided_slice %add3A_101 {offsets = [0, 0], sizes = [8, 2048], strides = [1, 1]} : vector<8x4096xi32> to vector<8x2048xi32>
    %concatenate3A_105 = tpu.concatenate %broadcast_in_dim3A_103, %slice3A_104 in 1 : vector<8x2048xi32>, vector<8x2048xi32> -> vector<8x4096xi32>
    %add3A_106 = arith.addi %add3A_101, %concatenate3A_105 : vector<8x4096xi32>
    %and3A = arith.constant 8191 : i32
    %and3A_107 = vector.broadcast %and3A : i32 to vector<8x4096xi32>
    %and3A_108 = arith.andi %add3A_106, %and3A_107 : vector<8x4096xi32>
    %shift_right_arithmetic3A = arith.constant 13 : i32
    %shift_right_arithmetic3A_109 = vector.broadcast %shift_right_arithmetic3A : i32 to vector<8x4096xi32>
    %shift_right_arithmetic3A_110 = arith.shrsi %add3A_106, %shift_right_arithmetic3A_109 : vector<8x4096xi32>
    %eq3A = arith.constant 1 : i32
    %eq3A_111 = vector.broadcast %eq3A : i32 to vector<8x4096xi32>
    %eq3A_112 = arith.cmpi eq, %convert_element_type3A_42, %eq3A_111 : vector<8x4096xi32>
    %sub3A_113 = arith.subi %and3A_108, %convert_element_type3A_42 : vector<8x4096xi32>
    %jit3A = arith.constant -1 : i32
    %broadcast_in_dim3A_114 = vector.broadcast %jit3A : i32 to vector<8x4096xi32>
    %select_n3A = arith.select %eq3A_112, %sub3A_113, %broadcast_in_dim3A_114 : vector<8x4096xi1>, vector<8x4096xi32>
    %eq3A_115 = arith.constant 1 : i32
    %eq3A_116 = vector.broadcast %eq3A_115 : i32 to vector<8x4096xi32>
    %eq3A_117 = arith.cmpi eq, %convert_element_type3A_46, %eq3A_116 : vector<8x4096xi32>
    %sub3A_118 = arith.subi %shift_right_arithmetic3A_110, %convert_element_type3A_46 : vector<8x4096xi32>
    %jit3A_119 = arith.constant -1 : i32
    %broadcast_in_dim3A_120 = vector.broadcast %jit3A_119 : i32 to vector<8x4096xi32>
    %select_n3A_121 = arith.select %eq3A_117, %sub3A_118, %broadcast_in_dim3A_120 : vector<8x4096xi1>, vector<8x4096xi32>
    %slice3A_122 = vector.extract_strided_slice %and3A_108 {offsets = [0, 4095], sizes = [8, 1], strides = [1, 1]} : vector<8x4096xi32> to vector<8x1xi32>
    %iota3A_123 = tpu.iota {dimensions = array<i32: 1>} : vector<1x16x1xi32>
    %broadcast_in_dim3A_124 = vector.shape_cast %select_n3A : vector<8x4096xi32> to vector<8x1x4096xi32>
    %eq3A_125 = vector.broadcast %broadcast_in_dim3A_124 : vector<8x1x4096xi32> to vector<8x16x4096xi32>
    %eq3A_126 = vector.broadcast %iota3A_123 : vector<1x16x1xi32> to vector<8x16x4096xi32>
    %eq3A_127 = arith.cmpi eq, %eq3A_125, %eq3A_126 : vector<8x16x4096xi32>
    %jit3A_128 = arith.constant 0.000000e+00 : f32
    %broadcast_in_dim3A_129 = vector.shape_cast %convert_element_type3A : vector<1x1x4096xf32> to vector<1x1x4096xf32>
    %broadcast_in_dim3A_130 = vector.broadcast %broadcast_in_dim3A_129 : vector<1x1x4096xf32> to vector<8x16x4096xf32>
    %broadcast_in_dim3A_131 = vector.broadcast %jit3A_128 : f32 to vector<8x16x4096xf32>
    %select_n3A_132 = arith.select %eq3A_127, %broadcast_in_dim3A_130, %broadcast_in_dim3A_131 : vector<8x16x4096xi1>, vector<8x16x4096xf32>
    %reduce_sum3A = arith.constant dense<0.000000e+00> : vector<8x16xf32>
    %reduce_sum3A_133 = vector.multi_reduction <add>, %select_n3A_132, %reduce_sum3A [2] : vector<8x16x4096xf32> to vector<8x16xf32>
    %gt3A = arith.constant 0 : i32
    %gt3A_134 = vector.broadcast %gt3A : i32 to vector<8x1xi32>
    %gt3A_135 = arith.cmpi sgt, %slice3A_122, %gt3A_134 : vector<8x1xi32>
    %slice3A_136 = vector.extract_strided_slice %reduce_sum3A_133 {offsets = [0, 0], sizes = [8, 1], strides = [1, 1]} : vector<8x16xf32> to vector<8x1xf32>
    %jit3A_137 = arith.constant 4.095000e+03 : f32
    %broadcast_in_dim3A_138 = vector.broadcast %jit3A_137 : f32 to vector<8x1xf32>
    %select_n3A_139 = arith.select %gt3A_135, %slice3A_136, %broadcast_in_dim3A_138 : vector<8x1xi1>, vector<8x1xf32>
    %iota3A_140 = tpu.iota {dimensions = array<i32: 1>} : vector<8x16xi32>
    %lt3A_141 = vector.broadcast %slice3A_122 : vector<8x1xi32> to vector<8x16xi32>
    %lt3A_142 = arith.cmpi slt, %iota3A_140, %lt3A_141 : vector<8x16xi32>
    %broadcast_in_dim3A_143 = vector.shape_cast %select_n3A_139 : vector<8x1xf32> to vector<8x1xf32>
    %broadcast_in_dim3A_144 = vector.broadcast %broadcast_in_dim3A_143 : vector<8x1xf32> to vector<8x16xf32>
    %select_n3A_145 = arith.select %lt3A_142, %reduce_sum3A_133, %broadcast_in_dim3A_144 : vector<8x16xi1>, vector<8x16xf32>
    %slice3A_146 = vector.extract_strided_slice %shift_right_arithmetic3A_110 {offsets = [0, 4095], sizes = [8, 1], strides = [1, 1]} : vector<8x4096xi32> to vector<8x1xi32>
    %iota3A_147 = tpu.iota {dimensions = array<i32: 1>} : vector<1x32x1xi32>
    %broadcast_in_dim3A_148 = vector.shape_cast %select_n3A_121 : vector<8x4096xi32> to vector<8x1x4096xi32>
    %eq3A_149 = vector.broadcast %broadcast_in_dim3A_148 : vector<8x1x4096xi32> to vector<8x32x4096xi32>
    %eq3A_150 = vector.broadcast %iota3A_147 : vector<1x32x1xi32> to vector<8x32x4096xi32>
    %eq3A_151 = arith.cmpi eq, %eq3A_149, %eq3A_150 : vector<8x32x4096xi32>
    %jit3A_152 = arith.constant 0.000000e+00 : f32
    %broadcast_in_dim3A_153 = vector.shape_cast %convert_element_type3A : vector<1x1x4096xf32> to vector<1x1x4096xf32>
    %broadcast_in_dim3A_154 = vector.broadcast %broadcast_in_dim3A_153 : vector<1x1x4096xf32> to vector<8x32x4096xf32>
    %broadcast_in_dim3A_155 = vector.broadcast %jit3A_152 : f32 to vector<8x32x4096xf32>
    %select_n3A_156 = arith.select %eq3A_151, %broadcast_in_dim3A_154, %broadcast_in_dim3A_155 : vector<8x32x4096xi1>, vector<8x32x4096xf32>
    %reduce_sum3A_157 = arith.constant dense<0.000000e+00> : vector<8x32xf32>
    %reduce_sum3A_158 = vector.multi_reduction <add>, %select_n3A_156, %reduce_sum3A_157 [2] : vector<8x32x4096xf32> to vector<8x32xf32>
    %gt3A_159 = arith.constant 0 : i32
    %gt3A_160 = vector.broadcast %gt3A_159 : i32 to vector<8x1xi32>
    %gt3A_161 = arith.cmpi sgt, %slice3A_146, %gt3A_160 : vector<8x1xi32>
    %slice3A_162 = vector.extract_strided_slice %reduce_sum3A_158 {offsets = [0, 0], sizes = [8, 1], strides = [1, 1]} : vector<8x32xf32> to vector<8x1xf32>
    %jit3A_163 = arith.constant 4.095000e+03 : f32
    %broadcast_in_dim3A_164 = vector.broadcast %jit3A_163 : f32 to vector<8x1xf32>
    %select_n3A_165 = arith.select %gt3A_161, %slice3A_162, %broadcast_in_dim3A_164 : vector<8x1xi1>, vector<8x1xf32>
    %iota3A_166 = tpu.iota {dimensions = array<i32: 1>} : vector<8x32xi32>
    %lt3A_167 = vector.broadcast %slice3A_146 : vector<8x1xi32> to vector<8x32xi32>
    %lt3A_168 = arith.cmpi slt, %iota3A_166, %lt3A_167 : vector<8x32xi32>
    %broadcast_in_dim3A_169 = vector.shape_cast %select_n3A_165 : vector<8x1xf32> to vector<8x1xf32>
    %broadcast_in_dim3A_170 = vector.broadcast %broadcast_in_dim3A_169 : vector<8x1xf32> to vector<8x32xf32>
    %select_n3A_171 = arith.select %lt3A_168, %reduce_sum3A_158, %broadcast_in_dim3A_170 : vector<8x32xi1>, vector<8x32xf32>
    %broadcast_in_dim3A_172 = arith.constant 0.000000e+00 : f32
    %broadcast_in_dim3A_173 = vector.broadcast %broadcast_in_dim3A_172 : f32 to vector<8x80xf32>
    %concatenate3A_174 = tpu.concatenate %select_n3A_145, %select_n3A_171, %broadcast_in_dim3A_173 in 1 : vector<8x16xf32>, vector<8x32xf32>, vector<8x80xf32> -> vector<8x128xf32>
    %convert_element_type3A_175 = arith.fptosi %concatenate3A_174 : vector<8x128xf32> to vector<8x128xi32>
    %swap3A = arith.constant 0 : index
    %swap3A_176 = arith.constant 0 : index
    %swap3A_177 = arith.constant 0 : index
    %swap3A_178 = vector.load %arg4[%swap3A, %swap3A_176, %swap3A_177] : memref<1x8x128xi32, #tpu.memory_space<vmem>>, vector<1x8x128xi32>
    %swap3A_179 = vector.shape_cast %swap3A_178 : vector<1x8x128xi32> to vector<8x128xi32>
    %swap3A_180 = vector.shape_cast %convert_element_type3A_175 : vector<8x128xi32> to vector<1x8x128xi32>
    tpu.vector_store %arg4[%swap3A, %swap3A_176, %swap3A_177], %swap3A_180 {strides = array<i32>} : memref<1x8x128xi32, #tpu.memory_space<vmem>>, vector<1x8x128xi32>,
    return
  }
  func.func @transform_0(%arg0: i32, %arg1: i32) -> (i32, i32, i32) {
    %c0_i32 = arith.constant 0 : i32
    %c0_i32_0 = arith.constant 0 : i32
    %c0_i32_1 = arith.constant 0 : i32
    return %arg0, %c0_i32, %c0_i32_0 : i32, i32, i32
  }
  func.func @transform_1(%arg0: i32, %arg1: i32) -> (i32, i32, i32) {
    %c0_i32 = arith.constant 0 : i32
    %c0_i32_0 = arith.constant 0 : i32
    return %arg0, %arg1, %c0_i32 : i32, i32, i32
  }
  func.func @transform_2(%arg0: i32, %arg1: i32) -> (i32, i32, i32) {
    %c0_i32 = arith.constant 0 : i32
    %c0_i32_0 = arith.constant 0 : i32
    return %arg0, %arg1, %c0_i32 : i32, i32, i32
  }
}

module attributes {stable_mosaic.version = 14 : i64} {
  func.func @_chain_body(%arg0: i32, %arg1: i32, %arg2: memref<1x8x1024xf32, #tpu.memory_space<vmem>>, %arg3: memref<32x8xf32, #tpu.memory_space<vmem>>, %arg4: memref<32x1xf32, #tpu.memory_space<vmem>>, %arg5: memref<1x32x1024xf32, #tpu.memory_space<vmem>>) attributes {dimension_semantics = [#tpu.dimension_semantics<arbitrary>, #tpu.dimension_semantics<arbitrary>], iteration_bounds = array<i64: 8, 4>, scalar_prefetch = 0 : i64, scratch_operands = 0 : i64, tpu.core_type = #tpu.core_type<tc>, window_params = [{transform_indices = @transform_0, window_bounds = array<i64: 1, 8, 1024>}, {pipeline_mode = #tpu.pipeline_mode<synchronous>, transform_indices = @transform_1, window_bounds = array<i64: 32, 8>}, {pipeline_mode = #tpu.pipeline_mode<synchronous>, transform_indices = @transform_2, window_bounds = array<i64: 32, 1>}, {transform_indices = @transform_3, window_bounds = array<i64: 1, 32, 1024>}]} {
    %get3A = arith.constant 0 : index
    %get3A_0 = arith.constant 0 : index
    %get3A_1 = arith.constant 0 : index
    %get3A_2 = vector.load %arg2[%get3A, %get3A_0, %get3A_1] : memref<1x8x1024xf32, #tpu.memory_space<vmem>>, vector<1x8x1024xf32>
    %get3A_3 = vector.shape_cast %get3A_2 : vector<1x8x1024xf32> to vector<8x1024xf32>
    %get3A_4 = arith.constant 0 : index
    %get3A_5 = arith.constant 0 : index
    %get3A_6 = vector.load %arg3[%get3A_4, %get3A_5] : memref<32x8xf32, #tpu.memory_space<vmem>>, vector<32x8xf32>
    %get3A_7 = arith.constant 0 : index
    %get3A_8 = arith.constant 0 : index
    %get3A_9 = vector.load %arg4[%get3A_7, %get3A_8] : memref<32x1xf32, #tpu.memory_space<vmem>>, vector<32x1xf32>
    %dot_general3A = arith.constant dense<0.000000e+00> : vector<32x1024xf32>
    %dot_general3A_10 = tpu.matmul %get3A_6, %get3A_3, %dot_general3A {dimension_numbers = #tpu.dot_dimension_numbers<[1], [0], [0], [1], [0, 0, 1, 1], [], []>, transpose_lhs_hint = false} : vector<32x8xf32>, vector<8x1024xf32>, vector<32x1024xf32> -> vector<32x1024xf32>
    %add3A = vector.broadcast %get3A_9 : vector<32x1xf32> to vector<32x1024xf32>
    %add3A_11 = arith.addf %dot_general3A_10, %add3A : vector<32x1024xf32>
    %max3A = arith.constant 0.000000e+00 : f32
    %max3A_12 = vector.broadcast %max3A : f32 to vector<32x1024xf32>
    %max3A_13 = arith.maximumf %add3A_11, %max3A_12 : vector<32x1024xf32>
    %swap3A = arith.constant 0 : index
    %swap3A_14 = arith.constant 0 : index
    %swap3A_15 = arith.constant 0 : index
    %swap3A_16 = vector.load %arg5[%swap3A, %swap3A_14, %swap3A_15] : memref<1x32x1024xf32, #tpu.memory_space<vmem>>, vector<1x32x1024xf32>
    %swap3A_17 = vector.shape_cast %swap3A_16 : vector<1x32x1024xf32> to vector<32x1024xf32>
    %swap3A_18 = vector.shape_cast %max3A_13 : vector<32x1024xf32> to vector<1x32x1024xf32>
    tpu.vector_store %arg5[%swap3A, %swap3A_14, %swap3A_15], %swap3A_18 {strides = array<i32>} : memref<1x32x1024xf32, #tpu.memory_space<vmem>>, vector<1x32x1024xf32>,
    return
  }
  func.func @transform_0(%arg0: i32, %arg1: i32) -> (i32, i32, i32) {
    %c0_i32 = arith.constant 0 : i32
    %c0_i32_0 = arith.constant 0 : i32
    return %arg0, %c0_i32, %arg1 : i32, i32, i32
  }
  func.func @transform_1(%arg0: i32, %arg1: i32) -> (i32, i32) {
    %c0_i32 = arith.constant 0 : i32
    %c0_i32_0 = arith.constant 0 : i32
    %c0_i32_1 = arith.constant 0 : i32
    return %c0_i32, %c0_i32_0 : i32, i32
  }
  func.func @transform_2(%arg0: i32, %arg1: i32) -> (i32, i32) {
    %c0_i32 = arith.constant 0 : i32
    %c0_i32_0 = arith.constant 0 : i32
    %c0_i32_1 = arith.constant 0 : i32
    return %c0_i32, %c0_i32_0 : i32, i32
  }
  func.func @transform_3(%arg0: i32, %arg1: i32) -> (i32, i32, i32) {
    %c0_i32 = arith.constant 0 : i32
    %c0_i32_0 = arith.constant 0 : i32
    return %arg0, %c0_i32, %arg1 : i32, i32, i32
  }
}

module attributes {stable_mosaic.version = 14 : i64} {
  func.func @_fps_body(%arg0: memref<3x8x1024xf32, #tpu.memory_space<vmem>>, %arg1: memref<3x8x256xf32, #tpu.memory_space<vmem>>) attributes {dimension_semantics = [], scalar_prefetch = 0 : i64, scratch_operands = 0 : i64, tpu.core_type = #tpu.core_type<tc>} {
    %get3A = arith.constant 0 : index
    %get3A_0 = arith.constant 0 : index
    %get3A_1 = arith.constant 0 : index
    %get3A_2 = vector.load %arg0[%get3A, %get3A_0, %get3A_1] : memref<3x8x1024xf32, #tpu.memory_space<vmem>>, vector<1x8x1024xf32>
    %get3A_3 = vector.shape_cast %get3A_2 : vector<1x8x1024xf32> to vector<8x1024xf32>
    %get3A_4 = arith.constant 1 : index
    %get3A_5 = arith.constant 0 : index
    %get3A_6 = arith.constant 0 : index
    %get3A_7 = vector.load %arg0[%get3A_4, %get3A_5, %get3A_6] : memref<3x8x1024xf32, #tpu.memory_space<vmem>>, vector<1x8x1024xf32>
    %get3A_8 = vector.shape_cast %get3A_7 : vector<1x8x1024xf32> to vector<8x1024xf32>
    %get3A_9 = arith.constant 2 : index
    %get3A_10 = arith.constant 0 : index
    %get3A_11 = arith.constant 0 : index
    %get3A_12 = vector.load %arg0[%get3A_9, %get3A_10, %get3A_11] : memref<3x8x1024xf32, #tpu.memory_space<vmem>>, vector<1x8x1024xf32>
    %get3A_13 = vector.shape_cast %get3A_12 : vector<1x8x1024xf32> to vector<8x1024xf32>
    %iota3A = tpu.iota {dimensions = array<i32: 1>} : vector<8x1024xi32>
    %iota3A_14 = tpu.iota {dimensions = array<i32: 1>} : vector<8x128xi32>
    %broadcast_in_dim3A = arith.constant 1.000000e+10 : f32
    %broadcast_in_dim3A_15 = vector.broadcast %broadcast_in_dim3A : f32 to vector<8x1024xf32>
    %broadcast_in_dim3A_16 = arith.constant 0 : i32
    %broadcast_in_dim3A_17 = vector.broadcast %broadcast_in_dim3A_16 : i32 to vector<8x1xi32>
    %broadcast_in_dim3A_18 = arith.constant 0.000000e+00 : f32
    %broadcast_in_dim3A_19 = vector.broadcast %broadcast_in_dim3A_18 : f32 to vector<8x128xf32>
    %scan3A = arith.constant 0 : i32
    %scan3A_20 = arith.constant 128 : i32
    %scan3A_21 = arith.addi %scan3A, %scan3A_20 : i32
    %scan3A_22 = arith.constant 1 : i32
    %scan3A_23:5 = scf.for %scan3A_66 = %scan3A to %scan3A_21 step %scan3A_22 iter_args(%scan3A_67 = %broadcast_in_dim3A_15, %scan3A_68 = %broadcast_in_dim3A_17, %scan3A_69 = %broadcast_in_dim3A_19, %scan3A_70 = %broadcast_in_dim3A_19, %scan3A_71 = %broadcast_in_dim3A_19) -> (vector<8x1024xf32>, vector<8x1xi32>, vector<8x128xf32>, vector<8x128xf32>, vector<8x128xf32>)  : i32 {
      %eq3A = vector.broadcast %scan3A_68 : vector<8x1xi32> to vector<8x1024xi32>
      %eq3A_72 = arith.cmpi eq, %iota3A, %eq3A : vector<8x1024xi32>
      %jit3A = arith.constant 0.000000e+00 : f32
      %broadcast_in_dim3A_73 = vector.broadcast %jit3A : f32 to vector<8x1024xf32>
      %select_n3A = arith.select %eq3A_72, %get3A_3, %broadcast_in_dim3A_73 : vector<8x1024xi1>, vector<8x1024xf32>
      %reduce_sum3A = arith.constant dense<0.000000e+00> : vector<8xf32>
      %reduce_sum3A_74 = vector.multi_reduction <add>, %select_n3A, %reduce_sum3A [1] : vector<8x1024xf32> to vector<8xf32>
      %broadcast_in_dim3A_75 = vector.shape_cast %reduce_sum3A_74 : vector<8xf32> to vector<8x1xf32>
      %jit3A_76 = arith.constant 0.000000e+00 : f32
      %broadcast_in_dim3A_77 = vector.broadcast %jit3A_76 : f32 to vector<8x1024xf32>
      %select_n3A_78 = arith.select %eq3A_72, %get3A_8, %broadcast_in_dim3A_77 : vector<8x1024xi1>, vector<8x1024xf32>
      %reduce_sum3A_79 = arith.constant dense<0.000000e+00> : vector<8xf32>
      %reduce_sum3A_80 = vector.multi_reduction <add>, %select_n3A_78, %reduce_sum3A_79 [1] : vector<8x1024xf32> to vector<8xf32>
      %broadcast_in_dim3A_81 = vector.shape_cast %reduce_sum3A_80 : vector<8xf32> to vector<8x1xf32>
      %jit3A_82 = arith.constant 0.000000e+00 : f32
      %broadcast_in_dim3A_83 = vector.broadcast %jit3A_82 : f32 to vector<8x1024xf32>
      %select_n3A_84 = arith.select %eq3A_72, %get3A_13, %broadcast_in_dim3A_83 : vector<8x1024xi1>, vector<8x1024xf32>
      %reduce_sum3A_85 = arith.constant dense<0.000000e+00> : vector<8xf32>
      %reduce_sum3A_86 = vector.multi_reduction <add>, %select_n3A_84, %reduce_sum3A_85 [1] : vector<8x1024xf32> to vector<8xf32>
      %broadcast_in_dim3A_87 = vector.shape_cast %reduce_sum3A_86 : vector<8xf32> to vector<8x1xf32>
      %sub3A = arith.constant 0 : i32
      %sub3A_88 = arith.subi %scan3A_66, %sub3A : i32
      %eq3A_89 = vector.broadcast %sub3A_88 : i32 to vector<8x128xi32>
      %eq3A_90 = arith.cmpi eq, %iota3A_14, %eq3A_89 : vector<8x128xi32>
      %broadcast_in_dim3A_91 = vector.shape_cast %broadcast_in_dim3A_75 : vector<8x1xf32> to vector<8x1xf32>
      %broadcast_in_dim3A_92 = vector.broadcast %broadcast_in_dim3A_91 : vector<8x1xf32> to vector<8x128xf32>
      %select_n3A_93 = arith.select %eq3A_90, %broadcast_in_dim3A_92, %scan3A_69 : vector<8x128xi1>, vector<8x128xf32>
      %broadcast_in_dim3A_94 = vector.shape_cast %broadcast_in_dim3A_81 : vector<8x1xf32> to vector<8x1xf32>
      %broadcast_in_dim3A_95 = vector.broadcast %broadcast_in_dim3A_94 : vector<8x1xf32> to vector<8x128xf32>
      %select_n3A_96 = arith.select %eq3A_90, %broadcast_in_dim3A_95, %scan3A_70 : vector<8x128xi1>, vector<8x128xf32>
      %broadcast_in_dim3A_97 = vector.shape_cast %broadcast_in_dim3A_87 : vector<8x1xf32> to vector<8x1xf32>
      %broadcast_in_dim3A_98 = vector.broadcast %broadcast_in_dim3A_97 : vector<8x1xf32> to vector<8x128xf32>
      %select_n3A_99 = arith.select %eq3A_90, %broadcast_in_dim3A_98, %scan3A_71 : vector<8x128xi1>, vector<8x128xf32>
      %sub3A_100 = vector.broadcast %broadcast_in_dim3A_75 : vector<8x1xf32> to vector<8x1024xf32>
      %sub3A_101 = arith.subf %get3A_3, %sub3A_100 : vector<8x1024xf32>
      %sub3A_102 = vector.broadcast %broadcast_in_dim3A_81 : vector<8x1xf32> to vector<8x1024xf32>
      %sub3A_103 = arith.subf %get3A_8, %sub3A_102 : vector<8x1024xf32>
      %sub3A_104 = vector.broadcast %broadcast_in_dim3A_87 : vector<8x1xf32> to vector<8x1024xf32>
      %sub3A_105 = arith.subf %get3A_13, %sub3A_104 : vector<8x1024xf32>
      %mul3A = arith.mulf %sub3A_101, %sub3A_101 : vector<8x1024xf32>
      %mul3A_106 = arith.mulf %sub3A_103, %sub3A_103 : vector<8x1024xf32>
      %add3A = arith.addf %mul3A, %mul3A_106 : vector<8x1024xf32>
      %mul3A_107 = arith.mulf %sub3A_105, %sub3A_105 : vector<8x1024xf32>
      %add3A_108 = arith.addf %add3A, %mul3A_107 : vector<8x1024xf32>
      %min3A = arith.minimumf %scan3A_67, %add3A_108 : vector<8x1024xf32>
      %reduce_max3A = arith.constant dense<0xFF800000> : vector<8xf32>
      %reduce_max3A_109 = vector.multi_reduction <maximumf>, %min3A, %reduce_max3A [1] : vector<8x1024xf32> to vector<8xf32>
      %broadcast_in_dim3A_110 = vector.shape_cast %reduce_max3A_109 : vector<8xf32> to vector<8x1xf32>
      %eq3A_111 = vector.broadcast %broadcast_in_dim3A_110 : vector<8x1xf32> to vector<8x1024xf32>
      %eq3A_112 = arith.cmpf oeq, %min3A, %eq3A_111 : vector<8x1024xf32>
      %jit3A_113 = arith.constant 1024 : i32
      %broadcast_in_dim3A_114 = vector.broadcast %jit3A_113 : i32 to vector<8x1024xi32>
      %select_n3A_115 = arith.select %eq3A_112, %iota3A, %broadcast_in_dim3A_114 : vector<8x1024xi1>, vector<8x1024xi32>
      %reduce_min3A = arith.constant dense<2147483647> : vector<8xi32>
      %reduce_min3A_116 = vector.multi_reduction <minsi>, %select_n3A_115, %reduce_min3A [1] : vector<8x1024xi32> to vector<8xi32>
      %broadcast_in_dim3A_117 = vector.shape_cast %reduce_min3A_116 : vector<8xi32> to vector<8x1xi32>
      scf.yield %min3A, %broadcast_in_dim3A_117, %select_n3A_93, %select_n3A_96, %select_n3A_99 : vector<8x1024xf32>, vector<8x1xi32>, vector<8x128xf32>, vector<8x128xf32>, vector<8x128xf32>
    }
    %scan3A_24 = arith.constant 128 : i32
    %swap3A = arith.constant 0 : index
    %swap3A_25 = arith.constant 0 : index
    %swap3A_26 = arith.constant 0 : index
    %swap3A_27 = vector.load %arg1[%swap3A, %swap3A_25, %swap3A_26] : memref<3x8x256xf32, #tpu.memory_space<vmem>>, vector<1x8x128xf32>
    %swap3A_28 = vector.shape_cast %swap3A_27 : vector<1x8x128xf32> to vector<8x128xf32>
    %swap3A_29 = vector.shape_cast %scan3A_23#2 : vector<8x128xf32> to vector<1x8x128xf32>
    tpu.vector_store %arg1[%swap3A, %swap3A_25, %swap3A_26], %swap3A_29 {strides = array<i32>} : memref<3x8x256xf32, #tpu.memory_space<vmem>>, vector<1x8x128xf32>,
    %swap3A_30 = arith.constant 1 : index
    %swap3A_31 = arith.constant 0 : index
    %swap3A_32 = arith.constant 0 : index
    %swap3A_33 = vector.load %arg1[%swap3A_30, %swap3A_31, %swap3A_32] : memref<3x8x256xf32, #tpu.memory_space<vmem>>, vector<1x8x128xf32>
    %swap3A_34 = vector.shape_cast %swap3A_33 : vector<1x8x128xf32> to vector<8x128xf32>
    %swap3A_35 = vector.shape_cast %scan3A_23#3 : vector<8x128xf32> to vector<1x8x128xf32>
    tpu.vector_store %arg1[%swap3A_30, %swap3A_31, %swap3A_32], %swap3A_35 {strides = array<i32>} : memref<3x8x256xf32, #tpu.memory_space<vmem>>, vector<1x8x128xf32>,
    %swap3A_36 = arith.constant 2 : index
    %swap3A_37 = arith.constant 0 : index
    %swap3A_38 = arith.constant 0 : index
    %swap3A_39 = vector.load %arg1[%swap3A_36, %swap3A_37, %swap3A_38] : memref<3x8x256xf32, #tpu.memory_space<vmem>>, vector<1x8x128xf32>
    %swap3A_40 = vector.shape_cast %swap3A_39 : vector<1x8x128xf32> to vector<8x128xf32>
    %swap3A_41 = vector.shape_cast %scan3A_23#4 : vector<8x128xf32> to vector<1x8x128xf32>
    tpu.vector_store %arg1[%swap3A_36, %swap3A_37, %swap3A_38], %swap3A_41 {strides = array<i32>} : memref<3x8x256xf32, #tpu.memory_space<vmem>>, vector<1x8x128xf32>,
    %scan3A_42 = arith.constant 128 : i32
    %scan3A_43 = arith.constant 128 : i32
    %scan3A_44 = arith.addi %scan3A_42, %scan3A_43 : i32
    %scan3A_45 = arith.constant 1 : i32
    %scan3A_46:5 = scf.for %scan3A_66 = %scan3A_42 to %scan3A_44 step %scan3A_45 iter_args(%scan3A_67 = %scan3A_23#0, %scan3A_68 = %scan3A_23#1, %scan3A_69 = %broadcast_in_dim3A_19, %scan3A_70 = %broadcast_in_dim3A_19, %scan3A_71 = %broadcast_in_dim3A_19) -> (vector<8x1024xf32>, vector<8x1xi32>, vector<8x128xf32>, vector<8x128xf32>, vector<8x128xf32>)  : i32 {
      %eq3A = vector.broadcast %scan3A_68 : vector<8x1xi32> to vector<8x1024xi32>
      %eq3A_72 = arith.cmpi eq, %iota3A, %eq3A : vector<8x1024xi32>
      %jit3A = arith.constant 0.000000e+00 : f32
      %broadcast_in_dim3A_73 = vector.broadcast %jit3A : f32 to vector<8x1024xf32>
      %select_n3A = arith.select %eq3A_72, %get3A_3, %broadcast_in_dim3A_73 : vector<8x1024xi1>, vector<8x1024xf32>
      %reduce_sum3A = arith.constant dense<0.000000e+00> : vector<8xf32>
      %reduce_sum3A_74 = vector.multi_reduction <add>, %select_n3A, %reduce_sum3A [1] : vector<8x1024xf32> to vector<8xf32>
      %broadcast_in_dim3A_75 = vector.shape_cast %reduce_sum3A_74 : vector<8xf32> to vector<8x1xf32>
      %jit3A_76 = arith.constant 0.000000e+00 : f32
      %broadcast_in_dim3A_77 = vector.broadcast %jit3A_76 : f32 to vector<8x1024xf32>
      %select_n3A_78 = arith.select %eq3A_72, %get3A_8, %broadcast_in_dim3A_77 : vector<8x1024xi1>, vector<8x1024xf32>
      %reduce_sum3A_79 = arith.constant dense<0.000000e+00> : vector<8xf32>
      %reduce_sum3A_80 = vector.multi_reduction <add>, %select_n3A_78, %reduce_sum3A_79 [1] : vector<8x1024xf32> to vector<8xf32>
      %broadcast_in_dim3A_81 = vector.shape_cast %reduce_sum3A_80 : vector<8xf32> to vector<8x1xf32>
      %jit3A_82 = arith.constant 0.000000e+00 : f32
      %broadcast_in_dim3A_83 = vector.broadcast %jit3A_82 : f32 to vector<8x1024xf32>
      %select_n3A_84 = arith.select %eq3A_72, %get3A_13, %broadcast_in_dim3A_83 : vector<8x1024xi1>, vector<8x1024xf32>
      %reduce_sum3A_85 = arith.constant dense<0.000000e+00> : vector<8xf32>
      %reduce_sum3A_86 = vector.multi_reduction <add>, %select_n3A_84, %reduce_sum3A_85 [1] : vector<8x1024xf32> to vector<8xf32>
      %broadcast_in_dim3A_87 = vector.shape_cast %reduce_sum3A_86 : vector<8xf32> to vector<8x1xf32>
      %sub3A = arith.constant 128 : i32
      %sub3A_88 = arith.subi %scan3A_66, %sub3A : i32
      %eq3A_89 = vector.broadcast %sub3A_88 : i32 to vector<8x128xi32>
      %eq3A_90 = arith.cmpi eq, %iota3A_14, %eq3A_89 : vector<8x128xi32>
      %broadcast_in_dim3A_91 = vector.shape_cast %broadcast_in_dim3A_75 : vector<8x1xf32> to vector<8x1xf32>
      %broadcast_in_dim3A_92 = vector.broadcast %broadcast_in_dim3A_91 : vector<8x1xf32> to vector<8x128xf32>
      %select_n3A_93 = arith.select %eq3A_90, %broadcast_in_dim3A_92, %scan3A_69 : vector<8x128xi1>, vector<8x128xf32>
      %broadcast_in_dim3A_94 = vector.shape_cast %broadcast_in_dim3A_81 : vector<8x1xf32> to vector<8x1xf32>
      %broadcast_in_dim3A_95 = vector.broadcast %broadcast_in_dim3A_94 : vector<8x1xf32> to vector<8x128xf32>
      %select_n3A_96 = arith.select %eq3A_90, %broadcast_in_dim3A_95, %scan3A_70 : vector<8x128xi1>, vector<8x128xf32>
      %broadcast_in_dim3A_97 = vector.shape_cast %broadcast_in_dim3A_87 : vector<8x1xf32> to vector<8x1xf32>
      %broadcast_in_dim3A_98 = vector.broadcast %broadcast_in_dim3A_97 : vector<8x1xf32> to vector<8x128xf32>
      %select_n3A_99 = arith.select %eq3A_90, %broadcast_in_dim3A_98, %scan3A_71 : vector<8x128xi1>, vector<8x128xf32>
      %sub3A_100 = vector.broadcast %broadcast_in_dim3A_75 : vector<8x1xf32> to vector<8x1024xf32>
      %sub3A_101 = arith.subf %get3A_3, %sub3A_100 : vector<8x1024xf32>
      %sub3A_102 = vector.broadcast %broadcast_in_dim3A_81 : vector<8x1xf32> to vector<8x1024xf32>
      %sub3A_103 = arith.subf %get3A_8, %sub3A_102 : vector<8x1024xf32>
      %sub3A_104 = vector.broadcast %broadcast_in_dim3A_87 : vector<8x1xf32> to vector<8x1024xf32>
      %sub3A_105 = arith.subf %get3A_13, %sub3A_104 : vector<8x1024xf32>
      %mul3A = arith.mulf %sub3A_101, %sub3A_101 : vector<8x1024xf32>
      %mul3A_106 = arith.mulf %sub3A_103, %sub3A_103 : vector<8x1024xf32>
      %add3A = arith.addf %mul3A, %mul3A_106 : vector<8x1024xf32>
      %mul3A_107 = arith.mulf %sub3A_105, %sub3A_105 : vector<8x1024xf32>
      %add3A_108 = arith.addf %add3A, %mul3A_107 : vector<8x1024xf32>
      %min3A = arith.minimumf %scan3A_67, %add3A_108 : vector<8x1024xf32>
      %reduce_max3A = arith.constant dense<0xFF800000> : vector<8xf32>
      %reduce_max3A_109 = vector.multi_reduction <maximumf>, %min3A, %reduce_max3A [1] : vector<8x1024xf32> to vector<8xf32>
      %broadcast_in_dim3A_110 = vector.shape_cast %reduce_max3A_109 : vector<8xf32> to vector<8x1xf32>
      %eq3A_111 = vector.broadcast %broadcast_in_dim3A_110 : vector<8x1xf32> to vector<8x1024xf32>
      %eq3A_112 = arith.cmpf oeq, %min3A, %eq3A_111 : vector<8x1024xf32>
      %jit3A_113 = arith.constant 1024 : i32
      %broadcast_in_dim3A_114 = vector.broadcast %jit3A_113 : i32 to vector<8x1024xi32>
      %select_n3A_115 = arith.select %eq3A_112, %iota3A, %broadcast_in_dim3A_114 : vector<8x1024xi1>, vector<8x1024xi32>
      %reduce_min3A = arith.constant dense<2147483647> : vector<8xi32>
      %reduce_min3A_116 = vector.multi_reduction <minsi>, %select_n3A_115, %reduce_min3A [1] : vector<8x1024xi32> to vector<8xi32>
      %broadcast_in_dim3A_117 = vector.shape_cast %reduce_min3A_116 : vector<8xi32> to vector<8x1xi32>
      scf.yield %min3A, %broadcast_in_dim3A_117, %select_n3A_93, %select_n3A_96, %select_n3A_99 : vector<8x1024xf32>, vector<8x1xi32>, vector<8x128xf32>, vector<8x128xf32>, vector<8x128xf32>
    }
    %scan3A_47 = arith.constant 128 : i32
    %swap3A_48 = arith.constant 0 : index
    %swap3A_49 = arith.constant 0 : index
    %swap3A_50 = arith.constant 128 : index
    %swap3A_51 = vector.load %arg1[%swap3A_48, %swap3A_49, %swap3A_50] : memref<3x8x256xf32, #tpu.memory_space<vmem>>, vector<1x8x128xf32>
    %swap3A_52 = vector.shape_cast %swap3A_51 : vector<1x8x128xf32> to vector<8x128xf32>
    %swap3A_53 = vector.shape_cast %scan3A_46#2 : vector<8x128xf32> to vector<1x8x128xf32>
    tpu.vector_store %arg1[%swap3A_48, %swap3A_49, %swap3A_50], %swap3A_53 {strides = array<i32>} : memref<3x8x256xf32, #tpu.memory_space<vmem>>, vector<1x8x128xf32>,
    %swap3A_54 = arith.constant 1 : index
    %swap3A_55 = arith.constant 0 : index
    %swap3A_56 = arith.constant 128 : index
    %swap3A_57 = vector.load %arg1[%swap3A_54, %swap3A_55, %swap3A_56] : memref<3x8x256xf32, #tpu.memory_space<vmem>>, vector<1x8x128xf32>
    %swap3A_58 = vector.shape_cast %swap3A_57 : vector<1x8x128xf32> to vector<8x128xf32>
    %swap3A_59 = vector.shape_cast %scan3A_46#3 : vector<8x128xf32> to vector<1x8x128xf32>
    tpu.vector_store %arg1[%swap3A_54, %swap3A_55, %swap3A_56], %swap3A_59 {strides = array<i32>} : memref<3x8x256xf32, #tpu.memory_space<vmem>>, vector<1x8x128xf32>,
    %swap3A_60 = arith.constant 2 : index
    %swap3A_61 = arith.constant 0 : index
    %swap3A_62 = arith.constant 128 : index
    %swap3A_63 = vector.load %arg1[%swap3A_60, %swap3A_61, %swap3A_62] : memref<3x8x256xf32, #tpu.memory_space<vmem>>, vector<1x8x128xf32>
    %swap3A_64 = vector.shape_cast %swap3A_63 : vector<1x8x128xf32> to vector<8x128xf32>
    %swap3A_65 = vector.shape_cast %scan3A_46#4 : vector<8x128xf32> to vector<1x8x128xf32>
    tpu.vector_store %arg1[%swap3A_60, %swap3A_61, %swap3A_62], %swap3A_65 {strides = array<i32>} : memref<3x8x256xf32, #tpu.memory_space<vmem>>, vector<1x8x128xf32>,
    return
  }
}

module attributes {stable_mosaic.version = 14 : i64} {
  func.func @_ball_body(%arg0: i32, %arg1: i32, %arg2: memref<1x8x1024xf32, #tpu.memory_space<vmem>>, %arg3: memref<1x8x8xf32, #tpu.memory_space<vmem>>, %arg4: memref<1x8x128xi32, #tpu.memory_space<vmem>>) attributes {dimension_semantics = [#tpu.dimension_semantics<arbitrary>, #tpu.dimension_semantics<arbitrary>], iteration_bounds = array<i64: 8, 32>, scalar_prefetch = 0 : i64, scratch_operands = 0 : i64, tpu.core_type = #tpu.core_type<tc>, window_params = [{transform_indices = @transform_0, window_bounds = array<i64: 1, 8, 1024>}, {transform_indices = @transform_1, window_bounds = array<i64: 1, 8, 8>}, {transform_indices = @transform_2, window_bounds = array<i64: 1, 8, 128>}]} {
    %get3A = arith.constant 0 : index
    %get3A_0 = arith.constant 0 : index
    %get3A_1 = arith.constant 0 : index
    %get3A_2 = vector.load %arg2[%get3A, %get3A_0, %get3A_1] : memref<1x8x1024xf32, #tpu.memory_space<vmem>>, vector<1x1x1024xf32>
    %get3A_3 = vector.shape_cast %get3A_2 : vector<1x1x1024xf32> to vector<1x1024xf32>
    %get3A_4 = arith.constant 0 : index
    %get3A_5 = arith.constant 1 : index
    %get3A_6 = arith.constant 0 : index
    %get3A_7 = vector.load %arg2[%get3A_4, %get3A_5, %get3A_6] : memref<1x8x1024xf32, #tpu.memory_space<vmem>>, vector<1x1x1024xf32>
    %get3A_8 = vector.shape_cast %get3A_7 : vector<1x1x1024xf32> to vector<1x1024xf32>
    %get3A_9 = arith.constant 0 : index
    %get3A_10 = arith.constant 2 : index
    %get3A_11 = arith.constant 0 : index
    %get3A_12 = vector.load %arg2[%get3A_9, %get3A_10, %get3A_11] : memref<1x8x1024xf32, #tpu.memory_space<vmem>>, vector<1x1x1024xf32>
    %get3A_13 = vector.shape_cast %get3A_12 : vector<1x1x1024xf32> to vector<1x1024xf32>
    %get3A_14 = arith.constant 0 : index
    %get3A_15 = arith.constant 0 : index
    %get3A_16 = arith.constant 0 : index
    %get3A_17 = vector.load %arg3[%get3A_14, %get3A_15, %get3A_16] : memref<1x8x8xf32, #tpu.memory_space<vmem>>, vector<1x8x1xf32>
    %get3A_18 = vector.shape_cast %get3A_17 : vector<1x8x1xf32> to vector<8x1xf32>
    %get3A_19 = arith.constant 0 : index
    %get3A_20 = arith.constant 0 : index
    %get3A_21 = arith.constant 1 : index
    %get3A_22 = vector.load %arg3[%get3A_19, %get3A_20, %get3A_21] : memref<1x8x8xf32, #tpu.memory_space<vmem>>, vector<1x8x1xf32>
    %get3A_23 = vector.shape_cast %get3A_22 : vector<1x8x1xf32> to vector<8x1xf32>
    %get3A_24 = arith.constant 0 : index
    %get3A_25 = arith.constant 0 : index
    %get3A_26 = arith.constant 2 : index
    %get3A_27 = vector.load %arg3[%get3A_24, %get3A_25, %get3A_26] : memref<1x8x8xf32, #tpu.memory_space<vmem>>, vector<1x8x1xf32>
    %get3A_28 = vector.shape_cast %get3A_27 : vector<1x8x1xf32> to vector<8x1xf32>
    %sub3A = vector.broadcast %get3A_3 : vector<1x1024xf32> to vector<8x1024xf32>
    %sub3A_29 = vector.broadcast %get3A_18 : vector<8x1xf32> to vector<8x1024xf32>
    %sub3A_30 = arith.subf %sub3A, %sub3A_29 : vector<8x1024xf32>
    %sub3A_31 = vector.broadcast %get3A_8 : vector<1x1024xf32> to vector<8x1024xf32>
    %sub3A_32 = vector.broadcast %get3A_23 : vector<8x1xf32> to vector<8x1024xf32>
    %sub3A_33 = arith.subf %sub3A_31, %sub3A_32 : vector<8x1024xf32>
    %sub3A_34 = vector.broadcast %get3A_13 : vector<1x1024xf32> to vector<8x1024xf32>
    %sub3A_35 = vector.broadcast %get3A_28 : vector<8x1xf32> to vector<8x1024xf32>
    %sub3A_36 = arith.subf %sub3A_34, %sub3A_35 : vector<8x1024xf32>
    %mul3A = arith.mulf %sub3A_30, %sub3A_30 : vector<8x1024xf32>
    %mul3A_37 = arith.mulf %sub3A_33, %sub3A_33 : vector<8x1024xf32>
    %add3A = arith.addf %mul3A, %mul3A_37 : vector<8x1024xf32>
    %mul3A_38 = arith.mulf %sub3A_36, %sub3A_36 : vector<8x1024xf32>
    %add3A_39 = arith.addf %add3A, %mul3A_38 : vector<8x1024xf32>
    %iota3A = tpu.iota {dimensions = array<i32: 2>} : vector<1x1x1024xi32>
    %convert_element_type3A = arith.sitofp %iota3A : vector<1x1x1024xi32> to vector<1x1x1024xf32>
    %lt3A = arith.constant 0.00999999977 : f32
    %lt3A_40 = vector.broadcast %lt3A : f32 to vector<8x1024xf32>
    %lt3A_41 = arith.cmpf olt, %add3A_39, %lt3A_40 : vector<8x1024xf32>
    %convert_element_type3A_42 = arith.extui %lt3A_41 : vector<8x1024xi1> to vector<8x1024xi32>
    %lt3A_43 = arith.constant 4.000000e-02 : f32
    %lt3A_44 = vector.broadcast %lt3A_43 : f32 to vector<8x1024xf32>
    %lt3A_45 = arith.cmpf olt, %add3A_39, %lt3A_44 : vector<8x1024xf32>
    %convert_element_type3A_46 = arith.extui %lt3A_45 : vector<8x1024xi1> to vector<8x1024xi32>
    %shift_left3A = arith.constant 13 : i32
    %shift_left3A_47 = vector.broadcast %shift_left3A : i32 to vector<8x1024xi32>
    %shift_left3A_48 = arith.shli %convert_element_type3A_46, %shift_left3A_47 : vector<8x1024xi32>
    %add3A_49 = arith.addi %convert_element_type3A_42, %shift_left3A_48 : vector<8x1024xi32>
    %broadcast_in_dim3A = arith.constant 0 : i32
    %broadcast_in_dim3A_50 = vector.broadcast %broadcast_in_dim3A : i32 to vector<8x1xi32>
    %slice3A = vector.extract_strided_slice %add3A_49 {offsets = [0, 0], sizes = [8, 1023], strides = [1, 1]} : vector<8x1024xi32> to vector<8x1023xi32>
    %concatenate3A = tpu.concatenate %broadcast_in_dim3A_50, %slice3A in 1 : vector<8x1xi32>, vector<8x1023xi32> -> vector<8x1024xi32>
    %add3A_51 = arith.addi %add3A_49, %concatenate3A : vector<8x1024xi32>
    %broadcast_in_dim3A_52 = arith.constant 0 : i32
    %broadcast_in_dim3A_53 = vector.broadcast %broadcast_in_dim3A_52 : i32 to vector<8x2xi32>
    %slice3A_54 = vector.extract_strided_slice %add3A_51 {offsets = [0, 0], sizes = [8, 1022], strides = [1, 1]} : vector<8x1024xi32> to vector<8x1022xi32>
    %concatenate3A_55 = tpu.concatenate %broadcast_in_dim3A_53, %slice3A_54 in 1 : vector<8x2xi32>, vector<8x1022xi32> -> vector<8x1024xi32>
    %add3A_56 = arith.addi %add3A_51, %concatenate3A_55 : vector<8x1024xi32>
    %broadcast_in_dim3A_57 = arith.constant 0 : i32
    %broadcast_in_dim3A_58 = vector.broadcast %broadcast_in_dim3A_57 : i32 to vector<8x4xi32>
    %slice3A_59 = vector.extract_strided_slice %add3A_56 {offsets = [0, 0], sizes = [8, 1020], strides = [1, 1]} : vector<8x1024xi32> to vector<8x1020xi32>
    %concatenate3A_60 = tpu.concatenate %broadcast_in_dim3A_58, %slice3A_59 in 1 : vector<8x4xi32>, vector<8x1020xi32> -> vector<8x1024xi32>
    %add3A_61 = arith.addi %add3A_56, %concatenate3A_60 : vector<8x1024xi32>
    %broadcast_in_dim3A_62 = arith.constant 0 : i32
    %broadcast_in_dim3A_63 = vector.broadcast %broadcast_in_dim3A_62 : i32 to vector<8x8xi32>
    %slice3A_64 = vector.extract_strided_slice %add3A_61 {offsets = [0, 0], sizes = [8, 1016], strides = [1, 1]} : vector<8x1024xi32> to vector<8x1016xi32>
    %concatenate3A_65 = tpu.concatenate %broadcast_in_dim3A_63, %slice3A_64 in 1 : vector<8x8xi32>, vector<8x1016xi32> -> vector<8x1024xi32>
    %add3A_66 = arith.addi %add3A_61, %concatenate3A_65 : vector<8x1024xi32>
    %broadcast_in_dim3A_67 = arith.constant 0 : i32
    %broadcast_in_dim3A_68 = vector.broadcast %broadcast_in_dim3A_67 : i32 to vector<8x16xi32>
    %slice3A_69 = vector.extract_strided_slice %add3A_66 {offsets = [0, 0], sizes = [8, 1008], strides = [1, 1]} : vector<8x1024xi32> to vector<8x1008xi32>
    %concatenate3A_70 = tpu.concatenate %broadcast_in_dim3A_68, %slice3A_69 in 1 : vector<8x16xi32>, vector<8x1008xi32> -> vector<8x1024xi32>
    %add3A_71 = arith.addi %add3A_66, %concatenate3A_70 : vector<8x1024xi32>
    %broadcast_in_dim3A_72 = arith.constant 0 : i32
    %broadcast_in_dim3A_73 = vector.broadcast %broadcast_in_dim3A_72 : i32 to vector<8x32xi32>
    %slice3A_74 = vector.extract_strided_slice %add3A_71 {offsets = [0, 0], sizes = [8, 992], strides = [1, 1]} : vector<8x1024xi32> to vector<8x992xi32>
    %concatenate3A_75 = tpu.concatenate %broadcast_in_dim3A_73, %slice3A_74 in 1 : vector<8x32xi32>, vector<8x992xi32> -> vector<8x1024xi32>
    %add3A_76 = arith.addi %add3A_71, %concatenate3A_75 : vector<8x1024xi32>
    %broadcast_in_dim3A_77 = arith.constant 0 : i32
    %broadcast_in_dim3A_78 = vector.broadcast %broadcast_in_dim3A_77 : i32 to vector<8x64xi32>
    %slice3A_79 = vector.extract_strided_slice %add3A_76 {offsets = [0, 0], sizes = [8, 960], strides = [1, 1]} : vector<8x1024xi32> to vector<8x960xi32>
    %concatenate3A_80 = tpu.concatenate %broadcast_in_dim3A_78, %slice3A_79 in 1 : vector<8x64xi32>, vector<8x960xi32> -> vector<8x1024xi32>
    %add3A_81 = arith.addi %add3A_76, %concatenate3A_80 : vector<8x1024xi32>
    %broadcast_in_dim3A_82 = arith.constant 0 : i32
    %broadcast_in_dim3A_83 = vector.broadcast %broadcast_in_dim3A_82 : i32 to vector<8x128xi32>
    %slice3A_84 = vector.extract_strided_slice %add3A_81 {offsets = [0, 0], sizes = [8, 896], strides = [1, 1]} : vector<8x1024xi32> to vector<8x896xi32>
    %concatenate3A_85 = tpu.concatenate %broadcast_in_dim3A_83, %slice3A_84 in 1 : vector<8x128xi32>, vector<8x896xi32> -> vector<8x1024xi32>
    %add3A_86 = arith.addi %add3A_81, %concatenate3A_85 : vector<8x1024xi32>
    %broadcast_in_dim3A_87 = arith.constant 0 : i32
    %broadcast_in_dim3A_88 = vector.broadcast %broadcast_in_dim3A_87 : i32 to vector<8x256xi32>
    %slice3A_89 = vector.extract_strided_slice %add3A_86 {offsets = [0, 0], sizes = [8, 768], strides = [1, 1]} : vector<8x1024xi32> to vector<8x768xi32>
    %concatenate3A_90 = tpu.concatenate %broadcast_in_dim3A_88, %slice3A_89 in 1 : vector<8x256xi32>, vector<8x768xi32> -> vector<8x1024xi32>
    %add3A_91 = arith.addi %add3A_86, %concatenate3A_90 : vector<8x1024xi32>
    %broadcast_in_dim3A_92 = arith.constant 0 : i32
    %broadcast_in_dim3A_93 = vector.broadcast %broadcast_in_dim3A_92 : i32 to vector<8x512xi32>
    %slice3A_94 = vector.extract_strided_slice %add3A_91 {offsets = [0, 0], sizes = [8, 512], strides = [1, 1]} : vector<8x1024xi32> to vector<8x512xi32>
    %concatenate3A_95 = tpu.concatenate %broadcast_in_dim3A_93, %slice3A_94 in 1 : vector<8x512xi32>, vector<8x512xi32> -> vector<8x1024xi32>
    %add3A_96 = arith.addi %add3A_91, %concatenate3A_95 : vector<8x1024xi32>
    %and3A = arith.constant 8191 : i32
    %and3A_97 = vector.broadcast %and3A : i32 to vector<8x1024xi32>
    %and3A_98 = arith.andi %add3A_96, %and3A_97 : vector<8x1024xi32>
    %shift_right_arithmetic3A = arith.constant 13 : i32
    %shift_right_arithmetic3A_99 = vector.broadcast %shift_right_arithmetic3A : i32 to vector<8x1024xi32>
    %shift_right_arithmetic3A_100 = arith.shrsi %add3A_96, %shift_right_arithmetic3A_99 : vector<8x1024xi32>
    %eq3A = arith.constant 1 : i32
    %eq3A_101 = vector.broadcast %eq3A : i32 to vector<8x1024xi32>
    %eq3A_102 = arith.cmpi eq, %convert_element_type3A_42, %eq3A_101 : vector<8x1024xi32>
    %sub3A_103 = arith.subi %and3A_98, %convert_element_type3A_42 : vector<8x1024xi32>
    %jit3A = arith.constant -1 : i32
    %broadcast_in_dim3A_104 = vector.broadcast %jit3A : i32 to vector<8x1024xi32>
    %select_n3A = arith.select %eq3A_102, %sub3A_103, %broadcast_in_dim3A_104 : vector<8x1024xi1>, vector<8x1024xi32>
    %eq3A_105 = arith.constant 1 : i32
    %eq3A_106 = vector.broadcast %eq3A_105 : i32 to vector<8x1024xi32>
    %eq3A_107 = arith.cmpi eq, %convert_element_type3A_46, %eq3A_106 : vector<8x1024xi32>
    %sub3A_108 = arith.subi %shift_right_arithmetic3A_100, %convert_element_type3A_46 : vector<8x1024xi32>
    %jit3A_109 = arith.constant -1 : i32
    %broadcast_in_dim3A_110 = vector.broadcast %jit3A_109 : i32 to vector<8x1024xi32>
    %select_n3A_111 = arith.select %eq3A_107, %sub3A_108, %broadcast_in_dim3A_110 : vector<8x1024xi1>, vector<8x1024xi32>
    %slice3A_112 = vector.extract_strided_slice %and3A_98 {offsets = [0, 1023], sizes = [8, 1], strides = [1, 1]} : vector<8x1024xi32> to vector<8x1xi32>
    %iota3A_113 = tpu.iota {dimensions = array<i32: 1>} : vector<1x16x1xi32>
    %broadcast_in_dim3A_114 = vector.shape_cast %select_n3A : vector<8x1024xi32> to vector<8x1x1024xi32>
    %eq3A_115 = vector.broadcast %broadcast_in_dim3A_114 : vector<8x1x1024xi32> to vector<8x16x1024xi32>
    %eq3A_116 = vector.broadcast %iota3A_113 : vector<1x16x1xi32> to vector<8x16x1024xi32>
    %eq3A_117 = arith.cmpi eq, %eq3A_115, %eq3A_116 : vector<8x16x1024xi32>
    %jit3A_118 = arith.constant 0.000000e+00 : f32
    %broadcast_in_dim3A_119 = vector.shape_cast %convert_element_type3A : vector<1x1x1024xf32> to vector<1x1x1024xf32>
    %broadcast_in_dim3A_120 = vector.broadcast %broadcast_in_dim3A_119 : vector<1x1x1024xf32> to vector<8x16x1024xf32>
    %broadcast_in_dim3A_121 = vector.broadcast %jit3A_118 : f32 to vector<8x16x1024xf32>
    %select_n3A_122 = arith.select %eq3A_117, %broadcast_in_dim3A_120, %broadcast_in_dim3A_121 : vector<8x16x1024xi1>, vector<8x16x1024xf32>
    %reduce_sum3A = arith.constant dense<0.000000e+00> : vector<8x16xf32>
    %reduce_sum3A_123 = vector.multi_reduction <add>, %select_n3A_122, %reduce_sum3A [2] : vector<8x16x1024xf32> to vector<8x16xf32>
    %gt3A = arith.constant 0 : i32
    %gt3A_124 = vector.broadcast %gt3A : i32 to vector<8x1xi32>
    %gt3A_125 = arith.cmpi sgt, %slice3A_112, %gt3A_124 : vector<8x1xi32>
    %slice3A_126 = vector.extract_strided_slice %reduce_sum3A_123 {offsets = [0, 0], sizes = [8, 1], strides = [1, 1]} : vector<8x16xf32> to vector<8x1xf32>
    %jit3A_127 = arith.constant 1.023000e+03 : f32
    %broadcast_in_dim3A_128 = vector.broadcast %jit3A_127 : f32 to vector<8x1xf32>
    %select_n3A_129 = arith.select %gt3A_125, %slice3A_126, %broadcast_in_dim3A_128 : vector<8x1xi1>, vector<8x1xf32>
    %iota3A_130 = tpu.iota {dimensions = array<i32: 1>} : vector<8x16xi32>
    %lt3A_131 = vector.broadcast %slice3A_112 : vector<8x1xi32> to vector<8x16xi32>
    %lt3A_132 = arith.cmpi slt, %iota3A_130, %lt3A_131 : vector<8x16xi32>
    %broadcast_in_dim3A_133 = vector.shape_cast %select_n3A_129 : vector<8x1xf32> to vector<8x1xf32>
    %broadcast_in_dim3A_134 = vector.broadcast %broadcast_in_dim3A_133 : vector<8x1xf32> to vector<8x16xf32>
    %select_n3A_135 = arith.select %lt3A_132, %reduce_sum3A_123, %broadcast_in_dim3A_134 : vector<8x16xi1>, vector<8x16xf32>
    %slice3A_136 = vector.extract_strided_slice %shift_right_arithmetic3A_100 {offsets = [0, 1023], sizes = [8, 1], strides = [1, 1]} : vector<8x1024xi32> to vector<8x1xi32>
    %iota3A_137 = tpu.iota {dimensions = array<i32: 1>} : vector<1x32x1xi32>
    %broadcast_in_dim3A_138 = vector.shape_cast %select_n3A_111 : vector<8x1024xi32> to vector<8x1x1024xi32>
    %eq3A_139 = vector.broadcast %broadcast_in_dim3A_138 : vector<8x1x1024xi32> to vector<8x32x1024xi32>
    %eq3A_140 = vector.broadcast %iota3A_137 : vector<1x32x1xi32> to vector<8x32x1024xi32>
    %eq3A_141 = arith.cmpi eq, %eq3A_139, %eq3A_140 : vector<8x32x1024xi32>
    %jit3A_142 = arith.constant 0.000000e+00 : f32
    %broadcast_in_dim3A_143 = vector.shape_cast %convert_element_type3A : vector<1x1x1024xf32> to vector<1x1x1024xf32>
    %broadcast_in_dim3A_144 = vector.broadcast %broadcast_in_dim3A_143 : vector<1x1x1024xf32> to vector<8x32x1024xf32>
    %broadcast_in_dim3A_145 = vector.broadcast %jit3A_142 : f32 to vector<8x32x1024xf32>
    %select_n3A_146 = arith.select %eq3A_141, %broadcast_in_dim3A_144, %broadcast_in_dim3A_145 : vector<8x32x1024xi1>, vector<8x32x1024xf32>
    %reduce_sum3A_147 = arith.constant dense<0.000000e+00> : vector<8x32xf32>
    %reduce_sum3A_148 = vector.multi_reduction <add>, %select_n3A_146, %reduce_sum3A_147 [2] : vector<8x32x1024xf32> to vector<8x32xf32>
    %gt3A_149 = arith.constant 0 : i32
    %gt3A_150 = vector.broadcast %gt3A_149 : i32 to vector<8x1xi32>
    %gt3A_151 = arith.cmpi sgt, %slice3A_136, %gt3A_150 : vector<8x1xi32>
    %slice3A_152 = vector.extract_strided_slice %reduce_sum3A_148 {offsets = [0, 0], sizes = [8, 1], strides = [1, 1]} : vector<8x32xf32> to vector<8x1xf32>
    %jit3A_153 = arith.constant 1.023000e+03 : f32
    %broadcast_in_dim3A_154 = vector.broadcast %jit3A_153 : f32 to vector<8x1xf32>
    %select_n3A_155 = arith.select %gt3A_151, %slice3A_152, %broadcast_in_dim3A_154 : vector<8x1xi1>, vector<8x1xf32>
    %iota3A_156 = tpu.iota {dimensions = array<i32: 1>} : vector<8x32xi32>
    %lt3A_157 = vector.broadcast %slice3A_136 : vector<8x1xi32> to vector<8x32xi32>
    %lt3A_158 = arith.cmpi slt, %iota3A_156, %lt3A_157 : vector<8x32xi32>
    %broadcast_in_dim3A_159 = vector.shape_cast %select_n3A_155 : vector<8x1xf32> to vector<8x1xf32>
    %broadcast_in_dim3A_160 = vector.broadcast %broadcast_in_dim3A_159 : vector<8x1xf32> to vector<8x32xf32>
    %select_n3A_161 = arith.select %lt3A_158, %reduce_sum3A_148, %broadcast_in_dim3A_160 : vector<8x32xi1>, vector<8x32xf32>
    %broadcast_in_dim3A_162 = arith.constant 0.000000e+00 : f32
    %broadcast_in_dim3A_163 = vector.broadcast %broadcast_in_dim3A_162 : f32 to vector<8x80xf32>
    %concatenate3A_164 = tpu.concatenate %select_n3A_135, %select_n3A_161, %broadcast_in_dim3A_163 in 1 : vector<8x16xf32>, vector<8x32xf32>, vector<8x80xf32> -> vector<8x128xf32>
    %convert_element_type3A_165 = arith.fptosi %concatenate3A_164 : vector<8x128xf32> to vector<8x128xi32>
    %swap3A = arith.constant 0 : index
    %swap3A_166 = arith.constant 0 : index
    %swap3A_167 = arith.constant 0 : index
    %swap3A_168 = vector.load %arg4[%swap3A, %swap3A_166, %swap3A_167] : memref<1x8x128xi32, #tpu.memory_space<vmem>>, vector<1x8x128xi32>
    %swap3A_169 = vector.shape_cast %swap3A_168 : vector<1x8x128xi32> to vector<8x128xi32>
    %swap3A_170 = vector.shape_cast %convert_element_type3A_165 : vector<8x128xi32> to vector<1x8x128xi32>
    tpu.vector_store %arg4[%swap3A, %swap3A_166, %swap3A_167], %swap3A_170 {strides = array<i32>} : memref<1x8x128xi32, #tpu.memory_space<vmem>>, vector<1x8x128xi32>,
    return
  }
  func.func @transform_0(%arg0: i32, %arg1: i32) -> (i32, i32, i32) {
    %c0_i32 = arith.constant 0 : i32
    %c0_i32_0 = arith.constant 0 : i32
    %c0_i32_1 = arith.constant 0 : i32
    return %arg0, %c0_i32, %c0_i32_0 : i32, i32, i32
  }
  func.func @transform_1(%arg0: i32, %arg1: i32) -> (i32, i32, i32) {
    %c0_i32 = arith.constant 0 : i32
    %c0_i32_0 = arith.constant 0 : i32
    return %arg0, %arg1, %c0_i32 : i32, i32, i32
  }
  func.func @transform_2(%arg0: i32, %arg1: i32) -> (i32, i32, i32) {
    %c0_i32 = arith.constant 0 : i32
    %c0_i32_0 = arith.constant 0 : i32
    return %arg0, %arg1, %c0_i32 : i32, i32, i32
  }
}

module attributes {stable_mosaic.version = 14 : i64} {
  func.func @_sa_body(%arg0: i32, %arg1: i32, %arg2: memref<1x1x512x128xf32, #tpu.memory_space<vmem>>, %arg3: memref<1x1x512x8xf32, #tpu.memory_space<vmem>>, %arg4: memref<128x128xf32, #tpu.memory_space<vmem>>, %arg5: memref<1x128xf32, #tpu.memory_space<vmem>>, %arg6: memref<128x128xf32, #tpu.memory_space<vmem>>, %arg7: memref<1x128xf32, #tpu.memory_space<vmem>>, %arg8: memref<128x128xf32, #tpu.memory_space<vmem>>, %arg9: memref<1x128xf32, #tpu.memory_space<vmem>>, %arg10: memref<1x16x128xf32, #tpu.memory_space<vmem>>) attributes {dimension_semantics = [#tpu.dimension_semantics<arbitrary>, #tpu.dimension_semantics<arbitrary>], iteration_bounds = array<i64: 8, 64>, scalar_prefetch = 0 : i64, scratch_operands = 0 : i64, tpu.core_type = #tpu.core_type<tc>, window_params = [{transform_indices = @transform_0, window_bounds = array<i64: 1, 1, 512, 128>}, {transform_indices = @transform_1, window_bounds = array<i64: 1, 1, 512, 8>}, {pipeline_mode = #tpu.pipeline_mode<synchronous>, transform_indices = @transform_2, window_bounds = array<i64: 128, 128>}, {pipeline_mode = #tpu.pipeline_mode<synchronous>, transform_indices = @transform_3, window_bounds = array<i64: 1, 128>}, {pipeline_mode = #tpu.pipeline_mode<synchronous>, transform_indices = @transform_4, window_bounds = array<i64: 128, 128>}, {pipeline_mode = #tpu.pipeline_mode<synchronous>, transform_indices = @transform_5, window_bounds = array<i64: 1, 128>}, {pipeline_mode = #tpu.pipeline_mode<synchronous>, transform_indices = @transform_6, window_bounds = array<i64: 128, 128>}, {pipeline_mode = #tpu.pipeline_mode<synchronous>, transform_indices = @transform_7, window_bounds = array<i64: 1, 128>}, {transform_indices = @transform_8, window_bounds = array<i64: 1, 16, 128>}]} {
    %get3A = arith.constant 0 : index
    %get3A_0 = arith.constant 0 : index
    %get3A_1 = arith.constant 0 : index
    %get3A_2 = arith.constant 0 : index
    %get3A_3 = vector.load %arg2[%get3A, %get3A_0, %get3A_1, %get3A_2] : memref<1x1x512x128xf32, #tpu.memory_space<vmem>>, vector<1x1x512x128xf32>
    %get3A_4 = vector.shape_cast %get3A_3 : vector<1x1x512x128xf32> to vector<512x128xf32>
    %get3A_5 = arith.constant 0 : index
    %get3A_6 = arith.constant 0 : index
    %get3A_7 = arith.constant 0 : index
    %get3A_8 = arith.constant 0 : index
    %get3A_9 = vector.load %arg3[%get3A_5, %get3A_6, %get3A_7, %get3A_8] : memref<1x1x512x8xf32, #tpu.memory_space<vmem>>, vector<1x1x512x8xf32>
    %get3A_10 = vector.shape_cast %get3A_9 : vector<1x1x512x8xf32> to vector<512x8xf32>
    %slice3A = vector.extract_strided_slice %get3A_10 {offsets = [0, 0], sizes = [512, 3], strides = [1, 1]} : vector<512x8xf32> to vector<512x3xf32>
    %broadcast_in_dim3A = arith.constant 0.000000e+00 : f32
    %broadcast_in_dim3A_11 = vector.broadcast %broadcast_in_dim3A : f32 to vector<512x125xf32>
    %concatenate3A = tpu.concatenate %slice3A, %broadcast_in_dim3A_11 in 1 : vector<512x3xf32>, vector<512x125xf32> -> vector<512x128xf32>
    %sub3A = arith.subf %get3A_4, %concatenate3A : vector<512x128xf32>
    %get3A_12 = arith.constant 0 : index
    %get3A_13 = arith.constant 0 : index
    %get3A_14 = vector.load %arg4[%get3A_12, %get3A_13] : memref<128x128xf32, #tpu.memory_space<vmem>>, vector<128x128xf32>
    %get3A_15 = arith.constant 0 : index
    %get3A_16 = arith.constant 0 : index
    %get3A_17 = vector.load %arg5[%get3A_15, %get3A_16] : memref<1x128xf32, #tpu.memory_space<vmem>>, vector<1x128xf32>
    %dot_general3A = arith.constant dense<0.000000e+00> : vector<512x128xf32>
    %dot_general3A_18 = tpu.matmul %sub3A, %get3A_14, %dot_general3A {dimension_numbers = #tpu.dot_dimension_numbers<[1], [0], [0], [1], [0, 0, 1, 1], [], []>, transpose_lhs_hint = false} : vector<512x128xf32>, vector<128x128xf32>, vector<512x128xf32> -> vector<512x128xf32>
    %add3A = vector.broadcast %get3A_17 : vector<1x128xf32> to vector<512x128xf32>
    %add3A_19 = arith.addf %dot_general3A_18, %add3A : vector<512x128xf32>
    %max3A = arith.constant 0.000000e+00 : f32
    %max3A_20 = vector.broadcast %max3A : f32 to vector<512x128xf32>
    %max3A_21 = arith.maximumf %add3A_19, %max3A_20 : vector<512x128xf32>
    %get3A_22 = arith.constant 0 : index
    %get3A_23 = arith.constant 0 : index
    %get3A_24 = vector.load %arg6[%get3A_22, %get3A_23] : memref<128x128xf32, #tpu.memory_space<vmem>>, vector<128x128xf32>
    %get3A_25 = arith.constant 0 : index
    %get3A_26 = arith.constant 0 : index
    %get3A_27 = vector.load %arg7[%get3A_25, %get3A_26] : memref<1x128xf32, #tpu.memory_space<vmem>>, vector<1x128xf32>
    %dot_general3A_28 = arith.constant dense<0.000000e+00> : vector<512x128xf32>
    %dot_general3A_29 = tpu.matmul %max3A_21, %get3A_24, %dot_general3A_28 {dimension_numbers = #tpu.dot_dimension_numbers<[1], [0], [0], [1], [0, 0, 1, 1], [], []>, transpose_lhs_hint = false} : vector<512x128xf32>, vector<128x128xf32>, vector<512x128xf32> -> vector<512x128xf32>
    %add3A_30 = vector.broadcast %get3A_27 : vector<1x128xf32> to vector<512x128xf32>
    %add3A_31 = arith.addf %dot_general3A_29, %add3A_30 : vector<512x128xf32>
    %max3A_32 = arith.constant 0.000000e+00 : f32
    %max3A_33 = vector.broadcast %max3A_32 : f32 to vector<512x128xf32>
    %max3A_34 = arith.maximumf %add3A_31, %max3A_33 : vector<512x128xf32>
    %get3A_35 = arith.constant 0 : index
    %get3A_36 = arith.constant 0 : index
    %get3A_37 = vector.load %arg8[%get3A_35, %get3A_36] : memref<128x128xf32, #tpu.memory_space<vmem>>, vector<128x128xf32>
    %get3A_38 = arith.constant 0 : index
    %get3A_39 = arith.constant 0 : index
    %get3A_40 = vector.load %arg9[%get3A_38, %get3A_39] : memref<1x128xf32, #tpu.memory_space<vmem>>, vector<1x128xf32>
    %dot_general3A_41 = arith.constant dense<0.000000e+00> : vector<512x128xf32>
    %dot_general3A_42 = tpu.matmul %max3A_34, %get3A_37, %dot_general3A_41 {dimension_numbers = #tpu.dot_dimension_numbers<[1], [0], [0], [1], [0, 0, 1, 1], [], []>, transpose_lhs_hint = false} : vector<512x128xf32>, vector<128x128xf32>, vector<512x128xf32> -> vector<512x128xf32>
    %add3A_43 = vector.broadcast %get3A_40 : vector<1x128xf32> to vector<512x128xf32>
    %add3A_44 = arith.addf %dot_general3A_42, %add3A_43 : vector<512x128xf32>
    %max3A_45 = arith.constant 0.000000e+00 : f32
    %max3A_46 = vector.broadcast %max3A_45 : f32 to vector<512x128xf32>
    %max3A_47 = arith.maximumf %add3A_44, %max3A_46 : vector<512x128xf32>
    %reshape3A = vector.shape_cast %max3A_47 : vector<512x128xf32> to vector<16x32x128xf32>
    %reduce_max3A = arith.constant dense<0xFF800000> : vector<16x128xf32>
    %reduce_max3A_48 = vector.multi_reduction <maximumf>, %reshape3A, %reduce_max3A [1] : vector<16x32x128xf32> to vector<16x128xf32>
    %swap3A = arith.constant 0 : index
    %swap3A_49 = arith.constant 0 : index
    %swap3A_50 = arith.constant 0 : index
    %swap3A_51 = vector.load %arg10[%swap3A, %swap3A_49, %swap3A_50] : memref<1x16x128xf32, #tpu.memory_space<vmem>>, vector<1x16x128xf32>
    %swap3A_52 = vector.shape_cast %swap3A_51 : vector<1x16x128xf32> to vector<16x128xf32>
    %swap3A_53 = vector.shape_cast %reduce_max3A_48 : vector<16x128xf32> to vector<1x16x128xf32>
    tpu.vector_store %arg10[%swap3A, %swap3A_49, %swap3A_50], %swap3A_53 {strides = array<i32>} : memref<1x16x128xf32, #tpu.memory_space<vmem>>, vector<1x16x128xf32>,
    return
  }
  func.func @transform_0(%arg0: i32, %arg1: i32) -> (i32, i32, i32, i32) {
    %c0_i32 = arith.constant 0 : i32
    %c0_i32_0 = arith.constant 0 : i32
    %c0_i32_1 = arith.constant 0 : i32
    return %arg0, %arg1, %c0_i32, %c0_i32_0 : i32, i32, i32, i32
  }
  func.func @transform_1(%arg0: i32, %arg1: i32) -> (i32, i32, i32, i32) {
    %c0_i32 = arith.constant 0 : i32
    %c0_i32_0 = arith.constant 0 : i32
    %c0_i32_1 = arith.constant 0 : i32
    return %arg0, %arg1, %c0_i32, %c0_i32_0 : i32, i32, i32, i32
  }
  func.func @transform_2(%arg0: i32, %arg1: i32) -> (i32, i32) {
    %c0_i32 = arith.constant 0 : i32
    %c0_i32_0 = arith.constant 0 : i32
    %c0_i32_1 = arith.constant 0 : i32
    return %c0_i32, %c0_i32_0 : i32, i32
  }
  func.func @transform_3(%arg0: i32, %arg1: i32) -> (i32, i32) {
    %c0_i32 = arith.constant 0 : i32
    %c0_i32_0 = arith.constant 0 : i32
    %c0_i32_1 = arith.constant 0 : i32
    return %c0_i32, %c0_i32_0 : i32, i32
  }
  func.func @transform_4(%arg0: i32, %arg1: i32) -> (i32, i32) {
    %c0_i32 = arith.constant 0 : i32
    %c0_i32_0 = arith.constant 0 : i32
    %c0_i32_1 = arith.constant 0 : i32
    return %c0_i32, %c0_i32_0 : i32, i32
  }
  func.func @transform_5(%arg0: i32, %arg1: i32) -> (i32, i32) {
    %c0_i32 = arith.constant 0 : i32
    %c0_i32_0 = arith.constant 0 : i32
    %c0_i32_1 = arith.constant 0 : i32
    return %c0_i32, %c0_i32_0 : i32, i32
  }
  func.func @transform_6(%arg0: i32, %arg1: i32) -> (i32, i32) {
    %c0_i32 = arith.constant 0 : i32
    %c0_i32_0 = arith.constant 0 : i32
    %c0_i32_1 = arith.constant 0 : i32
    return %c0_i32, %c0_i32_0 : i32, i32
  }
  func.func @transform_7(%arg0: i32, %arg1: i32) -> (i32, i32) {
    %c0_i32 = arith.constant 0 : i32
    %c0_i32_0 = arith.constant 0 : i32
    %c0_i32_1 = arith.constant 0 : i32
    return %c0_i32, %c0_i32_0 : i32, i32
  }
  func.func @transform_8(%arg0: i32, %arg1: i32) -> (i32, i32, i32) {
    %c0_i32 = arith.constant 0 : i32
    %c0_i32_0 = arith.constant 0 : i32
    return %arg0, %arg1, %c0_i32 : i32, i32, i32
  }
}

module attributes {stable_mosaic.version = 14 : i64} {
  func.func @_sa_body(%arg0: i32, %arg1: i32, %arg2: memref<1x1x256x128xf32, #tpu.memory_space<vmem>>, %arg3: memref<1x1x256x8xf32, #tpu.memory_space<vmem>>, %arg4: memref<128x128xf32, #tpu.memory_space<vmem>>, %arg5: memref<1x128xf32, #tpu.memory_space<vmem>>, %arg6: memref<128x128xf32, #tpu.memory_space<vmem>>, %arg7: memref<1x128xf32, #tpu.memory_space<vmem>>, %arg8: memref<128x128xf32, #tpu.memory_space<vmem>>, %arg9: memref<1x128xf32, #tpu.memory_space<vmem>>, %arg10: memref<1x16x128xf32, #tpu.memory_space<vmem>>) attributes {dimension_semantics = [#tpu.dimension_semantics<arbitrary>, #tpu.dimension_semantics<arbitrary>], iteration_bounds = array<i64: 8, 64>, scalar_prefetch = 0 : i64, scratch_operands = 0 : i64, tpu.core_type = #tpu.core_type<tc>, window_params = [{transform_indices = @transform_0, window_bounds = array<i64: 1, 1, 256, 128>}, {transform_indices = @transform_1, window_bounds = array<i64: 1, 1, 256, 8>}, {pipeline_mode = #tpu.pipeline_mode<synchronous>, transform_indices = @transform_2, window_bounds = array<i64: 128, 128>}, {pipeline_mode = #tpu.pipeline_mode<synchronous>, transform_indices = @transform_3, window_bounds = array<i64: 1, 128>}, {pipeline_mode = #tpu.pipeline_mode<synchronous>, transform_indices = @transform_4, window_bounds = array<i64: 128, 128>}, {pipeline_mode = #tpu.pipeline_mode<synchronous>, transform_indices = @transform_5, window_bounds = array<i64: 1, 128>}, {pipeline_mode = #tpu.pipeline_mode<synchronous>, transform_indices = @transform_6, window_bounds = array<i64: 128, 128>}, {pipeline_mode = #tpu.pipeline_mode<synchronous>, transform_indices = @transform_7, window_bounds = array<i64: 1, 128>}, {transform_indices = @transform_8, window_bounds = array<i64: 1, 16, 128>}]} {
    %get3A = arith.constant 0 : index
    %get3A_0 = arith.constant 0 : index
    %get3A_1 = arith.constant 0 : index
    %get3A_2 = arith.constant 0 : index
    %get3A_3 = vector.load %arg2[%get3A, %get3A_0, %get3A_1, %get3A_2] : memref<1x1x256x128xf32, #tpu.memory_space<vmem>>, vector<1x1x256x128xf32>
    %get3A_4 = vector.shape_cast %get3A_3 : vector<1x1x256x128xf32> to vector<256x128xf32>
    %get3A_5 = arith.constant 0 : index
    %get3A_6 = arith.constant 0 : index
    %get3A_7 = arith.constant 0 : index
    %get3A_8 = arith.constant 0 : index
    %get3A_9 = vector.load %arg3[%get3A_5, %get3A_6, %get3A_7, %get3A_8] : memref<1x1x256x8xf32, #tpu.memory_space<vmem>>, vector<1x1x256x8xf32>
    %get3A_10 = vector.shape_cast %get3A_9 : vector<1x1x256x8xf32> to vector<256x8xf32>
    %slice3A = vector.extract_strided_slice %get3A_10 {offsets = [0, 0], sizes = [256, 3], strides = [1, 1]} : vector<256x8xf32> to vector<256x3xf32>
    %broadcast_in_dim3A = arith.constant 0.000000e+00 : f32
    %broadcast_in_dim3A_11 = vector.broadcast %broadcast_in_dim3A : f32 to vector<256x125xf32>
    %concatenate3A = tpu.concatenate %slice3A, %broadcast_in_dim3A_11 in 1 : vector<256x3xf32>, vector<256x125xf32> -> vector<256x128xf32>
    %sub3A = arith.subf %get3A_4, %concatenate3A : vector<256x128xf32>
    %get3A_12 = arith.constant 0 : index
    %get3A_13 = arith.constant 0 : index
    %get3A_14 = vector.load %arg4[%get3A_12, %get3A_13] : memref<128x128xf32, #tpu.memory_space<vmem>>, vector<128x128xf32>
    %get3A_15 = arith.constant 0 : index
    %get3A_16 = arith.constant 0 : index
    %get3A_17 = vector.load %arg5[%get3A_15, %get3A_16] : memref<1x128xf32, #tpu.memory_space<vmem>>, vector<1x128xf32>
    %dot_general3A = arith.constant dense<0.000000e+00> : vector<256x128xf32>
    %dot_general3A_18 = tpu.matmul %sub3A, %get3A_14, %dot_general3A {dimension_numbers = #tpu.dot_dimension_numbers<[1], [0], [0], [1], [0, 0, 1, 1], [], []>, transpose_lhs_hint = false} : vector<256x128xf32>, vector<128x128xf32>, vector<256x128xf32> -> vector<256x128xf32>
    %add3A = vector.broadcast %get3A_17 : vector<1x128xf32> to vector<256x128xf32>
    %add3A_19 = arith.addf %dot_general3A_18, %add3A : vector<256x128xf32>
    %max3A = arith.constant 0.000000e+00 : f32
    %max3A_20 = vector.broadcast %max3A : f32 to vector<256x128xf32>
    %max3A_21 = arith.maximumf %add3A_19, %max3A_20 : vector<256x128xf32>
    %get3A_22 = arith.constant 0 : index
    %get3A_23 = arith.constant 0 : index
    %get3A_24 = vector.load %arg6[%get3A_22, %get3A_23] : memref<128x128xf32, #tpu.memory_space<vmem>>, vector<128x128xf32>
    %get3A_25 = arith.constant 0 : index
    %get3A_26 = arith.constant 0 : index
    %get3A_27 = vector.load %arg7[%get3A_25, %get3A_26] : memref<1x128xf32, #tpu.memory_space<vmem>>, vector<1x128xf32>
    %dot_general3A_28 = arith.constant dense<0.000000e+00> : vector<256x128xf32>
    %dot_general3A_29 = tpu.matmul %max3A_21, %get3A_24, %dot_general3A_28 {dimension_numbers = #tpu.dot_dimension_numbers<[1], [0], [0], [1], [0, 0, 1, 1], [], []>, transpose_lhs_hint = false} : vector<256x128xf32>, vector<128x128xf32>, vector<256x128xf32> -> vector<256x128xf32>
    %add3A_30 = vector.broadcast %get3A_27 : vector<1x128xf32> to vector<256x128xf32>
    %add3A_31 = arith.addf %dot_general3A_29, %add3A_30 : vector<256x128xf32>
    %max3A_32 = arith.constant 0.000000e+00 : f32
    %max3A_33 = vector.broadcast %max3A_32 : f32 to vector<256x128xf32>
    %max3A_34 = arith.maximumf %add3A_31, %max3A_33 : vector<256x128xf32>
    %get3A_35 = arith.constant 0 : index
    %get3A_36 = arith.constant 0 : index
    %get3A_37 = vector.load %arg8[%get3A_35, %get3A_36] : memref<128x128xf32, #tpu.memory_space<vmem>>, vector<128x128xf32>
    %get3A_38 = arith.constant 0 : index
    %get3A_39 = arith.constant 0 : index
    %get3A_40 = vector.load %arg9[%get3A_38, %get3A_39] : memref<1x128xf32, #tpu.memory_space<vmem>>, vector<1x128xf32>
    %dot_general3A_41 = arith.constant dense<0.000000e+00> : vector<256x128xf32>
    %dot_general3A_42 = tpu.matmul %max3A_34, %get3A_37, %dot_general3A_41 {dimension_numbers = #tpu.dot_dimension_numbers<[1], [0], [0], [1], [0, 0, 1, 1], [], []>, transpose_lhs_hint = false} : vector<256x128xf32>, vector<128x128xf32>, vector<256x128xf32> -> vector<256x128xf32>
    %add3A_43 = vector.broadcast %get3A_40 : vector<1x128xf32> to vector<256x128xf32>
    %add3A_44 = arith.addf %dot_general3A_42, %add3A_43 : vector<256x128xf32>
    %max3A_45 = arith.constant 0.000000e+00 : f32
    %max3A_46 = vector.broadcast %max3A_45 : f32 to vector<256x128xf32>
    %max3A_47 = arith.maximumf %add3A_44, %max3A_46 : vector<256x128xf32>
    %reshape3A = vector.shape_cast %max3A_47 : vector<256x128xf32> to vector<16x16x128xf32>
    %reduce_max3A = arith.constant dense<0xFF800000> : vector<16x128xf32>
    %reduce_max3A_48 = vector.multi_reduction <maximumf>, %reshape3A, %reduce_max3A [1] : vector<16x16x128xf32> to vector<16x128xf32>
    %swap3A = arith.constant 0 : index
    %swap3A_49 = arith.constant 0 : index
    %swap3A_50 = arith.constant 0 : index
    %swap3A_51 = vector.load %arg10[%swap3A, %swap3A_49, %swap3A_50] : memref<1x16x128xf32, #tpu.memory_space<vmem>>, vector<1x16x128xf32>
    %swap3A_52 = vector.shape_cast %swap3A_51 : vector<1x16x128xf32> to vector<16x128xf32>
    %swap3A_53 = vector.shape_cast %reduce_max3A_48 : vector<16x128xf32> to vector<1x16x128xf32>
    tpu.vector_store %arg10[%swap3A, %swap3A_49, %swap3A_50], %swap3A_53 {strides = array<i32>} : memref<1x16x128xf32, #tpu.memory_space<vmem>>, vector<1x16x128xf32>,
    return
  }
  func.func @transform_0(%arg0: i32, %arg1: i32) -> (i32, i32, i32, i32) {
    %c0_i32 = arith.constant 0 : i32
    %c0_i32_0 = arith.constant 0 : i32
    %c0_i32_1 = arith.constant 0 : i32
    return %arg0, %arg1, %c0_i32, %c0_i32_0 : i32, i32, i32, i32
  }
  func.func @transform_1(%arg0: i32, %arg1: i32) -> (i32, i32, i32, i32) {
    %c0_i32 = arith.constant 0 : i32
    %c0_i32_0 = arith.constant 0 : i32
    %c0_i32_1 = arith.constant 0 : i32
    return %arg0, %arg1, %c0_i32, %c0_i32_0 : i32, i32, i32, i32
  }
  func.func @transform_2(%arg0: i32, %arg1: i32) -> (i32, i32) {
    %c0_i32 = arith.constant 0 : i32
    %c0_i32_0 = arith.constant 0 : i32
    %c0_i32_1 = arith.constant 0 : i32
    return %c0_i32, %c0_i32_0 : i32, i32
  }
  func.func @transform_3(%arg0: i32, %arg1: i32) -> (i32, i32) {
    %c0_i32 = arith.constant 0 : i32
    %c0_i32_0 = arith.constant 0 : i32
    %c0_i32_1 = arith.constant 0 : i32
    return %c0_i32, %c0_i32_0 : i32, i32
  }
  func.func @transform_4(%arg0: i32, %arg1: i32) -> (i32, i32) {
    %c0_i32 = arith.constant 0 : i32
    %c0_i32_0 = arith.constant 0 : i32
    %c0_i32_1 = arith.constant 0 : i32
    return %c0_i32, %c0_i32_0 : i32, i32
  }
  func.func @transform_5(%arg0: i32, %arg1: i32) -> (i32, i32) {
    %c0_i32 = arith.constant 0 : i32
    %c0_i32_0 = arith.constant 0 : i32
    %c0_i32_1 = arith.constant 0 : i32
    return %c0_i32, %c0_i32_0 : i32, i32
  }
  func.func @transform_6(%arg0: i32, %arg1: i32) -> (i32, i32) {
    %c0_i32 = arith.constant 0 : i32
    %c0_i32_0 = arith.constant 0 : i32
    %c0_i32_1 = arith.constant 0 : i32
    return %c0_i32, %c0_i32_0 : i32, i32
  }
  func.func @transform_7(%arg0: i32, %arg1: i32) -> (i32, i32) {
    %c0_i32 = arith.constant 0 : i32
    %c0_i32_0 = arith.constant 0 : i32
    %c0_i32_1 = arith.constant 0 : i32
    return %c0_i32, %c0_i32_0 : i32, i32
  }
  func.func @transform_8(%arg0: i32, %arg1: i32) -> (i32, i32, i32) {
    %c0_i32 = arith.constant 0 : i32
    %c0_i32_0 = arith.constant 0 : i32
    return %arg0, %arg1, %c0_i32 : i32, i32, i32
  }
}

module attributes {stable_mosaic.version = 14 : i64} {
  func.func @_fps_body(%arg0: memref<3x8x256xf32, #tpu.memory_space<vmem>>, %arg1: memref<3x8x128xf32, #tpu.memory_space<vmem>>) attributes {dimension_semantics = [], scalar_prefetch = 0 : i64, scratch_operands = 0 : i64, tpu.core_type = #tpu.core_type<tc>} {
    %get3A = arith.constant 0 : index
    %get3A_0 = arith.constant 0 : index
    %get3A_1 = arith.constant 0 : index
    %get3A_2 = vector.load %arg0[%get3A, %get3A_0, %get3A_1] : memref<3x8x256xf32, #tpu.memory_space<vmem>>, vector<1x8x256xf32>
    %get3A_3 = vector.shape_cast %get3A_2 : vector<1x8x256xf32> to vector<8x256xf32>
    %get3A_4 = arith.constant 1 : index
    %get3A_5 = arith.constant 0 : index
    %get3A_6 = arith.constant 0 : index
    %get3A_7 = vector.load %arg0[%get3A_4, %get3A_5, %get3A_6] : memref<3x8x256xf32, #tpu.memory_space<vmem>>, vector<1x8x256xf32>
    %get3A_8 = vector.shape_cast %get3A_7 : vector<1x8x256xf32> to vector<8x256xf32>
    %get3A_9 = arith.constant 2 : index
    %get3A_10 = arith.constant 0 : index
    %get3A_11 = arith.constant 0 : index
    %get3A_12 = vector.load %arg0[%get3A_9, %get3A_10, %get3A_11] : memref<3x8x256xf32, #tpu.memory_space<vmem>>, vector<1x8x256xf32>
    %get3A_13 = vector.shape_cast %get3A_12 : vector<1x8x256xf32> to vector<8x256xf32>
    %iota3A = tpu.iota {dimensions = array<i32: 1>} : vector<8x256xi32>
    %iota3A_14 = tpu.iota {dimensions = array<i32: 1>} : vector<8x128xi32>
    %broadcast_in_dim3A = arith.constant 1.000000e+10 : f32
    %broadcast_in_dim3A_15 = vector.broadcast %broadcast_in_dim3A : f32 to vector<8x256xf32>
    %broadcast_in_dim3A_16 = arith.constant 0 : i32
    %broadcast_in_dim3A_17 = vector.broadcast %broadcast_in_dim3A_16 : i32 to vector<8x1xi32>
    %broadcast_in_dim3A_18 = arith.constant 0.000000e+00 : f32
    %broadcast_in_dim3A_19 = vector.broadcast %broadcast_in_dim3A_18 : f32 to vector<8x128xf32>
    %scan3A = arith.constant 0 : i32
    %scan3A_20 = arith.constant 128 : i32
    %scan3A_21 = arith.addi %scan3A, %scan3A_20 : i32
    %scan3A_22 = arith.constant 1 : i32
    %scan3A_23:5 = scf.for %scan3A_42 = %scan3A to %scan3A_21 step %scan3A_22 iter_args(%scan3A_43 = %broadcast_in_dim3A_15, %scan3A_44 = %broadcast_in_dim3A_17, %scan3A_45 = %broadcast_in_dim3A_19, %scan3A_46 = %broadcast_in_dim3A_19, %scan3A_47 = %broadcast_in_dim3A_19) -> (vector<8x256xf32>, vector<8x1xi32>, vector<8x128xf32>, vector<8x128xf32>, vector<8x128xf32>)  : i32 {
      %eq3A = vector.broadcast %scan3A_44 : vector<8x1xi32> to vector<8x256xi32>
      %eq3A_48 = arith.cmpi eq, %iota3A, %eq3A : vector<8x256xi32>
      %jit3A = arith.constant 0.000000e+00 : f32
      %broadcast_in_dim3A_49 = vector.broadcast %jit3A : f32 to vector<8x256xf32>
      %select_n3A = arith.select %eq3A_48, %get3A_3, %broadcast_in_dim3A_49 : vector<8x256xi1>, vector<8x256xf32>
      %reduce_sum3A = arith.constant dense<0.000000e+00> : vector<8xf32>
      %reduce_sum3A_50 = vector.multi_reduction <add>, %select_n3A, %reduce_sum3A [1] : vector<8x256xf32> to vector<8xf32>
      %broadcast_in_dim3A_51 = vector.shape_cast %reduce_sum3A_50 : vector<8xf32> to vector<8x1xf32>
      %jit3A_52 = arith.constant 0.000000e+00 : f32
      %broadcast_in_dim3A_53 = vector.broadcast %jit3A_52 : f32 to vector<8x256xf32>
      %select_n3A_54 = arith.select %eq3A_48, %get3A_8, %broadcast_in_dim3A_53 : vector<8x256xi1>, vector<8x256xf32>
      %reduce_sum3A_55 = arith.constant dense<0.000000e+00> : vector<8xf32>
      %reduce_sum3A_56 = vector.multi_reduction <add>, %select_n3A_54, %reduce_sum3A_55 [1] : vector<8x256xf32> to vector<8xf32>
      %broadcast_in_dim3A_57 = vector.shape_cast %reduce_sum3A_56 : vector<8xf32> to vector<8x1xf32>
      %jit3A_58 = arith.constant 0.000000e+00 : f32
      %broadcast_in_dim3A_59 = vector.broadcast %jit3A_58 : f32 to vector<8x256xf32>
      %select_n3A_60 = arith.select %eq3A_48, %get3A_13, %broadcast_in_dim3A_59 : vector<8x256xi1>, vector<8x256xf32>
      %reduce_sum3A_61 = arith.constant dense<0.000000e+00> : vector<8xf32>
      %reduce_sum3A_62 = vector.multi_reduction <add>, %select_n3A_60, %reduce_sum3A_61 [1] : vector<8x256xf32> to vector<8xf32>
      %broadcast_in_dim3A_63 = vector.shape_cast %reduce_sum3A_62 : vector<8xf32> to vector<8x1xf32>
      %sub3A = arith.constant 0 : i32
      %sub3A_64 = arith.subi %scan3A_42, %sub3A : i32
      %eq3A_65 = vector.broadcast %sub3A_64 : i32 to vector<8x128xi32>
      %eq3A_66 = arith.cmpi eq, %iota3A_14, %eq3A_65 : vector<8x128xi32>
      %broadcast_in_dim3A_67 = vector.shape_cast %broadcast_in_dim3A_51 : vector<8x1xf32> to vector<8x1xf32>
      %broadcast_in_dim3A_68 = vector.broadcast %broadcast_in_dim3A_67 : vector<8x1xf32> to vector<8x128xf32>
      %select_n3A_69 = arith.select %eq3A_66, %broadcast_in_dim3A_68, %scan3A_45 : vector<8x128xi1>, vector<8x128xf32>
      %broadcast_in_dim3A_70 = vector.shape_cast %broadcast_in_dim3A_57 : vector<8x1xf32> to vector<8x1xf32>
      %broadcast_in_dim3A_71 = vector.broadcast %broadcast_in_dim3A_70 : vector<8x1xf32> to vector<8x128xf32>
      %select_n3A_72 = arith.select %eq3A_66, %broadcast_in_dim3A_71, %scan3A_46 : vector<8x128xi1>, vector<8x128xf32>
      %broadcast_in_dim3A_73 = vector.shape_cast %broadcast_in_dim3A_63 : vector<8x1xf32> to vector<8x1xf32>
      %broadcast_in_dim3A_74 = vector.broadcast %broadcast_in_dim3A_73 : vector<8x1xf32> to vector<8x128xf32>
      %select_n3A_75 = arith.select %eq3A_66, %broadcast_in_dim3A_74, %scan3A_47 : vector<8x128xi1>, vector<8x128xf32>
      %sub3A_76 = vector.broadcast %broadcast_in_dim3A_51 : vector<8x1xf32> to vector<8x256xf32>
      %sub3A_77 = arith.subf %get3A_3, %sub3A_76 : vector<8x256xf32>
      %sub3A_78 = vector.broadcast %broadcast_in_dim3A_57 : vector<8x1xf32> to vector<8x256xf32>
      %sub3A_79 = arith.subf %get3A_8, %sub3A_78 : vector<8x256xf32>
      %sub3A_80 = vector.broadcast %broadcast_in_dim3A_63 : vector<8x1xf32> to vector<8x256xf32>
      %sub3A_81 = arith.subf %get3A_13, %sub3A_80 : vector<8x256xf32>
      %mul3A = arith.mulf %sub3A_77, %sub3A_77 : vector<8x256xf32>
      %mul3A_82 = arith.mulf %sub3A_79, %sub3A_79 : vector<8x256xf32>
      %add3A = arith.addf %mul3A, %mul3A_82 : vector<8x256xf32>
      %mul3A_83 = arith.mulf %sub3A_81, %sub3A_81 : vector<8x256xf32>
      %add3A_84 = arith.addf %add3A, %mul3A_83 : vector<8x256xf32>
      %min3A = arith.minimumf %scan3A_43, %add3A_84 : vector<8x256xf32>
      %reduce_max3A = arith.constant dense<0xFF800000> : vector<8xf32>
      %reduce_max3A_85 = vector.multi_reduction <maximumf>, %min3A, %reduce_max3A [1] : vector<8x256xf32> to vector<8xf32>
      %broadcast_in_dim3A_86 = vector.shape_cast %reduce_max3A_85 : vector<8xf32> to vector<8x1xf32>
      %eq3A_87 = vector.broadcast %broadcast_in_dim3A_86 : vector<8x1xf32> to vector<8x256xf32>
      %eq3A_88 = arith.cmpf oeq, %min3A, %eq3A_87 : vector<8x256xf32>
      %jit3A_89 = arith.constant 256 : i32
      %broadcast_in_dim3A_90 = vector.broadcast %jit3A_89 : i32 to vector<8x256xi32>
      %select_n3A_91 = arith.select %eq3A_88, %iota3A, %broadcast_in_dim3A_90 : vector<8x256xi1>, vector<8x256xi32>
      %reduce_min3A = arith.constant dense<2147483647> : vector<8xi32>
      %reduce_min3A_92 = vector.multi_reduction <minsi>, %select_n3A_91, %reduce_min3A [1] : vector<8x256xi32> to vector<8xi32>
      %broadcast_in_dim3A_93 = vector.shape_cast %reduce_min3A_92 : vector<8xi32> to vector<8x1xi32>
      scf.yield %min3A, %broadcast_in_dim3A_93, %select_n3A_69, %select_n3A_72, %select_n3A_75 : vector<8x256xf32>, vector<8x1xi32>, vector<8x128xf32>, vector<8x128xf32>, vector<8x128xf32>
    }
    %scan3A_24 = arith.constant 128 : i32
    %swap3A = arith.constant 0 : index
    %swap3A_25 = arith.constant 0 : index
    %swap3A_26 = arith.constant 0 : index
    %swap3A_27 = vector.load %arg1[%swap3A, %swap3A_25, %swap3A_26] : memref<3x8x128xf32, #tpu.memory_space<vmem>>, vector<1x8x128xf32>
    %swap3A_28 = vector.shape_cast %swap3A_27 : vector<1x8x128xf32> to vector<8x128xf32>
    %swap3A_29 = vector.shape_cast %scan3A_23#2 : vector<8x128xf32> to vector<1x8x128xf32>
    tpu.vector_store %arg1[%swap3A, %swap3A_25, %swap3A_26], %swap3A_29 {strides = array<i32>} : memref<3x8x128xf32, #tpu.memory_space<vmem>>, vector<1x8x128xf32>,
    %swap3A_30 = arith.constant 1 : index
    %swap3A_31 = arith.constant 0 : index
    %swap3A_32 = arith.constant 0 : index
    %swap3A_33 = vector.load %arg1[%swap3A_30, %swap3A_31, %swap3A_32] : memref<3x8x128xf32, #tpu.memory_space<vmem>>, vector<1x8x128xf32>
    %swap3A_34 = vector.shape_cast %swap3A_33 : vector<1x8x128xf32> to vector<8x128xf32>
    %swap3A_35 = vector.shape_cast %scan3A_23#3 : vector<8x128xf32> to vector<1x8x128xf32>
    tpu.vector_store %arg1[%swap3A_30, %swap3A_31, %swap3A_32], %swap3A_35 {strides = array<i32>} : memref<3x8x128xf32, #tpu.memory_space<vmem>>, vector<1x8x128xf32>,
    %swap3A_36 = arith.constant 2 : index
    %swap3A_37 = arith.constant 0 : index
    %swap3A_38 = arith.constant 0 : index
    %swap3A_39 = vector.load %arg1[%swap3A_36, %swap3A_37, %swap3A_38] : memref<3x8x128xf32, #tpu.memory_space<vmem>>, vector<1x8x128xf32>
    %swap3A_40 = vector.shape_cast %swap3A_39 : vector<1x8x128xf32> to vector<8x128xf32>
    %swap3A_41 = vector.shape_cast %scan3A_23#4 : vector<8x128xf32> to vector<1x8x128xf32>
    tpu.vector_store %arg1[%swap3A_36, %swap3A_37, %swap3A_38], %swap3A_41 {strides = array<i32>} : memref<3x8x128xf32, #tpu.memory_space<vmem>>, vector<1x8x128xf32>,
    return
  }
}

module attributes {stable_mosaic.version = 14 : i64} {
  func.func @_ball_body(%arg0: i32, %arg1: i32, %arg2: memref<1x8x256xf32, #tpu.memory_space<vmem>>, %arg3: memref<1x8x8xf32, #tpu.memory_space<vmem>>, %arg4: memref<1x8x128xi32, #tpu.memory_space<vmem>>) attributes {dimension_semantics = [#tpu.dimension_semantics<arbitrary>, #tpu.dimension_semantics<arbitrary>], iteration_bounds = array<i64: 8, 16>, scalar_prefetch = 0 : i64, scratch_operands = 0 : i64, tpu.core_type = #tpu.core_type<tc>, window_params = [{transform_indices = @transform_0, window_bounds = array<i64: 1, 8, 256>}, {transform_indices = @transform_1, window_bounds = array<i64: 1, 8, 8>}, {transform_indices = @transform_2, window_bounds = array<i64: 1, 8, 128>}]} {
    %get3A = arith.constant 0 : index
    %get3A_0 = arith.constant 0 : index
    %get3A_1 = arith.constant 0 : index
    %get3A_2 = vector.load %arg2[%get3A, %get3A_0, %get3A_1] : memref<1x8x256xf32, #tpu.memory_space<vmem>>, vector<1x1x256xf32>
    %get3A_3 = vector.shape_cast %get3A_2 : vector<1x1x256xf32> to vector<1x256xf32>
    %get3A_4 = arith.constant 0 : index
    %get3A_5 = arith.constant 1 : index
    %get3A_6 = arith.constant 0 : index
    %get3A_7 = vector.load %arg2[%get3A_4, %get3A_5, %get3A_6] : memref<1x8x256xf32, #tpu.memory_space<vmem>>, vector<1x1x256xf32>
    %get3A_8 = vector.shape_cast %get3A_7 : vector<1x1x256xf32> to vector<1x256xf32>
    %get3A_9 = arith.constant 0 : index
    %get3A_10 = arith.constant 2 : index
    %get3A_11 = arith.constant 0 : index
    %get3A_12 = vector.load %arg2[%get3A_9, %get3A_10, %get3A_11] : memref<1x8x256xf32, #tpu.memory_space<vmem>>, vector<1x1x256xf32>
    %get3A_13 = vector.shape_cast %get3A_12 : vector<1x1x256xf32> to vector<1x256xf32>
    %get3A_14 = arith.constant 0 : index
    %get3A_15 = arith.constant 0 : index
    %get3A_16 = arith.constant 0 : index
    %get3A_17 = vector.load %arg3[%get3A_14, %get3A_15, %get3A_16] : memref<1x8x8xf32, #tpu.memory_space<vmem>>, vector<1x8x1xf32>
    %get3A_18 = vector.shape_cast %get3A_17 : vector<1x8x1xf32> to vector<8x1xf32>
    %get3A_19 = arith.constant 0 : index
    %get3A_20 = arith.constant 0 : index
    %get3A_21 = arith.constant 1 : index
    %get3A_22 = vector.load %arg3[%get3A_19, %get3A_20, %get3A_21] : memref<1x8x8xf32, #tpu.memory_space<vmem>>, vector<1x8x1xf32>
    %get3A_23 = vector.shape_cast %get3A_22 : vector<1x8x1xf32> to vector<8x1xf32>
    %get3A_24 = arith.constant 0 : index
    %get3A_25 = arith.constant 0 : index
    %get3A_26 = arith.constant 2 : index
    %get3A_27 = vector.load %arg3[%get3A_24, %get3A_25, %get3A_26] : memref<1x8x8xf32, #tpu.memory_space<vmem>>, vector<1x8x1xf32>
    %get3A_28 = vector.shape_cast %get3A_27 : vector<1x8x1xf32> to vector<8x1xf32>
    %sub3A = vector.broadcast %get3A_3 : vector<1x256xf32> to vector<8x256xf32>
    %sub3A_29 = vector.broadcast %get3A_18 : vector<8x1xf32> to vector<8x256xf32>
    %sub3A_30 = arith.subf %sub3A, %sub3A_29 : vector<8x256xf32>
    %sub3A_31 = vector.broadcast %get3A_8 : vector<1x256xf32> to vector<8x256xf32>
    %sub3A_32 = vector.broadcast %get3A_23 : vector<8x1xf32> to vector<8x256xf32>
    %sub3A_33 = arith.subf %sub3A_31, %sub3A_32 : vector<8x256xf32>
    %sub3A_34 = vector.broadcast %get3A_13 : vector<1x256xf32> to vector<8x256xf32>
    %sub3A_35 = vector.broadcast %get3A_28 : vector<8x1xf32> to vector<8x256xf32>
    %sub3A_36 = arith.subf %sub3A_34, %sub3A_35 : vector<8x256xf32>
    %mul3A = arith.mulf %sub3A_30, %sub3A_30 : vector<8x256xf32>
    %mul3A_37 = arith.mulf %sub3A_33, %sub3A_33 : vector<8x256xf32>
    %add3A = arith.addf %mul3A, %mul3A_37 : vector<8x256xf32>
    %mul3A_38 = arith.mulf %sub3A_36, %sub3A_36 : vector<8x256xf32>
    %add3A_39 = arith.addf %add3A, %mul3A_38 : vector<8x256xf32>
    %iota3A = tpu.iota {dimensions = array<i32: 2>} : vector<1x1x256xi32>
    %convert_element_type3A = arith.sitofp %iota3A : vector<1x1x256xi32> to vector<1x1x256xf32>
    %lt3A = arith.constant 4.000000e-02 : f32
    %lt3A_40 = vector.broadcast %lt3A : f32 to vector<8x256xf32>
    %lt3A_41 = arith.cmpf olt, %add3A_39, %lt3A_40 : vector<8x256xf32>
    %convert_element_type3A_42 = arith.extui %lt3A_41 : vector<8x256xi1> to vector<8x256xi32>
    %lt3A_43 = arith.constant 1.600000e-01 : f32
    %lt3A_44 = vector.broadcast %lt3A_43 : f32 to vector<8x256xf32>
    %lt3A_45 = arith.cmpf olt, %add3A_39, %lt3A_44 : vector<8x256xf32>
    %convert_element_type3A_46 = arith.extui %lt3A_45 : vector<8x256xi1> to vector<8x256xi32>
    %shift_left3A = arith.constant 13 : i32
    %shift_left3A_47 = vector.broadcast %shift_left3A : i32 to vector<8x256xi32>
    %shift_left3A_48 = arith.shli %convert_element_type3A_46, %shift_left3A_47 : vector<8x256xi32>
    %add3A_49 = arith.addi %convert_element_type3A_42, %shift_left3A_48 : vector<8x256xi32>
    %broadcast_in_dim3A = arith.constant 0 : i32
    %broadcast_in_dim3A_50 = vector.broadcast %broadcast_in_dim3A : i32 to vector<8x1xi32>
    %slice3A = vector.extract_strided_slice %add3A_49 {offsets = [0, 0], sizes = [8, 255], strides = [1, 1]} : vector<8x256xi32> to vector<8x255xi32>
    %concatenate3A = tpu.concatenate %broadcast_in_dim3A_50, %slice3A in 1 : vector<8x1xi32>, vector<8x255xi32> -> vector<8x256xi32>
    %add3A_51 = arith.addi %add3A_49, %concatenate3A : vector<8x256xi32>
    %broadcast_in_dim3A_52 = arith.constant 0 : i32
    %broadcast_in_dim3A_53 = vector.broadcast %broadcast_in_dim3A_52 : i32 to vector<8x2xi32>
    %slice3A_54 = vector.extract_strided_slice %add3A_51 {offsets = [0, 0], sizes = [8, 254], strides = [1, 1]} : vector<8x256xi32> to vector<8x254xi32>
    %concatenate3A_55 = tpu.concatenate %broadcast_in_dim3A_53, %slice3A_54 in 1 : vector<8x2xi32>, vector<8x254xi32> -> vector<8x256xi32>
    %add3A_56 = arith.addi %add3A_51, %concatenate3A_55 : vector<8x256xi32>
    %broadcast_in_dim3A_57 = arith.constant 0 : i32
    %broadcast_in_dim3A_58 = vector.broadcast %broadcast_in_dim3A_57 : i32 to vector<8x4xi32>
    %slice3A_59 = vector.extract_strided_slice %add3A_56 {offsets = [0, 0], sizes = [8, 252], strides = [1, 1]} : vector<8x256xi32> to vector<8x252xi32>
    %concatenate3A_60 = tpu.concatenate %broadcast_in_dim3A_58, %slice3A_59 in 1 : vector<8x4xi32>, vector<8x252xi32> -> vector<8x256xi32>
    %add3A_61 = arith.addi %add3A_56, %concatenate3A_60 : vector<8x256xi32>
    %broadcast_in_dim3A_62 = arith.constant 0 : i32
    %broadcast_in_dim3A_63 = vector.broadcast %broadcast_in_dim3A_62 : i32 to vector<8x8xi32>
    %slice3A_64 = vector.extract_strided_slice %add3A_61 {offsets = [0, 0], sizes = [8, 248], strides = [1, 1]} : vector<8x256xi32> to vector<8x248xi32>
    %concatenate3A_65 = tpu.concatenate %broadcast_in_dim3A_63, %slice3A_64 in 1 : vector<8x8xi32>, vector<8x248xi32> -> vector<8x256xi32>
    %add3A_66 = arith.addi %add3A_61, %concatenate3A_65 : vector<8x256xi32>
    %broadcast_in_dim3A_67 = arith.constant 0 : i32
    %broadcast_in_dim3A_68 = vector.broadcast %broadcast_in_dim3A_67 : i32 to vector<8x16xi32>
    %slice3A_69 = vector.extract_strided_slice %add3A_66 {offsets = [0, 0], sizes = [8, 240], strides = [1, 1]} : vector<8x256xi32> to vector<8x240xi32>
    %concatenate3A_70 = tpu.concatenate %broadcast_in_dim3A_68, %slice3A_69 in 1 : vector<8x16xi32>, vector<8x240xi32> -> vector<8x256xi32>
    %add3A_71 = arith.addi %add3A_66, %concatenate3A_70 : vector<8x256xi32>
    %broadcast_in_dim3A_72 = arith.constant 0 : i32
    %broadcast_in_dim3A_73 = vector.broadcast %broadcast_in_dim3A_72 : i32 to vector<8x32xi32>
    %slice3A_74 = vector.extract_strided_slice %add3A_71 {offsets = [0, 0], sizes = [8, 224], strides = [1, 1]} : vector<8x256xi32> to vector<8x224xi32>
    %concatenate3A_75 = tpu.concatenate %broadcast_in_dim3A_73, %slice3A_74 in 1 : vector<8x32xi32>, vector<8x224xi32> -> vector<8x256xi32>
    %add3A_76 = arith.addi %add3A_71, %concatenate3A_75 : vector<8x256xi32>
    %broadcast_in_dim3A_77 = arith.constant 0 : i32
    %broadcast_in_dim3A_78 = vector.broadcast %broadcast_in_dim3A_77 : i32 to vector<8x64xi32>
    %slice3A_79 = vector.extract_strided_slice %add3A_76 {offsets = [0, 0], sizes = [8, 192], strides = [1, 1]} : vector<8x256xi32> to vector<8x192xi32>
    %concatenate3A_80 = tpu.concatenate %broadcast_in_dim3A_78, %slice3A_79 in 1 : vector<8x64xi32>, vector<8x192xi32> -> vector<8x256xi32>
    %add3A_81 = arith.addi %add3A_76, %concatenate3A_80 : vector<8x256xi32>
    %broadcast_in_dim3A_82 = arith.constant 0 : i32
    %broadcast_in_dim3A_83 = vector.broadcast %broadcast_in_dim3A_82 : i32 to vector<8x128xi32>
    %slice3A_84 = vector.extract_strided_slice %add3A_81 {offsets = [0, 0], sizes = [8, 128], strides = [1, 1]} : vector<8x256xi32> to vector<8x128xi32>
    %concatenate3A_85 = tpu.concatenate %broadcast_in_dim3A_83, %slice3A_84 in 1 : vector<8x128xi32>, vector<8x128xi32> -> vector<8x256xi32>
    %add3A_86 = arith.addi %add3A_81, %concatenate3A_85 : vector<8x256xi32>
    %and3A = arith.constant 8191 : i32
    %and3A_87 = vector.broadcast %and3A : i32 to vector<8x256xi32>
    %and3A_88 = arith.andi %add3A_86, %and3A_87 : vector<8x256xi32>
    %shift_right_arithmetic3A = arith.constant 13 : i32
    %shift_right_arithmetic3A_89 = vector.broadcast %shift_right_arithmetic3A : i32 to vector<8x256xi32>
    %shift_right_arithmetic3A_90 = arith.shrsi %add3A_86, %shift_right_arithmetic3A_89 : vector<8x256xi32>
    %eq3A = arith.constant 1 : i32
    %eq3A_91 = vector.broadcast %eq3A : i32 to vector<8x256xi32>
    %eq3A_92 = arith.cmpi eq, %convert_element_type3A_42, %eq3A_91 : vector<8x256xi32>
    %sub3A_93 = arith.subi %and3A_88, %convert_element_type3A_42 : vector<8x256xi32>
    %jit3A = arith.constant -1 : i32
    %broadcast_in_dim3A_94 = vector.broadcast %jit3A : i32 to vector<8x256xi32>
    %select_n3A = arith.select %eq3A_92, %sub3A_93, %broadcast_in_dim3A_94 : vector<8x256xi1>, vector<8x256xi32>
    %eq3A_95 = arith.constant 1 : i32
    %eq3A_96 = vector.broadcast %eq3A_95 : i32 to vector<8x256xi32>
    %eq3A_97 = arith.cmpi eq, %convert_element_type3A_46, %eq3A_96 : vector<8x256xi32>
    %sub3A_98 = arith.subi %shift_right_arithmetic3A_90, %convert_element_type3A_46 : vector<8x256xi32>
    %jit3A_99 = arith.constant -1 : i32
    %broadcast_in_dim3A_100 = vector.broadcast %jit3A_99 : i32 to vector<8x256xi32>
    %select_n3A_101 = arith.select %eq3A_97, %sub3A_98, %broadcast_in_dim3A_100 : vector<8x256xi1>, vector<8x256xi32>
    %slice3A_102 = vector.extract_strided_slice %and3A_88 {offsets = [0, 255], sizes = [8, 1], strides = [1, 1]} : vector<8x256xi32> to vector<8x1xi32>
    %iota3A_103 = tpu.iota {dimensions = array<i32: 1>} : vector<1x16x1xi32>
    %broadcast_in_dim3A_104 = vector.shape_cast %select_n3A : vector<8x256xi32> to vector<8x1x256xi32>
    %eq3A_105 = vector.broadcast %broadcast_in_dim3A_104 : vector<8x1x256xi32> to vector<8x16x256xi32>
    %eq3A_106 = vector.broadcast %iota3A_103 : vector<1x16x1xi32> to vector<8x16x256xi32>
    %eq3A_107 = arith.cmpi eq, %eq3A_105, %eq3A_106 : vector<8x16x256xi32>
    %jit3A_108 = arith.constant 0.000000e+00 : f32
    %broadcast_in_dim3A_109 = vector.shape_cast %convert_element_type3A : vector<1x1x256xf32> to vector<1x1x256xf32>
    %broadcast_in_dim3A_110 = vector.broadcast %broadcast_in_dim3A_109 : vector<1x1x256xf32> to vector<8x16x256xf32>
    %broadcast_in_dim3A_111 = vector.broadcast %jit3A_108 : f32 to vector<8x16x256xf32>
    %select_n3A_112 = arith.select %eq3A_107, %broadcast_in_dim3A_110, %broadcast_in_dim3A_111 : vector<8x16x256xi1>, vector<8x16x256xf32>
    %reduce_sum3A = arith.constant dense<0.000000e+00> : vector<8x16xf32>
    %reduce_sum3A_113 = vector.multi_reduction <add>, %select_n3A_112, %reduce_sum3A [2] : vector<8x16x256xf32> to vector<8x16xf32>
    %gt3A = arith.constant 0 : i32
    %gt3A_114 = vector.broadcast %gt3A : i32 to vector<8x1xi32>
    %gt3A_115 = arith.cmpi sgt, %slice3A_102, %gt3A_114 : vector<8x1xi32>
    %slice3A_116 = vector.extract_strided_slice %reduce_sum3A_113 {offsets = [0, 0], sizes = [8, 1], strides = [1, 1]} : vector<8x16xf32> to vector<8x1xf32>
    %jit3A_117 = arith.constant 2.550000e+02 : f32
    %broadcast_in_dim3A_118 = vector.broadcast %jit3A_117 : f32 to vector<8x1xf32>
    %select_n3A_119 = arith.select %gt3A_115, %slice3A_116, %broadcast_in_dim3A_118 : vector<8x1xi1>, vector<8x1xf32>
    %iota3A_120 = tpu.iota {dimensions = array<i32: 1>} : vector<8x16xi32>
    %lt3A_121 = vector.broadcast %slice3A_102 : vector<8x1xi32> to vector<8x16xi32>
    %lt3A_122 = arith.cmpi slt, %iota3A_120, %lt3A_121 : vector<8x16xi32>
    %broadcast_in_dim3A_123 = vector.shape_cast %select_n3A_119 : vector<8x1xf32> to vector<8x1xf32>
    %broadcast_in_dim3A_124 = vector.broadcast %broadcast_in_dim3A_123 : vector<8x1xf32> to vector<8x16xf32>
    %select_n3A_125 = arith.select %lt3A_122, %reduce_sum3A_113, %broadcast_in_dim3A_124 : vector<8x16xi1>, vector<8x16xf32>
    %slice3A_126 = vector.extract_strided_slice %shift_right_arithmetic3A_90 {offsets = [0, 255], sizes = [8, 1], strides = [1, 1]} : vector<8x256xi32> to vector<8x1xi32>
    %iota3A_127 = tpu.iota {dimensions = array<i32: 1>} : vector<1x32x1xi32>
    %broadcast_in_dim3A_128 = vector.shape_cast %select_n3A_101 : vector<8x256xi32> to vector<8x1x256xi32>
    %eq3A_129 = vector.broadcast %broadcast_in_dim3A_128 : vector<8x1x256xi32> to vector<8x32x256xi32>
    %eq3A_130 = vector.broadcast %iota3A_127 : vector<1x32x1xi32> to vector<8x32x256xi32>
    %eq3A_131 = arith.cmpi eq, %eq3A_129, %eq3A_130 : vector<8x32x256xi32>
    %jit3A_132 = arith.constant 0.000000e+00 : f32
    %broadcast_in_dim3A_133 = vector.shape_cast %convert_element_type3A : vector<1x1x256xf32> to vector<1x1x256xf32>
    %broadcast_in_dim3A_134 = vector.broadcast %broadcast_in_dim3A_133 : vector<1x1x256xf32> to vector<8x32x256xf32>
    %broadcast_in_dim3A_135 = vector.broadcast %jit3A_132 : f32 to vector<8x32x256xf32>
    %select_n3A_136 = arith.select %eq3A_131, %broadcast_in_dim3A_134, %broadcast_in_dim3A_135 : vector<8x32x256xi1>, vector<8x32x256xf32>
    %reduce_sum3A_137 = arith.constant dense<0.000000e+00> : vector<8x32xf32>
    %reduce_sum3A_138 = vector.multi_reduction <add>, %select_n3A_136, %reduce_sum3A_137 [2] : vector<8x32x256xf32> to vector<8x32xf32>
    %gt3A_139 = arith.constant 0 : i32
    %gt3A_140 = vector.broadcast %gt3A_139 : i32 to vector<8x1xi32>
    %gt3A_141 = arith.cmpi sgt, %slice3A_126, %gt3A_140 : vector<8x1xi32>
    %slice3A_142 = vector.extract_strided_slice %reduce_sum3A_138 {offsets = [0, 0], sizes = [8, 1], strides = [1, 1]} : vector<8x32xf32> to vector<8x1xf32>
    %jit3A_143 = arith.constant 2.550000e+02 : f32
    %broadcast_in_dim3A_144 = vector.broadcast %jit3A_143 : f32 to vector<8x1xf32>
    %select_n3A_145 = arith.select %gt3A_141, %slice3A_142, %broadcast_in_dim3A_144 : vector<8x1xi1>, vector<8x1xf32>
    %iota3A_146 = tpu.iota {dimensions = array<i32: 1>} : vector<8x32xi32>
    %lt3A_147 = vector.broadcast %slice3A_126 : vector<8x1xi32> to vector<8x32xi32>
    %lt3A_148 = arith.cmpi slt, %iota3A_146, %lt3A_147 : vector<8x32xi32>
    %broadcast_in_dim3A_149 = vector.shape_cast %select_n3A_145 : vector<8x1xf32> to vector<8x1xf32>
    %broadcast_in_dim3A_150 = vector.broadcast %broadcast_in_dim3A_149 : vector<8x1xf32> to vector<8x32xf32>
    %select_n3A_151 = arith.select %lt3A_148, %reduce_sum3A_138, %broadcast_in_dim3A_150 : vector<8x32xi1>, vector<8x32xf32>
    %broadcast_in_dim3A_152 = arith.constant 0.000000e+00 : f32
    %broadcast_in_dim3A_153 = vector.broadcast %broadcast_in_dim3A_152 : f32 to vector<8x80xf32>
    %concatenate3A_154 = tpu.concatenate %select_n3A_125, %select_n3A_151, %broadcast_in_dim3A_153 in 1 : vector<8x16xf32>, vector<8x32xf32>, vector<8x80xf32> -> vector<8x128xf32>
    %convert_element_type3A_155 = arith.fptosi %concatenate3A_154 : vector<8x128xf32> to vector<8x128xi32>
    %swap3A = arith.constant 0 : index
    %swap3A_156 = arith.constant 0 : index
    %swap3A_157 = arith.constant 0 : index
    %swap3A_158 = vector.load %arg4[%swap3A, %swap3A_156, %swap3A_157] : memref<1x8x128xi32, #tpu.memory_space<vmem>>, vector<1x8x128xi32>
    %swap3A_159 = vector.shape_cast %swap3A_158 : vector<1x8x128xi32> to vector<8x128xi32>
    %swap3A_160 = vector.shape_cast %convert_element_type3A_155 : vector<8x128xi32> to vector<1x8x128xi32>
    tpu.vector_store %arg4[%swap3A, %swap3A_156, %swap3A_157], %swap3A_160 {strides = array<i32>} : memref<1x8x128xi32, #tpu.memory_space<vmem>>, vector<1x8x128xi32>,
    return
  }
  func.func @transform_0(%arg0: i32, %arg1: i32) -> (i32, i32, i32) {
    %c0_i32 = arith.constant 0 : i32
    %c0_i32_0 = arith.constant 0 : i32
    %c0_i32_1 = arith.constant 0 : i32
    return %arg0, %c0_i32, %c0_i32_0 : i32, i32, i32
  }
  func.func @transform_1(%arg0: i32, %arg1: i32) -> (i32, i32, i32) {
    %c0_i32 = arith.constant 0 : i32
    %c0_i32_0 = arith.constant 0 : i32
    return %arg0, %arg1, %c0_i32 : i32, i32, i32
  }
  func.func @transform_2(%arg0: i32, %arg1: i32) -> (i32, i32, i32) {
    %c0_i32 = arith.constant 0 : i32
    %c0_i32_0 = arith.constant 0 : i32
    return %arg0, %arg1, %c0_i32 : i32, i32, i32
  }
}

module attributes {stable_mosaic.version = 14 : i64} {
  func.func @_sa_body(%arg0: i32, %arg1: i32, %arg2: memref<1x1x256x128xf32, #tpu.memory_space<vmem>>, %arg3: memref<1x1x256x8xf32, #tpu.memory_space<vmem>>, %arg4: memref<128x128xf32, #tpu.memory_space<vmem>>, %arg5: memref<1x128xf32, #tpu.memory_space<vmem>>, %arg6: memref<128x128xf32, #tpu.memory_space<vmem>>, %arg7: memref<1x128xf32, #tpu.memory_space<vmem>>, %arg8: memref<128x128xf32, #tpu.memory_space<vmem>>, %arg9: memref<1x128xf32, #tpu.memory_space<vmem>>, %arg10: memref<1x16x128xf32, #tpu.memory_space<vmem>>) attributes {dimension_semantics = [#tpu.dimension_semantics<arbitrary>, #tpu.dimension_semantics<arbitrary>], iteration_bounds = array<i64: 8, 16>, scalar_prefetch = 0 : i64, scratch_operands = 0 : i64, tpu.core_type = #tpu.core_type<tc>, window_params = [{transform_indices = @transform_0, window_bounds = array<i64: 1, 1, 256, 128>}, {transform_indices = @transform_1, window_bounds = array<i64: 1, 1, 256, 8>}, {pipeline_mode = #tpu.pipeline_mode<synchronous>, transform_indices = @transform_2, window_bounds = array<i64: 128, 128>}, {pipeline_mode = #tpu.pipeline_mode<synchronous>, transform_indices = @transform_3, window_bounds = array<i64: 1, 128>}, {pipeline_mode = #tpu.pipeline_mode<synchronous>, transform_indices = @transform_4, window_bounds = array<i64: 128, 128>}, {pipeline_mode = #tpu.pipeline_mode<synchronous>, transform_indices = @transform_5, window_bounds = array<i64: 1, 128>}, {pipeline_mode = #tpu.pipeline_mode<synchronous>, transform_indices = @transform_6, window_bounds = array<i64: 128, 128>}, {pipeline_mode = #tpu.pipeline_mode<synchronous>, transform_indices = @transform_7, window_bounds = array<i64: 1, 128>}, {transform_indices = @transform_8, window_bounds = array<i64: 1, 16, 128>}]} {
    %get3A = arith.constant 0 : index
    %get3A_0 = arith.constant 0 : index
    %get3A_1 = arith.constant 0 : index
    %get3A_2 = arith.constant 0 : index
    %get3A_3 = vector.load %arg2[%get3A, %get3A_0, %get3A_1, %get3A_2] : memref<1x1x256x128xf32, #tpu.memory_space<vmem>>, vector<1x1x256x128xf32>
    %get3A_4 = vector.shape_cast %get3A_3 : vector<1x1x256x128xf32> to vector<256x128xf32>
    %get3A_5 = arith.constant 0 : index
    %get3A_6 = arith.constant 0 : index
    %get3A_7 = arith.constant 0 : index
    %get3A_8 = arith.constant 0 : index
    %get3A_9 = vector.load %arg3[%get3A_5, %get3A_6, %get3A_7, %get3A_8] : memref<1x1x256x8xf32, #tpu.memory_space<vmem>>, vector<1x1x256x8xf32>
    %get3A_10 = vector.shape_cast %get3A_9 : vector<1x1x256x8xf32> to vector<256x8xf32>
    %slice3A = vector.extract_strided_slice %get3A_10 {offsets = [0, 0], sizes = [256, 3], strides = [1, 1]} : vector<256x8xf32> to vector<256x3xf32>
    %broadcast_in_dim3A = arith.constant 0.000000e+00 : f32
    %broadcast_in_dim3A_11 = vector.broadcast %broadcast_in_dim3A : f32 to vector<256x125xf32>
    %concatenate3A = tpu.concatenate %slice3A, %broadcast_in_dim3A_11 in 1 : vector<256x3xf32>, vector<256x125xf32> -> vector<256x128xf32>
    %sub3A = arith.subf %get3A_4, %concatenate3A : vector<256x128xf32>
    %get3A_12 = arith.constant 0 : index
    %get3A_13 = arith.constant 0 : index
    %get3A_14 = vector.load %arg4[%get3A_12, %get3A_13] : memref<128x128xf32, #tpu.memory_space<vmem>>, vector<128x128xf32>
    %get3A_15 = arith.constant 0 : index
    %get3A_16 = arith.constant 0 : index
    %get3A_17 = vector.load %arg5[%get3A_15, %get3A_16] : memref<1x128xf32, #tpu.memory_space<vmem>>, vector<1x128xf32>
    %dot_general3A = arith.constant dense<0.000000e+00> : vector<256x128xf32>
    %dot_general3A_18 = tpu.matmul %sub3A, %get3A_14, %dot_general3A {dimension_numbers = #tpu.dot_dimension_numbers<[1], [0], [0], [1], [0, 0, 1, 1], [], []>, transpose_lhs_hint = false} : vector<256x128xf32>, vector<128x128xf32>, vector<256x128xf32> -> vector<256x128xf32>
    %add3A = vector.broadcast %get3A_17 : vector<1x128xf32> to vector<256x128xf32>
    %add3A_19 = arith.addf %dot_general3A_18, %add3A : vector<256x128xf32>
    %max3A = arith.constant 0.000000e+00 : f32
    %max3A_20 = vector.broadcast %max3A : f32 to vector<256x128xf32>
    %max3A_21 = arith.maximumf %add3A_19, %max3A_20 : vector<256x128xf32>
    %get3A_22 = arith.constant 0 : index
    %get3A_23 = arith.constant 0 : index
    %get3A_24 = vector.load %arg6[%get3A_22, %get3A_23] : memref<128x128xf32, #tpu.memory_space<vmem>>, vector<128x128xf32>
    %get3A_25 = arith.constant 0 : index
    %get3A_26 = arith.constant 0 : index
    %get3A_27 = vector.load %arg7[%get3A_25, %get3A_26] : memref<1x128xf32, #tpu.memory_space<vmem>>, vector<1x128xf32>
    %dot_general3A_28 = arith.constant dense<0.000000e+00> : vector<256x128xf32>
    %dot_general3A_29 = tpu.matmul %max3A_21, %get3A_24, %dot_general3A_28 {dimension_numbers = #tpu.dot_dimension_numbers<[1], [0], [0], [1], [0, 0, 1, 1], [], []>, transpose_lhs_hint = false} : vector<256x128xf32>, vector<128x128xf32>, vector<256x128xf32> -> vector<256x128xf32>
    %add3A_30 = vector.broadcast %get3A_27 : vector<1x128xf32> to vector<256x128xf32>
    %add3A_31 = arith.addf %dot_general3A_29, %add3A_30 : vector<256x128xf32>
    %max3A_32 = arith.constant 0.000000e+00 : f32
    %max3A_33 = vector.broadcast %max3A_32 : f32 to vector<256x128xf32>
    %max3A_34 = arith.maximumf %add3A_31, %max3A_33 : vector<256x128xf32>
    %get3A_35 = arith.constant 0 : index
    %get3A_36 = arith.constant 0 : index
    %get3A_37 = vector.load %arg8[%get3A_35, %get3A_36] : memref<128x128xf32, #tpu.memory_space<vmem>>, vector<128x128xf32>
    %get3A_38 = arith.constant 0 : index
    %get3A_39 = arith.constant 0 : index
    %get3A_40 = vector.load %arg9[%get3A_38, %get3A_39] : memref<1x128xf32, #tpu.memory_space<vmem>>, vector<1x128xf32>
    %dot_general3A_41 = arith.constant dense<0.000000e+00> : vector<256x128xf32>
    %dot_general3A_42 = tpu.matmul %max3A_34, %get3A_37, %dot_general3A_41 {dimension_numbers = #tpu.dot_dimension_numbers<[1], [0], [0], [1], [0, 0, 1, 1], [], []>, transpose_lhs_hint = false} : vector<256x128xf32>, vector<128x128xf32>, vector<256x128xf32> -> vector<256x128xf32>
    %add3A_43 = vector.broadcast %get3A_40 : vector<1x128xf32> to vector<256x128xf32>
    %add3A_44 = arith.addf %dot_general3A_42, %add3A_43 : vector<256x128xf32>
    %max3A_45 = arith.constant 0.000000e+00 : f32
    %max3A_46 = vector.broadcast %max3A_45 : f32 to vector<256x128xf32>
    %max3A_47 = arith.maximumf %add3A_44, %max3A_46 : vector<256x128xf32>
    %reshape3A = vector.shape_cast %max3A_47 : vector<256x128xf32> to vector<16x16x128xf32>
    %reduce_max3A = arith.constant dense<0xFF800000> : vector<16x128xf32>
    %reduce_max3A_48 = vector.multi_reduction <maximumf>, %reshape3A, %reduce_max3A [1] : vector<16x16x128xf32> to vector<16x128xf32>
    %swap3A = arith.constant 0 : index
    %swap3A_49 = arith.constant 0 : index
    %swap3A_50 = arith.constant 0 : index
    %swap3A_51 = vector.load %arg10[%swap3A, %swap3A_49, %swap3A_50] : memref<1x16x128xf32, #tpu.memory_space<vmem>>, vector<1x16x128xf32>
    %swap3A_52 = vector.shape_cast %swap3A_51 : vector<1x16x128xf32> to vector<16x128xf32>
    %swap3A_53 = vector.shape_cast %reduce_max3A_48 : vector<16x128xf32> to vector<1x16x128xf32>
    tpu.vector_store %arg10[%swap3A, %swap3A_49, %swap3A_50], %swap3A_53 {strides = array<i32>} : memref<1x16x128xf32, #tpu.memory_space<vmem>>, vector<1x16x128xf32>,
    return
  }
  func.func @transform_0(%arg0: i32, %arg1: i32) -> (i32, i32, i32, i32) {
    %c0_i32 = arith.constant 0 : i32
    %c0_i32_0 = arith.constant 0 : i32
    %c0_i32_1 = arith.constant 0 : i32
    return %arg0, %arg1, %c0_i32, %c0_i32_0 : i32, i32, i32, i32
  }
  func.func @transform_1(%arg0: i32, %arg1: i32) -> (i32, i32, i32, i32) {
    %c0_i32 = arith.constant 0 : i32
    %c0_i32_0 = arith.constant 0 : i32
    %c0_i32_1 = arith.constant 0 : i32
    return %arg0, %arg1, %c0_i32, %c0_i32_0 : i32, i32, i32, i32
  }
  func.func @transform_2(%arg0: i32, %arg1: i32) -> (i32, i32) {
    %c0_i32 = arith.constant 0 : i32
    %c0_i32_0 = arith.constant 0 : i32
    %c0_i32_1 = arith.constant 0 : i32
    return %c0_i32, %c0_i32_0 : i32, i32
  }
  func.func @transform_3(%arg0: i32, %arg1: i32) -> (i32, i32) {
    %c0_i32 = arith.constant 0 : i32
    %c0_i32_0 = arith.constant 0 : i32
    %c0_i32_1 = arith.constant 0 : i32
    return %c0_i32, %c0_i32_0 : i32, i32
  }
  func.func @transform_4(%arg0: i32, %arg1: i32) -> (i32, i32) {
    %c0_i32 = arith.constant 0 : i32
    %c0_i32_0 = arith.constant 0 : i32
    %c0_i32_1 = arith.constant 0 : i32
    return %c0_i32, %c0_i32_0 : i32, i32
  }
  func.func @transform_5(%arg0: i32, %arg1: i32) -> (i32, i32) {
    %c0_i32 = arith.constant 0 : i32
    %c0_i32_0 = arith.constant 0 : i32
    %c0_i32_1 = arith.constant 0 : i32
    return %c0_i32, %c0_i32_0 : i32, i32
  }
  func.func @transform_6(%arg0: i32, %arg1: i32) -> (i32, i32) {
    %c0_i32 = arith.constant 0 : i32
    %c0_i32_0 = arith.constant 0 : i32
    %c0_i32_1 = arith.constant 0 : i32
    return %c0_i32, %c0_i32_0 : i32, i32
  }
  func.func @transform_7(%arg0: i32, %arg1: i32) -> (i32, i32) {
    %c0_i32 = arith.constant 0 : i32
    %c0_i32_0 = arith.constant 0 : i32
    %c0_i32_1 = arith.constant 0 : i32
    return %c0_i32, %c0_i32_0 : i32, i32
  }
  func.func @transform_8(%arg0: i32, %arg1: i32) -> (i32, i32, i32) {
    %c0_i32 = arith.constant 0 : i32
    %c0_i32_0 = arith.constant 0 : i32
    return %arg0, %arg1, %c0_i32 : i32, i32, i32
  }
}

module attributes {stable_mosaic.version = 14 : i64} {
  func.func @_sa_body(%arg0: i32, %arg1: i32, %arg2: memref<1x1x512x128xf32, #tpu.memory_space<vmem>>, %arg3: memref<1x1x512x8xf32, #tpu.memory_space<vmem>>, %arg4: memref<128x128xf32, #tpu.memory_space<vmem>>, %arg5: memref<1x128xf32, #tpu.memory_space<vmem>>, %arg6: memref<128x128xf32, #tpu.memory_space<vmem>>, %arg7: memref<1x128xf32, #tpu.memory_space<vmem>>, %arg8: memref<128x128xf32, #tpu.memory_space<vmem>>, %arg9: memref<1x128xf32, #tpu.memory_space<vmem>>, %arg10: memref<1x16x128xf32, #tpu.memory_space<vmem>>) attributes {dimension_semantics = [#tpu.dimension_semantics<arbitrary>, #tpu.dimension_semantics<arbitrary>], iteration_bounds = array<i64: 8, 16>, scalar_prefetch = 0 : i64, scratch_operands = 0 : i64, tpu.core_type = #tpu.core_type<tc>, window_params = [{transform_indices = @transform_0, window_bounds = array<i64: 1, 1, 512, 128>}, {transform_indices = @transform_1, window_bounds = array<i64: 1, 1, 512, 8>}, {pipeline_mode = #tpu.pipeline_mode<synchronous>, transform_indices = @transform_2, window_bounds = array<i64: 128, 128>}, {pipeline_mode = #tpu.pipeline_mode<synchronous>, transform_indices = @transform_3, window_bounds = array<i64: 1, 128>}, {pipeline_mode = #tpu.pipeline_mode<synchronous>, transform_indices = @transform_4, window_bounds = array<i64: 128, 128>}, {pipeline_mode = #tpu.pipeline_mode<synchronous>, transform_indices = @transform_5, window_bounds = array<i64: 1, 128>}, {pipeline_mode = #tpu.pipeline_mode<synchronous>, transform_indices = @transform_6, window_bounds = array<i64: 128, 128>}, {pipeline_mode = #tpu.pipeline_mode<synchronous>, transform_indices = @transform_7, window_bounds = array<i64: 1, 128>}, {transform_indices = @transform_8, window_bounds = array<i64: 1, 16, 128>}]} {
    %get3A = arith.constant 0 : index
    %get3A_0 = arith.constant 0 : index
    %get3A_1 = arith.constant 0 : index
    %get3A_2 = arith.constant 0 : index
    %get3A_3 = vector.load %arg2[%get3A, %get3A_0, %get3A_1, %get3A_2] : memref<1x1x512x128xf32, #tpu.memory_space<vmem>>, vector<1x1x512x128xf32>
    %get3A_4 = vector.shape_cast %get3A_3 : vector<1x1x512x128xf32> to vector<512x128xf32>
    %get3A_5 = arith.constant 0 : index
    %get3A_6 = arith.constant 0 : index
    %get3A_7 = arith.constant 0 : index
    %get3A_8 = arith.constant 0 : index
    %get3A_9 = vector.load %arg3[%get3A_5, %get3A_6, %get3A_7, %get3A_8] : memref<1x1x512x8xf32, #tpu.memory_space<vmem>>, vector<1x1x512x8xf32>
    %get3A_10 = vector.shape_cast %get3A_9 : vector<1x1x512x8xf32> to vector<512x8xf32>
    %slice3A = vector.extract_strided_slice %get3A_10 {offsets = [0, 0], sizes = [512, 3], strides = [1, 1]} : vector<512x8xf32> to vector<512x3xf32>
    %broadcast_in_dim3A = arith.constant 0.000000e+00 : f32
    %broadcast_in_dim3A_11 = vector.broadcast %broadcast_in_dim3A : f32 to vector<512x125xf32>
    %concatenate3A = tpu.concatenate %slice3A, %broadcast_in_dim3A_11 in 1 : vector<512x3xf32>, vector<512x125xf32> -> vector<512x128xf32>
    %sub3A = arith.subf %get3A_4, %concatenate3A : vector<512x128xf32>
    %get3A_12 = arith.constant 0 : index
    %get3A_13 = arith.constant 0 : index
    %get3A_14 = vector.load %arg4[%get3A_12, %get3A_13] : memref<128x128xf32, #tpu.memory_space<vmem>>, vector<128x128xf32>
    %get3A_15 = arith.constant 0 : index
    %get3A_16 = arith.constant 0 : index
    %get3A_17 = vector.load %arg5[%get3A_15, %get3A_16] : memref<1x128xf32, #tpu.memory_space<vmem>>, vector<1x128xf32>
    %dot_general3A = arith.constant dense<0.000000e+00> : vector<512x128xf32>
    %dot_general3A_18 = tpu.matmul %sub3A, %get3A_14, %dot_general3A {dimension_numbers = #tpu.dot_dimension_numbers<[1], [0], [0], [1], [0, 0, 1, 1], [], []>, transpose_lhs_hint = false} : vector<512x128xf32>, vector<128x128xf32>, vector<512x128xf32> -> vector<512x128xf32>
    %add3A = vector.broadcast %get3A_17 : vector<1x128xf32> to vector<512x128xf32>
    %add3A_19 = arith.addf %dot_general3A_18, %add3A : vector<512x128xf32>
    %max3A = arith.constant 0.000000e+00 : f32
    %max3A_20 = vector.broadcast %max3A : f32 to vector<512x128xf32>
    %max3A_21 = arith.maximumf %add3A_19, %max3A_20 : vector<512x128xf32>
    %get3A_22 = arith.constant 0 : index
    %get3A_23 = arith.constant 0 : index
    %get3A_24 = vector.load %arg6[%get3A_22, %get3A_23] : memref<128x128xf32, #tpu.memory_space<vmem>>, vector<128x128xf32>
    %get3A_25 = arith.constant 0 : index
    %get3A_26 = arith.constant 0 : index
    %get3A_27 = vector.load %arg7[%get3A_25, %get3A_26] : memref<1x128xf32, #tpu.memory_space<vmem>>, vector<1x128xf32>
    %dot_general3A_28 = arith.constant dense<0.000000e+00> : vector<512x128xf32>
    %dot_general3A_29 = tpu.matmul %max3A_21, %get3A_24, %dot_general3A_28 {dimension_numbers = #tpu.dot_dimension_numbers<[1], [0], [0], [1], [0, 0, 1, 1], [], []>, transpose_lhs_hint = false} : vector<512x128xf32>, vector<128x128xf32>, vector<512x128xf32> -> vector<512x128xf32>
    %add3A_30 = vector.broadcast %get3A_27 : vector<1x128xf32> to vector<512x128xf32>
    %add3A_31 = arith.addf %dot_general3A_29, %add3A_30 : vector<512x128xf32>
    %max3A_32 = arith.constant 0.000000e+00 : f32
    %max3A_33 = vector.broadcast %max3A_32 : f32 to vector<512x128xf32>
    %max3A_34 = arith.maximumf %add3A_31, %max3A_33 : vector<512x128xf32>
    %get3A_35 = arith.constant 0 : index
    %get3A_36 = arith.constant 0 : index
    %get3A_37 = vector.load %arg8[%get3A_35, %get3A_36] : memref<128x128xf32, #tpu.memory_space<vmem>>, vector<128x128xf32>
    %get3A_38 = arith.constant 0 : index
    %get3A_39 = arith.constant 0 : index
    %get3A_40 = vector.load %arg9[%get3A_38, %get3A_39] : memref<1x128xf32, #tpu.memory_space<vmem>>, vector<1x128xf32>
    %dot_general3A_41 = arith.constant dense<0.000000e+00> : vector<512x128xf32>
    %dot_general3A_42 = tpu.matmul %max3A_34, %get3A_37, %dot_general3A_41 {dimension_numbers = #tpu.dot_dimension_numbers<[1], [0], [0], [1], [0, 0, 1, 1], [], []>, transpose_lhs_hint = false} : vector<512x128xf32>, vector<128x128xf32>, vector<512x128xf32> -> vector<512x128xf32>
    %add3A_43 = vector.broadcast %get3A_40 : vector<1x128xf32> to vector<512x128xf32>
    %add3A_44 = arith.addf %dot_general3A_42, %add3A_43 : vector<512x128xf32>
    %max3A_45 = arith.constant 0.000000e+00 : f32
    %max3A_46 = vector.broadcast %max3A_45 : f32 to vector<512x128xf32>
    %max3A_47 = arith.maximumf %add3A_44, %max3A_46 : vector<512x128xf32>
    %reshape3A = vector.shape_cast %max3A_47 : vector<512x128xf32> to vector<16x32x128xf32>
    %reduce_max3A = arith.constant dense<0xFF800000> : vector<16x128xf32>
    %reduce_max3A_48 = vector.multi_reduction <maximumf>, %reshape3A, %reduce_max3A [1] : vector<16x32x128xf32> to vector<16x128xf32>
    %swap3A = arith.constant 0 : index
    %swap3A_49 = arith.constant 0 : index
    %swap3A_50 = arith.constant 0 : index
    %swap3A_51 = vector.load %arg10[%swap3A, %swap3A_49, %swap3A_50] : memref<1x16x128xf32, #tpu.memory_space<vmem>>, vector<1x16x128xf32>
    %swap3A_52 = vector.shape_cast %swap3A_51 : vector<1x16x128xf32> to vector<16x128xf32>
    %swap3A_53 = vector.shape_cast %reduce_max3A_48 : vector<16x128xf32> to vector<1x16x128xf32>
    tpu.vector_store %arg10[%swap3A, %swap3A_49, %swap3A_50], %swap3A_53 {strides = array<i32>} : memref<1x16x128xf32, #tpu.memory_space<vmem>>, vector<1x16x128xf32>,
    return
  }
  func.func @transform_0(%arg0: i32, %arg1: i32) -> (i32, i32, i32, i32) {
    %c0_i32 = arith.constant 0 : i32
    %c0_i32_0 = arith.constant 0 : i32
    %c0_i32_1 = arith.constant 0 : i32
    return %arg0, %arg1, %c0_i32, %c0_i32_0 : i32, i32, i32, i32
  }
  func.func @transform_1(%arg0: i32, %arg1: i32) -> (i32, i32, i32, i32) {
    %c0_i32 = arith.constant 0 : i32
    %c0_i32_0 = arith.constant 0 : i32
    %c0_i32_1 = arith.constant 0 : i32
    return %arg0, %arg1, %c0_i32, %c0_i32_0 : i32, i32, i32, i32
  }
  func.func @transform_2(%arg0: i32, %arg1: i32) -> (i32, i32) {
    %c0_i32 = arith.constant 0 : i32
    %c0_i32_0 = arith.constant 0 : i32
    %c0_i32_1 = arith.constant 0 : i32
    return %c0_i32, %c0_i32_0 : i32, i32
  }
  func.func @transform_3(%arg0: i32, %arg1: i32) -> (i32, i32) {
    %c0_i32 = arith.constant 0 : i32
    %c0_i32_0 = arith.constant 0 : i32
    %c0_i32_1 = arith.constant 0 : i32
    return %c0_i32, %c0_i32_0 : i32, i32
  }
  func.func @transform_4(%arg0: i32, %arg1: i32) -> (i32, i32) {
    %c0_i32 = arith.constant 0 : i32
    %c0_i32_0 = arith.constant 0 : i32
    %c0_i32_1 = arith.constant 0 : i32
    return %c0_i32, %c0_i32_0 : i32, i32
  }
  func.func @transform_5(%arg0: i32, %arg1: i32) -> (i32, i32) {
    %c0_i32 = arith.constant 0 : i32
    %c0_i32_0 = arith.constant 0 : i32
    %c0_i32_1 = arith.constant 0 : i32
    return %c0_i32, %c0_i32_0 : i32, i32
  }
  func.func @transform_6(%arg0: i32, %arg1: i32) -> (i32, i32) {
    %c0_i32 = arith.constant 0 : i32
    %c0_i32_0 = arith.constant 0 : i32
    %c0_i32_1 = arith.constant 0 : i32
    return %c0_i32, %c0_i32_0 : i32, i32
  }
  func.func @transform_7(%arg0: i32, %arg1: i32) -> (i32, i32) {
    %c0_i32 = arith.constant 0 : i32
    %c0_i32_0 = arith.constant 0 : i32
    %c0_i32_1 = arith.constant 0 : i32
    return %c0_i32, %c0_i32_0 : i32, i32
  }
  func.func @transform_8(%arg0: i32, %arg1: i32) -> (i32, i32, i32) {
    %c0_i32 = arith.constant 0 : i32
    %c0_i32_0 = arith.constant 0 : i32
    return %arg0, %arg1, %c0_i32 : i32, i32, i32
  }
}

module attributes {stable_mosaic.version = 14 : i64} {
  func.func @_fps_body(%arg0: memref<3x8x128xf32, #tpu.memory_space<vmem>>, %arg1: memref<3x8x64xf32, #tpu.memory_space<vmem>>) attributes {dimension_semantics = [], scalar_prefetch = 0 : i64, scratch_operands = 0 : i64, tpu.core_type = #tpu.core_type<tc>} {
    %get3A = arith.constant 0 : index
    %get3A_0 = arith.constant 0 : index
    %get3A_1 = arith.constant 0 : index
    %get3A_2 = vector.load %arg0[%get3A, %get3A_0, %get3A_1] : memref<3x8x128xf32, #tpu.memory_space<vmem>>, vector<1x8x128xf32>
    %get3A_3 = vector.shape_cast %get3A_2 : vector<1x8x128xf32> to vector<8x128xf32>
    %get3A_4 = arith.constant 1 : index
    %get3A_5 = arith.constant 0 : index
    %get3A_6 = arith.constant 0 : index
    %get3A_7 = vector.load %arg0[%get3A_4, %get3A_5, %get3A_6] : memref<3x8x128xf32, #tpu.memory_space<vmem>>, vector<1x8x128xf32>
    %get3A_8 = vector.shape_cast %get3A_7 : vector<1x8x128xf32> to vector<8x128xf32>
    %get3A_9 = arith.constant 2 : index
    %get3A_10 = arith.constant 0 : index
    %get3A_11 = arith.constant 0 : index
    %get3A_12 = vector.load %arg0[%get3A_9, %get3A_10, %get3A_11] : memref<3x8x128xf32, #tpu.memory_space<vmem>>, vector<1x8x128xf32>
    %get3A_13 = vector.shape_cast %get3A_12 : vector<1x8x128xf32> to vector<8x128xf32>
    %iota3A = tpu.iota {dimensions = array<i32: 1>} : vector<8x128xi32>
    %iota3A_14 = tpu.iota {dimensions = array<i32: 1>} : vector<8x128xi32>
    %broadcast_in_dim3A = arith.constant 1.000000e+10 : f32
    %broadcast_in_dim3A_15 = vector.broadcast %broadcast_in_dim3A : f32 to vector<8x128xf32>
    %broadcast_in_dim3A_16 = arith.constant 0 : i32
    %broadcast_in_dim3A_17 = vector.broadcast %broadcast_in_dim3A_16 : i32 to vector<8x1xi32>
    %broadcast_in_dim3A_18 = arith.constant 0.000000e+00 : f32
    %broadcast_in_dim3A_19 = vector.broadcast %broadcast_in_dim3A_18 : f32 to vector<8x128xf32>
    %scan3A = arith.constant 0 : i32
    %scan3A_20 = arith.constant 64 : i32
    %scan3A_21 = arith.addi %scan3A, %scan3A_20 : i32
    %scan3A_22 = arith.constant 1 : i32
    %scan3A_23:5 = scf.for %scan3A_44 = %scan3A to %scan3A_21 step %scan3A_22 iter_args(%scan3A_45 = %broadcast_in_dim3A_15, %scan3A_46 = %broadcast_in_dim3A_17, %scan3A_47 = %broadcast_in_dim3A_19, %scan3A_48 = %broadcast_in_dim3A_19, %scan3A_49 = %broadcast_in_dim3A_19) -> (vector<8x128xf32>, vector<8x1xi32>, vector<8x128xf32>, vector<8x128xf32>, vector<8x128xf32>)  : i32 {
      %eq3A = vector.broadcast %scan3A_46 : vector<8x1xi32> to vector<8x128xi32>
      %eq3A_50 = arith.cmpi eq, %iota3A, %eq3A : vector<8x128xi32>
      %jit3A = arith.constant 0.000000e+00 : f32
      %broadcast_in_dim3A_51 = vector.broadcast %jit3A : f32 to vector<8x128xf32>
      %select_n3A = arith.select %eq3A_50, %get3A_3, %broadcast_in_dim3A_51 : vector<8x128xi1>, vector<8x128xf32>
      %reduce_sum3A = arith.constant dense<0.000000e+00> : vector<8xf32>
      %reduce_sum3A_52 = vector.multi_reduction <add>, %select_n3A, %reduce_sum3A [1] : vector<8x128xf32> to vector<8xf32>
      %broadcast_in_dim3A_53 = vector.shape_cast %reduce_sum3A_52 : vector<8xf32> to vector<8x1xf32>
      %jit3A_54 = arith.constant 0.000000e+00 : f32
      %broadcast_in_dim3A_55 = vector.broadcast %jit3A_54 : f32 to vector<8x128xf32>
      %select_n3A_56 = arith.select %eq3A_50, %get3A_8, %broadcast_in_dim3A_55 : vector<8x128xi1>, vector<8x128xf32>
      %reduce_sum3A_57 = arith.constant dense<0.000000e+00> : vector<8xf32>
      %reduce_sum3A_58 = vector.multi_reduction <add>, %select_n3A_56, %reduce_sum3A_57 [1] : vector<8x128xf32> to vector<8xf32>
      %broadcast_in_dim3A_59 = vector.shape_cast %reduce_sum3A_58 : vector<8xf32> to vector<8x1xf32>
      %jit3A_60 = arith.constant 0.000000e+00 : f32
      %broadcast_in_dim3A_61 = vector.broadcast %jit3A_60 : f32 to vector<8x128xf32>
      %select_n3A_62 = arith.select %eq3A_50, %get3A_13, %broadcast_in_dim3A_61 : vector<8x128xi1>, vector<8x128xf32>
      %reduce_sum3A_63 = arith.constant dense<0.000000e+00> : vector<8xf32>
      %reduce_sum3A_64 = vector.multi_reduction <add>, %select_n3A_62, %reduce_sum3A_63 [1] : vector<8x128xf32> to vector<8xf32>
      %broadcast_in_dim3A_65 = vector.shape_cast %reduce_sum3A_64 : vector<8xf32> to vector<8x1xf32>
      %sub3A = arith.constant 0 : i32
      %sub3A_66 = arith.subi %scan3A_44, %sub3A : i32
      %eq3A_67 = vector.broadcast %sub3A_66 : i32 to vector<8x128xi32>
      %eq3A_68 = arith.cmpi eq, %iota3A_14, %eq3A_67 : vector<8x128xi32>
      %broadcast_in_dim3A_69 = vector.shape_cast %broadcast_in_dim3A_53 : vector<8x1xf32> to vector<8x1xf32>
      %broadcast_in_dim3A_70 = vector.broadcast %broadcast_in_dim3A_69 : vector<8x1xf32> to vector<8x128xf32>
      %select_n3A_71 = arith.select %eq3A_68, %broadcast_in_dim3A_70, %scan3A_47 : vector<8x128xi1>, vector<8x128xf32>
      %broadcast_in_dim3A_72 = vector.shape_cast %broadcast_in_dim3A_59 : vector<8x1xf32> to vector<8x1xf32>
      %broadcast_in_dim3A_73 = vector.broadcast %broadcast_in_dim3A_72 : vector<8x1xf32> to vector<8x128xf32>
      %select_n3A_74 = arith.select %eq3A_68, %broadcast_in_dim3A_73, %scan3A_48 : vector<8x128xi1>, vector<8x128xf32>
      %broadcast_in_dim3A_75 = vector.shape_cast %broadcast_in_dim3A_65 : vector<8x1xf32> to vector<8x1xf32>
      %broadcast_in_dim3A_76 = vector.broadcast %broadcast_in_dim3A_75 : vector<8x1xf32> to vector<8x128xf32>
      %select_n3A_77 = arith.select %eq3A_68, %broadcast_in_dim3A_76, %scan3A_49 : vector<8x128xi1>, vector<8x128xf32>
      %sub3A_78 = vector.broadcast %broadcast_in_dim3A_53 : vector<8x1xf32> to vector<8x128xf32>
      %sub3A_79 = arith.subf %get3A_3, %sub3A_78 : vector<8x128xf32>
      %sub3A_80 = vector.broadcast %broadcast_in_dim3A_59 : vector<8x1xf32> to vector<8x128xf32>
      %sub3A_81 = arith.subf %get3A_8, %sub3A_80 : vector<8x128xf32>
      %sub3A_82 = vector.broadcast %broadcast_in_dim3A_65 : vector<8x1xf32> to vector<8x128xf32>
      %sub3A_83 = arith.subf %get3A_13, %sub3A_82 : vector<8x128xf32>
      %mul3A = arith.mulf %sub3A_79, %sub3A_79 : vector<8x128xf32>
      %mul3A_84 = arith.mulf %sub3A_81, %sub3A_81 : vector<8x128xf32>
      %add3A = arith.addf %mul3A, %mul3A_84 : vector<8x128xf32>
      %mul3A_85 = arith.mulf %sub3A_83, %sub3A_83 : vector<8x128xf32>
      %add3A_86 = arith.addf %add3A, %mul3A_85 : vector<8x128xf32>
      %min3A = arith.minimumf %scan3A_45, %add3A_86 : vector<8x128xf32>
      %reduce_max3A = arith.constant dense<0xFF800000> : vector<8xf32>
      %reduce_max3A_87 = vector.multi_reduction <maximumf>, %min3A, %reduce_max3A [1] : vector<8x128xf32> to vector<8xf32>
      %broadcast_in_dim3A_88 = vector.shape_cast %reduce_max3A_87 : vector<8xf32> to vector<8x1xf32>
      %eq3A_89 = vector.broadcast %broadcast_in_dim3A_88 : vector<8x1xf32> to vector<8x128xf32>
      %eq3A_90 = arith.cmpf oeq, %min3A, %eq3A_89 : vector<8x128xf32>
      %jit3A_91 = arith.constant 128 : i32
      %broadcast_in_dim3A_92 = vector.broadcast %jit3A_91 : i32 to vector<8x128xi32>
      %select_n3A_93 = arith.select %eq3A_90, %iota3A, %broadcast_in_dim3A_92 : vector<8x128xi1>, vector<8x128xi32>
      %reduce_min3A = arith.constant dense<2147483647> : vector<8xi32>
      %reduce_min3A_94 = vector.multi_reduction <minsi>, %select_n3A_93, %reduce_min3A [1] : vector<8x128xi32> to vector<8xi32>
      %broadcast_in_dim3A_95 = vector.shape_cast %reduce_min3A_94 : vector<8xi32> to vector<8x1xi32>
      scf.yield %min3A, %broadcast_in_dim3A_95, %select_n3A_71, %select_n3A_74, %select_n3A_77 : vector<8x128xf32>, vector<8x1xi32>, vector<8x128xf32>, vector<8x128xf32>, vector<8x128xf32>
    }
    %scan3A_24 = arith.constant 64 : i32
    %slice3A = vector.extract_strided_slice %scan3A_23#2 {offsets = [0, 0], sizes = [8, 64], strides = [1, 1]} : vector<8x128xf32> to vector<8x64xf32>
    %swap3A = arith.constant 0 : index
    %swap3A_25 = arith.constant 0 : index
    %swap3A_26 = arith.constant 0 : index
    %swap3A_27 = vector.load %arg1[%swap3A, %swap3A_25, %swap3A_26] : memref<3x8x64xf32, #tpu.memory_space<vmem>>, vector<1x8x64xf32>
    %swap3A_28 = vector.shape_cast %swap3A_27 : vector<1x8x64xf32> to vector<8x64xf32>
    %swap3A_29 = vector.shape_cast %slice3A : vector<8x64xf32> to vector<1x8x64xf32>
    tpu.vector_store %arg1[%swap3A, %swap3A_25, %swap3A_26], %swap3A_29 {strides = array<i32>} : memref<3x8x64xf32, #tpu.memory_space<vmem>>, vector<1x8x64xf32>,
    %slice3A_30 = vector.extract_strided_slice %scan3A_23#3 {offsets = [0, 0], sizes = [8, 64], strides = [1, 1]} : vector<8x128xf32> to vector<8x64xf32>
    %swap3A_31 = arith.constant 1 : index
    %swap3A_32 = arith.constant 0 : index
    %swap3A_33 = arith.constant 0 : index
    %swap3A_34 = vector.load %arg1[%swap3A_31, %swap3A_32, %swap3A_33] : memref<3x8x64xf32, #tpu.memory_space<vmem>>, vector<1x8x64xf32>
    %swap3A_35 = vector.shape_cast %swap3A_34 : vector<1x8x64xf32> to vector<8x64xf32>
    %swap3A_36 = vector.shape_cast %slice3A_30 : vector<8x64xf32> to vector<1x8x64xf32>
    tpu.vector_store %arg1[%swap3A_31, %swap3A_32, %swap3A_33], %swap3A_36 {strides = array<i32>} : memref<3x8x64xf32, #tpu.memory_space<vmem>>, vector<1x8x64xf32>,
    %slice3A_37 = vector.extract_strided_slice %scan3A_23#4 {offsets = [0, 0], sizes = [8, 64], strides = [1, 1]} : vector<8x128xf32> to vector<8x64xf32>
    %swap3A_38 = arith.constant 2 : index
    %swap3A_39 = arith.constant 0 : index
    %swap3A_40 = arith.constant 0 : index
    %swap3A_41 = vector.load %arg1[%swap3A_38, %swap3A_39, %swap3A_40] : memref<3x8x64xf32, #tpu.memory_space<vmem>>, vector<1x8x64xf32>
    %swap3A_42 = vector.shape_cast %swap3A_41 : vector<1x8x64xf32> to vector<8x64xf32>
    %swap3A_43 = vector.shape_cast %slice3A_37 : vector<8x64xf32> to vector<1x8x64xf32>
    tpu.vector_store %arg1[%swap3A_38, %swap3A_39, %swap3A_40], %swap3A_43 {strides = array<i32>} : memref<3x8x64xf32, #tpu.memory_space<vmem>>, vector<1x8x64xf32>,
    return
  }
}

module attributes {stable_mosaic.version = 14 : i64} {
  func.func @_ball_body(%arg0: i32, %arg1: i32, %arg2: memref<1x8x128xf32, #tpu.memory_space<vmem>>, %arg3: memref<1x8x8xf32, #tpu.memory_space<vmem>>, %arg4: memref<1x8x128xi32, #tpu.memory_space<vmem>>) attributes {dimension_semantics = [#tpu.dimension_semantics<arbitrary>, #tpu.dimension_semantics<arbitrary>], iteration_bounds = array<i64: 8, 8>, scalar_prefetch = 0 : i64, scratch_operands = 0 : i64, tpu.core_type = #tpu.core_type<tc>, window_params = [{transform_indices = @transform_0, window_bounds = array<i64: 1, 8, 128>}, {transform_indices = @transform_1, window_bounds = array<i64: 1, 8, 8>}, {transform_indices = @transform_2, window_bounds = array<i64: 1, 8, 128>}]} {
    %get3A = arith.constant 0 : index
    %get3A_0 = arith.constant 0 : index
    %get3A_1 = arith.constant 0 : index
    %get3A_2 = vector.load %arg2[%get3A, %get3A_0, %get3A_1] : memref<1x8x128xf32, #tpu.memory_space<vmem>>, vector<1x1x128xf32>
    %get3A_3 = vector.shape_cast %get3A_2 : vector<1x1x128xf32> to vector<1x128xf32>
    %get3A_4 = arith.constant 0 : index
    %get3A_5 = arith.constant 1 : index
    %get3A_6 = arith.constant 0 : index
    %get3A_7 = vector.load %arg2[%get3A_4, %get3A_5, %get3A_6] : memref<1x8x128xf32, #tpu.memory_space<vmem>>, vector<1x1x128xf32>
    %get3A_8 = vector.shape_cast %get3A_7 : vector<1x1x128xf32> to vector<1x128xf32>
    %get3A_9 = arith.constant 0 : index
    %get3A_10 = arith.constant 2 : index
    %get3A_11 = arith.constant 0 : index
    %get3A_12 = vector.load %arg2[%get3A_9, %get3A_10, %get3A_11] : memref<1x8x128xf32, #tpu.memory_space<vmem>>, vector<1x1x128xf32>
    %get3A_13 = vector.shape_cast %get3A_12 : vector<1x1x128xf32> to vector<1x128xf32>
    %get3A_14 = arith.constant 0 : index
    %get3A_15 = arith.constant 0 : index
    %get3A_16 = arith.constant 0 : index
    %get3A_17 = vector.load %arg3[%get3A_14, %get3A_15, %get3A_16] : memref<1x8x8xf32, #tpu.memory_space<vmem>>, vector<1x8x1xf32>
    %get3A_18 = vector.shape_cast %get3A_17 : vector<1x8x1xf32> to vector<8x1xf32>
    %get3A_19 = arith.constant 0 : index
    %get3A_20 = arith.constant 0 : index
    %get3A_21 = arith.constant 1 : index
    %get3A_22 = vector.load %arg3[%get3A_19, %get3A_20, %get3A_21] : memref<1x8x8xf32, #tpu.memory_space<vmem>>, vector<1x8x1xf32>
    %get3A_23 = vector.shape_cast %get3A_22 : vector<1x8x1xf32> to vector<8x1xf32>
    %get3A_24 = arith.constant 0 : index
    %get3A_25 = arith.constant 0 : index
    %get3A_26 = arith.constant 2 : index
    %get3A_27 = vector.load %arg3[%get3A_24, %get3A_25, %get3A_26] : memref<1x8x8xf32, #tpu.memory_space<vmem>>, vector<1x8x1xf32>
    %get3A_28 = vector.shape_cast %get3A_27 : vector<1x8x1xf32> to vector<8x1xf32>
    %sub3A = vector.broadcast %get3A_3 : vector<1x128xf32> to vector<8x128xf32>
    %sub3A_29 = vector.broadcast %get3A_18 : vector<8x1xf32> to vector<8x128xf32>
    %sub3A_30 = arith.subf %sub3A, %sub3A_29 : vector<8x128xf32>
    %sub3A_31 = vector.broadcast %get3A_8 : vector<1x128xf32> to vector<8x128xf32>
    %sub3A_32 = vector.broadcast %get3A_23 : vector<8x1xf32> to vector<8x128xf32>
    %sub3A_33 = arith.subf %sub3A_31, %sub3A_32 : vector<8x128xf32>
    %sub3A_34 = vector.broadcast %get3A_13 : vector<1x128xf32> to vector<8x128xf32>
    %sub3A_35 = vector.broadcast %get3A_28 : vector<8x1xf32> to vector<8x128xf32>
    %sub3A_36 = arith.subf %sub3A_34, %sub3A_35 : vector<8x128xf32>
    %mul3A = arith.mulf %sub3A_30, %sub3A_30 : vector<8x128xf32>
    %mul3A_37 = arith.mulf %sub3A_33, %sub3A_33 : vector<8x128xf32>
    %add3A = arith.addf %mul3A, %mul3A_37 : vector<8x128xf32>
    %mul3A_38 = arith.mulf %sub3A_36, %sub3A_36 : vector<8x128xf32>
    %add3A_39 = arith.addf %add3A, %mul3A_38 : vector<8x128xf32>
    %iota3A = tpu.iota {dimensions = array<i32: 2>} : vector<1x1x128xi32>
    %convert_element_type3A = arith.sitofp %iota3A : vector<1x1x128xi32> to vector<1x1x128xf32>
    %lt3A = arith.constant 1.600000e-01 : f32
    %lt3A_40 = vector.broadcast %lt3A : f32 to vector<8x128xf32>
    %lt3A_41 = arith.cmpf olt, %add3A_39, %lt3A_40 : vector<8x128xf32>
    %convert_element_type3A_42 = arith.extui %lt3A_41 : vector<8x128xi1> to vector<8x128xi32>
    %lt3A_43 = arith.constant 6.400000e-01 : f32
    %lt3A_44 = vector.broadcast %lt3A_43 : f32 to vector<8x128xf32>
    %lt3A_45 = arith.cmpf olt, %add3A_39, %lt3A_44 : vector<8x128xf32>
    %convert_element_type3A_46 = arith.extui %lt3A_45 : vector<8x128xi1> to vector<8x128xi32>
    %shift_left3A = arith.constant 13 : i32
    %shift_left3A_47 = vector.broadcast %shift_left3A : i32 to vector<8x128xi32>
    %shift_left3A_48 = arith.shli %convert_element_type3A_46, %shift_left3A_47 : vector<8x128xi32>
    %add3A_49 = arith.addi %convert_element_type3A_42, %shift_left3A_48 : vector<8x128xi32>
    %broadcast_in_dim3A = arith.constant 0 : i32
    %broadcast_in_dim3A_50 = vector.broadcast %broadcast_in_dim3A : i32 to vector<8x1xi32>
    %slice3A = vector.extract_strided_slice %add3A_49 {offsets = [0, 0], sizes = [8, 127], strides = [1, 1]} : vector<8x128xi32> to vector<8x127xi32>
    %concatenate3A = tpu.concatenate %broadcast_in_dim3A_50, %slice3A in 1 : vector<8x1xi32>, vector<8x127xi32> -> vector<8x128xi32>
    %add3A_51 = arith.addi %add3A_49, %concatenate3A : vector<8x128xi32>
    %broadcast_in_dim3A_52 = arith.constant 0 : i32
    %broadcast_in_dim3A_53 = vector.broadcast %broadcast_in_dim3A_52 : i32 to vector<8x2xi32>
    %slice3A_54 = vector.extract_strided_slice %add3A_51 {offsets = [0, 0], sizes = [8, 126], strides = [1, 1]} : vector<8x128xi32> to vector<8x126xi32>
    %concatenate3A_55 = tpu.concatenate %broadcast_in_dim3A_53, %slice3A_54 in 1 : vector<8x2xi32>, vector<8x126xi32> -> vector<8x128xi32>
    %add3A_56 = arith.addi %add3A_51, %concatenate3A_55 : vector<8x128xi32>
    %broadcast_in_dim3A_57 = arith.constant 0 : i32
    %broadcast_in_dim3A_58 = vector.broadcast %broadcast_in_dim3A_57 : i32 to vector<8x4xi32>
    %slice3A_59 = vector.extract_strided_slice %add3A_56 {offsets = [0, 0], sizes = [8, 124], strides = [1, 1]} : vector<8x128xi32> to vector<8x124xi32>
    %concatenate3A_60 = tpu.concatenate %broadcast_in_dim3A_58, %slice3A_59 in 1 : vector<8x4xi32>, vector<8x124xi32> -> vector<8x128xi32>
    %add3A_61 = arith.addi %add3A_56, %concatenate3A_60 : vector<8x128xi32>
    %broadcast_in_dim3A_62 = arith.constant 0 : i32
    %broadcast_in_dim3A_63 = vector.broadcast %broadcast_in_dim3A_62 : i32 to vector<8x8xi32>
    %slice3A_64 = vector.extract_strided_slice %add3A_61 {offsets = [0, 0], sizes = [8, 120], strides = [1, 1]} : vector<8x128xi32> to vector<8x120xi32>
    %concatenate3A_65 = tpu.concatenate %broadcast_in_dim3A_63, %slice3A_64 in 1 : vector<8x8xi32>, vector<8x120xi32> -> vector<8x128xi32>
    %add3A_66 = arith.addi %add3A_61, %concatenate3A_65 : vector<8x128xi32>
    %broadcast_in_dim3A_67 = arith.constant 0 : i32
    %broadcast_in_dim3A_68 = vector.broadcast %broadcast_in_dim3A_67 : i32 to vector<8x16xi32>
    %slice3A_69 = vector.extract_strided_slice %add3A_66 {offsets = [0, 0], sizes = [8, 112], strides = [1, 1]} : vector<8x128xi32> to vector<8x112xi32>
    %concatenate3A_70 = tpu.concatenate %broadcast_in_dim3A_68, %slice3A_69 in 1 : vector<8x16xi32>, vector<8x112xi32> -> vector<8x128xi32>
    %add3A_71 = arith.addi %add3A_66, %concatenate3A_70 : vector<8x128xi32>
    %broadcast_in_dim3A_72 = arith.constant 0 : i32
    %broadcast_in_dim3A_73 = vector.broadcast %broadcast_in_dim3A_72 : i32 to vector<8x32xi32>
    %slice3A_74 = vector.extract_strided_slice %add3A_71 {offsets = [0, 0], sizes = [8, 96], strides = [1, 1]} : vector<8x128xi32> to vector<8x96xi32>
    %concatenate3A_75 = tpu.concatenate %broadcast_in_dim3A_73, %slice3A_74 in 1 : vector<8x32xi32>, vector<8x96xi32> -> vector<8x128xi32>
    %add3A_76 = arith.addi %add3A_71, %concatenate3A_75 : vector<8x128xi32>
    %broadcast_in_dim3A_77 = arith.constant 0 : i32
    %broadcast_in_dim3A_78 = vector.broadcast %broadcast_in_dim3A_77 : i32 to vector<8x64xi32>
    %slice3A_79 = vector.extract_strided_slice %add3A_76 {offsets = [0, 0], sizes = [8, 64], strides = [1, 1]} : vector<8x128xi32> to vector<8x64xi32>
    %concatenate3A_80 = tpu.concatenate %broadcast_in_dim3A_78, %slice3A_79 in 1 : vector<8x64xi32>, vector<8x64xi32> -> vector<8x128xi32>
    %add3A_81 = arith.addi %add3A_76, %concatenate3A_80 : vector<8x128xi32>
    %and3A = arith.constant 8191 : i32
    %and3A_82 = vector.broadcast %and3A : i32 to vector<8x128xi32>
    %and3A_83 = arith.andi %add3A_81, %and3A_82 : vector<8x128xi32>
    %shift_right_arithmetic3A = arith.constant 13 : i32
    %shift_right_arithmetic3A_84 = vector.broadcast %shift_right_arithmetic3A : i32 to vector<8x128xi32>
    %shift_right_arithmetic3A_85 = arith.shrsi %add3A_81, %shift_right_arithmetic3A_84 : vector<8x128xi32>
    %eq3A = arith.constant 1 : i32
    %eq3A_86 = vector.broadcast %eq3A : i32 to vector<8x128xi32>
    %eq3A_87 = arith.cmpi eq, %convert_element_type3A_42, %eq3A_86 : vector<8x128xi32>
    %sub3A_88 = arith.subi %and3A_83, %convert_element_type3A_42 : vector<8x128xi32>
    %jit3A = arith.constant -1 : i32
    %broadcast_in_dim3A_89 = vector.broadcast %jit3A : i32 to vector<8x128xi32>
    %select_n3A = arith.select %eq3A_87, %sub3A_88, %broadcast_in_dim3A_89 : vector<8x128xi1>, vector<8x128xi32>
    %eq3A_90 = arith.constant 1 : i32
    %eq3A_91 = vector.broadcast %eq3A_90 : i32 to vector<8x128xi32>
    %eq3A_92 = arith.cmpi eq, %convert_element_type3A_46, %eq3A_91 : vector<8x128xi32>
    %sub3A_93 = arith.subi %shift_right_arithmetic3A_85, %convert_element_type3A_46 : vector<8x128xi32>
    %jit3A_94 = arith.constant -1 : i32
    %broadcast_in_dim3A_95 = vector.broadcast %jit3A_94 : i32 to vector<8x128xi32>
    %select_n3A_96 = arith.select %eq3A_92, %sub3A_93, %broadcast_in_dim3A_95 : vector<8x128xi1>, vector<8x128xi32>
    %slice3A_97 = vector.extract_strided_slice %and3A_83 {offsets = [0, 127], sizes = [8, 1], strides = [1, 1]} : vector<8x128xi32> to vector<8x1xi32>
    %iota3A_98 = tpu.iota {dimensions = array<i32: 1>} : vector<1x16x1xi32>
    %broadcast_in_dim3A_99 = vector.shape_cast %select_n3A : vector<8x128xi32> to vector<8x1x128xi32>
    %eq3A_100 = vector.broadcast %broadcast_in_dim3A_99 : vector<8x1x128xi32> to vector<8x16x128xi32>
    %eq3A_101 = vector.broadcast %iota3A_98 : vector<1x16x1xi32> to vector<8x16x128xi32>
    %eq3A_102 = arith.cmpi eq, %eq3A_100, %eq3A_101 : vector<8x16x128xi32>
    %jit3A_103 = arith.constant 0.000000e+00 : f32
    %broadcast_in_dim3A_104 = vector.shape_cast %convert_element_type3A : vector<1x1x128xf32> to vector<1x1x128xf32>
    %broadcast_in_dim3A_105 = vector.broadcast %broadcast_in_dim3A_104 : vector<1x1x128xf32> to vector<8x16x128xf32>
    %broadcast_in_dim3A_106 = vector.broadcast %jit3A_103 : f32 to vector<8x16x128xf32>
    %select_n3A_107 = arith.select %eq3A_102, %broadcast_in_dim3A_105, %broadcast_in_dim3A_106 : vector<8x16x128xi1>, vector<8x16x128xf32>
    %reduce_sum3A = arith.constant dense<0.000000e+00> : vector<8x16xf32>
    %reduce_sum3A_108 = vector.multi_reduction <add>, %select_n3A_107, %reduce_sum3A [2] : vector<8x16x128xf32> to vector<8x16xf32>
    %gt3A = arith.constant 0 : i32
    %gt3A_109 = vector.broadcast %gt3A : i32 to vector<8x1xi32>
    %gt3A_110 = arith.cmpi sgt, %slice3A_97, %gt3A_109 : vector<8x1xi32>
    %slice3A_111 = vector.extract_strided_slice %reduce_sum3A_108 {offsets = [0, 0], sizes = [8, 1], strides = [1, 1]} : vector<8x16xf32> to vector<8x1xf32>
    %jit3A_112 = arith.constant 1.270000e+02 : f32
    %broadcast_in_dim3A_113 = vector.broadcast %jit3A_112 : f32 to vector<8x1xf32>
    %select_n3A_114 = arith.select %gt3A_110, %slice3A_111, %broadcast_in_dim3A_113 : vector<8x1xi1>, vector<8x1xf32>
    %iota3A_115 = tpu.iota {dimensions = array<i32: 1>} : vector<8x16xi32>
    %lt3A_116 = vector.broadcast %slice3A_97 : vector<8x1xi32> to vector<8x16xi32>
    %lt3A_117 = arith.cmpi slt, %iota3A_115, %lt3A_116 : vector<8x16xi32>
    %broadcast_in_dim3A_118 = vector.shape_cast %select_n3A_114 : vector<8x1xf32> to vector<8x1xf32>
    %broadcast_in_dim3A_119 = vector.broadcast %broadcast_in_dim3A_118 : vector<8x1xf32> to vector<8x16xf32>
    %select_n3A_120 = arith.select %lt3A_117, %reduce_sum3A_108, %broadcast_in_dim3A_119 : vector<8x16xi1>, vector<8x16xf32>
    %slice3A_121 = vector.extract_strided_slice %shift_right_arithmetic3A_85 {offsets = [0, 127], sizes = [8, 1], strides = [1, 1]} : vector<8x128xi32> to vector<8x1xi32>
    %iota3A_122 = tpu.iota {dimensions = array<i32: 1>} : vector<1x32x1xi32>
    %broadcast_in_dim3A_123 = vector.shape_cast %select_n3A_96 : vector<8x128xi32> to vector<8x1x128xi32>
    %eq3A_124 = vector.broadcast %broadcast_in_dim3A_123 : vector<8x1x128xi32> to vector<8x32x128xi32>
    %eq3A_125 = vector.broadcast %iota3A_122 : vector<1x32x1xi32> to vector<8x32x128xi32>
    %eq3A_126 = arith.cmpi eq, %eq3A_124, %eq3A_125 : vector<8x32x128xi32>
    %jit3A_127 = arith.constant 0.000000e+00 : f32
    %broadcast_in_dim3A_128 = vector.shape_cast %convert_element_type3A : vector<1x1x128xf32> to vector<1x1x128xf32>
    %broadcast_in_dim3A_129 = vector.broadcast %broadcast_in_dim3A_128 : vector<1x1x128xf32> to vector<8x32x128xf32>
    %broadcast_in_dim3A_130 = vector.broadcast %jit3A_127 : f32 to vector<8x32x128xf32>
    %select_n3A_131 = arith.select %eq3A_126, %broadcast_in_dim3A_129, %broadcast_in_dim3A_130 : vector<8x32x128xi1>, vector<8x32x128xf32>
    %reduce_sum3A_132 = arith.constant dense<0.000000e+00> : vector<8x32xf32>
    %reduce_sum3A_133 = vector.multi_reduction <add>, %select_n3A_131, %reduce_sum3A_132 [2] : vector<8x32x128xf32> to vector<8x32xf32>
    %gt3A_134 = arith.constant 0 : i32
    %gt3A_135 = vector.broadcast %gt3A_134 : i32 to vector<8x1xi32>
    %gt3A_136 = arith.cmpi sgt, %slice3A_121, %gt3A_135 : vector<8x1xi32>
    %slice3A_137 = vector.extract_strided_slice %reduce_sum3A_133 {offsets = [0, 0], sizes = [8, 1], strides = [1, 1]} : vector<8x32xf32> to vector<8x1xf32>
    %jit3A_138 = arith.constant 1.270000e+02 : f32
    %broadcast_in_dim3A_139 = vector.broadcast %jit3A_138 : f32 to vector<8x1xf32>
    %select_n3A_140 = arith.select %gt3A_136, %slice3A_137, %broadcast_in_dim3A_139 : vector<8x1xi1>, vector<8x1xf32>
    %iota3A_141 = tpu.iota {dimensions = array<i32: 1>} : vector<8x32xi32>
    %lt3A_142 = vector.broadcast %slice3A_121 : vector<8x1xi32> to vector<8x32xi32>
    %lt3A_143 = arith.cmpi slt, %iota3A_141, %lt3A_142 : vector<8x32xi32>
    %broadcast_in_dim3A_144 = vector.shape_cast %select_n3A_140 : vector<8x1xf32> to vector<8x1xf32>
    %broadcast_in_dim3A_145 = vector.broadcast %broadcast_in_dim3A_144 : vector<8x1xf32> to vector<8x32xf32>
    %select_n3A_146 = arith.select %lt3A_143, %reduce_sum3A_133, %broadcast_in_dim3A_145 : vector<8x32xi1>, vector<8x32xf32>
    %broadcast_in_dim3A_147 = arith.constant 0.000000e+00 : f32
    %broadcast_in_dim3A_148 = vector.broadcast %broadcast_in_dim3A_147 : f32 to vector<8x80xf32>
    %concatenate3A_149 = tpu.concatenate %select_n3A_120, %select_n3A_146, %broadcast_in_dim3A_148 in 1 : vector<8x16xf32>, vector<8x32xf32>, vector<8x80xf32> -> vector<8x128xf32>
    %convert_element_type3A_150 = arith.fptosi %concatenate3A_149 : vector<8x128xf32> to vector<8x128xi32>
    %swap3A = arith.constant 0 : index
    %swap3A_151 = arith.constant 0 : index
    %swap3A_152 = arith.constant 0 : index
    %swap3A_153 = vector.load %arg4[%swap3A, %swap3A_151, %swap3A_152] : memref<1x8x128xi32, #tpu.memory_space<vmem>>, vector<1x8x128xi32>
    %swap3A_154 = vector.shape_cast %swap3A_153 : vector<1x8x128xi32> to vector<8x128xi32>
    %swap3A_155 = vector.shape_cast %convert_element_type3A_150 : vector<8x128xi32> to vector<1x8x128xi32>
    tpu.vector_store %arg4[%swap3A, %swap3A_151, %swap3A_152], %swap3A_155 {strides = array<i32>} : memref<1x8x128xi32, #tpu.memory_space<vmem>>, vector<1x8x128xi32>,
    return
  }
  func.func @transform_0(%arg0: i32, %arg1: i32) -> (i32, i32, i32) {
    %c0_i32 = arith.constant 0 : i32
    %c0_i32_0 = arith.constant 0 : i32
    %c0_i32_1 = arith.constant 0 : i32
    return %arg0, %c0_i32, %c0_i32_0 : i32, i32, i32
  }
  func.func @transform_1(%arg0: i32, %arg1: i32) -> (i32, i32, i32) {
    %c0_i32 = arith.constant 0 : i32
    %c0_i32_0 = arith.constant 0 : i32
    return %arg0, %arg1, %c0_i32 : i32, i32, i32
  }
  func.func @transform_2(%arg0: i32, %arg1: i32) -> (i32, i32, i32) {
    %c0_i32 = arith.constant 0 : i32
    %c0_i32_0 = arith.constant 0 : i32
    return %arg0, %arg1, %c0_i32 : i32, i32, i32
  }
}

module attributes {stable_mosaic.version = 14 : i64} {
  func.func @_sa_body(%arg0: i32, %arg1: i32, %arg2: memref<1x1x512x384xf32, #tpu.memory_space<vmem>>, %arg3: memref<1x1x512x8xf32, #tpu.memory_space<vmem>>, %arg4: memref<384x128xf32, #tpu.memory_space<vmem>>, %arg5: memref<1x128xf32, #tpu.memory_space<vmem>>, %arg6: memref<128x256xf32, #tpu.memory_space<vmem>>, %arg7: memref<1x256xf32, #tpu.memory_space<vmem>>, %arg8: memref<256x256xf32, #tpu.memory_space<vmem>>, %arg9: memref<1x256xf32, #tpu.memory_space<vmem>>, %arg10: memref<1x16x256xf32, #tpu.memory_space<vmem>>) attributes {dimension_semantics = [#tpu.dimension_semantics<arbitrary>, #tpu.dimension_semantics<arbitrary>], iteration_bounds = array<i64: 8, 8>, scalar_prefetch = 0 : i64, scratch_operands = 0 : i64, tpu.core_type = #tpu.core_type<tc>, window_params = [{transform_indices = @transform_0, window_bounds = array<i64: 1, 1, 512, 384>}, {transform_indices = @transform_1, window_bounds = array<i64: 1, 1, 512, 8>}, {pipeline_mode = #tpu.pipeline_mode<synchronous>, transform_indices = @transform_2, window_bounds = array<i64: 384, 128>}, {pipeline_mode = #tpu.pipeline_mode<synchronous>, transform_indices = @transform_3, window_bounds = array<i64: 1, 128>}, {pipeline_mode = #tpu.pipeline_mode<synchronous>, transform_indices = @transform_4, window_bounds = array<i64: 128, 256>}, {pipeline_mode = #tpu.pipeline_mode<synchronous>, transform_indices = @transform_5, window_bounds = array<i64: 1, 256>}, {pipeline_mode = #tpu.pipeline_mode<synchronous>, transform_indices = @transform_6, window_bounds = array<i64: 256, 256>}, {pipeline_mode = #tpu.pipeline_mode<synchronous>, transform_indices = @transform_7, window_bounds = array<i64: 1, 256>}, {transform_indices = @transform_8, window_bounds = array<i64: 1, 16, 256>}]} {
    %get3A = arith.constant 0 : index
    %get3A_0 = arith.constant 0 : index
    %get3A_1 = arith.constant 0 : index
    %get3A_2 = arith.constant 0 : index
    %get3A_3 = vector.load %arg2[%get3A, %get3A_0, %get3A_1, %get3A_2] : memref<1x1x512x384xf32, #tpu.memory_space<vmem>>, vector<1x1x512x384xf32>
    %get3A_4 = vector.shape_cast %get3A_3 : vector<1x1x512x384xf32> to vector<512x384xf32>
    %get3A_5 = arith.constant 0 : index
    %get3A_6 = arith.constant 0 : index
    %get3A_7 = arith.constant 0 : index
    %get3A_8 = arith.constant 0 : index
    %get3A_9 = vector.load %arg3[%get3A_5, %get3A_6, %get3A_7, %get3A_8] : memref<1x1x512x8xf32, #tpu.memory_space<vmem>>, vector<1x1x512x8xf32>
    %get3A_10 = vector.shape_cast %get3A_9 : vector<1x1x512x8xf32> to vector<512x8xf32>
    %slice3A = vector.extract_strided_slice %get3A_10 {offsets = [0, 0], sizes = [512, 3], strides = [1, 1]} : vector<512x8xf32> to vector<512x3xf32>
    %broadcast_in_dim3A = arith.constant 0.000000e+00 : f32
    %broadcast_in_dim3A_11 = vector.broadcast %broadcast_in_dim3A : f32 to vector<512x381xf32>
    %concatenate3A = tpu.concatenate %slice3A, %broadcast_in_dim3A_11 in 1 : vector<512x3xf32>, vector<512x381xf32> -> vector<512x384xf32>
    %sub3A = arith.subf %get3A_4, %concatenate3A : vector<512x384xf32>
    %get3A_12 = arith.constant 0 : index
    %get3A_13 = arith.constant 0 : index
    %get3A_14 = vector.load %arg4[%get3A_12, %get3A_13] : memref<384x128xf32, #tpu.memory_space<vmem>>, vector<384x128xf32>
    %get3A_15 = arith.constant 0 : index
    %get3A_16 = arith.constant 0 : index
    %get3A_17 = vector.load %arg5[%get3A_15, %get3A_16] : memref<1x128xf32, #tpu.memory_space<vmem>>, vector<1x128xf32>
    %dot_general3A = arith.constant dense<0.000000e+00> : vector<512x128xf32>
    %dot_general3A_18 = tpu.matmul %sub3A, %get3A_14, %dot_general3A {dimension_numbers = #tpu.dot_dimension_numbers<[1], [0], [0], [1], [0, 0, 1, 1], [], []>, transpose_lhs_hint = false} : vector<512x384xf32>, vector<384x128xf32>, vector<512x128xf32> -> vector<512x128xf32>
    %add3A = vector.broadcast %get3A_17 : vector<1x128xf32> to vector<512x128xf32>
    %add3A_19 = arith.addf %dot_general3A_18, %add3A : vector<512x128xf32>
    %max3A = arith.constant 0.000000e+00 : f32
    %max3A_20 = vector.broadcast %max3A : f32 to vector<512x128xf32>
    %max3A_21 = arith.maximumf %add3A_19, %max3A_20 : vector<512x128xf32>
    %get3A_22 = arith.constant 0 : index
    %get3A_23 = arith.constant 0 : index
    %get3A_24 = vector.load %arg6[%get3A_22, %get3A_23] : memref<128x256xf32, #tpu.memory_space<vmem>>, vector<128x256xf32>
    %get3A_25 = arith.constant 0 : index
    %get3A_26 = arith.constant 0 : index
    %get3A_27 = vector.load %arg7[%get3A_25, %get3A_26] : memref<1x256xf32, #tpu.memory_space<vmem>>, vector<1x256xf32>
    %dot_general3A_28 = arith.constant dense<0.000000e+00> : vector<512x256xf32>
    %dot_general3A_29 = tpu.matmul %max3A_21, %get3A_24, %dot_general3A_28 {dimension_numbers = #tpu.dot_dimension_numbers<[1], [0], [0], [1], [0, 0, 1, 1], [], []>, transpose_lhs_hint = false} : vector<512x128xf32>, vector<128x256xf32>, vector<512x256xf32> -> vector<512x256xf32>
    %add3A_30 = vector.broadcast %get3A_27 : vector<1x256xf32> to vector<512x256xf32>
    %add3A_31 = arith.addf %dot_general3A_29, %add3A_30 : vector<512x256xf32>
    %max3A_32 = arith.constant 0.000000e+00 : f32
    %max3A_33 = vector.broadcast %max3A_32 : f32 to vector<512x256xf32>
    %max3A_34 = arith.maximumf %add3A_31, %max3A_33 : vector<512x256xf32>
    %get3A_35 = arith.constant 0 : index
    %get3A_36 = arith.constant 0 : index
    %get3A_37 = vector.load %arg8[%get3A_35, %get3A_36] : memref<256x256xf32, #tpu.memory_space<vmem>>, vector<256x256xf32>
    %get3A_38 = arith.constant 0 : index
    %get3A_39 = arith.constant 0 : index
    %get3A_40 = vector.load %arg9[%get3A_38, %get3A_39] : memref<1x256xf32, #tpu.memory_space<vmem>>, vector<1x256xf32>
    %dot_general3A_41 = arith.constant dense<0.000000e+00> : vector<512x256xf32>
    %dot_general3A_42 = tpu.matmul %max3A_34, %get3A_37, %dot_general3A_41 {dimension_numbers = #tpu.dot_dimension_numbers<[1], [0], [0], [1], [0, 0, 1, 1], [], []>, transpose_lhs_hint = false} : vector<512x256xf32>, vector<256x256xf32>, vector<512x256xf32> -> vector<512x256xf32>
    %add3A_43 = vector.broadcast %get3A_40 : vector<1x256xf32> to vector<512x256xf32>
    %add3A_44 = arith.addf %dot_general3A_42, %add3A_43 : vector<512x256xf32>
    %max3A_45 = arith.constant 0.000000e+00 : f32
    %max3A_46 = vector.broadcast %max3A_45 : f32 to vector<512x256xf32>
    %max3A_47 = arith.maximumf %add3A_44, %max3A_46 : vector<512x256xf32>
    %reshape3A = vector.shape_cast %max3A_47 : vector<512x256xf32> to vector<16x32x256xf32>
    %reduce_max3A = arith.constant dense<0xFF800000> : vector<16x256xf32>
    %reduce_max3A_48 = vector.multi_reduction <maximumf>, %reshape3A, %reduce_max3A [1] : vector<16x32x256xf32> to vector<16x256xf32>
    %swap3A = arith.constant 0 : index
    %swap3A_49 = arith.constant 0 : index
    %swap3A_50 = arith.constant 0 : index
    %swap3A_51 = vector.load %arg10[%swap3A, %swap3A_49, %swap3A_50] : memref<1x16x256xf32, #tpu.memory_space<vmem>>, vector<1x16x256xf32>
    %swap3A_52 = vector.shape_cast %swap3A_51 : vector<1x16x256xf32> to vector<16x256xf32>
    %swap3A_53 = vector.shape_cast %reduce_max3A_48 : vector<16x256xf32> to vector<1x16x256xf32>
    tpu.vector_store %arg10[%swap3A, %swap3A_49, %swap3A_50], %swap3A_53 {strides = array<i32>} : memref<1x16x256xf32, #tpu.memory_space<vmem>>, vector<1x16x256xf32>,
    return
  }
  func.func @transform_0(%arg0: i32, %arg1: i32) -> (i32, i32, i32, i32) {
    %c0_i32 = arith.constant 0 : i32
    %c0_i32_0 = arith.constant 0 : i32
    %c0_i32_1 = arith.constant 0 : i32
    return %arg0, %arg1, %c0_i32, %c0_i32_0 : i32, i32, i32, i32
  }
  func.func @transform_1(%arg0: i32, %arg1: i32) -> (i32, i32, i32, i32) {
    %c0_i32 = arith.constant 0 : i32
    %c0_i32_0 = arith.constant 0 : i32
    %c0_i32_1 = arith.constant 0 : i32
    return %arg0, %arg1, %c0_i32, %c0_i32_0 : i32, i32, i32, i32
  }
  func.func @transform_2(%arg0: i32, %arg1: i32) -> (i32, i32) {
    %c0_i32 = arith.constant 0 : i32
    %c0_i32_0 = arith.constant 0 : i32
    %c0_i32_1 = arith.constant 0 : i32
    return %c0_i32, %c0_i32_0 : i32, i32
  }
  func.func @transform_3(%arg0: i32, %arg1: i32) -> (i32, i32) {
    %c0_i32 = arith.constant 0 : i32
    %c0_i32_0 = arith.constant 0 : i32
    %c0_i32_1 = arith.constant 0 : i32
    return %c0_i32, %c0_i32_0 : i32, i32
  }
  func.func @transform_4(%arg0: i32, %arg1: i32) -> (i32, i32) {
    %c0_i32 = arith.constant 0 : i32
    %c0_i32_0 = arith.constant 0 : i32
    %c0_i32_1 = arith.constant 0 : i32
    return %c0_i32, %c0_i32_0 : i32, i32
  }
  func.func @transform_5(%arg0: i32, %arg1: i32) -> (i32, i32) {
    %c0_i32 = arith.constant 0 : i32
    %c0_i32_0 = arith.constant 0 : i32
    %c0_i32_1 = arith.constant 0 : i32
    return %c0_i32, %c0_i32_0 : i32, i32
  }
  func.func @transform_6(%arg0: i32, %arg1: i32) -> (i32, i32) {
    %c0_i32 = arith.constant 0 : i32
    %c0_i32_0 = arith.constant 0 : i32
    %c0_i32_1 = arith.constant 0 : i32
    return %c0_i32, %c0_i32_0 : i32, i32
  }
  func.func @transform_7(%arg0: i32, %arg1: i32) -> (i32, i32) {
    %c0_i32 = arith.constant 0 : i32
    %c0_i32_0 = arith.constant 0 : i32
    %c0_i32_1 = arith.constant 0 : i32
    return %c0_i32, %c0_i32_0 : i32, i32
  }
  func.func @transform_8(%arg0: i32, %arg1: i32) -> (i32, i32, i32) {
    %c0_i32 = arith.constant 0 : i32
    %c0_i32_0 = arith.constant 0 : i32
    return %arg0, %arg1, %c0_i32 : i32, i32, i32
  }
}

module attributes {stable_mosaic.version = 14 : i64} {
  func.func @_sa_body(%arg0: i32, %arg1: i32, %arg2: memref<1x1x256x384xf32, #tpu.memory_space<vmem>>, %arg3: memref<1x1x256x8xf32, #tpu.memory_space<vmem>>, %arg4: memref<384x128xf32, #tpu.memory_space<vmem>>, %arg5: memref<1x128xf32, #tpu.memory_space<vmem>>, %arg6: memref<128x256xf32, #tpu.memory_space<vmem>>, %arg7: memref<1x256xf32, #tpu.memory_space<vmem>>, %arg8: memref<256x256xf32, #tpu.memory_space<vmem>>, %arg9: memref<1x256xf32, #tpu.memory_space<vmem>>, %arg10: memref<1x16x256xf32, #tpu.memory_space<vmem>>) attributes {dimension_semantics = [#tpu.dimension_semantics<arbitrary>, #tpu.dimension_semantics<arbitrary>], iteration_bounds = array<i64: 8, 8>, scalar_prefetch = 0 : i64, scratch_operands = 0 : i64, tpu.core_type = #tpu.core_type<tc>, window_params = [{transform_indices = @transform_0, window_bounds = array<i64: 1, 1, 256, 384>}, {transform_indices = @transform_1, window_bounds = array<i64: 1, 1, 256, 8>}, {pipeline_mode = #tpu.pipeline_mode<synchronous>, transform_indices = @transform_2, window_bounds = array<i64: 384, 128>}, {pipeline_mode = #tpu.pipeline_mode<synchronous>, transform_indices = @transform_3, window_bounds = array<i64: 1, 128>}, {pipeline_mode = #tpu.pipeline_mode<synchronous>, transform_indices = @transform_4, window_bounds = array<i64: 128, 256>}, {pipeline_mode = #tpu.pipeline_mode<synchronous>, transform_indices = @transform_5, window_bounds = array<i64: 1, 256>}, {pipeline_mode = #tpu.pipeline_mode<synchronous>, transform_indices = @transform_6, window_bounds = array<i64: 256, 256>}, {pipeline_mode = #tpu.pipeline_mode<synchronous>, transform_indices = @transform_7, window_bounds = array<i64: 1, 256>}, {transform_indices = @transform_8, window_bounds = array<i64: 1, 16, 256>}]} {
    %get3A = arith.constant 0 : index
    %get3A_0 = arith.constant 0 : index
    %get3A_1 = arith.constant 0 : index
    %get3A_2 = arith.constant 0 : index
    %get3A_3 = vector.load %arg2[%get3A, %get3A_0, %get3A_1, %get3A_2] : memref<1x1x256x384xf32, #tpu.memory_space<vmem>>, vector<1x1x256x384xf32>
    %get3A_4 = vector.shape_cast %get3A_3 : vector<1x1x256x384xf32> to vector<256x384xf32>
    %get3A_5 = arith.constant 0 : index
    %get3A_6 = arith.constant 0 : index
    %get3A_7 = arith.constant 0 : index
    %get3A_8 = arith.constant 0 : index
    %get3A_9 = vector.load %arg3[%get3A_5, %get3A_6, %get3A_7, %get3A_8] : memref<1x1x256x8xf32, #tpu.memory_space<vmem>>, vector<1x1x256x8xf32>
    %get3A_10 = vector.shape_cast %get3A_9 : vector<1x1x256x8xf32> to vector<256x8xf32>
    %slice3A = vector.extract_strided_slice %get3A_10 {offsets = [0, 0], sizes = [256, 3], strides = [1, 1]} : vector<256x8xf32> to vector<256x3xf32>
    %broadcast_in_dim3A = arith.constant 0.000000e+00 : f32
    %broadcast_in_dim3A_11 = vector.broadcast %broadcast_in_dim3A : f32 to vector<256x381xf32>
    %concatenate3A = tpu.concatenate %slice3A, %broadcast_in_dim3A_11 in 1 : vector<256x3xf32>, vector<256x381xf32> -> vector<256x384xf32>
    %sub3A = arith.subf %get3A_4, %concatenate3A : vector<256x384xf32>
    %get3A_12 = arith.constant 0 : index
    %get3A_13 = arith.constant 0 : index
    %get3A_14 = vector.load %arg4[%get3A_12, %get3A_13] : memref<384x128xf32, #tpu.memory_space<vmem>>, vector<384x128xf32>
    %get3A_15 = arith.constant 0 : index
    %get3A_16 = arith.constant 0 : index
    %get3A_17 = vector.load %arg5[%get3A_15, %get3A_16] : memref<1x128xf32, #tpu.memory_space<vmem>>, vector<1x128xf32>
    %dot_general3A = arith.constant dense<0.000000e+00> : vector<256x128xf32>
    %dot_general3A_18 = tpu.matmul %sub3A, %get3A_14, %dot_general3A {dimension_numbers = #tpu.dot_dimension_numbers<[1], [0], [0], [1], [0, 0, 1, 1], [], []>, transpose_lhs_hint = false} : vector<256x384xf32>, vector<384x128xf32>, vector<256x128xf32> -> vector<256x128xf32>
    %add3A = vector.broadcast %get3A_17 : vector<1x128xf32> to vector<256x128xf32>
    %add3A_19 = arith.addf %dot_general3A_18, %add3A : vector<256x128xf32>
    %max3A = arith.constant 0.000000e+00 : f32
    %max3A_20 = vector.broadcast %max3A : f32 to vector<256x128xf32>
    %max3A_21 = arith.maximumf %add3A_19, %max3A_20 : vector<256x128xf32>
    %get3A_22 = arith.constant 0 : index
    %get3A_23 = arith.constant 0 : index
    %get3A_24 = vector.load %arg6[%get3A_22, %get3A_23] : memref<128x256xf32, #tpu.memory_space<vmem>>, vector<128x256xf32>
    %get3A_25 = arith.constant 0 : index
    %get3A_26 = arith.constant 0 : index
    %get3A_27 = vector.load %arg7[%get3A_25, %get3A_26] : memref<1x256xf32, #tpu.memory_space<vmem>>, vector<1x256xf32>
    %dot_general3A_28 = arith.constant dense<0.000000e+00> : vector<256x256xf32>
    %dot_general3A_29 = tpu.matmul %max3A_21, %get3A_24, %dot_general3A_28 {dimension_numbers = #tpu.dot_dimension_numbers<[1], [0], [0], [1], [0, 0, 1, 1], [], []>, transpose_lhs_hint = false} : vector<256x128xf32>, vector<128x256xf32>, vector<256x256xf32> -> vector<256x256xf32>
    %add3A_30 = vector.broadcast %get3A_27 : vector<1x256xf32> to vector<256x256xf32>
    %add3A_31 = arith.addf %dot_general3A_29, %add3A_30 : vector<256x256xf32>
    %max3A_32 = arith.constant 0.000000e+00 : f32
    %max3A_33 = vector.broadcast %max3A_32 : f32 to vector<256x256xf32>
    %max3A_34 = arith.maximumf %add3A_31, %max3A_33 : vector<256x256xf32>
    %get3A_35 = arith.constant 0 : index
    %get3A_36 = arith.constant 0 : index
    %get3A_37 = vector.load %arg8[%get3A_35, %get3A_36] : memref<256x256xf32, #tpu.memory_space<vmem>>, vector<256x256xf32>
    %get3A_38 = arith.constant 0 : index
    %get3A_39 = arith.constant 0 : index
    %get3A_40 = vector.load %arg9[%get3A_38, %get3A_39] : memref<1x256xf32, #tpu.memory_space<vmem>>, vector<1x256xf32>
    %dot_general3A_41 = arith.constant dense<0.000000e+00> : vector<256x256xf32>
    %dot_general3A_42 = tpu.matmul %max3A_34, %get3A_37, %dot_general3A_41 {dimension_numbers = #tpu.dot_dimension_numbers<[1], [0], [0], [1], [0, 0, 1, 1], [], []>, transpose_lhs_hint = false} : vector<256x256xf32>, vector<256x256xf32>, vector<256x256xf32> -> vector<256x256xf32>
    %add3A_43 = vector.broadcast %get3A_40 : vector<1x256xf32> to vector<256x256xf32>
    %add3A_44 = arith.addf %dot_general3A_42, %add3A_43 : vector<256x256xf32>
    %max3A_45 = arith.constant 0.000000e+00 : f32
    %max3A_46 = vector.broadcast %max3A_45 : f32 to vector<256x256xf32>
    %max3A_47 = arith.maximumf %add3A_44, %max3A_46 : vector<256x256xf32>
    %reshape3A = vector.shape_cast %max3A_47 : vector<256x256xf32> to vector<16x16x256xf32>
    %reduce_max3A = arith.constant dense<0xFF800000> : vector<16x256xf32>
    %reduce_max3A_48 = vector.multi_reduction <maximumf>, %reshape3A, %reduce_max3A [1] : vector<16x16x256xf32> to vector<16x256xf32>
    %swap3A = arith.constant 0 : index
    %swap3A_49 = arith.constant 0 : index
    %swap3A_50 = arith.constant 0 : index
    %swap3A_51 = vector.load %arg10[%swap3A, %swap3A_49, %swap3A_50] : memref<1x16x256xf32, #tpu.memory_space<vmem>>, vector<1x16x256xf32>
    %swap3A_52 = vector.shape_cast %swap3A_51 : vector<1x16x256xf32> to vector<16x256xf32>
    %swap3A_53 = vector.shape_cast %reduce_max3A_48 : vector<16x256xf32> to vector<1x16x256xf32>
    tpu.vector_store %arg10[%swap3A, %swap3A_49, %swap3A_50], %swap3A_53 {strides = array<i32>} : memref<1x16x256xf32, #tpu.memory_space<vmem>>, vector<1x16x256xf32>,
    return
  }
  func.func @transform_0(%arg0: i32, %arg1: i32) -> (i32, i32, i32, i32) {
    %c0_i32 = arith.constant 0 : i32
    %c0_i32_0 = arith.constant 0 : i32
    %c0_i32_1 = arith.constant 0 : i32
    return %arg0, %arg1, %c0_i32, %c0_i32_0 : i32, i32, i32, i32
  }
  func.func @transform_1(%arg0: i32, %arg1: i32) -> (i32, i32, i32, i32) {
    %c0_i32 = arith.constant 0 : i32
    %c0_i32_0 = arith.constant 0 : i32
    %c0_i32_1 = arith.constant 0 : i32
    return %arg0, %arg1, %c0_i32, %c0_i32_0 : i32, i32, i32, i32
  }
  func.func @transform_2(%arg0: i32, %arg1: i32) -> (i32, i32) {
    %c0_i32 = arith.constant 0 : i32
    %c0_i32_0 = arith.constant 0 : i32
    %c0_i32_1 = arith.constant 0 : i32
    return %c0_i32, %c0_i32_0 : i32, i32
  }
  func.func @transform_3(%arg0: i32, %arg1: i32) -> (i32, i32) {
    %c0_i32 = arith.constant 0 : i32
    %c0_i32_0 = arith.constant 0 : i32
    %c0_i32_1 = arith.constant 0 : i32
    return %c0_i32, %c0_i32_0 : i32, i32
  }
  func.func @transform_4(%arg0: i32, %arg1: i32) -> (i32, i32) {
    %c0_i32 = arith.constant 0 : i32
    %c0_i32_0 = arith.constant 0 : i32
    %c0_i32_1 = arith.constant 0 : i32
    return %c0_i32, %c0_i32_0 : i32, i32
  }
  func.func @transform_5(%arg0: i32, %arg1: i32) -> (i32, i32) {
    %c0_i32 = arith.constant 0 : i32
    %c0_i32_0 = arith.constant 0 : i32
    %c0_i32_1 = arith.constant 0 : i32
    return %c0_i32, %c0_i32_0 : i32, i32
  }
  func.func @transform_6(%arg0: i32, %arg1: i32) -> (i32, i32) {
    %c0_i32 = arith.constant 0 : i32
    %c0_i32_0 = arith.constant 0 : i32
    %c0_i32_1 = arith.constant 0 : i32
    return %c0_i32, %c0_i32_0 : i32, i32
  }
  func.func @transform_7(%arg0: i32, %arg1: i32) -> (i32, i32) {
    %c0_i32 = arith.constant 0 : i32
    %c0_i32_0 = arith.constant 0 : i32
    %c0_i32_1 = arith.constant 0 : i32
    return %c0_i32, %c0_i32_0 : i32, i32
  }
  func.func @transform_8(%arg0: i32, %arg1: i32) -> (i32, i32, i32) {
    %c0_i32 = arith.constant 0 : i32
    %c0_i32_0 = arith.constant 0 : i32
    return %arg0, %arg1, %c0_i32 : i32, i32, i32
  }
}

module attributes {stable_mosaic.version = 14 : i64} {
  func.func @_sa_body(%arg0: i32, %arg1: i32, %arg2: memref<1x1x512x640xf32, #tpu.memory_space<vmem>>, %arg3: memref<1x1x512x8xf32, #tpu.memory_space<vmem>>, %arg4: memref<640x256xf32, #tpu.memory_space<vmem>>, %arg5: memref<1x256xf32, #tpu.memory_space<vmem>>, %arg6: memref<256x384xf32, #tpu.memory_space<vmem>>, %arg7: memref<1x384xf32, #tpu.memory_space<vmem>>, %arg8: memref<384x512xf32, #tpu.memory_space<vmem>>, %arg9: memref<1x512xf32, #tpu.memory_space<vmem>>, %arg10: memref<1x16x512xf32, #tpu.memory_space<vmem>>) attributes {dimension_semantics = [#tpu.dimension_semantics<arbitrary>, #tpu.dimension_semantics<arbitrary>], iteration_bounds = array<i64: 8, 4>, scalar_prefetch = 0 : i64, scratch_operands = 0 : i64, tpu.core_type = #tpu.core_type<tc>, window_params = [{transform_indices = @transform_0, window_bounds = array<i64: 1, 1, 512, 640>}, {transform_indices = @transform_1, window_bounds = array<i64: 1, 1, 512, 8>}, {pipeline_mode = #tpu.pipeline_mode<synchronous>, transform_indices = @transform_2, window_bounds = array<i64: 640, 256>}, {pipeline_mode = #tpu.pipeline_mode<synchronous>, transform_indices = @transform_3, window_bounds = array<i64: 1, 256>}, {pipeline_mode = #tpu.pipeline_mode<synchronous>, transform_indices = @transform_4, window_bounds = array<i64: 256, 384>}, {pipeline_mode = #tpu.pipeline_mode<synchronous>, transform_indices = @transform_5, window_bounds = array<i64: 1, 384>}, {pipeline_mode = #tpu.pipeline_mode<synchronous>, transform_indices = @transform_6, window_bounds = array<i64: 384, 512>}, {pipeline_mode = #tpu.pipeline_mode<synchronous>, transform_indices = @transform_7, window_bounds = array<i64: 1, 512>}, {transform_indices = @transform_8, window_bounds = array<i64: 1, 16, 512>}]} {
    %get3A = arith.constant 0 : index
    %get3A_0 = arith.constant 0 : index
    %get3A_1 = arith.constant 0 : index
    %get3A_2 = arith.constant 0 : index
    %get3A_3 = vector.load %arg2[%get3A, %get3A_0, %get3A_1, %get3A_2] : memref<1x1x512x640xf32, #tpu.memory_space<vmem>>, vector<1x1x512x640xf32>
    %get3A_4 = vector.shape_cast %get3A_3 : vector<1x1x512x640xf32> to vector<512x640xf32>
    %get3A_5 = arith.constant 0 : index
    %get3A_6 = arith.constant 0 : index
    %get3A_7 = arith.constant 0 : index
    %get3A_8 = arith.constant 0 : index
    %get3A_9 = vector.load %arg3[%get3A_5, %get3A_6, %get3A_7, %get3A_8] : memref<1x1x512x8xf32, #tpu.memory_space<vmem>>, vector<1x1x512x8xf32>
    %get3A_10 = vector.shape_cast %get3A_9 : vector<1x1x512x8xf32> to vector<512x8xf32>
    %slice3A = vector.extract_strided_slice %get3A_10 {offsets = [0, 0], sizes = [512, 3], strides = [1, 1]} : vector<512x8xf32> to vector<512x3xf32>
    %broadcast_in_dim3A = arith.constant 0.000000e+00 : f32
    %broadcast_in_dim3A_11 = vector.broadcast %broadcast_in_dim3A : f32 to vector<512x637xf32>
    %concatenate3A = tpu.concatenate %slice3A, %broadcast_in_dim3A_11 in 1 : vector<512x3xf32>, vector<512x637xf32> -> vector<512x640xf32>
    %sub3A = arith.subf %get3A_4, %concatenate3A : vector<512x640xf32>
    %get3A_12 = arith.constant 0 : index
    %get3A_13 = arith.constant 0 : index
    %get3A_14 = vector.load %arg4[%get3A_12, %get3A_13] : memref<640x256xf32, #tpu.memory_space<vmem>>, vector<640x256xf32>
    %get3A_15 = arith.constant 0 : index
    %get3A_16 = arith.constant 0 : index
    %get3A_17 = vector.load %arg5[%get3A_15, %get3A_16] : memref<1x256xf32, #tpu.memory_space<vmem>>, vector<1x256xf32>
    %dot_general3A = arith.constant dense<0.000000e+00> : vector<512x256xf32>
    %dot_general3A_18 = tpu.matmul %sub3A, %get3A_14, %dot_general3A {dimension_numbers = #tpu.dot_dimension_numbers<[1], [0], [0], [1], [0, 0, 1, 1], [], []>, transpose_lhs_hint = false} : vector<512x640xf32>, vector<640x256xf32>, vector<512x256xf32> -> vector<512x256xf32>
    %add3A = vector.broadcast %get3A_17 : vector<1x256xf32> to vector<512x256xf32>
    %add3A_19 = arith.addf %dot_general3A_18, %add3A : vector<512x256xf32>
    %max3A = arith.constant 0.000000e+00 : f32
    %max3A_20 = vector.broadcast %max3A : f32 to vector<512x256xf32>
    %max3A_21 = arith.maximumf %add3A_19, %max3A_20 : vector<512x256xf32>
    %get3A_22 = arith.constant 0 : index
    %get3A_23 = arith.constant 0 : index
    %get3A_24 = vector.load %arg6[%get3A_22, %get3A_23] : memref<256x384xf32, #tpu.memory_space<vmem>>, vector<256x384xf32>
    %get3A_25 = arith.constant 0 : index
    %get3A_26 = arith.constant 0 : index
    %get3A_27 = vector.load %arg7[%get3A_25, %get3A_26] : memref<1x384xf32, #tpu.memory_space<vmem>>, vector<1x384xf32>
    %dot_general3A_28 = arith.constant dense<0.000000e+00> : vector<512x384xf32>
    %dot_general3A_29 = tpu.matmul %max3A_21, %get3A_24, %dot_general3A_28 {dimension_numbers = #tpu.dot_dimension_numbers<[1], [0], [0], [1], [0, 0, 1, 1], [], []>, transpose_lhs_hint = false} : vector<512x256xf32>, vector<256x384xf32>, vector<512x384xf32> -> vector<512x384xf32>
    %add3A_30 = vector.broadcast %get3A_27 : vector<1x384xf32> to vector<512x384xf32>
    %add3A_31 = arith.addf %dot_general3A_29, %add3A_30 : vector<512x384xf32>
    %max3A_32 = arith.constant 0.000000e+00 : f32
    %max3A_33 = vector.broadcast %max3A_32 : f32 to vector<512x384xf32>
    %max3A_34 = arith.maximumf %add3A_31, %max3A_33 : vector<512x384xf32>
    %get3A_35 = arith.constant 0 : index
    %get3A_36 = arith.constant 0 : index
    %get3A_37 = vector.load %arg8[%get3A_35, %get3A_36] : memref<384x512xf32, #tpu.memory_space<vmem>>, vector<384x512xf32>
    %get3A_38 = arith.constant 0 : index
    %get3A_39 = arith.constant 0 : index
    %get3A_40 = vector.load %arg9[%get3A_38, %get3A_39] : memref<1x512xf32, #tpu.memory_space<vmem>>, vector<1x512xf32>
    %dot_general3A_41 = arith.constant dense<0.000000e+00> : vector<512x512xf32>
    %dot_general3A_42 = tpu.matmul %max3A_34, %get3A_37, %dot_general3A_41 {dimension_numbers = #tpu.dot_dimension_numbers<[1], [0], [0], [1], [0, 0, 1, 1], [], []>, transpose_lhs_hint = false} : vector<512x384xf32>, vector<384x512xf32>, vector<512x512xf32> -> vector<512x512xf32>
    %add3A_43 = vector.broadcast %get3A_40 : vector<1x512xf32> to vector<512x512xf32>
    %add3A_44 = arith.addf %dot_general3A_42, %add3A_43 : vector<512x512xf32>
    %max3A_45 = arith.constant 0.000000e+00 : f32
    %max3A_46 = vector.broadcast %max3A_45 : f32 to vector<512x512xf32>
    %max3A_47 = arith.maximumf %add3A_44, %max3A_46 : vector<512x512xf32>
    %reshape3A = vector.shape_cast %max3A_47 : vector<512x512xf32> to vector<16x32x512xf32>
    %reduce_max3A = arith.constant dense<0xFF800000> : vector<16x512xf32>
    %reduce_max3A_48 = vector.multi_reduction <maximumf>, %reshape3A, %reduce_max3A [1] : vector<16x32x512xf32> to vector<16x512xf32>
    %swap3A = arith.constant 0 : index
    %swap3A_49 = arith.constant 0 : index
    %swap3A_50 = arith.constant 0 : index
    %swap3A_51 = vector.load %arg10[%swap3A, %swap3A_49, %swap3A_50] : memref<1x16x512xf32, #tpu.memory_space<vmem>>, vector<1x16x512xf32>
    %swap3A_52 = vector.shape_cast %swap3A_51 : vector<1x16x512xf32> to vector<16x512xf32>
    %swap3A_53 = vector.shape_cast %reduce_max3A_48 : vector<16x512xf32> to vector<1x16x512xf32>
    tpu.vector_store %arg10[%swap3A, %swap3A_49, %swap3A_50], %swap3A_53 {strides = array<i32>} : memref<1x16x512xf32, #tpu.memory_space<vmem>>, vector<1x16x512xf32>,
    return
  }
  func.func @transform_0(%arg0: i32, %arg1: i32) -> (i32, i32, i32, i32) {
    %c0_i32 = arith.constant 0 : i32
    %c0_i32_0 = arith.constant 0 : i32
    %c0_i32_1 = arith.constant 0 : i32
    return %arg0, %arg1, %c0_i32, %c0_i32_0 : i32, i32, i32, i32
  }
  func.func @transform_1(%arg0: i32, %arg1: i32) -> (i32, i32, i32, i32) {
    %c0_i32 = arith.constant 0 : i32
    %c0_i32_0 = arith.constant 0 : i32
    %c0_i32_1 = arith.constant 0 : i32
    return %arg0, %arg1, %c0_i32, %c0_i32_0 : i32, i32, i32, i32
  }
  func.func @transform_2(%arg0: i32, %arg1: i32) -> (i32, i32) {
    %c0_i32 = arith.constant 0 : i32
    %c0_i32_0 = arith.constant 0 : i32
    %c0_i32_1 = arith.constant 0 : i32
    return %c0_i32, %c0_i32_0 : i32, i32
  }
  func.func @transform_3(%arg0: i32, %arg1: i32) -> (i32, i32) {
    %c0_i32 = arith.constant 0 : i32
    %c0_i32_0 = arith.constant 0 : i32
    %c0_i32_1 = arith.constant 0 : i32
    return %c0_i32, %c0_i32_0 : i32, i32
  }
  func.func @transform_4(%arg0: i32, %arg1: i32) -> (i32, i32) {
    %c0_i32 = arith.constant 0 : i32
    %c0_i32_0 = arith.constant 0 : i32
    %c0_i32_1 = arith.constant 0 : i32
    return %c0_i32, %c0_i32_0 : i32, i32
  }
  func.func @transform_5(%arg0: i32, %arg1: i32) -> (i32, i32) {
    %c0_i32 = arith.constant 0 : i32
    %c0_i32_0 = arith.constant 0 : i32
    %c0_i32_1 = arith.constant 0 : i32
    return %c0_i32, %c0_i32_0 : i32, i32
  }
  func.func @transform_6(%arg0: i32, %arg1: i32) -> (i32, i32) {
    %c0_i32 = arith.constant 0 : i32
    %c0_i32_0 = arith.constant 0 : i32
    %c0_i32_1 = arith.constant 0 : i32
    return %c0_i32, %c0_i32_0 : i32, i32
  }
  func.func @transform_7(%arg0: i32, %arg1: i32) -> (i32, i32) {
    %c0_i32 = arith.constant 0 : i32
    %c0_i32_0 = arith.constant 0 : i32
    %c0_i32_1 = arith.constant 0 : i32
    return %c0_i32, %c0_i32_0 : i32, i32
  }
  func.func @transform_8(%arg0: i32, %arg1: i32) -> (i32, i32, i32) {
    %c0_i32 = arith.constant 0 : i32
    %c0_i32_0 = arith.constant 0 : i32
    return %arg0, %arg1, %c0_i32 : i32, i32, i32
  }
}

module attributes {stable_mosaic.version = 14 : i64} {
  func.func @_sa_body(%arg0: i32, %arg1: i32, %arg2: memref<1x1x256x640xf32, #tpu.memory_space<vmem>>, %arg3: memref<1x1x256x8xf32, #tpu.memory_space<vmem>>, %arg4: memref<640x256xf32, #tpu.memory_space<vmem>>, %arg5: memref<1x256xf32, #tpu.memory_space<vmem>>, %arg6: memref<256x256xf32, #tpu.memory_space<vmem>>, %arg7: memref<1x256xf32, #tpu.memory_space<vmem>>, %arg8: memref<256x512xf32, #tpu.memory_space<vmem>>, %arg9: memref<1x512xf32, #tpu.memory_space<vmem>>, %arg10: memref<1x16x512xf32, #tpu.memory_space<vmem>>) attributes {dimension_semantics = [#tpu.dimension_semantics<arbitrary>, #tpu.dimension_semantics<arbitrary>], iteration_bounds = array<i64: 8, 4>, scalar_prefetch = 0 : i64, scratch_operands = 0 : i64, tpu.core_type = #tpu.core_type<tc>, window_params = [{transform_indices = @transform_0, window_bounds = array<i64: 1, 1, 256, 640>}, {transform_indices = @transform_1, window_bounds = array<i64: 1, 1, 256, 8>}, {pipeline_mode = #tpu.pipeline_mode<synchronous>, transform_indices = @transform_2, window_bounds = array<i64: 640, 256>}, {pipeline_mode = #tpu.pipeline_mode<synchronous>, transform_indices = @transform_3, window_bounds = array<i64: 1, 256>}, {pipeline_mode = #tpu.pipeline_mode<synchronous>, transform_indices = @transform_4, window_bounds = array<i64: 256, 256>}, {pipeline_mode = #tpu.pipeline_mode<synchronous>, transform_indices = @transform_5, window_bounds = array<i64: 1, 256>}, {pipeline_mode = #tpu.pipeline_mode<synchronous>, transform_indices = @transform_6, window_bounds = array<i64: 256, 512>}, {pipeline_mode = #tpu.pipeline_mode<synchronous>, transform_indices = @transform_7, window_bounds = array<i64: 1, 512>}, {transform_indices = @transform_8, window_bounds = array<i64: 1, 16, 512>}]} {
    %get3A = arith.constant 0 : index
    %get3A_0 = arith.constant 0 : index
    %get3A_1 = arith.constant 0 : index
    %get3A_2 = arith.constant 0 : index
    %get3A_3 = vector.load %arg2[%get3A, %get3A_0, %get3A_1, %get3A_2] : memref<1x1x256x640xf32, #tpu.memory_space<vmem>>, vector<1x1x256x640xf32>
    %get3A_4 = vector.shape_cast %get3A_3 : vector<1x1x256x640xf32> to vector<256x640xf32>
    %get3A_5 = arith.constant 0 : index
    %get3A_6 = arith.constant 0 : index
    %get3A_7 = arith.constant 0 : index
    %get3A_8 = arith.constant 0 : index
    %get3A_9 = vector.load %arg3[%get3A_5, %get3A_6, %get3A_7, %get3A_8] : memref<1x1x256x8xf32, #tpu.memory_space<vmem>>, vector<1x1x256x8xf32>
    %get3A_10 = vector.shape_cast %get3A_9 : vector<1x1x256x8xf32> to vector<256x8xf32>
    %slice3A = vector.extract_strided_slice %get3A_10 {offsets = [0, 0], sizes = [256, 3], strides = [1, 1]} : vector<256x8xf32> to vector<256x3xf32>
    %broadcast_in_dim3A = arith.constant 0.000000e+00 : f32
    %broadcast_in_dim3A_11 = vector.broadcast %broadcast_in_dim3A : f32 to vector<256x637xf32>
    %concatenate3A = tpu.concatenate %slice3A, %broadcast_in_dim3A_11 in 1 : vector<256x3xf32>, vector<256x637xf32> -> vector<256x640xf32>
    %sub3A = arith.subf %get3A_4, %concatenate3A : vector<256x640xf32>
    %get3A_12 = arith.constant 0 : index
    %get3A_13 = arith.constant 0 : index
    %get3A_14 = vector.load %arg4[%get3A_12, %get3A_13] : memref<640x256xf32, #tpu.memory_space<vmem>>, vector<640x256xf32>
    %get3A_15 = arith.constant 0 : index
    %get3A_16 = arith.constant 0 : index
    %get3A_17 = vector.load %arg5[%get3A_15, %get3A_16] : memref<1x256xf32, #tpu.memory_space<vmem>>, vector<1x256xf32>
    %dot_general3A = arith.constant dense<0.000000e+00> : vector<256x256xf32>
    %dot_general3A_18 = tpu.matmul %sub3A, %get3A_14, %dot_general3A {dimension_numbers = #tpu.dot_dimension_numbers<[1], [0], [0], [1], [0, 0, 1, 1], [], []>, transpose_lhs_hint = false} : vector<256x640xf32>, vector<640x256xf32>, vector<256x256xf32> -> vector<256x256xf32>
    %add3A = vector.broadcast %get3A_17 : vector<1x256xf32> to vector<256x256xf32>
    %add3A_19 = arith.addf %dot_general3A_18, %add3A : vector<256x256xf32>
    %max3A = arith.constant 0.000000e+00 : f32
    %max3A_20 = vector.broadcast %max3A : f32 to vector<256x256xf32>
    %max3A_21 = arith.maximumf %add3A_19, %max3A_20 : vector<256x256xf32>
    %get3A_22 = arith.constant 0 : index
    %get3A_23 = arith.constant 0 : index
    %get3A_24 = vector.load %arg6[%get3A_22, %get3A_23] : memref<256x256xf32, #tpu.memory_space<vmem>>, vector<256x256xf32>
    %get3A_25 = arith.constant 0 : index
    %get3A_26 = arith.constant 0 : index
    %get3A_27 = vector.load %arg7[%get3A_25, %get3A_26] : memref<1x256xf32, #tpu.memory_space<vmem>>, vector<1x256xf32>
    %dot_general3A_28 = arith.constant dense<0.000000e+00> : vector<256x256xf32>
    %dot_general3A_29 = tpu.matmul %max3A_21, %get3A_24, %dot_general3A_28 {dimension_numbers = #tpu.dot_dimension_numbers<[1], [0], [0], [1], [0, 0, 1, 1], [], []>, transpose_lhs_hint = false} : vector<256x256xf32>, vector<256x256xf32>, vector<256x256xf32> -> vector<256x256xf32>
    %add3A_30 = vector.broadcast %get3A_27 : vector<1x256xf32> to vector<256x256xf32>
    %add3A_31 = arith.addf %dot_general3A_29, %add3A_30 : vector<256x256xf32>
    %max3A_32 = arith.constant 0.000000e+00 : f32
    %max3A_33 = vector.broadcast %max3A_32 : f32 to vector<256x256xf32>
    %max3A_34 = arith.maximumf %add3A_31, %max3A_33 : vector<256x256xf32>
    %get3A_35 = arith.constant 0 : index
    %get3A_36 = arith.constant 0 : index
    %get3A_37 = vector.load %arg8[%get3A_35, %get3A_36] : memref<256x512xf32, #tpu.memory_space<vmem>>, vector<256x512xf32>
    %get3A_38 = arith.constant 0 : index
    %get3A_39 = arith.constant 0 : index
    %get3A_40 = vector.load %arg9[%get3A_38, %get3A_39] : memref<1x512xf32, #tpu.memory_space<vmem>>, vector<1x512xf32>
    %dot_general3A_41 = arith.constant dense<0.000000e+00> : vector<256x512xf32>
    %dot_general3A_42 = tpu.matmul %max3A_34, %get3A_37, %dot_general3A_41 {dimension_numbers = #tpu.dot_dimension_numbers<[1], [0], [0], [1], [0, 0, 1, 1], [], []>, transpose_lhs_hint = false} : vector<256x256xf32>, vector<256x512xf32>, vector<256x512xf32> -> vector<256x512xf32>
    %add3A_43 = vector.broadcast %get3A_40 : vector<1x512xf32> to vector<256x512xf32>
    %add3A_44 = arith.addf %dot_general3A_42, %add3A_43 : vector<256x512xf32>
    %max3A_45 = arith.constant 0.000000e+00 : f32
    %max3A_46 = vector.broadcast %max3A_45 : f32 to vector<256x512xf32>
    %max3A_47 = arith.maximumf %add3A_44, %max3A_46 : vector<256x512xf32>
    %reshape3A = vector.shape_cast %max3A_47 : vector<256x512xf32> to vector<16x16x512xf32>
    %reduce_max3A = arith.constant dense<0xFF800000> : vector<16x512xf32>
    %reduce_max3A_48 = vector.multi_reduction <maximumf>, %reshape3A, %reduce_max3A [1] : vector<16x16x512xf32> to vector<16x512xf32>
    %swap3A = arith.constant 0 : index
    %swap3A_49 = arith.constant 0 : index
    %swap3A_50 = arith.constant 0 : index
    %swap3A_51 = vector.load %arg10[%swap3A, %swap3A_49, %swap3A_50] : memref<1x16x512xf32, #tpu.memory_space<vmem>>, vector<1x16x512xf32>
    %swap3A_52 = vector.shape_cast %swap3A_51 : vector<1x16x512xf32> to vector<16x512xf32>
    %swap3A_53 = vector.shape_cast %reduce_max3A_48 : vector<16x512xf32> to vector<1x16x512xf32>
    tpu.vector_store %arg10[%swap3A, %swap3A_49, %swap3A_50], %swap3A_53 {strides = array<i32>} : memref<1x16x512xf32, #tpu.memory_space<vmem>>, vector<1x16x512xf32>,
    return
  }
  func.func @transform_0(%arg0: i32, %arg1: i32) -> (i32, i32, i32, i32) {
    %c0_i32 = arith.constant 0 : i32
    %c0_i32_0 = arith.constant 0 : i32
    %c0_i32_1 = arith.constant 0 : i32
    return %arg0, %arg1, %c0_i32, %c0_i32_0 : i32, i32, i32, i32
  }
  func.func @transform_1(%arg0: i32, %arg1: i32) -> (i32, i32, i32, i32) {
    %c0_i32 = arith.constant 0 : i32
    %c0_i32_0 = arith.constant 0 : i32
    %c0_i32_1 = arith.constant 0 : i32
    return %arg0, %arg1, %c0_i32, %c0_i32_0 : i32, i32, i32, i32
  }
  func.func @transform_2(%arg0: i32, %arg1: i32) -> (i32, i32) {
    %c0_i32 = arith.constant 0 : i32
    %c0_i32_0 = arith.constant 0 : i32
    %c0_i32_1 = arith.constant 0 : i32
    return %c0_i32, %c0_i32_0 : i32, i32
  }
  func.func @transform_3(%arg0: i32, %arg1: i32) -> (i32, i32) {
    %c0_i32 = arith.constant 0 : i32
    %c0_i32_0 = arith.constant 0 : i32
    %c0_i32_1 = arith.constant 0 : i32
    return %c0_i32, %c0_i32_0 : i32, i32
  }
  func.func @transform_4(%arg0: i32, %arg1: i32) -> (i32, i32) {
    %c0_i32 = arith.constant 0 : i32
    %c0_i32_0 = arith.constant 0 : i32
    %c0_i32_1 = arith.constant 0 : i32
    return %c0_i32, %c0_i32_0 : i32, i32
  }
  func.func @transform_5(%arg0: i32, %arg1: i32) -> (i32, i32) {
    %c0_i32 = arith.constant 0 : i32
    %c0_i32_0 = arith.constant 0 : i32
    %c0_i32_1 = arith.constant 0 : i32
    return %c0_i32, %c0_i32_0 : i32, i32
  }
  func.func @transform_6(%arg0: i32, %arg1: i32) -> (i32, i32) {
    %c0_i32 = arith.constant 0 : i32
    %c0_i32_0 = arith.constant 0 : i32
    %c0_i32_1 = arith.constant 0 : i32
    return %c0_i32, %c0_i32_0 : i32, i32
  }
  func.func @transform_7(%arg0: i32, %arg1: i32) -> (i32, i32) {
    %c0_i32 = arith.constant 0 : i32
    %c0_i32_0 = arith.constant 0 : i32
    %c0_i32_1 = arith.constant 0 : i32
    return %c0_i32, %c0_i32_0 : i32, i32
  }
  func.func @transform_8(%arg0: i32, %arg1: i32) -> (i32, i32, i32) {
    %c0_i32 = arith.constant 0 : i32
    %c0_i32_0 = arith.constant 0 : i32
    return %arg0, %arg1, %c0_i32 : i32, i32, i32
  }
}

module attributes {stable_mosaic.version = 14 : i64} {
  func.func @_fp_body(%arg0: i32, %arg1: i32, %arg2: memref<1x8x128xf32, #tpu.memory_space<vmem>>, %arg3: memref<1x128x8xf32, #tpu.memory_space<vmem>>, %arg4: memref<1x1024x128xf32, #tpu.memory_space<vmem>>, %arg5: memref<1x1024x128xf32, #tpu.memory_space<vmem>>) attributes {dimension_semantics = [#tpu.dimension_semantics<arbitrary>, #tpu.dimension_semantics<arbitrary>], iteration_bounds = array<i64: 8, 1>, scalar_prefetch = 0 : i64, scratch_operands = 0 : i64, tpu.core_type = #tpu.core_type<tc>, window_params = [{transform_indices = @transform_0, window_bounds = array<i64: 1, 8, 128>}, {transform_indices = @transform_1, window_bounds = array<i64: 1, 128, 8>}, {transform_indices = @transform_2, window_bounds = array<i64: 1, 1024, 128>}, {transform_indices = @transform_3, window_bounds = array<i64: 1, 1024, 128>}]} {
    %get3A = arith.constant 0 : index
    %get3A_0 = arith.constant 0 : index
    %get3A_1 = arith.constant 0 : index
    %get3A_2 = vector.load %arg2[%get3A, %get3A_0, %get3A_1] : memref<1x8x128xf32, #tpu.memory_space<vmem>>, vector<1x1x128xf32>
    %get3A_3 = vector.shape_cast %get3A_2 : vector<1x1x128xf32> to vector<1x128xf32>
    %get3A_4 = arith.constant 0 : index
    %get3A_5 = arith.constant 1 : index
    %get3A_6 = arith.constant 0 : index
    %get3A_7 = vector.load %arg2[%get3A_4, %get3A_5, %get3A_6] : memref<1x8x128xf32, #tpu.memory_space<vmem>>, vector<1x1x128xf32>
    %get3A_8 = vector.shape_cast %get3A_7 : vector<1x1x128xf32> to vector<1x128xf32>
    %get3A_9 = arith.constant 0 : index
    %get3A_10 = arith.constant 2 : index
    %get3A_11 = arith.constant 0 : index
    %get3A_12 = vector.load %arg2[%get3A_9, %get3A_10, %get3A_11] : memref<1x8x128xf32, #tpu.memory_space<vmem>>, vector<1x1x128xf32>
    %get3A_13 = vector.shape_cast %get3A_12 : vector<1x1x128xf32> to vector<1x128xf32>
    %get3A_14 = arith.constant 0 : index
    %get3A_15 = arith.constant 0 : index
    %get3A_16 = arith.constant 0 : index
    %get3A_17 = vector.load %arg3[%get3A_14, %get3A_15, %get3A_16] : memref<1x128x8xf32, #tpu.memory_space<vmem>>, vector<1x128x1xf32>
    %get3A_18 = vector.shape_cast %get3A_17 : vector<1x128x1xf32> to vector<128x1xf32>
    %get3A_19 = arith.constant 0 : index
    %get3A_20 = arith.constant 0 : index
    %get3A_21 = arith.constant 1 : index
    %get3A_22 = vector.load %arg3[%get3A_19, %get3A_20, %get3A_21] : memref<1x128x8xf32, #tpu.memory_space<vmem>>, vector<1x128x1xf32>
    %get3A_23 = vector.shape_cast %get3A_22 : vector<1x128x1xf32> to vector<128x1xf32>
    %get3A_24 = arith.constant 0 : index
    %get3A_25 = arith.constant 0 : index
    %get3A_26 = arith.constant 2 : index
    %get3A_27 = vector.load %arg3[%get3A_24, %get3A_25, %get3A_26] : memref<1x128x8xf32, #tpu.memory_space<vmem>>, vector<1x128x1xf32>
    %get3A_28 = vector.shape_cast %get3A_27 : vector<1x128x1xf32> to vector<128x1xf32>
    %sub3A = vector.broadcast %get3A_18 : vector<128x1xf32> to vector<128x128xf32>
    %sub3A_29 = vector.broadcast %get3A_3 : vector<1x128xf32> to vector<128x128xf32>
    %sub3A_30 = arith.subf %sub3A, %sub3A_29 : vector<128x128xf32>
    %sub3A_31 = vector.broadcast %get3A_23 : vector<128x1xf32> to vector<128x128xf32>
    %sub3A_32 = vector.broadcast %get3A_8 : vector<1x128xf32> to vector<128x128xf32>
    %sub3A_33 = arith.subf %sub3A_31, %sub3A_32 : vector<128x128xf32>
    %sub3A_34 = vector.broadcast %get3A_28 : vector<128x1xf32> to vector<128x128xf32>
    %sub3A_35 = vector.broadcast %get3A_13 : vector<1x128xf32> to vector<128x128xf32>
    %sub3A_36 = arith.subf %sub3A_34, %sub3A_35 : vector<128x128xf32>
    %mul3A = arith.mulf %sub3A_30, %sub3A_30 : vector<128x128xf32>
    %mul3A_37 = arith.mulf %sub3A_33, %sub3A_33 : vector<128x128xf32>
    %add3A = arith.addf %mul3A, %mul3A_37 : vector<128x128xf32>
    %mul3A_38 = arith.mulf %sub3A_36, %sub3A_36 : vector<128x128xf32>
    %add3A_39 = arith.addf %add3A, %mul3A_38 : vector<128x128xf32>
    %iota3A = tpu.iota {dimensions = array<i32: 0>} : vector<128x128xi32>
    %reduce_min3A = arith.constant dense<0x7F800000> : vector<128xf32>
    %reduce_min3A_40 = vector.multi_reduction <minimumf>, %add3A_39, %reduce_min3A [0] : vector<128x128xf32> to vector<128xf32>
    %broadcast_in_dim3A = vector.shape_cast %reduce_min3A_40 : vector<128xf32> to vector<1x128xf32>
    %eq3A = vector.broadcast %broadcast_in_dim3A : vector<1x128xf32> to vector<128x128xf32>
    %eq3A_41 = arith.cmpf oeq, %add3A_39, %eq3A : vector<128x128xf32>
    %jit3A = arith.constant 128 : i32
    %broadcast_in_dim3A_42 = vector.broadcast %jit3A : i32 to vector<128x128xi32>
    %select_n3A = arith.select %eq3A_41, %iota3A, %broadcast_in_dim3A_42 : vector<128x128xi1>, vector<128x128xi32>
    %reduce_min3A_43 = arith.constant dense<2147483647> : vector<128xi32>
    %reduce_min3A_44 = vector.multi_reduction <minsi>, %select_n3A, %reduce_min3A_43 [0] : vector<128x128xi32> to vector<128xi32>
    %broadcast_in_dim3A_45 = vector.shape_cast %reduce_min3A_44 : vector<128xi32> to vector<1x128xi32>
    %eq3A_46 = vector.broadcast %broadcast_in_dim3A_45 : vector<1x128xi32> to vector<128x128xi32>
    %eq3A_47 = arith.cmpi eq, %iota3A, %eq3A_46 : vector<128x128xi32>
    %jit3A_48 = arith.constant 1.000000e+30 : f32
    %broadcast_in_dim3A_49 = vector.broadcast %jit3A_48 : f32 to vector<128x128xf32>
    %select_n3A_50 = arith.select %eq3A_47, %broadcast_in_dim3A_49, %add3A_39 : vector<128x128xi1>, vector<128x128xf32>
    %reduce_min3A_51 = arith.constant dense<0x7F800000> : vector<128xf32>
    %reduce_min3A_52 = vector.multi_reduction <minimumf>, %select_n3A_50, %reduce_min3A_51 [0] : vector<128x128xf32> to vector<128xf32>
    %broadcast_in_dim3A_53 = vector.shape_cast %reduce_min3A_52 : vector<128xf32> to vector<1x128xf32>
    %eq3A_54 = vector.broadcast %broadcast_in_dim3A_53 : vector<1x128xf32> to vector<128x128xf32>
    %eq3A_55 = arith.cmpf oeq, %select_n3A_50, %eq3A_54 : vector<128x128xf32>
    %jit3A_56 = arith.constant 128 : i32
    %broadcast_in_dim3A_57 = vector.broadcast %jit3A_56 : i32 to vector<128x128xi32>
    %select_n3A_58 = arith.select %eq3A_55, %iota3A, %broadcast_in_dim3A_57 : vector<128x128xi1>, vector<128x128xi32>
    %reduce_min3A_59 = arith.constant dense<2147483647> : vector<128xi32>
    %reduce_min3A_60 = vector.multi_reduction <minsi>, %select_n3A_58, %reduce_min3A_59 [0] : vector<128x128xi32> to vector<128xi32>
    %broadcast_in_dim3A_61 = vector.shape_cast %reduce_min3A_60 : vector<128xi32> to vector<1x128xi32>
    %eq3A_62 = vector.broadcast %broadcast_in_dim3A_61 : vector<1x128xi32> to vector<128x128xi32>
    %eq3A_63 = arith.cmpi eq, %iota3A, %eq3A_62 : vector<128x128xi32>
    %jit3A_64 = arith.constant 1.000000e+30 : f32
    %broadcast_in_dim3A_65 = vector.broadcast %jit3A_64 : f32 to vector<128x128xf32>
    %select_n3A_66 = arith.select %eq3A_63, %broadcast_in_dim3A_65, %select_n3A_50 : vector<128x128xi1>, vector<128x128xf32>
    %reduce_min3A_67 = arith.constant dense<0x7F800000> : vector<128xf32>
    %reduce_min3A_68 = vector.multi_reduction <minimumf>, %select_n3A_66, %reduce_min3A_67 [0] : vector<128x128xf32> to vector<128xf32>
    %broadcast_in_dim3A_69 = vector.shape_cast %reduce_min3A_68 : vector<128xf32> to vector<1x128xf32>
    %eq3A_70 = vector.broadcast %broadcast_in_dim3A_69 : vector<1x128xf32> to vector<128x128xf32>
    %eq3A_71 = arith.cmpf oeq, %select_n3A_66, %eq3A_70 : vector<128x128xf32>
    %jit3A_72 = arith.constant 128 : i32
    %broadcast_in_dim3A_73 = vector.broadcast %jit3A_72 : i32 to vector<128x128xi32>
    %select_n3A_74 = arith.select %eq3A_71, %iota3A, %broadcast_in_dim3A_73 : vector<128x128xi1>, vector<128x128xi32>
    %reduce_min3A_75 = arith.constant dense<2147483647> : vector<128xi32>
    %reduce_min3A_76 = vector.multi_reduction <minsi>, %select_n3A_74, %reduce_min3A_75 [0] : vector<128x128xi32> to vector<128xi32>
    %broadcast_in_dim3A_77 = vector.shape_cast %reduce_min3A_76 : vector<128xi32> to vector<1x128xi32>
    %add3A_78 = arith.constant 9.99999993E-9 : f32
    %add3A_79 = vector.broadcast %add3A_78 : f32 to vector<1x128xf32>
    %add3A_80 = arith.addf %broadcast_in_dim3A, %add3A_79 : vector<1x128xf32>
    %div3A = arith.constant 1.000000e+00 : f32
    %div3A_81 = vector.broadcast %div3A : f32 to vector<1x128xf32>
    %div3A_82 = arith.divf %div3A_81, %add3A_80 : vector<1x128xf32>
    %add3A_83 = arith.constant 9.99999993E-9 : f32
    %add3A_84 = vector.broadcast %add3A_83 : f32 to vector<1x128xf32>
    %add3A_85 = arith.addf %broadcast_in_dim3A_53, %add3A_84 : vector<1x128xf32>
    %div3A_86 = arith.constant 1.000000e+00 : f32
    %div3A_87 = vector.broadcast %div3A_86 : f32 to vector<1x128xf32>
    %div3A_88 = arith.divf %div3A_87, %add3A_85 : vector<1x128xf32>
    %add3A_89 = arith.constant 9.99999993E-9 : f32
    %add3A_90 = vector.broadcast %add3A_89 : f32 to vector<1x128xf32>
    %add3A_91 = arith.addf %broadcast_in_dim3A_69, %add3A_90 : vector<1x128xf32>
    %div3A_92 = arith.constant 1.000000e+00 : f32
    %div3A_93 = vector.broadcast %div3A_92 : f32 to vector<1x128xf32>
    %div3A_94 = arith.divf %div3A_93, %add3A_91 : vector<1x128xf32>
    %add3A_95 = arith.addf %div3A_82, %div3A_88 : vector<1x128xf32>
    %add3A_96 = arith.addf %add3A_95, %div3A_94 : vector<1x128xf32>
    %div3A_97 = arith.divf %div3A_82, %add3A_96 : vector<1x128xf32>
    %div3A_98 = arith.divf %div3A_88, %add3A_96 : vector<1x128xf32>
    %div3A_99 = arith.divf %div3A_94, %add3A_96 : vector<1x128xf32>
    %broadcast_in_dim3A_100 = arith.constant 0.000000e+00 : f32
    %broadcast_in_dim3A_101 = vector.broadcast %broadcast_in_dim3A_100 : f32 to vector<128x128xf32>
    %eq3A_102 = vector.broadcast %broadcast_in_dim3A_45 : vector<1x128xi32> to vector<128x128xi32>
    %eq3A_103 = arith.cmpi eq, %iota3A, %eq3A_102 : vector<128x128xi32>
    %jit3A_104 = arith.constant 0.000000e+00 : f32
    %broadcast_in_dim3A_105 = vector.shape_cast %div3A_97 : vector<1x128xf32> to vector<1x128xf32>
    %broadcast_in_dim3A_106 = vector.broadcast %broadcast_in_dim3A_105 : vector<1x128xf32> to vector<128x128xf32>
    %broadcast_in_dim3A_107 = vector.broadcast %jit3A_104 : f32 to vector<128x128xf32>
    %select_n3A_108 = arith.select %eq3A_103, %broadcast_in_dim3A_106, %broadcast_in_dim3A_107 : vector<128x128xi1>, vector<128x128xf32>
    %add3A_109 = arith.addf %broadcast_in_dim3A_101, %select_n3A_108 : vector<128x128xf32>
    %eq3A_110 = vector.broadcast %broadcast_in_dim3A_61 : vector<1x128xi32> to vector<128x128xi32>
    %eq3A_111 = arith.cmpi eq, %iota3A, %eq3A_110 : vector<128x128xi32>
    %jit3A_112 = arith.constant 0.000000e+00 : f32
    %broadcast_in_dim3A_113 = vector.shape_cast %div3A_98 : vector<1x128xf32> to vector<1x128xf32>
    %broadcast_in_dim3A_114 = vector.broadcast %broadcast_in_dim3A_113 : vector<1x128xf32> to vector<128x128xf32>
    %broadcast_in_dim3A_115 = vector.broadcast %jit3A_112 : f32 to vector<128x128xf32>
    %select_n3A_116 = arith.select %eq3A_111, %broadcast_in_dim3A_114, %broadcast_in_dim3A_115 : vector<128x128xi1>, vector<128x128xf32>
    %add3A_117 = arith.addf %add3A_109, %select_n3A_116 : vector<128x128xf32>
    %eq3A_118 = vector.broadcast %broadcast_in_dim3A_77 : vector<1x128xi32> to vector<128x128xi32>
    %eq3A_119 = arith.cmpi eq, %iota3A, %eq3A_118 : vector<128x128xi32>
    %jit3A_120 = arith.constant 0.000000e+00 : f32
    %broadcast_in_dim3A_121 = vector.shape_cast %div3A_99 : vector<1x128xf32> to vector<1x128xf32>
    %broadcast_in_dim3A_122 = vector.broadcast %broadcast_in_dim3A_121 : vector<1x128xf32> to vector<128x128xf32>
    %broadcast_in_dim3A_123 = vector.broadcast %jit3A_120 : f32 to vector<128x128xf32>
    %select_n3A_124 = arith.select %eq3A_119, %broadcast_in_dim3A_122, %broadcast_in_dim3A_123 : vector<128x128xi1>, vector<128x128xf32>
    %add3A_125 = arith.addf %add3A_117, %select_n3A_124 : vector<128x128xf32>
    %get3A_126 = arith.constant 0 : index
    %get3A_127 = arith.constant 0 : index
    %get3A_128 = arith.constant 0 : index
    %get3A_129 = vector.load %arg4[%get3A_126, %get3A_127, %get3A_128] : memref<1x1024x128xf32, #tpu.memory_space<vmem>>, vector<1x1024x128xf32>
    %get3A_130 = vector.shape_cast %get3A_129 : vector<1x1024x128xf32> to vector<1024x128xf32>
    %dot_general3A = arith.constant dense<0.000000e+00> : vector<1024x128xf32>
    %dot_general3A_131 = tpu.matmul %get3A_130, %add3A_125, %dot_general3A {dimension_numbers = #tpu.dot_dimension_numbers<[1], [0], [0], [1], [0, 0, 1, 1], [], []>, transpose_lhs_hint = false} : vector<1024x128xf32>, vector<128x128xf32>, vector<1024x128xf32> -> vector<1024x128xf32>
    %swap3A = arith.constant 0 : index
    %swap3A_132 = arith.constant 0 : index
    %swap3A_133 = arith.constant 0 : index
    %swap3A_134 = vector.load %arg5[%swap3A, %swap3A_132, %swap3A_133] : memref<1x1024x128xf32, #tpu.memory_space<vmem>>, vector<1x1024x128xf32>
    %swap3A_135 = vector.shape_cast %swap3A_134 : vector<1x1024x128xf32> to vector<1024x128xf32>
    %swap3A_136 = vector.shape_cast %dot_general3A_131 : vector<1024x128xf32> to vector<1x1024x128xf32>
    tpu.vector_store %arg5[%swap3A, %swap3A_132, %swap3A_133], %swap3A_136 {strides = array<i32>} : memref<1x1024x128xf32, #tpu.memory_space<vmem>>, vector<1x1024x128xf32>,
    return
  }
  func.func @transform_0(%arg0: i32, %arg1: i32) -> (i32, i32, i32) {
    %c0_i32 = arith.constant 0 : i32
    %c0_i32_0 = arith.constant 0 : i32
    return %arg0, %c0_i32, %arg1 : i32, i32, i32
  }
  func.func @transform_1(%arg0: i32, %arg1: i32) -> (i32, i32, i32) {
    %c0_i32 = arith.constant 0 : i32
    %c0_i32_0 = arith.constant 0 : i32
    %c0_i32_1 = arith.constant 0 : i32
    return %arg0, %c0_i32, %c0_i32_0 : i32, i32, i32
  }
  func.func @transform_2(%arg0: i32, %arg1: i32) -> (i32, i32, i32) {
    %c0_i32 = arith.constant 0 : i32
    %c0_i32_0 = arith.constant 0 : i32
    %c0_i32_1 = arith.constant 0 : i32
    return %arg0, %c0_i32, %c0_i32_0 : i32, i32, i32
  }
  func.func @transform_3(%arg0: i32, %arg1: i32) -> (i32, i32, i32) {
    %c0_i32 = arith.constant 0 : i32
    %c0_i32_0 = arith.constant 0 : i32
    return %arg0, %c0_i32, %arg1 : i32, i32, i32
  }
}

module attributes {stable_mosaic.version = 14 : i64} {
  func.func @_chain_body(%arg0: i32, %arg1: i32, %arg2: memref<1x1536x128xf32, #tpu.memory_space<vmem>>, %arg3: memref<512x1536xf32, #tpu.memory_space<vmem>>, %arg4: memref<512x1xf32, #tpu.memory_space<vmem>>, %arg5: memref<512x512xf32, #tpu.memory_space<vmem>>, %arg6: memref<512x1xf32, #tpu.memory_space<vmem>>, %arg7: memref<1x512x128xf32, #tpu.memory_space<vmem>>) attributes {dimension_semantics = [#tpu.dimension_semantics<arbitrary>, #tpu.dimension_semantics<arbitrary>], iteration_bounds = array<i64: 8, 1>, scalar_prefetch = 0 : i64, scratch_operands = 0 : i64, tpu.core_type = #tpu.core_type<tc>, window_params = [{transform_indices = @transform_0, window_bounds = array<i64: 1, 1536, 128>}, {pipeline_mode = #tpu.pipeline_mode<synchronous>, transform_indices = @transform_1, window_bounds = array<i64: 512, 1536>}, {pipeline_mode = #tpu.pipeline_mode<synchronous>, transform_indices = @transform_2, window_bounds = array<i64: 512, 1>}, {pipeline_mode = #tpu.pipeline_mode<synchronous>, transform_indices = @transform_3, window_bounds = array<i64: 512, 512>}, {pipeline_mode = #tpu.pipeline_mode<synchronous>, transform_indices = @transform_4, window_bounds = array<i64: 512, 1>}, {transform_indices = @transform_5, window_bounds = array<i64: 1, 512, 128>}]} {
    %get3A = arith.constant 0 : index
    %get3A_0 = arith.constant 0 : index
    %get3A_1 = arith.constant 0 : index
    %get3A_2 = vector.load %arg2[%get3A, %get3A_0, %get3A_1] : memref<1x1536x128xf32, #tpu.memory_space<vmem>>, vector<1x1536x128xf32>
    %get3A_3 = vector.shape_cast %get3A_2 : vector<1x1536x128xf32> to vector<1536x128xf32>
    %get3A_4 = arith.constant 0 : index
    %get3A_5 = arith.constant 0 : index
    %get3A_6 = vector.load %arg3[%get3A_4, %get3A_5] : memref<512x1536xf32, #tpu.memory_space<vmem>>, vector<512x1536xf32>
    %get3A_7 = arith.constant 0 : index
    %get3A_8 = arith.constant 0 : index
    %get3A_9 = vector.load %arg4[%get3A_7, %get3A_8] : memref<512x1xf32, #tpu.memory_space<vmem>>, vector<512x1xf32>
    %dot_general3A = arith.constant dense<0.000000e+00> : vector<512x128xf32>
    %dot_general3A_10 = tpu.matmul %get3A_6, %get3A_3, %dot_general3A {dimension_numbers = #tpu.dot_dimension_numbers<[1], [0], [0], [1], [0, 0, 1, 1], [], []>, transpose_lhs_hint = false} : vector<512x1536xf32>, vector<1536x128xf32>, vector<512x128xf32> -> vector<512x128xf32>
    %add3A = vector.broadcast %get3A_9 : vector<512x1xf32> to vector<512x128xf32>
    %add3A_11 = arith.addf %dot_general3A_10, %add3A : vector<512x128xf32>
    %max3A = arith.constant 0.000000e+00 : f32
    %max3A_12 = vector.broadcast %max3A : f32 to vector<512x128xf32>
    %max3A_13 = arith.maximumf %add3A_11, %max3A_12 : vector<512x128xf32>
    %get3A_14 = arith.constant 0 : index
    %get3A_15 = arith.constant 0 : index
    %get3A_16 = vector.load %arg5[%get3A_14, %get3A_15] : memref<512x512xf32, #tpu.memory_space<vmem>>, vector<512x512xf32>
    %get3A_17 = arith.constant 0 : index
    %get3A_18 = arith.constant 0 : index
    %get3A_19 = vector.load %arg6[%get3A_17, %get3A_18] : memref<512x1xf32, #tpu.memory_space<vmem>>, vector<512x1xf32>
    %dot_general3A_20 = arith.constant dense<0.000000e+00> : vector<512x128xf32>
    %dot_general3A_21 = tpu.matmul %get3A_16, %max3A_13, %dot_general3A_20 {dimension_numbers = #tpu.dot_dimension_numbers<[1], [0], [0], [1], [0, 0, 1, 1], [], []>, transpose_lhs_hint = false} : vector<512x512xf32>, vector<512x128xf32>, vector<512x128xf32> -> vector<512x128xf32>
    %add3A_22 = vector.broadcast %get3A_19 : vector<512x1xf32> to vector<512x128xf32>
    %add3A_23 = arith.addf %dot_general3A_21, %add3A_22 : vector<512x128xf32>
    %max3A_24 = arith.constant 0.000000e+00 : f32
    %max3A_25 = vector.broadcast %max3A_24 : f32 to vector<512x128xf32>
    %max3A_26 = arith.maximumf %add3A_23, %max3A_25 : vector<512x128xf32>
    %swap3A = arith.constant 0 : index
    %swap3A_27 = arith.constant 0 : index
    %swap3A_28 = arith.constant 0 : index
    %swap3A_29 = vector.load %arg7[%swap3A, %swap3A_27, %swap3A_28] : memref<1x512x128xf32, #tpu.memory_space<vmem>>, vector<1x512x128xf32>
    %swap3A_30 = vector.shape_cast %swap3A_29 : vector<1x512x128xf32> to vector<512x128xf32>
    %swap3A_31 = vector.shape_cast %max3A_26 : vector<512x128xf32> to vector<1x512x128xf32>
    tpu.vector_store %arg7[%swap3A, %swap3A_27, %swap3A_28], %swap3A_31 {strides = array<i32>} : memref<1x512x128xf32, #tpu.memory_space<vmem>>, vector<1x512x128xf32>,
    return
  }
  func.func @transform_0(%arg0: i32, %arg1: i32) -> (i32, i32, i32) {
    %c0_i32 = arith.constant 0 : i32
    %c0_i32_0 = arith.constant 0 : i32
    return %arg0, %c0_i32, %arg1 : i32, i32, i32
  }
  func.func @transform_1(%arg0: i32, %arg1: i32) -> (i32, i32) {
    %c0_i32 = arith.constant 0 : i32
    %c0_i32_0 = arith.constant 0 : i32
    %c0_i32_1 = arith.constant 0 : i32
    return %c0_i32, %c0_i32_0 : i32, i32
  }
  func.func @transform_2(%arg0: i32, %arg1: i32) -> (i32, i32) {
    %c0_i32 = arith.constant 0 : i32
    %c0_i32_0 = arith.constant 0 : i32
    %c0_i32_1 = arith.constant 0 : i32
    return %c0_i32, %c0_i32_0 : i32, i32
  }
  func.func @transform_3(%arg0: i32, %arg1: i32) -> (i32, i32) {
    %c0_i32 = arith.constant 0 : i32
    %c0_i32_0 = arith.constant 0 : i32
    %c0_i32_1 = arith.constant 0 : i32
    return %c0_i32, %c0_i32_0 : i32, i32
  }
  func.func @transform_4(%arg0: i32, %arg1: i32) -> (i32, i32) {
    %c0_i32 = arith.constant 0 : i32
    %c0_i32_0 = arith.constant 0 : i32
    %c0_i32_1 = arith.constant 0 : i32
    return %c0_i32, %c0_i32_0 : i32, i32
  }
  func.func @transform_5(%arg0: i32, %arg1: i32) -> (i32, i32, i32) {
    %c0_i32 = arith.constant 0 : i32
    %c0_i32_0 = arith.constant 0 : i32
    return %arg0, %c0_i32, %arg1 : i32, i32, i32
  }
}

module attributes {stable_mosaic.version = 14 : i64} {
  func.func @_fp_body(%arg0: i32, %arg1: i32, %arg2: memref<1x8x256xf32, #tpu.memory_space<vmem>>, %arg3: memref<1x128x8xf32, #tpu.memory_space<vmem>>, %arg4: memref<1x512x128xf32, #tpu.memory_space<vmem>>, %arg5: memref<1x512x256xf32, #tpu.memory_space<vmem>>) attributes {dimension_semantics = [#tpu.dimension_semantics<arbitrary>, #tpu.dimension_semantics<arbitrary>], iteration_bounds = array<i64: 8, 1>, scalar_prefetch = 0 : i64, scratch_operands = 0 : i64, tpu.core_type = #tpu.core_type<tc>, window_params = [{transform_indices = @transform_0, window_bounds = array<i64: 1, 8, 256>}, {transform_indices = @transform_1, window_bounds = array<i64: 1, 128, 8>}, {transform_indices = @transform_2, window_bounds = array<i64: 1, 512, 128>}, {transform_indices = @transform_3, window_bounds = array<i64: 1, 512, 256>}]} {
    %get3A = arith.constant 0 : index
    %get3A_0 = arith.constant 0 : index
    %get3A_1 = arith.constant 0 : index
    %get3A_2 = vector.load %arg2[%get3A, %get3A_0, %get3A_1] : memref<1x8x256xf32, #tpu.memory_space<vmem>>, vector<1x1x256xf32>
    %get3A_3 = vector.shape_cast %get3A_2 : vector<1x1x256xf32> to vector<1x256xf32>
    %get3A_4 = arith.constant 0 : index
    %get3A_5 = arith.constant 1 : index
    %get3A_6 = arith.constant 0 : index
    %get3A_7 = vector.load %arg2[%get3A_4, %get3A_5, %get3A_6] : memref<1x8x256xf32, #tpu.memory_space<vmem>>, vector<1x1x256xf32>
    %get3A_8 = vector.shape_cast %get3A_7 : vector<1x1x256xf32> to vector<1x256xf32>
    %get3A_9 = arith.constant 0 : index
    %get3A_10 = arith.constant 2 : index
    %get3A_11 = arith.constant 0 : index
    %get3A_12 = vector.load %arg2[%get3A_9, %get3A_10, %get3A_11] : memref<1x8x256xf32, #tpu.memory_space<vmem>>, vector<1x1x256xf32>
    %get3A_13 = vector.shape_cast %get3A_12 : vector<1x1x256xf32> to vector<1x256xf32>
    %get3A_14 = arith.constant 0 : index
    %get3A_15 = arith.constant 0 : index
    %get3A_16 = arith.constant 0 : index
    %get3A_17 = vector.load %arg3[%get3A_14, %get3A_15, %get3A_16] : memref<1x128x8xf32, #tpu.memory_space<vmem>>, vector<1x128x1xf32>
    %get3A_18 = vector.shape_cast %get3A_17 : vector<1x128x1xf32> to vector<128x1xf32>
    %get3A_19 = arith.constant 0 : index
    %get3A_20 = arith.constant 0 : index
    %get3A_21 = arith.constant 1 : index
    %get3A_22 = vector.load %arg3[%get3A_19, %get3A_20, %get3A_21] : memref<1x128x8xf32, #tpu.memory_space<vmem>>, vector<1x128x1xf32>
    %get3A_23 = vector.shape_cast %get3A_22 : vector<1x128x1xf32> to vector<128x1xf32>
    %get3A_24 = arith.constant 0 : index
    %get3A_25 = arith.constant 0 : index
    %get3A_26 = arith.constant 2 : index
    %get3A_27 = vector.load %arg3[%get3A_24, %get3A_25, %get3A_26] : memref<1x128x8xf32, #tpu.memory_space<vmem>>, vector<1x128x1xf32>
    %get3A_28 = vector.shape_cast %get3A_27 : vector<1x128x1xf32> to vector<128x1xf32>
    %sub3A = vector.broadcast %get3A_18 : vector<128x1xf32> to vector<128x256xf32>
    %sub3A_29 = vector.broadcast %get3A_3 : vector<1x256xf32> to vector<128x256xf32>
    %sub3A_30 = arith.subf %sub3A, %sub3A_29 : vector<128x256xf32>
    %sub3A_31 = vector.broadcast %get3A_23 : vector<128x1xf32> to vector<128x256xf32>
    %sub3A_32 = vector.broadcast %get3A_8 : vector<1x256xf32> to vector<128x256xf32>
    %sub3A_33 = arith.subf %sub3A_31, %sub3A_32 : vector<128x256xf32>
    %sub3A_34 = vector.broadcast %get3A_28 : vector<128x1xf32> to vector<128x256xf32>
    %sub3A_35 = vector.broadcast %get3A_13 : vector<1x256xf32> to vector<128x256xf32>
    %sub3A_36 = arith.subf %sub3A_34, %sub3A_35 : vector<128x256xf32>
    %mul3A = arith.mulf %sub3A_30, %sub3A_30 : vector<128x256xf32>
    %mul3A_37 = arith.mulf %sub3A_33, %sub3A_33 : vector<128x256xf32>
    %add3A = arith.addf %mul3A, %mul3A_37 : vector<128x256xf32>
    %mul3A_38 = arith.mulf %sub3A_36, %sub3A_36 : vector<128x256xf32>
    %add3A_39 = arith.addf %add3A, %mul3A_38 : vector<128x256xf32>
    %iota3A = tpu.iota {dimensions = array<i32: 0>} : vector<128x256xi32>
    %reduce_min3A = arith.constant dense<0x7F800000> : vector<256xf32>
    %reduce_min3A_40 = vector.multi_reduction <minimumf>, %add3A_39, %reduce_min3A [0] : vector<128x256xf32> to vector<256xf32>
    %broadcast_in_dim3A = vector.shape_cast %reduce_min3A_40 : vector<256xf32> to vector<1x256xf32>
    %eq3A = vector.broadcast %broadcast_in_dim3A : vector<1x256xf32> to vector<128x256xf32>
    %eq3A_41 = arith.cmpf oeq, %add3A_39, %eq3A : vector<128x256xf32>
    %jit3A = arith.constant 128 : i32
    %broadcast_in_dim3A_42 = vector.broadcast %jit3A : i32 to vector<128x256xi32>
    %select_n3A = arith.select %eq3A_41, %iota3A, %broadcast_in_dim3A_42 : vector<128x256xi1>, vector<128x256xi32>
    %reduce_min3A_43 = arith.constant dense<2147483647> : vector<256xi32>
    %reduce_min3A_44 = vector.multi_reduction <minsi>, %select_n3A, %reduce_min3A_43 [0] : vector<128x256xi32> to vector<256xi32>
    %broadcast_in_dim3A_45 = vector.shape_cast %reduce_min3A_44 : vector<256xi32> to vector<1x256xi32>
    %eq3A_46 = vector.broadcast %broadcast_in_dim3A_45 : vector<1x256xi32> to vector<128x256xi32>
    %eq3A_47 = arith.cmpi eq, %iota3A, %eq3A_46 : vector<128x256xi32>
    %jit3A_48 = arith.constant 1.000000e+30 : f32
    %broadcast_in_dim3A_49 = vector.broadcast %jit3A_48 : f32 to vector<128x256xf32>
    %select_n3A_50 = arith.select %eq3A_47, %broadcast_in_dim3A_49, %add3A_39 : vector<128x256xi1>, vector<128x256xf32>
    %reduce_min3A_51 = arith.constant dense<0x7F800000> : vector<256xf32>
    %reduce_min3A_52 = vector.multi_reduction <minimumf>, %select_n3A_50, %reduce_min3A_51 [0] : vector<128x256xf32> to vector<256xf32>
    %broadcast_in_dim3A_53 = vector.shape_cast %reduce_min3A_52 : vector<256xf32> to vector<1x256xf32>
    %eq3A_54 = vector.broadcast %broadcast_in_dim3A_53 : vector<1x256xf32> to vector<128x256xf32>
    %eq3A_55 = arith.cmpf oeq, %select_n3A_50, %eq3A_54 : vector<128x256xf32>
    %jit3A_56 = arith.constant 128 : i32
    %broadcast_in_dim3A_57 = vector.broadcast %jit3A_56 : i32 to vector<128x256xi32>
    %select_n3A_58 = arith.select %eq3A_55, %iota3A, %broadcast_in_dim3A_57 : vector<128x256xi1>, vector<128x256xi32>
    %reduce_min3A_59 = arith.constant dense<2147483647> : vector<256xi32>
    %reduce_min3A_60 = vector.multi_reduction <minsi>, %select_n3A_58, %reduce_min3A_59 [0] : vector<128x256xi32> to vector<256xi32>
    %broadcast_in_dim3A_61 = vector.shape_cast %reduce_min3A_60 : vector<256xi32> to vector<1x256xi32>
    %eq3A_62 = vector.broadcast %broadcast_in_dim3A_61 : vector<1x256xi32> to vector<128x256xi32>
    %eq3A_63 = arith.cmpi eq, %iota3A, %eq3A_62 : vector<128x256xi32>
    %jit3A_64 = arith.constant 1.000000e+30 : f32
    %broadcast_in_dim3A_65 = vector.broadcast %jit3A_64 : f32 to vector<128x256xf32>
    %select_n3A_66 = arith.select %eq3A_63, %broadcast_in_dim3A_65, %select_n3A_50 : vector<128x256xi1>, vector<128x256xf32>
    %reduce_min3A_67 = arith.constant dense<0x7F800000> : vector<256xf32>
    %reduce_min3A_68 = vector.multi_reduction <minimumf>, %select_n3A_66, %reduce_min3A_67 [0] : vector<128x256xf32> to vector<256xf32>
    %broadcast_in_dim3A_69 = vector.shape_cast %reduce_min3A_68 : vector<256xf32> to vector<1x256xf32>
    %eq3A_70 = vector.broadcast %broadcast_in_dim3A_69 : vector<1x256xf32> to vector<128x256xf32>
    %eq3A_71 = arith.cmpf oeq, %select_n3A_66, %eq3A_70 : vector<128x256xf32>
    %jit3A_72 = arith.constant 128 : i32
    %broadcast_in_dim3A_73 = vector.broadcast %jit3A_72 : i32 to vector<128x256xi32>
    %select_n3A_74 = arith.select %eq3A_71, %iota3A, %broadcast_in_dim3A_73 : vector<128x256xi1>, vector<128x256xi32>
    %reduce_min3A_75 = arith.constant dense<2147483647> : vector<256xi32>
    %reduce_min3A_76 = vector.multi_reduction <minsi>, %select_n3A_74, %reduce_min3A_75 [0] : vector<128x256xi32> to vector<256xi32>
    %broadcast_in_dim3A_77 = vector.shape_cast %reduce_min3A_76 : vector<256xi32> to vector<1x256xi32>
    %add3A_78 = arith.constant 9.99999993E-9 : f32
    %add3A_79 = vector.broadcast %add3A_78 : f32 to vector<1x256xf32>
    %add3A_80 = arith.addf %broadcast_in_dim3A, %add3A_79 : vector<1x256xf32>
    %div3A = arith.constant 1.000000e+00 : f32
    %div3A_81 = vector.broadcast %div3A : f32 to vector<1x256xf32>
    %div3A_82 = arith.divf %div3A_81, %add3A_80 : vector<1x256xf32>
    %add3A_83 = arith.constant 9.99999993E-9 : f32
    %add3A_84 = vector.broadcast %add3A_83 : f32 to vector<1x256xf32>
    %add3A_85 = arith.addf %broadcast_in_dim3A_53, %add3A_84 : vector<1x256xf32>
    %div3A_86 = arith.constant 1.000000e+00 : f32
    %div3A_87 = vector.broadcast %div3A_86 : f32 to vector<1x256xf32>
    %div3A_88 = arith.divf %div3A_87, %add3A_85 : vector<1x256xf32>
    %add3A_89 = arith.constant 9.99999993E-9 : f32
    %add3A_90 = vector.broadcast %add3A_89 : f32 to vector<1x256xf32>
    %add3A_91 = arith.addf %broadcast_in_dim3A_69, %add3A_90 : vector<1x256xf32>
    %div3A_92 = arith.constant 1.000000e+00 : f32
    %div3A_93 = vector.broadcast %div3A_92 : f32 to vector<1x256xf32>
    %div3A_94 = arith.divf %div3A_93, %add3A_91 : vector<1x256xf32>
    %add3A_95 = arith.addf %div3A_82, %div3A_88 : vector<1x256xf32>
    %add3A_96 = arith.addf %add3A_95, %div3A_94 : vector<1x256xf32>
    %div3A_97 = arith.divf %div3A_82, %add3A_96 : vector<1x256xf32>
    %div3A_98 = arith.divf %div3A_88, %add3A_96 : vector<1x256xf32>
    %div3A_99 = arith.divf %div3A_94, %add3A_96 : vector<1x256xf32>
    %broadcast_in_dim3A_100 = arith.constant 0.000000e+00 : f32
    %broadcast_in_dim3A_101 = vector.broadcast %broadcast_in_dim3A_100 : f32 to vector<128x256xf32>
    %eq3A_102 = vector.broadcast %broadcast_in_dim3A_45 : vector<1x256xi32> to vector<128x256xi32>
    %eq3A_103 = arith.cmpi eq, %iota3A, %eq3A_102 : vector<128x256xi32>
    %jit3A_104 = arith.constant 0.000000e+00 : f32
    %broadcast_in_dim3A_105 = vector.shape_cast %div3A_97 : vector<1x256xf32> to vector<1x256xf32>
    %broadcast_in_dim3A_106 = vector.broadcast %broadcast_in_dim3A_105 : vector<1x256xf32> to vector<128x256xf32>
    %broadcast_in_dim3A_107 = vector.broadcast %jit3A_104 : f32 to vector<128x256xf32>
    %select_n3A_108 = arith.select %eq3A_103, %broadcast_in_dim3A_106, %broadcast_in_dim3A_107 : vector<128x256xi1>, vector<128x256xf32>
    %add3A_109 = arith.addf %broadcast_in_dim3A_101, %select_n3A_108 : vector<128x256xf32>
    %eq3A_110 = vector.broadcast %broadcast_in_dim3A_61 : vector<1x256xi32> to vector<128x256xi32>
    %eq3A_111 = arith.cmpi eq, %iota3A, %eq3A_110 : vector<128x256xi32>
    %jit3A_112 = arith.constant 0.000000e+00 : f32
    %broadcast_in_dim3A_113 = vector.shape_cast %div3A_98 : vector<1x256xf32> to vector<1x256xf32>
    %broadcast_in_dim3A_114 = vector.broadcast %broadcast_in_dim3A_113 : vector<1x256xf32> to vector<128x256xf32>
    %broadcast_in_dim3A_115 = vector.broadcast %jit3A_112 : f32 to vector<128x256xf32>
    %select_n3A_116 = arith.select %eq3A_111, %broadcast_in_dim3A_114, %broadcast_in_dim3A_115 : vector<128x256xi1>, vector<128x256xf32>
    %add3A_117 = arith.addf %add3A_109, %select_n3A_116 : vector<128x256xf32>
    %eq3A_118 = vector.broadcast %broadcast_in_dim3A_77 : vector<1x256xi32> to vector<128x256xi32>
    %eq3A_119 = arith.cmpi eq, %iota3A, %eq3A_118 : vector<128x256xi32>
    %jit3A_120 = arith.constant 0.000000e+00 : f32
    %broadcast_in_dim3A_121 = vector.shape_cast %div3A_99 : vector<1x256xf32> to vector<1x256xf32>
    %broadcast_in_dim3A_122 = vector.broadcast %broadcast_in_dim3A_121 : vector<1x256xf32> to vector<128x256xf32>
    %broadcast_in_dim3A_123 = vector.broadcast %jit3A_120 : f32 to vector<128x256xf32>
    %select_n3A_124 = arith.select %eq3A_119, %broadcast_in_dim3A_122, %broadcast_in_dim3A_123 : vector<128x256xi1>, vector<128x256xf32>
    %add3A_125 = arith.addf %add3A_117, %select_n3A_124 : vector<128x256xf32>
    %get3A_126 = arith.constant 0 : index
    %get3A_127 = arith.constant 0 : index
    %get3A_128 = arith.constant 0 : index
    %get3A_129 = vector.load %arg4[%get3A_126, %get3A_127, %get3A_128] : memref<1x512x128xf32, #tpu.memory_space<vmem>>, vector<1x512x128xf32>
    %get3A_130 = vector.shape_cast %get3A_129 : vector<1x512x128xf32> to vector<512x128xf32>
    %dot_general3A = arith.constant dense<0.000000e+00> : vector<512x256xf32>
    %dot_general3A_131 = tpu.matmul %get3A_130, %add3A_125, %dot_general3A {dimension_numbers = #tpu.dot_dimension_numbers<[1], [0], [0], [1], [0, 0, 1, 1], [], []>, transpose_lhs_hint = false} : vector<512x128xf32>, vector<128x256xf32>, vector<512x256xf32> -> vector<512x256xf32>
    %swap3A = arith.constant 0 : index
    %swap3A_132 = arith.constant 0 : index
    %swap3A_133 = arith.constant 0 : index
    %swap3A_134 = vector.load %arg5[%swap3A, %swap3A_132, %swap3A_133] : memref<1x512x256xf32, #tpu.memory_space<vmem>>, vector<1x512x256xf32>
    %swap3A_135 = vector.shape_cast %swap3A_134 : vector<1x512x256xf32> to vector<512x256xf32>
    %swap3A_136 = vector.shape_cast %dot_general3A_131 : vector<512x256xf32> to vector<1x512x256xf32>
    tpu.vector_store %arg5[%swap3A, %swap3A_132, %swap3A_133], %swap3A_136 {strides = array<i32>} : memref<1x512x256xf32, #tpu.memory_space<vmem>>, vector<1x512x256xf32>,
    return
  }
  func.func @transform_0(%arg0: i32, %arg1: i32) -> (i32, i32, i32) {
    %c0_i32 = arith.constant 0 : i32
    %c0_i32_0 = arith.constant 0 : i32
    return %arg0, %c0_i32, %arg1 : i32, i32, i32
  }
  func.func @transform_1(%arg0: i32, %arg1: i32) -> (i32, i32, i32) {
    %c0_i32 = arith.constant 0 : i32
    %c0_i32_0 = arith.constant 0 : i32
    %c0_i32_1 = arith.constant 0 : i32
    return %arg0, %c0_i32, %c0_i32_0 : i32, i32, i32
  }
  func.func @transform_2(%arg0: i32, %arg1: i32) -> (i32, i32, i32) {
    %c0_i32 = arith.constant 0 : i32
    %c0_i32_0 = arith.constant 0 : i32
    %c0_i32_1 = arith.constant 0 : i32
    return %arg0, %c0_i32, %c0_i32_0 : i32, i32, i32
  }
  func.func @transform_3(%arg0: i32, %arg1: i32) -> (i32, i32, i32) {
    %c0_i32 = arith.constant 0 : i32
    %c0_i32_0 = arith.constant 0 : i32
    return %arg0, %c0_i32, %arg1 : i32, i32, i32
  }
}

module attributes {stable_mosaic.version = 14 : i64} {
  func.func @_chain_body(%arg0: i32, %arg1: i32, %arg2: memref<1x768x256xf32, #tpu.memory_space<vmem>>, %arg3: memref<512x768xf32, #tpu.memory_space<vmem>>, %arg4: memref<512x1xf32, #tpu.memory_space<vmem>>, %arg5: memref<512x512xf32, #tpu.memory_space<vmem>>, %arg6: memref<512x1xf32, #tpu.memory_space<vmem>>, %arg7: memref<1x512x256xf32, #tpu.memory_space<vmem>>) attributes {dimension_semantics = [#tpu.dimension_semantics<arbitrary>, #tpu.dimension_semantics<arbitrary>], iteration_bounds = array<i64: 8, 1>, scalar_prefetch = 0 : i64, scratch_operands = 0 : i64, tpu.core_type = #tpu.core_type<tc>, window_params = [{transform_indices = @transform_0, window_bounds = array<i64: 1, 768, 256>}, {pipeline_mode = #tpu.pipeline_mode<synchronous>, transform_indices = @transform_1, window_bounds = array<i64: 512, 768>}, {pipeline_mode = #tpu.pipeline_mode<synchronous>, transform_indices = @transform_2, window_bounds = array<i64: 512, 1>}, {pipeline_mode = #tpu.pipeline_mode<synchronous>, transform_indices = @transform_3, window_bounds = array<i64: 512, 512>}, {pipeline_mode = #tpu.pipeline_mode<synchronous>, transform_indices = @transform_4, window_bounds = array<i64: 512, 1>}, {transform_indices = @transform_5, window_bounds = array<i64: 1, 512, 256>}]} {
    %get3A = arith.constant 0 : index
    %get3A_0 = arith.constant 0 : index
    %get3A_1 = arith.constant 0 : index
    %get3A_2 = vector.load %arg2[%get3A, %get3A_0, %get3A_1] : memref<1x768x256xf32, #tpu.memory_space<vmem>>, vector<1x768x256xf32>
    %get3A_3 = vector.shape_cast %get3A_2 : vector<1x768x256xf32> to vector<768x256xf32>
    %get3A_4 = arith.constant 0 : index
    %get3A_5 = arith.constant 0 : index
    %get3A_6 = vector.load %arg3[%get3A_4, %get3A_5] : memref<512x768xf32, #tpu.memory_space<vmem>>, vector<512x768xf32>
    %get3A_7 = arith.constant 0 : index
    %get3A_8 = arith.constant 0 : index
    %get3A_9 = vector.load %arg4[%get3A_7, %get3A_8] : memref<512x1xf32, #tpu.memory_space<vmem>>, vector<512x1xf32>
    %dot_general3A = arith.constant dense<0.000000e+00> : vector<512x256xf32>
    %dot_general3A_10 = tpu.matmul %get3A_6, %get3A_3, %dot_general3A {dimension_numbers = #tpu.dot_dimension_numbers<[1], [0], [0], [1], [0, 0, 1, 1], [], []>, transpose_lhs_hint = false} : vector<512x768xf32>, vector<768x256xf32>, vector<512x256xf32> -> vector<512x256xf32>
    %add3A = vector.broadcast %get3A_9 : vector<512x1xf32> to vector<512x256xf32>
    %add3A_11 = arith.addf %dot_general3A_10, %add3A : vector<512x256xf32>
    %max3A = arith.constant 0.000000e+00 : f32
    %max3A_12 = vector.broadcast %max3A : f32 to vector<512x256xf32>
    %max3A_13 = arith.maximumf %add3A_11, %max3A_12 : vector<512x256xf32>
    %get3A_14 = arith.constant 0 : index
    %get3A_15 = arith.constant 0 : index
    %get3A_16 = vector.load %arg5[%get3A_14, %get3A_15] : memref<512x512xf32, #tpu.memory_space<vmem>>, vector<512x512xf32>
    %get3A_17 = arith.constant 0 : index
    %get3A_18 = arith.constant 0 : index
    %get3A_19 = vector.load %arg6[%get3A_17, %get3A_18] : memref<512x1xf32, #tpu.memory_space<vmem>>, vector<512x1xf32>
    %dot_general3A_20 = arith.constant dense<0.000000e+00> : vector<512x256xf32>
    %dot_general3A_21 = tpu.matmul %get3A_16, %max3A_13, %dot_general3A_20 {dimension_numbers = #tpu.dot_dimension_numbers<[1], [0], [0], [1], [0, 0, 1, 1], [], []>, transpose_lhs_hint = false} : vector<512x512xf32>, vector<512x256xf32>, vector<512x256xf32> -> vector<512x256xf32>
    %add3A_22 = vector.broadcast %get3A_19 : vector<512x1xf32> to vector<512x256xf32>
    %add3A_23 = arith.addf %dot_general3A_21, %add3A_22 : vector<512x256xf32>
    %max3A_24 = arith.constant 0.000000e+00 : f32
    %max3A_25 = vector.broadcast %max3A_24 : f32 to vector<512x256xf32>
    %max3A_26 = arith.maximumf %add3A_23, %max3A_25 : vector<512x256xf32>
    %swap3A = arith.constant 0 : index
    %swap3A_27 = arith.constant 0 : index
    %swap3A_28 = arith.constant 0 : index
    %swap3A_29 = vector.load %arg7[%swap3A, %swap3A_27, %swap3A_28] : memref<1x512x256xf32, #tpu.memory_space<vmem>>, vector<1x512x256xf32>
    %swap3A_30 = vector.shape_cast %swap3A_29 : vector<1x512x256xf32> to vector<512x256xf32>
    %swap3A_31 = vector.shape_cast %max3A_26 : vector<512x256xf32> to vector<1x512x256xf32>
    tpu.vector_store %arg7[%swap3A, %swap3A_27, %swap3A_28], %swap3A_31 {strides = array<i32>} : memref<1x512x256xf32, #tpu.memory_space<vmem>>, vector<1x512x256xf32>,
    return
  }
  func.func @transform_0(%arg0: i32, %arg1: i32) -> (i32, i32, i32) {
    %c0_i32 = arith.constant 0 : i32
    %c0_i32_0 = arith.constant 0 : i32
    return %arg0, %c0_i32, %arg1 : i32, i32, i32
  }
  func.func @transform_1(%arg0: i32, %arg1: i32) -> (i32, i32) {
    %c0_i32 = arith.constant 0 : i32
    %c0_i32_0 = arith.constant 0 : i32
    %c0_i32_1 = arith.constant 0 : i32
    return %c0_i32, %c0_i32_0 : i32, i32
  }
  func.func @transform_2(%arg0: i32, %arg1: i32) -> (i32, i32) {
    %c0_i32 = arith.constant 0 : i32
    %c0_i32_0 = arith.constant 0 : i32
    %c0_i32_1 = arith.constant 0 : i32
    return %c0_i32, %c0_i32_0 : i32, i32
  }
  func.func @transform_3(%arg0: i32, %arg1: i32) -> (i32, i32) {
    %c0_i32 = arith.constant 0 : i32
    %c0_i32_0 = arith.constant 0 : i32
    %c0_i32_1 = arith.constant 0 : i32
    return %c0_i32, %c0_i32_0 : i32, i32
  }
  func.func @transform_4(%arg0: i32, %arg1: i32) -> (i32, i32) {
    %c0_i32 = arith.constant 0 : i32
    %c0_i32_0 = arith.constant 0 : i32
    %c0_i32_1 = arith.constant 0 : i32
    return %c0_i32, %c0_i32_0 : i32, i32
  }
  func.func @transform_5(%arg0: i32, %arg1: i32) -> (i32, i32, i32) {
    %c0_i32 = arith.constant 0 : i32
    %c0_i32_0 = arith.constant 0 : i32
    return %arg0, %c0_i32, %arg1 : i32, i32, i32
  }
}

module attributes {stable_mosaic.version = 14 : i64} {
  func.func @_fp_body(%arg0: i32, %arg1: i32, %arg2: memref<1x8x1024xf32, #tpu.memory_space<vmem>>, %arg3: memref<1x256x8xf32, #tpu.memory_space<vmem>>, %arg4: memref<1x512x256xf32, #tpu.memory_space<vmem>>, %arg5: memref<1x512x1024xf32, #tpu.memory_space<vmem>>) attributes {dimension_semantics = [#tpu.dimension_semantics<arbitrary>, #tpu.dimension_semantics<arbitrary>], iteration_bounds = array<i64: 8, 1>, scalar_prefetch = 0 : i64, scratch_operands = 0 : i64, tpu.core_type = #tpu.core_type<tc>, window_params = [{transform_indices = @transform_0, window_bounds = array<i64: 1, 8, 1024>}, {transform_indices = @transform_1, window_bounds = array<i64: 1, 256, 8>}, {transform_indices = @transform_2, window_bounds = array<i64: 1, 512, 256>}, {transform_indices = @transform_3, window_bounds = array<i64: 1, 512, 1024>}]} {
    %get3A = arith.constant 0 : index
    %get3A_0 = arith.constant 0 : index
    %get3A_1 = arith.constant 0 : index
    %get3A_2 = vector.load %arg2[%get3A, %get3A_0, %get3A_1] : memref<1x8x1024xf32, #tpu.memory_space<vmem>>, vector<1x1x1024xf32>
    %get3A_3 = vector.shape_cast %get3A_2 : vector<1x1x1024xf32> to vector<1x1024xf32>
    %get3A_4 = arith.constant 0 : index
    %get3A_5 = arith.constant 1 : index
    %get3A_6 = arith.constant 0 : index
    %get3A_7 = vector.load %arg2[%get3A_4, %get3A_5, %get3A_6] : memref<1x8x1024xf32, #tpu.memory_space<vmem>>, vector<1x1x1024xf32>
    %get3A_8 = vector.shape_cast %get3A_7 : vector<1x1x1024xf32> to vector<1x1024xf32>
    %get3A_9 = arith.constant 0 : index
    %get3A_10 = arith.constant 2 : index
    %get3A_11 = arith.constant 0 : index
    %get3A_12 = vector.load %arg2[%get3A_9, %get3A_10, %get3A_11] : memref<1x8x1024xf32, #tpu.memory_space<vmem>>, vector<1x1x1024xf32>
    %get3A_13 = vector.shape_cast %get3A_12 : vector<1x1x1024xf32> to vector<1x1024xf32>
    %get3A_14 = arith.constant 0 : index
    %get3A_15 = arith.constant 0 : index
    %get3A_16 = arith.constant 0 : index
    %get3A_17 = vector.load %arg3[%get3A_14, %get3A_15, %get3A_16] : memref<1x256x8xf32, #tpu.memory_space<vmem>>, vector<1x256x1xf32>
    %get3A_18 = vector.shape_cast %get3A_17 : vector<1x256x1xf32> to vector<256x1xf32>
    %get3A_19 = arith.constant 0 : index
    %get3A_20 = arith.constant 0 : index
    %get3A_21 = arith.constant 1 : index
    %get3A_22 = vector.load %arg3[%get3A_19, %get3A_20, %get3A_21] : memref<1x256x8xf32, #tpu.memory_space<vmem>>, vector<1x256x1xf32>
    %get3A_23 = vector.shape_cast %get3A_22 : vector<1x256x1xf32> to vector<256x1xf32>
    %get3A_24 = arith.constant 0 : index
    %get3A_25 = arith.constant 0 : index
    %get3A_26 = arith.constant 2 : index
    %get3A_27 = vector.load %arg3[%get3A_24, %get3A_25, %get3A_26] : memref<1x256x8xf32, #tpu.memory_space<vmem>>, vector<1x256x1xf32>
    %get3A_28 = vector.shape_cast %get3A_27 : vector<1x256x1xf32> to vector<256x1xf32>
    %sub3A = vector.broadcast %get3A_18 : vector<256x1xf32> to vector<256x1024xf32>
    %sub3A_29 = vector.broadcast %get3A_3 : vector<1x1024xf32> to vector<256x1024xf32>
    %sub3A_30 = arith.subf %sub3A, %sub3A_29 : vector<256x1024xf32>
    %sub3A_31 = vector.broadcast %get3A_23 : vector<256x1xf32> to vector<256x1024xf32>
    %sub3A_32 = vector.broadcast %get3A_8 : vector<1x1024xf32> to vector<256x1024xf32>
    %sub3A_33 = arith.subf %sub3A_31, %sub3A_32 : vector<256x1024xf32>
    %sub3A_34 = vector.broadcast %get3A_28 : vector<256x1xf32> to vector<256x1024xf32>
    %sub3A_35 = vector.broadcast %get3A_13 : vector<1x1024xf32> to vector<256x1024xf32>
    %sub3A_36 = arith.subf %sub3A_34, %sub3A_35 : vector<256x1024xf32>
    %mul3A = arith.mulf %sub3A_30, %sub3A_30 : vector<256x1024xf32>
    %mul3A_37 = arith.mulf %sub3A_33, %sub3A_33 : vector<256x1024xf32>
    %add3A = arith.addf %mul3A, %mul3A_37 : vector<256x1024xf32>
    %mul3A_38 = arith.mulf %sub3A_36, %sub3A_36 : vector<256x1024xf32>
    %add3A_39 = arith.addf %add3A, %mul3A_38 : vector<256x1024xf32>
    %iota3A = tpu.iota {dimensions = array<i32: 0>} : vector<256x1024xi32>
    %reduce_min3A = arith.constant dense<0x7F800000> : vector<1024xf32>
    %reduce_min3A_40 = vector.multi_reduction <minimumf>, %add3A_39, %reduce_min3A [0] : vector<256x1024xf32> to vector<1024xf32>
    %broadcast_in_dim3A = vector.shape_cast %reduce_min3A_40 : vector<1024xf32> to vector<1x1024xf32>
    %eq3A = vector.broadcast %broadcast_in_dim3A : vector<1x1024xf32> to vector<256x1024xf32>
    %eq3A_41 = arith.cmpf oeq, %add3A_39, %eq3A : vector<256x1024xf32>
    %jit3A = arith.constant 256 : i32
    %broadcast_in_dim3A_42 = vector.broadcast %jit3A : i32 to vector<256x1024xi32>
    %select_n3A = arith.select %eq3A_41, %iota3A, %broadcast_in_dim3A_42 : vector<256x1024xi1>, vector<256x1024xi32>
    %reduce_min3A_43 = arith.constant dense<2147483647> : vector<1024xi32>
    %reduce_min3A_44 = vector.multi_reduction <minsi>, %select_n3A, %reduce_min3A_43 [0] : vector<256x1024xi32> to vector<1024xi32>
    %broadcast_in_dim3A_45 = vector.shape_cast %reduce_min3A_44 : vector<1024xi32> to vector<1x1024xi32>
    %eq3A_46 = vector.broadcast %broadcast_in_dim3A_45 : vector<1x1024xi32> to vector<256x1024xi32>
    %eq3A_47 = arith.cmpi eq, %iota3A, %eq3A_46 : vector<256x1024xi32>
    %jit3A_48 = arith.constant 1.000000e+30 : f32
    %broadcast_in_dim3A_49 = vector.broadcast %jit3A_48 : f32 to vector<256x1024xf32>
    %select_n3A_50 = arith.select %eq3A_47, %broadcast_in_dim3A_49, %add3A_39 : vector<256x1024xi1>, vector<256x1024xf32>
    %reduce_min3A_51 = arith.constant dense<0x7F800000> : vector<1024xf32>
    %reduce_min3A_52 = vector.multi_reduction <minimumf>, %select_n3A_50, %reduce_min3A_51 [0] : vector<256x1024xf32> to vector<1024xf32>
    %broadcast_in_dim3A_53 = vector.shape_cast %reduce_min3A_52 : vector<1024xf32> to vector<1x1024xf32>
    %eq3A_54 = vector.broadcast %broadcast_in_dim3A_53 : vector<1x1024xf32> to vector<256x1024xf32>
    %eq3A_55 = arith.cmpf oeq, %select_n3A_50, %eq3A_54 : vector<256x1024xf32>
    %jit3A_56 = arith.constant 256 : i32
    %broadcast_in_dim3A_57 = vector.broadcast %jit3A_56 : i32 to vector<256x1024xi32>
    %select_n3A_58 = arith.select %eq3A_55, %iota3A, %broadcast_in_dim3A_57 : vector<256x1024xi1>, vector<256x1024xi32>
    %reduce_min3A_59 = arith.constant dense<2147483647> : vector<1024xi32>
    %reduce_min3A_60 = vector.multi_reduction <minsi>, %select_n3A_58, %reduce_min3A_59 [0] : vector<256x1024xi32> to vector<1024xi32>
    %broadcast_in_dim3A_61 = vector.shape_cast %reduce_min3A_60 : vector<1024xi32> to vector<1x1024xi32>
    %eq3A_62 = vector.broadcast %broadcast_in_dim3A_61 : vector<1x1024xi32> to vector<256x1024xi32>
    %eq3A_63 = arith.cmpi eq, %iota3A, %eq3A_62 : vector<256x1024xi32>
    %jit3A_64 = arith.constant 1.000000e+30 : f32
    %broadcast_in_dim3A_65 = vector.broadcast %jit3A_64 : f32 to vector<256x1024xf32>
    %select_n3A_66 = arith.select %eq3A_63, %broadcast_in_dim3A_65, %select_n3A_50 : vector<256x1024xi1>, vector<256x1024xf32>
    %reduce_min3A_67 = arith.constant dense<0x7F800000> : vector<1024xf32>
    %reduce_min3A_68 = vector.multi_reduction <minimumf>, %select_n3A_66, %reduce_min3A_67 [0] : vector<256x1024xf32> to vector<1024xf32>
    %broadcast_in_dim3A_69 = vector.shape_cast %reduce_min3A_68 : vector<1024xf32> to vector<1x1024xf32>
    %eq3A_70 = vector.broadcast %broadcast_in_dim3A_69 : vector<1x1024xf32> to vector<256x1024xf32>
    %eq3A_71 = arith.cmpf oeq, %select_n3A_66, %eq3A_70 : vector<256x1024xf32>
    %jit3A_72 = arith.constant 256 : i32
    %broadcast_in_dim3A_73 = vector.broadcast %jit3A_72 : i32 to vector<256x1024xi32>
    %select_n3A_74 = arith.select %eq3A_71, %iota3A, %broadcast_in_dim3A_73 : vector<256x1024xi1>, vector<256x1024xi32>
    %reduce_min3A_75 = arith.constant dense<2147483647> : vector<1024xi32>
    %reduce_min3A_76 = vector.multi_reduction <minsi>, %select_n3A_74, %reduce_min3A_75 [0] : vector<256x1024xi32> to vector<1024xi32>
    %broadcast_in_dim3A_77 = vector.shape_cast %reduce_min3A_76 : vector<1024xi32> to vector<1x1024xi32>
    %add3A_78 = arith.constant 9.99999993E-9 : f32
    %add3A_79 = vector.broadcast %add3A_78 : f32 to vector<1x1024xf32>
    %add3A_80 = arith.addf %broadcast_in_dim3A, %add3A_79 : vector<1x1024xf32>
    %div3A = arith.constant 1.000000e+00 : f32
    %div3A_81 = vector.broadcast %div3A : f32 to vector<1x1024xf32>
    %div3A_82 = arith.divf %div3A_81, %add3A_80 : vector<1x1024xf32>
    %add3A_83 = arith.constant 9.99999993E-9 : f32
    %add3A_84 = vector.broadcast %add3A_83 : f32 to vector<1x1024xf32>
    %add3A_85 = arith.addf %broadcast_in_dim3A_53, %add3A_84 : vector<1x1024xf32>
    %div3A_86 = arith.constant 1.000000e+00 : f32
    %div3A_87 = vector.broadcast %div3A_86 : f32 to vector<1x1024xf32>
    %div3A_88 = arith.divf %div3A_87, %add3A_85 : vector<1x1024xf32>
    %add3A_89 = arith.constant 9.99999993E-9 : f32
    %add3A_90 = vector.broadcast %add3A_89 : f32 to vector<1x1024xf32>
    %add3A_91 = arith.addf %broadcast_in_dim3A_69, %add3A_90 : vector<1x1024xf32>
    %div3A_92 = arith.constant 1.000000e+00 : f32
    %div3A_93 = vector.broadcast %div3A_92 : f32 to vector<1x1024xf32>
    %div3A_94 = arith.divf %div3A_93, %add3A_91 : vector<1x1024xf32>
    %add3A_95 = arith.addf %div3A_82, %div3A_88 : vector<1x1024xf32>
    %add3A_96 = arith.addf %add3A_95, %div3A_94 : vector<1x1024xf32>
    %div3A_97 = arith.divf %div3A_82, %add3A_96 : vector<1x1024xf32>
    %div3A_98 = arith.divf %div3A_88, %add3A_96 : vector<1x1024xf32>
    %div3A_99 = arith.divf %div3A_94, %add3A_96 : vector<1x1024xf32>
    %broadcast_in_dim3A_100 = arith.constant 0.000000e+00 : f32
    %broadcast_in_dim3A_101 = vector.broadcast %broadcast_in_dim3A_100 : f32 to vector<256x1024xf32>
    %eq3A_102 = vector.broadcast %broadcast_in_dim3A_45 : vector<1x1024xi32> to vector<256x1024xi32>
    %eq3A_103 = arith.cmpi eq, %iota3A, %eq3A_102 : vector<256x1024xi32>
    %jit3A_104 = arith.constant 0.000000e+00 : f32
    %broadcast_in_dim3A_105 = vector.shape_cast %div3A_97 : vector<1x1024xf32> to vector<1x1024xf32>
    %broadcast_in_dim3A_106 = vector.broadcast %broadcast_in_dim3A_105 : vector<1x1024xf32> to vector<256x1024xf32>
    %broadcast_in_dim3A_107 = vector.broadcast %jit3A_104 : f32 to vector<256x1024xf32>
    %select_n3A_108 = arith.select %eq3A_103, %broadcast_in_dim3A_106, %broadcast_in_dim3A_107 : vector<256x1024xi1>, vector<256x1024xf32>
    %add3A_109 = arith.addf %broadcast_in_dim3A_101, %select_n3A_108 : vector<256x1024xf32>
    %eq3A_110 = vector.broadcast %broadcast_in_dim3A_61 : vector<1x1024xi32> to vector<256x1024xi32>
    %eq3A_111 = arith.cmpi eq, %iota3A, %eq3A_110 : vector<256x1024xi32>
    %jit3A_112 = arith.constant 0.000000e+00 : f32
    %broadcast_in_dim3A_113 = vector.shape_cast %div3A_98 : vector<1x1024xf32> to vector<1x1024xf32>
    %broadcast_in_dim3A_114 = vector.broadcast %broadcast_in_dim3A_113 : vector<1x1024xf32> to vector<256x1024xf32>
    %broadcast_in_dim3A_115 = vector.broadcast %jit3A_112 : f32 to vector<256x1024xf32>
    %select_n3A_116 = arith.select %eq3A_111, %broadcast_in_dim3A_114, %broadcast_in_dim3A_115 : vector<256x1024xi1>, vector<256x1024xf32>
    %add3A_117 = arith.addf %add3A_109, %select_n3A_116 : vector<256x1024xf32>
    %eq3A_118 = vector.broadcast %broadcast_in_dim3A_77 : vector<1x1024xi32> to vector<256x1024xi32>
    %eq3A_119 = arith.cmpi eq, %iota3A, %eq3A_118 : vector<256x1024xi32>
    %jit3A_120 = arith.constant 0.000000e+00 : f32
    %broadcast_in_dim3A_121 = vector.shape_cast %div3A_99 : vector<1x1024xf32> to vector<1x1024xf32>
    %broadcast_in_dim3A_122 = vector.broadcast %broadcast_in_dim3A_121 : vector<1x1024xf32> to vector<256x1024xf32>
    %broadcast_in_dim3A_123 = vector.broadcast %jit3A_120 : f32 to vector<256x1024xf32>
    %select_n3A_124 = arith.select %eq3A_119, %broadcast_in_dim3A_122, %broadcast_in_dim3A_123 : vector<256x1024xi1>, vector<256x1024xf32>
    %add3A_125 = arith.addf %add3A_117, %select_n3A_124 : vector<256x1024xf32>
    %get3A_126 = arith.constant 0 : index
    %get3A_127 = arith.constant 0 : index
    %get3A_128 = arith.constant 0 : index
    %get3A_129 = vector.load %arg4[%get3A_126, %get3A_127, %get3A_128] : memref<1x512x256xf32, #tpu.memory_space<vmem>>, vector<1x512x256xf32>
    %get3A_130 = vector.shape_cast %get3A_129 : vector<1x512x256xf32> to vector<512x256xf32>
    %dot_general3A = arith.constant dense<0.000000e+00> : vector<512x1024xf32>
    %dot_general3A_131 = tpu.matmul %get3A_130, %add3A_125, %dot_general3A {dimension_numbers = #tpu.dot_dimension_numbers<[1], [0], [0], [1], [0, 0, 1, 1], [], []>, transpose_lhs_hint = false} : vector<512x256xf32>, vector<256x1024xf32>, vector<512x1024xf32> -> vector<512x1024xf32>
    %swap3A = arith.constant 0 : index
    %swap3A_132 = arith.constant 0 : index
    %swap3A_133 = arith.constant 0 : index
    %swap3A_134 = vector.load %arg5[%swap3A, %swap3A_132, %swap3A_133] : memref<1x512x1024xf32, #tpu.memory_space<vmem>>, vector<1x512x1024xf32>
    %swap3A_135 = vector.shape_cast %swap3A_134 : vector<1x512x1024xf32> to vector<512x1024xf32>
    %swap3A_136 = vector.shape_cast %dot_general3A_131 : vector<512x1024xf32> to vector<1x512x1024xf32>
    tpu.vector_store %arg5[%swap3A, %swap3A_132, %swap3A_133], %swap3A_136 {strides = array<i32>} : memref<1x512x1024xf32, #tpu.memory_space<vmem>>, vector<1x512x1024xf32>,
    return
  }
  func.func @transform_0(%arg0: i32, %arg1: i32) -> (i32, i32, i32) {
    %c0_i32 = arith.constant 0 : i32
    %c0_i32_0 = arith.constant 0 : i32
    return %arg0, %c0_i32, %arg1 : i32, i32, i32
  }
  func.func @transform_1(%arg0: i32, %arg1: i32) -> (i32, i32, i32) {
    %c0_i32 = arith.constant 0 : i32
    %c0_i32_0 = arith.constant 0 : i32
    %c0_i32_1 = arith.constant 0 : i32
    return %arg0, %c0_i32, %c0_i32_0 : i32, i32, i32
  }
  func.func @transform_2(%arg0: i32, %arg1: i32) -> (i32, i32, i32) {
    %c0_i32 = arith.constant 0 : i32
    %c0_i32_0 = arith.constant 0 : i32
    %c0_i32_1 = arith.constant 0 : i32
    return %arg0, %c0_i32, %c0_i32_0 : i32, i32, i32
  }
  func.func @transform_3(%arg0: i32, %arg1: i32) -> (i32, i32, i32) {
    %c0_i32 = arith.constant 0 : i32
    %c0_i32_0 = arith.constant 0 : i32
    return %arg0, %c0_i32, %arg1 : i32, i32, i32
  }
}

module attributes {stable_mosaic.version = 14 : i64} {
  func.func @_chain_body(%arg0: i32, %arg1: i32, %arg2: memref<1x608x512xf32, #tpu.memory_space<vmem>>, %arg3: memref<256x608xf32, #tpu.memory_space<vmem>>, %arg4: memref<256x1xf32, #tpu.memory_space<vmem>>, %arg5: memref<256x256xf32, #tpu.memory_space<vmem>>, %arg6: memref<256x1xf32, #tpu.memory_space<vmem>>, %arg7: memref<1x256x512xf32, #tpu.memory_space<vmem>>) attributes {dimension_semantics = [#tpu.dimension_semantics<arbitrary>, #tpu.dimension_semantics<arbitrary>], iteration_bounds = array<i64: 8, 2>, scalar_prefetch = 0 : i64, scratch_operands = 0 : i64, tpu.core_type = #tpu.core_type<tc>, window_params = [{transform_indices = @transform_0, window_bounds = array<i64: 1, 608, 512>}, {pipeline_mode = #tpu.pipeline_mode<synchronous>, transform_indices = @transform_1, window_bounds = array<i64: 256, 608>}, {pipeline_mode = #tpu.pipeline_mode<synchronous>, transform_indices = @transform_2, window_bounds = array<i64: 256, 1>}, {pipeline_mode = #tpu.pipeline_mode<synchronous>, transform_indices = @transform_3, window_bounds = array<i64: 256, 256>}, {pipeline_mode = #tpu.pipeline_mode<synchronous>, transform_indices = @transform_4, window_bounds = array<i64: 256, 1>}, {transform_indices = @transform_5, window_bounds = array<i64: 1, 256, 512>}]} {
    %get3A = arith.constant 0 : index
    %get3A_0 = arith.constant 0 : index
    %get3A_1 = arith.constant 0 : index
    %get3A_2 = vector.load %arg2[%get3A, %get3A_0, %get3A_1] : memref<1x608x512xf32, #tpu.memory_space<vmem>>, vector<1x608x512xf32>
    %get3A_3 = vector.shape_cast %get3A_2 : vector<1x608x512xf32> to vector<608x512xf32>
    %get3A_4 = arith.constant 0 : index
    %get3A_5 = arith.constant 0 : index
    %get3A_6 = vector.load %arg3[%get3A_4, %get3A_5] : memref<256x608xf32, #tpu.memory_space<vmem>>, vector<256x608xf32>
    %get3A_7 = arith.constant 0 : index
    %get3A_8 = arith.constant 0 : index
    %get3A_9 = vector.load %arg4[%get3A_7, %get3A_8] : memref<256x1xf32, #tpu.memory_space<vmem>>, vector<256x1xf32>
    %dot_general3A = arith.constant dense<0.000000e+00> : vector<256x512xf32>
    %dot_general3A_10 = tpu.matmul %get3A_6, %get3A_3, %dot_general3A {dimension_numbers = #tpu.dot_dimension_numbers<[1], [0], [0], [1], [0, 0, 1, 1], [], []>, transpose_lhs_hint = false} : vector<256x608xf32>, vector<608x512xf32>, vector<256x512xf32> -> vector<256x512xf32>
    %add3A = vector.broadcast %get3A_9 : vector<256x1xf32> to vector<256x512xf32>
    %add3A_11 = arith.addf %dot_general3A_10, %add3A : vector<256x512xf32>
    %max3A = arith.constant 0.000000e+00 : f32
    %max3A_12 = vector.broadcast %max3A : f32 to vector<256x512xf32>
    %max3A_13 = arith.maximumf %add3A_11, %max3A_12 : vector<256x512xf32>
    %get3A_14 = arith.constant 0 : index
    %get3A_15 = arith.constant 0 : index
    %get3A_16 = vector.load %arg5[%get3A_14, %get3A_15] : memref<256x256xf32, #tpu.memory_space<vmem>>, vector<256x256xf32>
    %get3A_17 = arith.constant 0 : index
    %get3A_18 = arith.constant 0 : index
    %get3A_19 = vector.load %arg6[%get3A_17, %get3A_18] : memref<256x1xf32, #tpu.memory_space<vmem>>, vector<256x1xf32>
    %dot_general3A_20 = arith.constant dense<0.000000e+00> : vector<256x512xf32>
    %dot_general3A_21 = tpu.matmul %get3A_16, %max3A_13, %dot_general3A_20 {dimension_numbers = #tpu.dot_dimension_numbers<[1], [0], [0], [1], [0, 0, 1, 1], [], []>, transpose_lhs_hint = false} : vector<256x256xf32>, vector<256x512xf32>, vector<256x512xf32> -> vector<256x512xf32>
    %add3A_22 = vector.broadcast %get3A_19 : vector<256x1xf32> to vector<256x512xf32>
    %add3A_23 = arith.addf %dot_general3A_21, %add3A_22 : vector<256x512xf32>
    %max3A_24 = arith.constant 0.000000e+00 : f32
    %max3A_25 = vector.broadcast %max3A_24 : f32 to vector<256x512xf32>
    %max3A_26 = arith.maximumf %add3A_23, %max3A_25 : vector<256x512xf32>
    %swap3A = arith.constant 0 : index
    %swap3A_27 = arith.constant 0 : index
    %swap3A_28 = arith.constant 0 : index
    %swap3A_29 = vector.load %arg7[%swap3A, %swap3A_27, %swap3A_28] : memref<1x256x512xf32, #tpu.memory_space<vmem>>, vector<1x256x512xf32>
    %swap3A_30 = vector.shape_cast %swap3A_29 : vector<1x256x512xf32> to vector<256x512xf32>
    %swap3A_31 = vector.shape_cast %max3A_26 : vector<256x512xf32> to vector<1x256x512xf32>
    tpu.vector_store %arg7[%swap3A, %swap3A_27, %swap3A_28], %swap3A_31 {strides = array<i32>} : memref<1x256x512xf32, #tpu.memory_space<vmem>>, vector<1x256x512xf32>,
    return
  }
  func.func @transform_0(%arg0: i32, %arg1: i32) -> (i32, i32, i32) {
    %c0_i32 = arith.constant 0 : i32
    %c0_i32_0 = arith.constant 0 : i32
    return %arg0, %c0_i32, %arg1 : i32, i32, i32
  }
  func.func @transform_1(%arg0: i32, %arg1: i32) -> (i32, i32) {
    %c0_i32 = arith.constant 0 : i32
    %c0_i32_0 = arith.constant 0 : i32
    %c0_i32_1 = arith.constant 0 : i32
    return %c0_i32, %c0_i32_0 : i32, i32
  }
  func.func @transform_2(%arg0: i32, %arg1: i32) -> (i32, i32) {
    %c0_i32 = arith.constant 0 : i32
    %c0_i32_0 = arith.constant 0 : i32
    %c0_i32_1 = arith.constant 0 : i32
    return %c0_i32, %c0_i32_0 : i32, i32
  }
  func.func @transform_3(%arg0: i32, %arg1: i32) -> (i32, i32) {
    %c0_i32 = arith.constant 0 : i32
    %c0_i32_0 = arith.constant 0 : i32
    %c0_i32_1 = arith.constant 0 : i32
    return %c0_i32, %c0_i32_0 : i32, i32
  }
  func.func @transform_4(%arg0: i32, %arg1: i32) -> (i32, i32) {
    %c0_i32 = arith.constant 0 : i32
    %c0_i32_0 = arith.constant 0 : i32
    %c0_i32_1 = arith.constant 0 : i32
    return %c0_i32, %c0_i32_0 : i32, i32
  }
  func.func @transform_5(%arg0: i32, %arg1: i32) -> (i32, i32, i32) {
    %c0_i32 = arith.constant 0 : i32
    %c0_i32_0 = arith.constant 0 : i32
    return %arg0, %c0_i32, %arg1 : i32, i32, i32
  }
}

module attributes {stable_mosaic.version = 14 : i64} {
  func.func @_fp_body(%arg0: i32, %arg1: i32, %arg2: memref<1x8x1024xf32, #tpu.memory_space<vmem>>, %arg3: memref<1x1024x8xf32, #tpu.memory_space<vmem>>, %arg4: memref<1x256x1024xf32, #tpu.memory_space<vmem>>, %arg5: memref<1x256x1024xf32, #tpu.memory_space<vmem>>) attributes {dimension_semantics = [#tpu.dimension_semantics<arbitrary>, #tpu.dimension_semantics<arbitrary>], iteration_bounds = array<i64: 8, 4>, scalar_prefetch = 0 : i64, scratch_operands = 0 : i64, tpu.core_type = #tpu.core_type<tc>, window_params = [{transform_indices = @transform_0, window_bounds = array<i64: 1, 8, 1024>}, {transform_indices = @transform_1, window_bounds = array<i64: 1, 1024, 8>}, {transform_indices = @transform_2, window_bounds = array<i64: 1, 256, 1024>}, {transform_indices = @transform_3, window_bounds = array<i64: 1, 256, 1024>}]} {
    %get3A = arith.constant 0 : index
    %get3A_0 = arith.constant 0 : index
    %get3A_1 = arith.constant 0 : index
    %get3A_2 = vector.load %arg2[%get3A, %get3A_0, %get3A_1] : memref<1x8x1024xf32, #tpu.memory_space<vmem>>, vector<1x1x1024xf32>
    %get3A_3 = vector.shape_cast %get3A_2 : vector<1x1x1024xf32> to vector<1x1024xf32>
    %get3A_4 = arith.constant 0 : index
    %get3A_5 = arith.constant 1 : index
    %get3A_6 = arith.constant 0 : index
    %get3A_7 = vector.load %arg2[%get3A_4, %get3A_5, %get3A_6] : memref<1x8x1024xf32, #tpu.memory_space<vmem>>, vector<1x1x1024xf32>
    %get3A_8 = vector.shape_cast %get3A_7 : vector<1x1x1024xf32> to vector<1x1024xf32>
    %get3A_9 = arith.constant 0 : index
    %get3A_10 = arith.constant 2 : index
    %get3A_11 = arith.constant 0 : index
    %get3A_12 = vector.load %arg2[%get3A_9, %get3A_10, %get3A_11] : memref<1x8x1024xf32, #tpu.memory_space<vmem>>, vector<1x1x1024xf32>
    %get3A_13 = vector.shape_cast %get3A_12 : vector<1x1x1024xf32> to vector<1x1024xf32>
    %get3A_14 = arith.constant 0 : index
    %get3A_15 = arith.constant 0 : index
    %get3A_16 = arith.constant 0 : index
    %get3A_17 = vector.load %arg3[%get3A_14, %get3A_15, %get3A_16] : memref<1x1024x8xf32, #tpu.memory_space<vmem>>, vector<1x1024x1xf32>
    %get3A_18 = vector.shape_cast %get3A_17 : vector<1x1024x1xf32> to vector<1024x1xf32>
    %get3A_19 = arith.constant 0 : index
    %get3A_20 = arith.constant 0 : index
    %get3A_21 = arith.constant 1 : index
    %get3A_22 = vector.load %arg3[%get3A_19, %get3A_20, %get3A_21] : memref<1x1024x8xf32, #tpu.memory_space<vmem>>, vector<1x1024x1xf32>
    %get3A_23 = vector.shape_cast %get3A_22 : vector<1x1024x1xf32> to vector<1024x1xf32>
    %get3A_24 = arith.constant 0 : index
    %get3A_25 = arith.constant 0 : index
    %get3A_26 = arith.constant 2 : index
    %get3A_27 = vector.load %arg3[%get3A_24, %get3A_25, %get3A_26] : memref<1x1024x8xf32, #tpu.memory_space<vmem>>, vector<1x1024x1xf32>
    %get3A_28 = vector.shape_cast %get3A_27 : vector<1x1024x1xf32> to vector<1024x1xf32>
    %sub3A = vector.broadcast %get3A_18 : vector<1024x1xf32> to vector<1024x1024xf32>
    %sub3A_29 = vector.broadcast %get3A_3 : vector<1x1024xf32> to vector<1024x1024xf32>
    %sub3A_30 = arith.subf %sub3A, %sub3A_29 : vector<1024x1024xf32>
    %sub3A_31 = vector.broadcast %get3A_23 : vector<1024x1xf32> to vector<1024x1024xf32>
    %sub3A_32 = vector.broadcast %get3A_8 : vector<1x1024xf32> to vector<1024x1024xf32>
    %sub3A_33 = arith.subf %sub3A_31, %sub3A_32 : vector<1024x1024xf32>
    %sub3A_34 = vector.broadcast %get3A_28 : vector<1024x1xf32> to vector<1024x1024xf32>
    %sub3A_35 = vector.broadcast %get3A_13 : vector<1x1024xf32> to vector<1024x1024xf32>
    %sub3A_36 = arith.subf %sub3A_34, %sub3A_35 : vector<1024x1024xf32>
    %mul3A = arith.mulf %sub3A_30, %sub3A_30 : vector<1024x1024xf32>
    %mul3A_37 = arith.mulf %sub3A_33, %sub3A_33 : vector<1024x1024xf32>
    %add3A = arith.addf %mul3A, %mul3A_37 : vector<1024x1024xf32>
    %mul3A_38 = arith.mulf %sub3A_36, %sub3A_36 : vector<1024x1024xf32>
    %add3A_39 = arith.addf %add3A, %mul3A_38 : vector<1024x1024xf32>
    %iota3A = tpu.iota {dimensions = array<i32: 0>} : vector<1024x1024xi32>
    %reduce_min3A = arith.constant dense<0x7F800000> : vector<1024xf32>
    %reduce_min3A_40 = vector.multi_reduction <minimumf>, %add3A_39, %reduce_min3A [0] : vector<1024x1024xf32> to vector<1024xf32>
    %broadcast_in_dim3A = vector.shape_cast %reduce_min3A_40 : vector<1024xf32> to vector<1x1024xf32>
    %eq3A = vector.broadcast %broadcast_in_dim3A : vector<1x1024xf32> to vector<1024x1024xf32>
    %eq3A_41 = arith.cmpf oeq, %add3A_39, %eq3A : vector<1024x1024xf32>
    %jit3A = arith.constant 1024 : i32
    %broadcast_in_dim3A_42 = vector.broadcast %jit3A : i32 to vector<1024x1024xi32>
    %select_n3A = arith.select %eq3A_41, %iota3A, %broadcast_in_dim3A_42 : vector<1024x1024xi1>, vector<1024x1024xi32>
    %reduce_min3A_43 = arith.constant dense<2147483647> : vector<1024xi32>
    %reduce_min3A_44 = vector.multi_reduction <minsi>, %select_n3A, %reduce_min3A_43 [0] : vector<1024x1024xi32> to vector<1024xi32>
    %broadcast_in_dim3A_45 = vector.shape_cast %reduce_min3A_44 : vector<1024xi32> to vector<1x1024xi32>
    %eq3A_46 = vector.broadcast %broadcast_in_dim3A_45 : vector<1x1024xi32> to vector<1024x1024xi32>
    %eq3A_47 = arith.cmpi eq, %iota3A, %eq3A_46 : vector<1024x1024xi32>
    %jit3A_48 = arith.constant 1.000000e+30 : f32
    %broadcast_in_dim3A_49 = vector.broadcast %jit3A_48 : f32 to vector<1024x1024xf32>
    %select_n3A_50 = arith.select %eq3A_47, %broadcast_in_dim3A_49, %add3A_39 : vector<1024x1024xi1>, vector<1024x1024xf32>
    %reduce_min3A_51 = arith.constant dense<0x7F800000> : vector<1024xf32>
    %reduce_min3A_52 = vector.multi_reduction <minimumf>, %select_n3A_50, %reduce_min3A_51 [0] : vector<1024x1024xf32> to vector<1024xf32>
    %broadcast_in_dim3A_53 = vector.shape_cast %reduce_min3A_52 : vector<1024xf32> to vector<1x1024xf32>
    %eq3A_54 = vector.broadcast %broadcast_in_dim3A_53 : vector<1x1024xf32> to vector<1024x1024xf32>
    %eq3A_55 = arith.cmpf oeq, %select_n3A_50, %eq3A_54 : vector<1024x1024xf32>
    %jit3A_56 = arith.constant 1024 : i32
    %broadcast_in_dim3A_57 = vector.broadcast %jit3A_56 : i32 to vector<1024x1024xi32>
    %select_n3A_58 = arith.select %eq3A_55, %iota3A, %broadcast_in_dim3A_57 : vector<1024x1024xi1>, vector<1024x1024xi32>
    %reduce_min3A_59 = arith.constant dense<2147483647> : vector<1024xi32>
    %reduce_min3A_60 = vector.multi_reduction <minsi>, %select_n3A_58, %reduce_min3A_59 [0] : vector<1024x1024xi32> to vector<1024xi32>
    %broadcast_in_dim3A_61 = vector.shape_cast %reduce_min3A_60 : vector<1024xi32> to vector<1x1024xi32>
    %eq3A_62 = vector.broadcast %broadcast_in_dim3A_61 : vector<1x1024xi32> to vector<1024x1024xi32>
    %eq3A_63 = arith.cmpi eq, %iota3A, %eq3A_62 : vector<1024x1024xi32>
    %jit3A_64 = arith.constant 1.000000e+30 : f32
    %broadcast_in_dim3A_65 = vector.broadcast %jit3A_64 : f32 to vector<1024x1024xf32>
    %select_n3A_66 = arith.select %eq3A_63, %broadcast_in_dim3A_65, %select_n3A_50 : vector<1024x1024xi1>, vector<1024x1024xf32>
    %reduce_min3A_67 = arith.constant dense<0x7F800000> : vector<1024xf32>
    %reduce_min3A_68 = vector.multi_reduction <minimumf>, %select_n3A_66, %reduce_min3A_67 [0] : vector<1024x1024xf32> to vector<1024xf32>
    %broadcast_in_dim3A_69 = vector.shape_cast %reduce_min3A_68 : vector<1024xf32> to vector<1x1024xf32>
    %eq3A_70 = vector.broadcast %broadcast_in_dim3A_69 : vector<1x1024xf32> to vector<1024x1024xf32>
    %eq3A_71 = arith.cmpf oeq, %select_n3A_66, %eq3A_70 : vector<1024x1024xf32>
    %jit3A_72 = arith.constant 1024 : i32
    %broadcast_in_dim3A_73 = vector.broadcast %jit3A_72 : i32 to vector<1024x1024xi32>
    %select_n3A_74 = arith.select %eq3A_71, %iota3A, %broadcast_in_dim3A_73 : vector<1024x1024xi1>, vector<1024x1024xi32>
    %reduce_min3A_75 = arith.constant dense<2147483647> : vector<1024xi32>
    %reduce_min3A_76 = vector.multi_reduction <minsi>, %select_n3A_74, %reduce_min3A_75 [0] : vector<1024x1024xi32> to vector<1024xi32>
    %broadcast_in_dim3A_77 = vector.shape_cast %reduce_min3A_76 : vector<1024xi32> to vector<1x1024xi32>
    %add3A_78 = arith.constant 9.99999993E-9 : f32
    %add3A_79 = vector.broadcast %add3A_78 : f32 to vector<1x1024xf32>
    %add3A_80 = arith.addf %broadcast_in_dim3A, %add3A_79 : vector<1x1024xf32>
    %div3A = arith.constant 1.000000e+00 : f32
    %div3A_81 = vector.broadcast %div3A : f32 to vector<1x1024xf32>
    %div3A_82 = arith.divf %div3A_81, %add3A_80 : vector<1x1024xf32>
    %add3A_83 = arith.constant 9.99999993E-9 : f32
    %add3A_84 = vector.broadcast %add3A_83 : f32 to vector<1x1024xf32>
    %add3A_85 = arith.addf %broadcast_in_dim3A_53, %add3A_84 : vector<1x1024xf32>
    %div3A_86 = arith.constant 1.000000e+00 : f32
    %div3A_87 = vector.broadcast %div3A_86 : f32 to vector<1x1024xf32>
    %div3A_88 = arith.divf %div3A_87, %add3A_85 : vector<1x1024xf32>
    %add3A_89 = arith.constant 9.99999993E-9 : f32
    %add3A_90 = vector.broadcast %add3A_89 : f32 to vector<1x1024xf32>
    %add3A_91 = arith.addf %broadcast_in_dim3A_69, %add3A_90 : vector<1x1024xf32>
    %div3A_92 = arith.constant 1.000000e+00 : f32
    %div3A_93 = vector.broadcast %div3A_92 : f32 to vector<1x1024xf32>
    %div3A_94 = arith.divf %div3A_93, %add3A_91 : vector<1x1024xf32>
    %add3A_95 = arith.addf %div3A_82, %div3A_88 : vector<1x1024xf32>
    %add3A_96 = arith.addf %add3A_95, %div3A_94 : vector<1x1024xf32>
    %div3A_97 = arith.divf %div3A_82, %add3A_96 : vector<1x1024xf32>
    %div3A_98 = arith.divf %div3A_88, %add3A_96 : vector<1x1024xf32>
    %div3A_99 = arith.divf %div3A_94, %add3A_96 : vector<1x1024xf32>
    %broadcast_in_dim3A_100 = arith.constant 0.000000e+00 : f32
    %broadcast_in_dim3A_101 = vector.broadcast %broadcast_in_dim3A_100 : f32 to vector<1024x1024xf32>
    %eq3A_102 = vector.broadcast %broadcast_in_dim3A_45 : vector<1x1024xi32> to vector<1024x1024xi32>
    %eq3A_103 = arith.cmpi eq, %iota3A, %eq3A_102 : vector<1024x1024xi32>
    %jit3A_104 = arith.constant 0.000000e+00 : f32
    %broadcast_in_dim3A_105 = vector.shape_cast %div3A_97 : vector<1x1024xf32> to vector<1x1024xf32>
    %broadcast_in_dim3A_106 = vector.broadcast %broadcast_in_dim3A_105 : vector<1x1024xf32> to vector<1024x1024xf32>
    %broadcast_in_dim3A_107 = vector.broadcast %jit3A_104 : f32 to vector<1024x1024xf32>
    %select_n3A_108 = arith.select %eq3A_103, %broadcast_in_dim3A_106, %broadcast_in_dim3A_107 : vector<1024x1024xi1>, vector<1024x1024xf32>
    %add3A_109 = arith.addf %broadcast_in_dim3A_101, %select_n3A_108 : vector<1024x1024xf32>
    %eq3A_110 = vector.broadcast %broadcast_in_dim3A_61 : vector<1x1024xi32> to vector<1024x1024xi32>
    %eq3A_111 = arith.cmpi eq, %iota3A, %eq3A_110 : vector<1024x1024xi32>
    %jit3A_112 = arith.constant 0.000000e+00 : f32
    %broadcast_in_dim3A_113 = vector.shape_cast %div3A_98 : vector<1x1024xf32> to vector<1x1024xf32>
    %broadcast_in_dim3A_114 = vector.broadcast %broadcast_in_dim3A_113 : vector<1x1024xf32> to vector<1024x1024xf32>
    %broadcast_in_dim3A_115 = vector.broadcast %jit3A_112 : f32 to vector<1024x1024xf32>
    %select_n3A_116 = arith.select %eq3A_111, %broadcast_in_dim3A_114, %broadcast_in_dim3A_115 : vector<1024x1024xi1>, vector<1024x1024xf32>
    %add3A_117 = arith.addf %add3A_109, %select_n3A_116 : vector<1024x1024xf32>
    %eq3A_118 = vector.broadcast %broadcast_in_dim3A_77 : vector<1x1024xi32> to vector<1024x1024xi32>
    %eq3A_119 = arith.cmpi eq, %iota3A, %eq3A_118 : vector<1024x1024xi32>
    %jit3A_120 = arith.constant 0.000000e+00 : f32
    %broadcast_in_dim3A_121 = vector.shape_cast %div3A_99 : vector<1x1024xf32> to vector<1x1024xf32>
    %broadcast_in_dim3A_122 = vector.broadcast %broadcast_in_dim3A_121 : vector<1x1024xf32> to vector<1024x1024xf32>
    %broadcast_in_dim3A_123 = vector.broadcast %jit3A_120 : f32 to vector<1024x1024xf32>
    %select_n3A_124 = arith.select %eq3A_119, %broadcast_in_dim3A_122, %broadcast_in_dim3A_123 : vector<1024x1024xi1>, vector<1024x1024xf32>
    %add3A_125 = arith.addf %add3A_117, %select_n3A_124 : vector<1024x1024xf32>
    %get3A_126 = arith.constant 0 : index
    %get3A_127 = arith.constant 0 : index
    %get3A_128 = arith.constant 0 : index
    %get3A_129 = vector.load %arg4[%get3A_126, %get3A_127, %get3A_128] : memref<1x256x1024xf32, #tpu.memory_space<vmem>>, vector<1x256x1024xf32>
    %get3A_130 = vector.shape_cast %get3A_129 : vector<1x256x1024xf32> to vector<256x1024xf32>
    %dot_general3A = arith.constant dense<0.000000e+00> : vector<256x1024xf32>
    %dot_general3A_131 = tpu.matmul %get3A_130, %add3A_125, %dot_general3A {dimension_numbers = #tpu.dot_dimension_numbers<[1], [0], [0], [1], [0, 0, 1, 1], [], []>, transpose_lhs_hint = false} : vector<256x1024xf32>, vector<1024x1024xf32>, vector<256x1024xf32> -> vector<256x1024xf32>
    %swap3A = arith.constant 0 : index
    %swap3A_132 = arith.constant 0 : index
    %swap3A_133 = arith.constant 0 : index
    %swap3A_134 = vector.load %arg5[%swap3A, %swap3A_132, %swap3A_133] : memref<1x256x1024xf32, #tpu.memory_space<vmem>>, vector<1x256x1024xf32>
    %swap3A_135 = vector.shape_cast %swap3A_134 : vector<1x256x1024xf32> to vector<256x1024xf32>
    %swap3A_136 = vector.shape_cast %dot_general3A_131 : vector<256x1024xf32> to vector<1x256x1024xf32>
    tpu.vector_store %arg5[%swap3A, %swap3A_132, %swap3A_133], %swap3A_136 {strides = array<i32>} : memref<1x256x1024xf32, #tpu.memory_space<vmem>>, vector<1x256x1024xf32>,
    return
  }
  func.func @transform_0(%arg0: i32, %arg1: i32) -> (i32, i32, i32) {
    %c0_i32 = arith.constant 0 : i32
    %c0_i32_0 = arith.constant 0 : i32
    return %arg0, %c0_i32, %arg1 : i32, i32, i32
  }
  func.func @transform_1(%arg0: i32, %arg1: i32) -> (i32, i32, i32) {
    %c0_i32 = arith.constant 0 : i32
    %c0_i32_0 = arith.constant 0 : i32
    %c0_i32_1 = arith.constant 0 : i32
    return %arg0, %c0_i32, %c0_i32_0 : i32, i32, i32
  }
  func.func @transform_2(%arg0: i32, %arg1: i32) -> (i32, i32, i32) {
    %c0_i32 = arith.constant 0 : i32
    %c0_i32_0 = arith.constant 0 : i32
    %c0_i32_1 = arith.constant 0 : i32
    return %arg0, %c0_i32, %c0_i32_0 : i32, i32, i32
  }
  func.func @transform_3(%arg0: i32, %arg1: i32) -> (i32, i32, i32) {
    %c0_i32 = arith.constant 0 : i32
    %c0_i32_0 = arith.constant 0 : i32
    return %arg0, %c0_i32, %arg1 : i32, i32, i32
  }
}

module attributes {stable_mosaic.version = 14 : i64} {
  func.func @_chain_body(%arg0: i32, %arg1: i32, %arg2: memref<1x288x512xf32, #tpu.memory_space<vmem>>, %arg3: memref<128x288xf32, #tpu.memory_space<vmem>>, %arg4: memref<128x1xf32, #tpu.memory_space<vmem>>, %arg5: memref<128x128xf32, #tpu.memory_space<vmem>>, %arg6: memref<128x1xf32, #tpu.memory_space<vmem>>, %arg7: memref<1x128x512xf32, #tpu.memory_space<vmem>>) attributes {dimension_semantics = [#tpu.dimension_semantics<arbitrary>, #tpu.dimension_semantics<arbitrary>], iteration_bounds = array<i64: 8, 8>, scalar_prefetch = 0 : i64, scratch_operands = 0 : i64, tpu.core_type = #tpu.core_type<tc>, window_params = [{transform_indices = @transform_0, window_bounds = array<i64: 1, 288, 512>}, {pipeline_mode = #tpu.pipeline_mode<synchronous>, transform_indices = @transform_1, window_bounds = array<i64: 128, 288>}, {pipeline_mode = #tpu.pipeline_mode<synchronous>, transform_indices = @transform_2, window_bounds = array<i64: 128, 1>}, {pipeline_mode = #tpu.pipeline_mode<synchronous>, transform_indices = @transform_3, window_bounds = array<i64: 128, 128>}, {pipeline_mode = #tpu.pipeline_mode<synchronous>, transform_indices = @transform_4, window_bounds = array<i64: 128, 1>}, {transform_indices = @transform_5, window_bounds = array<i64: 1, 128, 512>}]} {
    %get3A = arith.constant 0 : index
    %get3A_0 = arith.constant 0 : index
    %get3A_1 = arith.constant 0 : index
    %get3A_2 = vector.load %arg2[%get3A, %get3A_0, %get3A_1] : memref<1x288x512xf32, #tpu.memory_space<vmem>>, vector<1x288x512xf32>
    %get3A_3 = vector.shape_cast %get3A_2 : vector<1x288x512xf32> to vector<288x512xf32>
    %get3A_4 = arith.constant 0 : index
    %get3A_5 = arith.constant 0 : index
    %get3A_6 = vector.load %arg3[%get3A_4, %get3A_5] : memref<128x288xf32, #tpu.memory_space<vmem>>, vector<128x288xf32>
    %get3A_7 = arith.constant 0 : index
    %get3A_8 = arith.constant 0 : index
    %get3A_9 = vector.load %arg4[%get3A_7, %get3A_8] : memref<128x1xf32, #tpu.memory_space<vmem>>, vector<128x1xf32>
    %dot_general3A = arith.constant dense<0.000000e+00> : vector<128x512xf32>
    %dot_general3A_10 = tpu.matmul %get3A_6, %get3A_3, %dot_general3A {dimension_numbers = #tpu.dot_dimension_numbers<[1], [0], [0], [1], [0, 0, 1, 1], [], []>, transpose_lhs_hint = false} : vector<128x288xf32>, vector<288x512xf32>, vector<128x512xf32> -> vector<128x512xf32>
    %add3A = vector.broadcast %get3A_9 : vector<128x1xf32> to vector<128x512xf32>
    %add3A_11 = arith.addf %dot_general3A_10, %add3A : vector<128x512xf32>
    %max3A = arith.constant 0.000000e+00 : f32
    %max3A_12 = vector.broadcast %max3A : f32 to vector<128x512xf32>
    %max3A_13 = arith.maximumf %add3A_11, %max3A_12 : vector<128x512xf32>
    %get3A_14 = arith.constant 0 : index
    %get3A_15 = arith.constant 0 : index
    %get3A_16 = vector.load %arg5[%get3A_14, %get3A_15] : memref<128x128xf32, #tpu.memory_space<vmem>>, vector<128x128xf32>
    %get3A_17 = arith.constant 0 : index
    %get3A_18 = arith.constant 0 : index
    %get3A_19 = vector.load %arg6[%get3A_17, %get3A_18] : memref<128x1xf32, #tpu.memory_space<vmem>>, vector<128x1xf32>
    %dot_general3A_20 = arith.constant dense<0.000000e+00> : vector<128x512xf32>
    %dot_general3A_21 = tpu.matmul %get3A_16, %max3A_13, %dot_general3A_20 {dimension_numbers = #tpu.dot_dimension_numbers<[1], [0], [0], [1], [0, 0, 1, 1], [], []>, transpose_lhs_hint = false} : vector<128x128xf32>, vector<128x512xf32>, vector<128x512xf32> -> vector<128x512xf32>
    %add3A_22 = vector.broadcast %get3A_19 : vector<128x1xf32> to vector<128x512xf32>
    %add3A_23 = arith.addf %dot_general3A_21, %add3A_22 : vector<128x512xf32>
    %max3A_24 = arith.constant 0.000000e+00 : f32
    %max3A_25 = vector.broadcast %max3A_24 : f32 to vector<128x512xf32>
    %max3A_26 = arith.maximumf %add3A_23, %max3A_25 : vector<128x512xf32>
    %swap3A = arith.constant 0 : index
    %swap3A_27 = arith.constant 0 : index
    %swap3A_28 = arith.constant 0 : index
    %swap3A_29 = vector.load %arg7[%swap3A, %swap3A_27, %swap3A_28] : memref<1x128x512xf32, #tpu.memory_space<vmem>>, vector<1x128x512xf32>
    %swap3A_30 = vector.shape_cast %swap3A_29 : vector<1x128x512xf32> to vector<128x512xf32>
    %swap3A_31 = vector.shape_cast %max3A_26 : vector<128x512xf32> to vector<1x128x512xf32>
    tpu.vector_store %arg7[%swap3A, %swap3A_27, %swap3A_28], %swap3A_31 {strides = array<i32>} : memref<1x128x512xf32, #tpu.memory_space<vmem>>, vector<1x128x512xf32>,
    return
  }
  func.func @transform_0(%arg0: i32, %arg1: i32) -> (i32, i32, i32) {
    %c0_i32 = arith.constant 0 : i32
    %c0_i32_0 = arith.constant 0 : i32
    return %arg0, %c0_i32, %arg1 : i32, i32, i32
  }
  func.func @transform_1(%arg0: i32, %arg1: i32) -> (i32, i32) {
    %c0_i32 = arith.constant 0 : i32
    %c0_i32_0 = arith.constant 0 : i32
    %c0_i32_1 = arith.constant 0 : i32
    return %c0_i32, %c0_i32_0 : i32, i32
  }
  func.func @transform_2(%arg0: i32, %arg1: i32) -> (i32, i32) {
    %c0_i32 = arith.constant 0 : i32
    %c0_i32_0 = arith.constant 0 : i32
    %c0_i32_1 = arith.constant 0 : i32
    return %c0_i32, %c0_i32_0 : i32, i32
  }
  func.func @transform_3(%arg0: i32, %arg1: i32) -> (i32, i32) {
    %c0_i32 = arith.constant 0 : i32
    %c0_i32_0 = arith.constant 0 : i32
    %c0_i32_1 = arith.constant 0 : i32
    return %c0_i32, %c0_i32_0 : i32, i32
  }
  func.func @transform_4(%arg0: i32, %arg1: i32) -> (i32, i32) {
    %c0_i32 = arith.constant 0 : i32
    %c0_i32_0 = arith.constant 0 : i32
    %c0_i32_1 = arith.constant 0 : i32
    return %c0_i32, %c0_i32_0 : i32, i32
  }
  func.func @transform_5(%arg0: i32, %arg1: i32) -> (i32, i32, i32) {
    %c0_i32 = arith.constant 0 : i32
    %c0_i32_0 = arith.constant 0 : i32
    return %arg0, %c0_i32, %arg1 : i32, i32, i32
  }
}

module attributes {stable_mosaic.version = 14 : i64} {
  func.func @_chain_body(%arg0: i32, %arg1: i32, %arg2: memref<1x128x1024xf32, #tpu.memory_space<vmem>>, %arg3: memref<128x128xf32, #tpu.memory_space<vmem>>, %arg4: memref<128x1xf32, #tpu.memory_space<vmem>>, %arg5: memref<1x128x1024xf32, #tpu.memory_space<vmem>>) attributes {dimension_semantics = [#tpu.dimension_semantics<arbitrary>, #tpu.dimension_semantics<arbitrary>], iteration_bounds = array<i64: 8, 4>, scalar_prefetch = 0 : i64, scratch_operands = 0 : i64, tpu.core_type = #tpu.core_type<tc>, window_params = [{transform_indices = @transform_0, window_bounds = array<i64: 1, 128, 1024>}, {pipeline_mode = #tpu.pipeline_mode<synchronous>, transform_indices = @transform_1, window_bounds = array<i64: 128, 128>}, {pipeline_mode = #tpu.pipeline_mode<synchronous>, transform_indices = @transform_2, window_bounds = array<i64: 128, 1>}, {transform_indices = @transform_3, window_bounds = array<i64: 1, 128, 1024>}]} {
    %get3A = arith.constant 0 : index
    %get3A_0 = arith.constant 0 : index
    %get3A_1 = arith.constant 0 : index
    %get3A_2 = vector.load %arg2[%get3A, %get3A_0, %get3A_1] : memref<1x128x1024xf32, #tpu.memory_space<vmem>>, vector<1x128x1024xf32>
    %get3A_3 = vector.shape_cast %get3A_2 : vector<1x128x1024xf32> to vector<128x1024xf32>
    %get3A_4 = arith.constant 0 : index
    %get3A_5 = arith.constant 0 : index
    %get3A_6 = vector.load %arg3[%get3A_4, %get3A_5] : memref<128x128xf32, #tpu.memory_space<vmem>>, vector<128x128xf32>
    %get3A_7 = arith.constant 0 : index
    %get3A_8 = arith.constant 0 : index
    %get3A_9 = vector.load %arg4[%get3A_7, %get3A_8] : memref<128x1xf32, #tpu.memory_space<vmem>>, vector<128x1xf32>
    %dot_general3A = arith.constant dense<0.000000e+00> : vector<128x1024xf32>
    %dot_general3A_10 = tpu.matmul %get3A_6, %get3A_3, %dot_general3A {dimension_numbers = #tpu.dot_dimension_numbers<[1], [0], [0], [1], [0, 0, 1, 1], [], []>, transpose_lhs_hint = false} : vector<128x128xf32>, vector<128x1024xf32>, vector<128x1024xf32> -> vector<128x1024xf32>
    %add3A = vector.broadcast %get3A_9 : vector<128x1xf32> to vector<128x1024xf32>
    %add3A_11 = arith.addf %dot_general3A_10, %add3A : vector<128x1024xf32>
    %max3A = arith.constant 0.000000e+00 : f32
    %max3A_12 = vector.broadcast %max3A : f32 to vector<128x1024xf32>
    %max3A_13 = arith.maximumf %add3A_11, %max3A_12 : vector<128x1024xf32>
    %swap3A = arith.constant 0 : index
    %swap3A_14 = arith.constant 0 : index
    %swap3A_15 = arith.constant 0 : index
    %swap3A_16 = vector.load %arg5[%swap3A, %swap3A_14, %swap3A_15] : memref<1x128x1024xf32, #tpu.memory_space<vmem>>, vector<1x128x1024xf32>
    %swap3A_17 = vector.shape_cast %swap3A_16 : vector<1x128x1024xf32> to vector<128x1024xf32>
    %swap3A_18 = vector.shape_cast %max3A_13 : vector<128x1024xf32> to vector<1x128x1024xf32>
    tpu.vector_store %arg5[%swap3A, %swap3A_14, %swap3A_15], %swap3A_18 {strides = array<i32>} : memref<1x128x1024xf32, #tpu.memory_space<vmem>>, vector<1x128x1024xf32>,
    return
  }
  func.func @transform_0(%arg0: i32, %arg1: i32) -> (i32, i32, i32) {
    %c0_i32 = arith.constant 0 : i32
    %c0_i32_0 = arith.constant 0 : i32
    return %arg0, %c0_i32, %arg1 : i32, i32, i32
  }
  func.func @transform_1(%arg0: i32, %arg1: i32) -> (i32, i32) {
    %c0_i32 = arith.constant 0 : i32
    %c0_i32_0 = arith.constant 0 : i32
    %c0_i32_1 = arith.constant 0 : i32
    return %c0_i32, %c0_i32_0 : i32, i32
  }
  func.func @transform_2(%arg0: i32, %arg1: i32) -> (i32, i32) {
    %c0_i32 = arith.constant 0 : i32
    %c0_i32_0 = arith.constant 0 : i32
    %c0_i32_1 = arith.constant 0 : i32
    return %c0_i32, %c0_i32_0 : i32, i32
  }
  func.func @transform_3(%arg0: i32, %arg1: i32) -> (i32, i32, i32) {
    %c0_i32 = arith.constant 0 : i32
    %c0_i32_0 = arith.constant 0 : i32
    return %arg0, %c0_i32, %arg1 : i32, i32, i32
  }
}

module attributes {stable_mosaic.version = 14 : i64} {
  func.func @_chain_body(%arg0: i32, %arg1: i32, %arg2: memref<1x1024x128xf32, #tpu.memory_space<vmem>>, %arg3: memref<128x1024xf32, #tpu.memory_space<vmem>>, %arg4: memref<128x1xf32, #tpu.memory_space<vmem>>, %arg5: memref<1x128x1xf32, #tpu.memory_space<vmem>>) attributes {dimension_semantics = [#tpu.dimension_semantics<arbitrary>, #tpu.dimension_semantics<arbitrary>], iteration_bounds = array<i64: 8, 1>, scalar_prefetch = 0 : i64, scratch_operands = 0 : i64, tpu.core_type = #tpu.core_type<tc>, window_params = [{transform_indices = @transform_0, window_bounds = array<i64: 1, 1024, 128>}, {pipeline_mode = #tpu.pipeline_mode<synchronous>, transform_indices = @transform_1, window_bounds = array<i64: 128, 1024>}, {pipeline_mode = #tpu.pipeline_mode<synchronous>, transform_indices = @transform_2, window_bounds = array<i64: 128, 1>}, {transform_indices = @transform_3, window_bounds = array<i64: 1, 128, 1>}]} {
    %get3A = arith.constant 0 : index
    %get3A_0 = arith.constant 0 : index
    %get3A_1 = arith.constant 0 : index
    %get3A_2 = vector.load %arg2[%get3A, %get3A_0, %get3A_1] : memref<1x1024x128xf32, #tpu.memory_space<vmem>>, vector<1x1024x128xf32>
    %get3A_3 = vector.shape_cast %get3A_2 : vector<1x1024x128xf32> to vector<1024x128xf32>
    %get3A_4 = arith.constant 0 : index
    %get3A_5 = arith.constant 0 : index
    %get3A_6 = vector.load %arg3[%get3A_4, %get3A_5] : memref<128x1024xf32, #tpu.memory_space<vmem>>, vector<128x1024xf32>
    %get3A_7 = arith.constant 0 : index
    %get3A_8 = arith.constant 0 : index
    %get3A_9 = vector.load %arg4[%get3A_7, %get3A_8] : memref<128x1xf32, #tpu.memory_space<vmem>>, vector<128x1xf32>
    %dot_general3A = arith.constant dense<0.000000e+00> : vector<128x128xf32>
    %dot_general3A_10 = tpu.matmul %get3A_6, %get3A_3, %dot_general3A {dimension_numbers = #tpu.dot_dimension_numbers<[1], [0], [0], [1], [0, 0, 1, 1], [], []>, transpose_lhs_hint = false} : vector<128x1024xf32>, vector<1024x128xf32>, vector<128x128xf32> -> vector<128x128xf32>
    %add3A = vector.broadcast %get3A_9 : vector<128x1xf32> to vector<128x128xf32>
    %add3A_11 = arith.addf %dot_general3A_10, %add3A : vector<128x128xf32>
    %max3A = arith.constant 0.000000e+00 : f32
    %max3A_12 = vector.broadcast %max3A : f32 to vector<128x128xf32>
    %max3A_13 = arith.maximumf %add3A_11, %max3A_12 : vector<128x128xf32>
    %slice3A = vector.extract_strided_slice %max3A_13 {offsets = [0, 0], sizes = [128, 64], strides = [1, 1]} : vector<128x128xf32> to vector<128x64xf32>
    %reduce_max3A = arith.constant dense<0xFF800000> : vector<128xf32>
    %reduce_max3A_14 = vector.multi_reduction <maximumf>, %slice3A, %reduce_max3A [1] : vector<128x64xf32> to vector<128xf32>
    %broadcast_in_dim3A = vector.shape_cast %reduce_max3A_14 : vector<128xf32> to vector<128x1xf32>
    %swap3A = arith.constant 0 : index
    %swap3A_15 = arith.constant 0 : index
    %swap3A_16 = arith.constant 0 : index
    %swap3A_17 = vector.load %arg5[%swap3A, %swap3A_15, %swap3A_16] : memref<1x128x1xf32, #tpu.memory_space<vmem>>, vector<1x128x1xf32>
    %swap3A_18 = vector.shape_cast %swap3A_17 : vector<1x128x1xf32> to vector<128x1xf32>
    %swap3A_19 = vector.shape_cast %broadcast_in_dim3A : vector<128x1xf32> to vector<1x128x1xf32>
    tpu.vector_store %arg5[%swap3A, %swap3A_15, %swap3A_16], %swap3A_19 {strides = array<i32>} : memref<1x128x1xf32, #tpu.memory_space<vmem>>, vector<1x128x1xf32>,
    return
  }
  func.func @transform_0(%arg0: i32, %arg1: i32) -> (i32, i32, i32) {
    %c0_i32 = arith.constant 0 : i32
    %c0_i32_0 = arith.constant 0 : i32
    return %arg0, %c0_i32, %arg1 : i32, i32, i32
  }
  func.func @transform_1(%arg0: i32, %arg1: i32) -> (i32, i32) {
    %c0_i32 = arith.constant 0 : i32
    %c0_i32_0 = arith.constant 0 : i32
    %c0_i32_1 = arith.constant 0 : i32
    return %c0_i32, %c0_i32_0 : i32, i32
  }
  func.func @transform_2(%arg0: i32, %arg1: i32) -> (i32, i32) {
    %c0_i32 = arith.constant 0 : i32
    %c0_i32_0 = arith.constant 0 : i32
    %c0_i32_1 = arith.constant 0 : i32
    return %c0_i32, %c0_i32_0 : i32, i32
  }
  func.func @transform_3(%arg0: i32, %arg1: i32) -> (i32, i32, i32) {
    %c0_i32 = arith.constant 0 : i32
    %c0_i32_0 = arith.constant 0 : i32
    %c0_i32_1 = arith.constant 0 : i32
    return %arg0, %c0_i32, %c0_i32_0 : i32, i32, i32
  }
}

</mosaic_0001>

<sc_bundles>
// kernel: kernel.33.cloned.1.call-start
scs
__scs_entry_jumppad:
0x0: {  	(pc) =	sbr.rel $0x88, $3  }
0x1: {  	(tag) =	ssettag $0x0;
	lr =	simm.s32 $0x1  }
0x2: {  	[smem:$0x3F37] =	sst lr;
	_ =	strace $0xD0000000  }
0x3: {  	_ = 	snop  }
0x4: {  	_ = 	snop  }
0x5: {  	_ = 	snop  }
0x6: {  	_ = 	snop  }
0x7: {  	_ = 	snop  }
__scs_overlays_trampoline_lowered:
0x8: {  	[smem:$0x3F46] =	sst s0  }
0x9: {  	[smem:$0x3F47] =	sst s1  }
0xa: {  	[smem:$0x3F48] =	sst s2  }
0xb: {  	[smem:$0x3F49] =	sst s3  }
0xc: {  	[smem:$0x3F4A] =	sst s4  }
0xd: {  	[smem:$0x3F4B] =	sst s5  }
0xe: {  	[smem:$0x3F4C] =	sst s6  }
0xf: {  	[smem:$0x3F4D] =	sst s7  }
0x10: {  	[smem:$0x3F4E] =	sst s8  }
0x11: {  	[smem:$0x3F4F] =	sst s9;
	s0 =	simm.s32 @!p0 $0x0  }
0x12: {  	s1 =	sld [smem:$0x3F35];
	s0 =	simm.s32 @p0 $0x1  }
0x13: {  	[smem:$0x3F50] =	sst s0;
	s0 =	simm.s32 @!p1 $0x0  }
0x14: {  	s2 =	sld [smem:$0x3F34];
	s0 =	simm.s32 @p1 $0x1  }
0x15: {  	[smem:$0x3F51] =	sst s0;
	s0 =	simm.s32 @!p2 $0x0  }
0x16: {  	s3 =	sld [smem:$0x3FDB];
	s0 =	simm.s32 @p2 $0x1  }
0x17: {  	s4 =	simm.s32 $0x1BF5;
	[smem:$0x3F53] =	sst s0  }
0x18: {  	s0 =	sld [smem:$0x3F36];
	_ =	swait.ge [sflag:s4], $0x0  }
0x19: {  	s7 =	sld [smem:$0x3F37]  }
0x1a: {  	s8 =	sadd.s32 $0xFFFFE003, lr  }
0x1b: {  	s9 =	sadd.s32 $0xFFFFFEF7, lr;
	s5 =	simm.s32 $0xFFFFFFFF;
	p2 =	slt.u32 s8, $0xFFFFF086  }
0x1c: {  	p1 =	slt.u32 s9, $0xF7A;
	s5 =	simm.s32 @!p2 $0x0  }
0x1d: {  	s5 =	simm.s32 @p1 $0x1;
	p0 =	seq.s32 s7, s2  }
0x1e: {  	s7 =	smul.u32 @!p0 $0xF7A, s2;
	p2 =	seq.s32 @!p0 s5, $0x0  }
0x1f: {  	s9 =	smul.u32 $0xF7A, s1;
	s8 =	simm.s32 @!p0 $0x1BF5;
	p2 =	por !p2, p0  }
0x20: {  	[sflag:s8] =	ssyncset.s32 @!p0 $0xFFFFF086;
	s6 =	sadd.s32 @!p0 s3, s7;
	s7 =	simm.s32 @!p0 $0x108  }
0x21: {  	s3 =	sadd.s32 s3, s9;
	s6 =	sadd.s32 @!p0 $0x88, s6;
	s7 =	simm.s32 @p2 $0x1082  }
0x22: {  	[simem:s7], [sflag:s8] =	dma.local @!p0 [hbm:s6], $0xF7A  }
0x23: {  	s9 =	sor.u32 $0xD0000000, s2;
	s6 =	simm.s32 $0x108;
	_ =	swait.ge @!p0 [sflag:s8], $0x0  }
0x24: {  	s3 =	sadd.s32 $0x88, s3;
	s6 =	simm.s32 @!p1 $0x1082;
	[sflag:s4] =	ssyncset.s32 $0xFFFFF086  }
0x25: {  	[simem:s6], [sflag:s4] =	dma.local [hbm:s3], $0xF7A  }
0x26: {  	[smem:$0x3F37] =	sst s1;
	(tag) =	ssettag s2;
	_ =	strace s9  }
0x27: {  	s1 =	sld [smem:$0x3F47]  }
0x28: {  	s2 =	sld [smem:$0x3F48]  }
0x29: {  	s4 =	sld [smem:$0x3F4A]  }
0x2a: {  	p0 =	seq.s32 s5, $0x0;
	s5 =	sld [smem:$0x3F4B]  }
0x2b: {  	s6 =	sld [smem:$0x3F4C]  }
0x2c: {  	s7 =	sld [smem:$0x3F4D]  }
0x2d: {  	s3 =	simm.s32 $0x108;
	s8 =	sld [smem:$0x3F4E]  }
0x2e: {  	s3 =	simm.s32 @!p0 $0x1082;
	s9 =	sld [smem:$0x3F4F]  }
0x2f: {  	lr =	sadd.s32 s0, s3;
	s0 =	sld [smem:$0x3F46]  }
0x30: {  	s3 =	sld [smem:$0x3F49]  }
0x31: {  	[smem:$0x3F52] =	sst s10  }
0x32: {  	s10 =	sld [smem:$0x3F50];
	_ =	sdelay $0x3  }
0x33: {  	p0 =	seq.s32 s10, $0x1;
	s10 =	sld [smem:$0x3F52];
	_ =	sdelay $0x3  }
0x34: {  	[smem:$0x3F52] =	sst s10  }
0x35: {  	s10 =	sld [smem:$0x3F51];
	_ =	sdelay $0x3  }
0x36: {  	p1 =	seq.s32 s10, $0x1;
	s10 =	sld [smem:$0x3F52];
	_ =	sdelay $0x3  }
0x37: {  	[smem:$0x3F52] =	sst s10  }
0x38: {  	s10 =	sld [smem:$0x3F53]  }
0x39: {  	_ = 	snop;
	(pc) =	sbr.ind lr, $3  }
0x3a: {  	_ = 	snop  }
0x3b: {  	_ = 	snop  }
0x3c: {  	p2 =	seq.s32 s10, $0x1;
	s10 =	sld [smem:$0x3F52]  }
0x3d: {  	_ =	shalt  }
0x3e: {  	_ =	shalt  }
0x3f: {  	_ =	shalt  }
0x40: {  	_ =	shalt  }
0x41: {  	_ =	shalt  }
0x42: {  	_ =	shalt  }
0x43: {  	_ =	shalt  }
0x44: {  	_ =	shalt  }
0x45: {  	_ =	shalt  }
0x46: {  	_ =	shalt  }
0x47: {  	_ =	shalt  }
0x48: {  	_ =	shalt  }
0x49: {  	_ =	shalt  }
0x4a: {  	_ =	shalt  }
0x4b: {  	_ =	shalt  }
0x4c: {  	_ =	shalt  }
0x4d: {  	_ =	shalt  }
0x4e: {  	_ =	shalt  }
0x4f: {  	_ =	shalt  }
0x50: {  	_ =	shalt  }
0x51: {  	_ =	shalt  }
0x52: {  	_ =	shalt  }
0x53: {  	_ =	shalt  }
0x54: {  	_ =	shalt  }
0x55: {  	_ =	shalt  }
0x56: {  	_ =	shalt  }
0x57: {  	_ =	shalt  }
0x58: {  	_ =	shalt  }
0x59: {  	_ =	shalt  }
0x5a: {  	_ =	shalt  }
0x5b: {  	_ =	shalt  }
0x5c: {  	_ =	shalt  }
0x5d: {  	_ =	shalt  }
0x5e: {  	_ =	shalt  }
0x5f: {  	_ =	shalt  }
0x60: {  	_ =	shalt  }
0x61: {  	_ =	shalt  }
0x62: {  	_ =	shalt  }
0x63: {  	_ =	shalt  }
0x64: {  	_ =	shalt  }
0x65: {  	_ =	shalt  }
0x66: {  	_ =	shalt  }
0x67: {  	_ =	shalt  }
0x68: {  	_ =	shalt  }
0x69: {  	_ =	shalt  }
0x6a: {  	_ =	shalt  }
0x6b: {  	_ =	shalt  }
0x6c: {  	_ =	shalt  }
0x6d: {  	_ =	shalt  }
0x6e: {  	_ =	shalt  }
0x6f: {  	_ =	shalt  }
0x70: {  	_ =	shalt  }
0x71: {  	_ =	shalt  }
0x72: {  	_ =	shalt  }
0x73: {  	_ =	shalt  }
0x74: {  	_ =	shalt  }
0x75: {  	_ =	shalt  }
0x76: {  	_ =	shalt  }
0x77: {  	_ =	shalt  }
0x78: {  	_ =	shalt  }
0x79: {  	_ =	shalt  }
0x7a: {  	_ =	shalt  }
0x7b: {  	_ =	shalt  }
0x7c: {  	_ =	shalt  }
0x7d: {  	_ =	shalt  }
0x7e: {  	_ =	shalt  }
0x7f: {  	_ =	shalt  }
0x80: {  	_ =	shalt  }
0x81: {  	_ =	shalt  }
0x82: {  	_ =	shalt  }
0x83: {  	_ =	shalt  }
0x84: {  	_ =	shalt  }
0x85: {  	_ =	shalt  }
0x86: {  	_ =	shalt  }
0x87: {  	_ =	shalt  }
.Lfunc_end0:
.L_simem_size_0:
called_computation_lowered:
.L_overlay_start_0:
0x88: {  	s2 =	sld [smem:$0x3FD9]  }
0x89: {  	s3 =	sld [smem:$0x3FFE];
	_ =	sdelay $0x1  }
0x8a: {  	s1 =	srdreg.scid  }
0x8b: {  	s0 =	sand.u32 $0x1, s1  }
0x8c: {  	s16 =	sshll.u32 s0, $0xA;
	s2 =	sadd.s32 s3, s2  }
0x8d: {  	s2 =	sadd.s32 s2, s16  }
0x8e: {  	[smem:$0x3F5E] =	sst s2  }
0x8f: {  	_ = 	snop  }
0x90: {  	(tm) =	ssettm $0x1  }
0x91: {  	s17 =	sld [smem:$0x3FFB];
	_ =	sdelay $0x3  }
0x92: {  	_ =	strace s17  }
0x93: {  	s2 =	sld [smem:$0x3FFC];
	_ =	sdelay $0x3  }
0x94: {  	_ =	strace s2  }
0x95: {  	s2 =	sld [smem:$0x3FFD];
	_ =	sdelay $0x3  }
0x96: {  	_ =	strace s2  }
0x97: {  	_ =	strace $0x8FFFFFFF  }
0x98: {  	s18 =	sld [smem:$0x3FDB];
	_ =	sdelay $0x1  }
0x99: {  	s19 =	simm.s32 $_scs_section_size  }
0x9a: {  	s4 =	simm.s32 $_size__tile_overlayer_lowered;
	s5 =	simm.s32 $_tile_overlayer_lowered  }
0x9b: {  	s22 =	simm.s32 $0x1BFF;
	s21 =	sshll.u32 s5, $0x1;
	s2 =	sadd.s32 s19, s18  }
0x9c: {  	s6 =	simm.s32 $0x0;
	s20 =	sshll.u32 s4, $0x1;
	s4 =	sadd.s32 s21, s2  }
0x9d: {  	[timem:s6], [sflag:s22] =	dma.local [hbm:s4], s20  }
0x9e: {  	_ =	swait.ge [sflag:s22], s20  }
0x9f: {  	s3 =	ssub.s32 $0x0, s20;
	[sflag:s22] =	ssyncset.done $0x0  }
0xa0: {  	[sflag:s22] =	ssyncadd.s32 s3;
	_ =	sdelay $0x1  }
0xa1: {  	s23 =	simm.s32 $0x1B8B  }
0xa2: {  	_ =	swait.ge [sflag:s23], $0x1  }
0xa3: {  	[sflag:s23] =	ssyncset.done $0x0  }
0xa4: {  	s25 =	simm.s32 $0x1B8E;
	s24 =	sld [smem:$0x3FFE];
	[sflag:s23] =	ssyncadd.s32 $0xFFFFFFFF  }
0xa5: {  	s26 =	simm.s32 $execute0_lowered;
	[smem:$0x3FD2] =	sst s25  }
0xa6: {  	s4 =	sshll.u32 s26, $0x1;
	_ =	strace $0x80000046;
	[dreg:$0x1] =	wrdreg $0xFFFFFFFF  }
0xa7: {  	s28 =	simm.s32 $_size_execute0_lowered;
	s2 =	sadd.s32 s2, s4;
	[dreg:$0x0] =	wrdreg $0x0  }
0xa8: {  	s4 =	sshll.u32 s28, $0x1;
	[dreg:$0x2] =	wrdreg s2  }
0xa9: {  	[dreg:$0x3] =	wrdreg s4  }
0xaa: {  	[dreg:$0x4] =	wrdreg $0xC0  }
0xab: {  	_ =	task [dreg:s6], $0x5FFFF  }
0xac: {  	[dreg:$0x1] =	wrdreg $0xFFFFFFFF  }
0xad: {  	[dreg:$0x0] =	wrdreg $0x60  }
0xae: {  	[dreg:$0x2] =	wrdreg s24  }
0xaf: {  	[dreg:$0x3] =	wrdreg $0x9  }
0xb0: {  	_ =	task.clear_ibuf [dreg:s6], $0x4FFFF;
	_ =	strace $0x90000046  }
0xb1: {  	s29 =	simm.s32 $0x9;
	_ =	strace $0x80000048  }
0xb2: {  	_ =	swait.ge [sflag:s29], $0x1  }
0xb3: {  	[sflag:s29] =	ssyncadd.s32 $0xFFFFFFFF  }
0xb4: {  	_ =	strace $0x90000048  }
0xb5: {  	_ =	sfence  }
0xb6: {  	s30 =	sld [smem:$0x0];
	_ =	sdelay $0x2  }
0xb7: {  	s31 =	sshll.u32 s1, $0xD;
	s1 =	sshrl.u32 s1, $0x2  }
0xb8: {  	s3 =	sand.u32 $0x4000, s31;
	s1 =	sadd.s32 s1, s30  }
0xb9: {  	s0 =	sor.u32 s3, s0;
	s1 =	sshll.u32 s1, $0x11  }
0xba: {  	s0 =	sor.u32 s1, s0  }
0xbb: {  	s0 =	sadd.s32 $0x8F2B, s0  }
0xbc: {  	[sflag:s0] =	ssyncadd.remote.s32 $0x1  }
0xbd: {  	_ =	sfence.sel $0xFFFF  }
0xbe: {  	[dreg:$0x0] =	wrdreg $0xFFFFFFFF;
	(pc) =	sbr.abs _section_cstart, $3  }
0xbf: {  	[dreg:$0x1] =	wrdreg $0xFFFFFFFF  }
0xc0: {  	_ =	task.clear_ibuf [dreg:s6], $0x2FFFF;
	_ =	strace $0x9FFFFFFF  }
0xc1: {  	(tm) =	ssettm $0x7FFFFFFF  }
tec
execute0_lowered:
.L_overlay_start_1:
0x0: {  	(tag) =	ssettag $0x1  }
0x1: {  	s4 =	rddreg [dreg:$0x0]  }
0x2: {  	s0 =	rddreg [dreg:$0x1];
	s2 =	simm.s32 $0x0;
	s1 =	stileid.u32  }
0x3: {  	s3 =	srdreg.scid;
	s10 =	simm.s32 $0x0;
	s6 =	smul.u32 $0x6000, s1  }
0x4: {  	[smem:$0x7FF] =	sst s2;
	s5 =	sand.u32 $0x1, s3;
	s8 =	smul.u32 $0x60000, s1  }
0x5: {  	s3 =	sadd.s32 $0x69600, s4;
	s7 =	smul.u32 $0x3000, s5;
	s9 =	ssub.s32 $0x2, s5  }
0x6: {  	_ =	strace $0x80000047;
	s5 =	smul.u32 $0x30000, s5;
	s31 =	sshrl.u32 s9, $0x1  }
0x7: {  	s8 =	sadd.s32 s8, s4;
	s6 =	sadd.s32 s7, s6;
	s7 =	ssub.s32 s9, s31  }
0x8: {  	s5 =	sadd.s32 s5, s8;
	s8 =	simm.s32 $0x100;
	s6 =	sshrl.u32 s6, $0x3  }
0x9: {  	s9 =	simm.s32 $0x1;
	s5 =	sadd.s32 $0xE9600, s5;
	s6 =	sadd.s32 s6, s4  }
0xa: {  	s4 =	smax.u32 s7, $0x1;
	s7 =	simm.s32 $0x2;
	s6 =	sadd.s32 $0x3D600, s6  }
.LBB2_1:
0xb: {  	s11 =	sadd.s32 $0x0, s6  }
0xc: {  	[tilespmem:s2], [sflag:$0x2] =	stream.linear.gather [hbm4b:s11+s2], $0x100, $0x38;
	[tilespmem:$0x8100] =	vst v63  }
0xd: {  	_ =	swait.ge [sflag:s7], $0x100  }
0xe: {  	[sflag:s7] =	ssyncset.done $0x0  }
0xf: {  	[sflag:s7] =	ssyncadd.s32 $0xFFFFFF00  }
0x10: {  	[tilespmem:s8], [sflag:$0x1] =	stream.indirect.gather [hbm4b:s3+s8], $0x80, s2, s8, $0xb8;
	[tilespmem:$0x8100] =	vst v63  }
0x11: {  	_ =	swait.ge [sflag:s9], $0x8000  }
0x12: {  	[sflag:s9] =	ssyncset.done $0x0  }
0x13: {  	[sflag:s9] =	ssyncadd.s32 $0xFFFF8000  }
0x14: {  	[hbm4b:s5+s2] =	stream.linear.scatter [tilespmem:s8], [sflag:$0x2], $0x8000, $0x38;
	[tilespmem:$0x8100] =	vst v63  }
0x15: {  	s12 =	simm.s32 $0x20;
	_ =	swait.ge [sflag:s7], $0x8000  }
0x16: {  	s13 =	simm.s32 $0x40;
	s11 =	sadd.s32 $0x1000, s5;
	[sflag:s7] =	ssyncset.done $0x0  }
.LBB2_2:
0x17: {  	s14 =	sadd.s32 s12, s6  }
0x18: {  	[sflag:s7] =	ssyncadd.s32 $0xFFFF8000;
	s12 =	smov.u32 s13;
	s15 =	sadd.s32 $0x20, s13  }
0x19: {  	[tilespmem:s2], [sflag:$0x2] =	stream.linear.gather [hbm4b:s14+s2], $0x100, $0x38;
	[tilespmem:$0x8100] =	vst v63  }
0x1a: {  	p0 =	sne.s32 s13, $0x5E0;
	_ =	swait.ge [sflag:s7], $0x100  }
0x1b: {  	[sflag:s7] =	ssyncset.done $0x0  }
0x1c: {  	[sflag:s7] =	ssyncadd.s32 $0xFFFFFF00  }
0x1d: {  	[tilespmem:s8], [sflag:$0x1] =	stream.indirect.gather [hbm4b:s3+s8], $0x80, s2, s8, $0xb8;
	[tilespmem:$0x8100] =	vst v63  }
0x1e: {  	_ =	swait.ge [sflag:s9], $0x8000  }
.Ltmp0:
0x1f: {  	[sflag:s9] =	ssyncset.done $0x0;
	(pc) =	sbr.rel @p0 .LBB2_2-.Ltmp0, $4  }
0x20: {  	[sflag:s9] =	ssyncadd.s32 $0xFFFF8000  }
0x21: {  	[hbm4b:s11+s2] =	stream.linear.scatter [tilespmem:s8], [sflag:$0x2], $0x8000, $0x38;
	[tilespmem:$0x8100] =	vst v63  }
0x22: {  	_ =	swait.ge [sflag:s7], $0x8000  }
0x23: {  	s13 =	smov.u32 s15;
	s11 =	sadd.s32 $0x1000, s11;
	[sflag:s7] =	ssyncset.done $0x0  }
0x24: {  	s12 =	sadd.s32 s12, s6;
	[sflag:s7] =	ssyncadd.s32 $0xFFFF8000  }
0x25: {  	[tilespmem:s2], [sflag:$0x2] =	stream.linear.gather [hbm4b:s12+s2], $0x100, $0x38;
	[tilespmem:$0x8100] =	vst v63  }
0x26: {  	_ =	swait.ge [sflag:s7], $0x100  }
0x27: {  	[sflag:s7] =	ssyncset.done $0x0  }
0x28: {  	[sflag:s7] =	ssyncadd.s32 $0xFFFFFF00  }
0x29: {  	[tilespmem:s8], [sflag:$0x1] =	stream.indirect.gather [hbm4b:s3+s8], $0x80, s2, s8, $0xb8;
	[tilespmem:$0x8100] =	vst v63  }
0x2a: {  	s10 =	sadd.s32 $0x1, s10;
	_ =	swait.ge [sflag:s9], $0x8000  }
0x2b: {  	p0 =	sne.s32 s10, s4;
	[sflag:s9] =	ssyncset.done $0x0  }
.Ltmp1:
0x2c: {  	[sflag:s9] =	ssyncadd.s32 $0xFFFF8000;
	(pc) =	sbr.rel @p0 .LBB2_1-.Ltmp1, $4  }
0x2d: {  	[hbm4b:s11+s2] =	stream.linear.scatter [tilespmem:s8], [sflag:$0x2], $0x8000, $0x38;
	[tilespmem:$0x8100] =	vst v63  }
0x2e: {  	_ =	swait.ge [sflag:s7], $0x8000  }
0x2f: {  	[sflag:s7] =	ssyncset.done $0x0  }
0x30: {  	[sflag:s7] =	ssyncadd.s32 $0xFFFF8000  }
0x31: {  	_ =	sfence.sel $0x180000  }
0x32: {  	[bflag:$0x0] =	sbarrier.arrive $0xFFFF  }
0x33: {  	p0 =	sne.s32 s1, $0x0;
	_ =	strace $0x90000047  }
0x34: {  	s0 =	sadd.s32 @!p0 $0x100000, s0;
	[bflag:$0x2] =	sbarrier.arrive $0xFFFF  }
0x35: {  	[sflag:s0] =	ssyncadd.tile.s32 @!p0 $0x1;
	_ =	shalt  }
.Lfunc_end2:
_tile_overlayer_lowered:
.L_overlay_start_2:
0x36: {  	(tag) =	ssettag $0x2  }
0x37: {  	s0 =	rddreg [dreg:$0x0];
	s2 =	stileid.u32  }
0x38: {  	s1 =	rddreg [dreg:$0x1];
	p0 =	sne.s32 s2, $0x0  }
0x39: {  	s3 =	rddreg [dreg:$0x2];
	[bflag:$0x3] =	sbarrier.arrive $0xFFFF;
	s2 =	simm.s32 @!p0 $0x1C02  }
0x3a: {  	[timem:s3], [sflag:s2] =	dma.local @!p0 [hbm:s0], s1  }
0x3b: {  	s0 =	simm.s32 @!p0 $0x2  }
0x3c: {  	_ =	swait.ge @!p0 [sflag:s0], s1  }
0x3d: {  	s1 =	ssub.s32 @!p0 $0x0, s1;
	[sflag:s0] =	ssyncset.done @!p0 $0x0  }
0x3e: {  	[sflag:s0] =	ssyncadd.s32 @!p0 s1  }
0x3f: {  	[bflag:$0x3] =	sbarrier.arrive $0xFFFF  }
0x40: {  	_ =	shalt  }

// kernel: kernel.36.cloned.1.call-start
scs
__scs_entry_jumppad:
0x0: {  	(pc) =	sbr.rel $0x88, $3  }
0x1: {  	(tag) =	ssettag $0x0;
	lr =	simm.s32 $0x1  }
0x2: {  	[smem:$0x3F37] =	sst lr;
	_ =	strace $0xD0000000  }
0x3: {  	_ = 	snop  }
0x4: {  	_ = 	snop  }
0x5: {  	_ = 	snop  }
0x6: {  	_ = 	snop  }
0x7: {  	_ = 	snop  }
__scs_overlays_trampoline_lowered:
0x8: {  	[smem:$0x3F46] =	sst s0  }
0x9: {  	[smem:$0x3F47] =	sst s1  }
0xa: {  	[smem:$0x3F48] =	sst s2  }
0xb: {  	[smem:$0x3F49] =	sst s3  }
0xc: {  	[smem:$0x3F4A] =	sst s4  }
0xd: {  	[smem:$0x3F4B] =	sst s5  }
0xe: {  	[smem:$0x3F4C] =	sst s6  }
0xf: {  	[smem:$0x3F4D] =	sst s7  }
0x10: {  	[smem:$0x3F4E] =	sst s8  }
0x11: {  	[smem:$0x3F4F] =	sst s9;
	s0 =	simm.s32 @!p0 $0x0  }
0x12: {  	s1 =	sld [smem:$0x3F35];
	s0 =	simm.s32 @p0 $0x1  }
0x13: {  	[smem:$0x3F50] =	sst s0;
	s0 =	simm.s32 @!p1 $0x0  }
0x14: {  	s2 =	sld [smem:$0x3F34];
	s0 =	simm.s32 @p1 $0x1  }
0x15: {  	[smem:$0x3F51] =	sst s0;
	s0 =	simm.s32 @!p2 $0x0  }
0x16: {  	s3 =	sld [smem:$0x3FDB];
	s0 =	simm.s32 @p2 $0x1  }
0x17: {  	s4 =	simm.s32 $0x1BF5;
	[smem:$0x3F53] =	sst s0  }
0x18: {  	s0 =	sld [smem:$0x3F36];
	_ =	swait.ge [sflag:s4], $0x0  }
0x19: {  	s7 =	sld [smem:$0x3F37]  }
0x1a: {  	s8 =	sadd.s32 $0xFFFFE003, lr  }
0x1b: {  	s9 =	sadd.s32 $0xFFFFFEF7, lr;
	s5 =	simm.s32 $0xFFFFFFFF;
	p2 =	slt.u32 s8, $0xFFFFF086  }
0x1c: {  	p1 =	slt.u32 s9, $0xF7A;
	s5 =	simm.s32 @!p2 $0x0  }
0x1d: {  	s5 =	simm.s32 @p1 $0x1;
	p0 =	seq.s32 s7, s2  }
0x1e: {  	s7 =	smul.u32 @!p0 $0xF7A, s2;
	p2 =	seq.s32 @!p0 s5, $0x0  }
0x1f: {  	s9 =	smul.u32 $0xF7A, s1;
	s8 =	simm.s32 @!p0 $0x1BF5;
	p2 =	por !p2, p0  }
0x20: {  	[sflag:s8] =	ssyncset.s32 @!p0 $0xFFFFF086;
	s6 =	sadd.s32 @!p0 s3, s7;
	s7 =	simm.s32 @!p0 $0x108  }
0x21: {  	s3 =	sadd.s32 s3, s9;
	s6 =	sadd.s32 @!p0 $0x88, s6;
	s7 =	simm.s32 @p2 $0x1082  }
0x22: {  	[simem:s7], [sflag:s8] =	dma.local @!p0 [hbm:s6], $0xF7A  }
0x23: {  	s9 =	sor.u32 $0xD0000000, s2;
	s6 =	simm.s32 $0x108;
	_ =	swait.ge @!p0 [sflag:s8], $0x0  }
0x24: {  	s3 =	sadd.s32 $0x88, s3;
	s6 =	simm.s32 @!p1 $0x1082;
	[sflag:s4] =	ssyncset.s32 $0xFFFFF086  }
0x25: {  	[simem:s6], [sflag:s4] =	dma.local [hbm:s3], $0xF7A  }
0x26: {  	[smem:$0x3F37] =	sst s1;
	(tag) =	ssettag s2;
	_ =	strace s9  }
0x27: {  	s1 =	sld [smem:$0x3F47]  }
0x28: {  	s2 =	sld [smem:$0x3F48]  }
0x29: {  	s4 =	sld [smem:$0x3F4A]  }
0x2a: {  	p0 =	seq.s32 s5, $0x0;
	s5 =	sld [smem:$0x3F4B]  }
0x2b: {  	s6 =	sld [smem:$0x3F4C]  }
0x2c: {  	s7 =	sld [smem:$0x3F4D]  }
0x2d: {  	s3 =	simm.s32 $0x108;
	s8 =	sld [smem:$0x3F4E]  }
0x2e: {  	s3 =	simm.s32 @!p0 $0x1082;
	s9 =	sld [smem:$0x3F4F]  }
0x2f: {  	lr =	sadd.s32 s0, s3;
	s0 =	sld [smem:$0x3F46]  }
0x30: {  	s3 =	sld [smem:$0x3F49]  }
0x31: {  	[smem:$0x3F52] =	sst s10  }
0x32: {  	s10 =	sld [smem:$0x3F50];
	_ =	sdelay $0x3  }
0x33: {  	p0 =	seq.s32 s10, $0x1;
	s10 =	sld [smem:$0x3F52];
	_ =	sdelay $0x3  }
0x34: {  	[smem:$0x3F52] =	sst s10  }
0x35: {  	s10 =	sld [smem:$0x3F51];
	_ =	sdelay $0x3  }
0x36: {  	p1 =	seq.s32 s10, $0x1;
	s10 =	sld [smem:$0x3F52];
	_ =	sdelay $0x3  }
0x37: {  	[smem:$0x3F52] =	sst s10  }
0x38: {  	s10 =	sld [smem:$0x3F53]  }
0x39: {  	_ = 	snop;
	(pc) =	sbr.ind lr, $3  }
0x3a: {  	_ = 	snop  }
0x3b: {  	_ = 	snop  }
0x3c: {  	p2 =	seq.s32 s10, $0x1;
	s10 =	sld [smem:$0x3F52]  }
0x3d: {  	_ =	shalt  }
0x3e: {  	_ =	shalt  }
0x3f: {  	_ =	shalt  }
0x40: {  	_ =	shalt  }
0x41: {  	_ =	shalt  }
0x42: {  	_ =	shalt  }
0x43: {  	_ =	shalt  }
0x44: {  	_ =	shalt  }
0x45: {  	_ =	shalt  }
0x46: {  	_ =	shalt  }
0x47: {  	_ =	shalt  }
0x48: {  	_ =	shalt  }
0x49: {  	_ =	shalt  }
0x4a: {  	_ =	shalt  }
0x4b: {  	_ =	shalt  }
0x4c: {  	_ =	shalt  }
0x4d: {  	_ =	shalt  }
0x4e: {  	_ =	shalt  }
0x4f: {  	_ =	shalt  }
0x50: {  	_ =	shalt  }
0x51: {  	_ =	shalt  }
0x52: {  	_ =	shalt  }
0x53: {  	_ =	shalt  }
0x54: {  	_ =	shalt  }
0x55: {  	_ =	shalt  }
0x56: {  	_ =	shalt  }
0x57: {  	_ =	shalt  }
0x58: {  	_ =	shalt  }
0x59: {  	_ =	shalt  }
0x5a: {  	_ =	shalt  }
0x5b: {  	_ =	shalt  }
0x5c: {  	_ =	shalt  }
0x5d: {  	_ =	shalt  }
0x5e: {  	_ =	shalt  }
0x5f: {  	_ =	shalt  }
0x60: {  	_ =	shalt  }
0x61: {  	_ =	shalt  }
0x62: {  	_ =	shalt  }
0x63: {  	_ =	shalt  }
0x64: {  	_ =	shalt  }
0x65: {  	_ =	shalt  }
0x66: {  	_ =	shalt  }
0x67: {  	_ =	shalt  }
0x68: {  	_ =	shalt  }
0x69: {  	_ =	shalt  }
0x6a: {  	_ =	shalt  }
0x6b: {  	_ =	shalt  }
0x6c: {  	_ =	shalt  }
0x6d: {  	_ =	shalt  }
0x6e: {  	_ =	shalt  }
0x6f: {  	_ =	shalt  }
0x70: {  	_ =	shalt  }
0x71: {  	_ =	shalt  }
0x72: {  	_ =	shalt  }
0x73: {  	_ =	shalt  }
0x74: {  	_ =	shalt  }
0x75: {  	_ =	shalt  }
0x76: {  	_ =	shalt  }
0x77: {  	_ =	shalt  }
0x78: {  	_ =	shalt  }
0x79: {  	_ =	shalt  }
0x7a: {  	_ =	shalt  }
0x7b: {  	_ =	shalt  }
0x7c: {  	_ =	shalt  }
0x7d: {  	_ =	shalt  }
0x7e: {  	_ =	shalt  }
0x7f: {  	_ =	shalt  }
0x80: {  	_ =	shalt  }
0x81: {  	_ =	shalt  }
0x82: {  	_ =	shalt  }
0x83: {  	_ =	shalt  }
0x84: {  	_ =	shalt  }
0x85: {  	_ =	shalt  }
0x86: {  	_ =	shalt  }
0x87: {  	_ =	shalt  }
.Lfunc_end0:
.L_simem_size_0:
called_computation.1_lowered:
.L_overlay_start_0:
0x88: {  	s2 =	sld [smem:$0x3FD9]  }
0x89: {  	s3 =	sld [smem:$0x3FFE];
	_ =	sdelay $0x1  }
0x8a: {  	s1 =	srdreg.scid  }
0x8b: {  	s0 =	sand.u32 $0x1, s1  }
0x8c: {  	s14 =	sshll.u32 s0, $0xA;
	s2 =	sadd.s32 s3, s2  }
0x8d: {  	s2 =	sadd.s32 s2, s14  }
0x8e: {  	[smem:$0x3F5E] =	sst s2  }
0x8f: {  	_ = 	snop  }
0x90: {  	s2 =	sld [smem:$0x3FD0];
	_ =	sdelay $0x2  }
0x91: {  	s15 =	simm.s32 $0xA;
	s4 =	simm.s32 $0x10  }
0x92: {  	[smem:s4], [sflag:s15] =	dma.local [hbm:s2], $0x1  }
0x93: {  	_ =	swait.eq [sflag:s15], $0x1  }
0x94: {  	[sflag:s15] =	ssyncset.done $0x0  }
0x95: {  	[sflag:s15] =	ssyncadd.s32 $0xFFFFFFFF  }
0x96: {  	s16 =	sld [smem:$0x11];
	(tm) =	ssettm $0x1  }
0x97: {  	s17 =	sld [smem:$0x3FFB];
	_ =	sdelay $0x3  }
0x98: {  	_ =	strace s17  }
0x99: {  	s3 =	sld [smem:$0x3FFC];
	_ =	sdelay $0x3  }
0x9a: {  	_ =	strace s3  }
0x9b: {  	s3 =	sld [smem:$0x3FFD];
	_ =	sdelay $0x3  }
0x9c: {  	_ =	strace s3  }
0x9d: {  	_ =	strace $0x8FFFFFFF  }
0x9e: {  	s18 =	sld [smem:$0x3FDB];
	_ =	sdelay $0x1  }
0x9f: {  	s19 =	simm.s32 $_scs_section_size  }
0xa0: {  	s5 =	simm.s32 $_size__tile_overlayer_lowered;
	s6 =	simm.s32 $_tile_overlayer_lowered  }
0xa1: {  	s22 =	simm.s32 $0x1BFF;
	s21 =	sshll.u32 s6, $0x1;
	s3 =	sadd.s32 s19, s18  }
0xa2: {  	s7 =	simm.s32 $0x0;
	s20 =	sshll.u32 s5, $0x1;
	s5 =	sadd.s32 s21, s3  }
0xa3: {  	[timem:s7], [sflag:s22] =	dma.local [hbm:s5], s20  }
0xa4: {  	_ =	swait.ge [sflag:s22], s20  }
0xa5: {  	s4 =	ssub.s32 $0x0, s20;
	[sflag:s22] =	ssyncset.done $0x0  }
0xa6: {  	[sflag:s22] =	ssyncadd.s32 s4;
	_ =	sdelay $0x1  }
0xa7: {  	s23 =	simm.s32 $0x1B8B  }
0xa8: {  	_ =	swait.ge [sflag:s23], $0x1  }
0xa9: {  	[sflag:s23] =	ssyncset.done $0x0  }
0xaa: {  	s25 =	simm.s32 $0x1B8E;
	s24 =	sld [smem:$0x3FFE];
	[sflag:s23] =	ssyncadd.s32 $0xFFFFFFFF  }
0xab: {  	s26 =	simm.s32 $execute0_lowered;
	[smem:$0x3FD2] =	sst s25  }
0xac: {  	s5 =	sshll.u32 s26, $0x1;
	_ =	strace $0x80000049;
	[dreg:$0x1] =	wrdreg $0xFFFFFFFF  }
0xad: {  	s28 =	simm.s32 $_size_execute0_lowered;
	s3 =	sadd.s32 s3, s5;
	[dreg:$0x0] =	wrdreg $0x0  }
0xae: {  	s5 =	sshll.u32 s28, $0x1;
	[dreg:$0x2] =	wrdreg s3  }
0xaf: {  	[dreg:$0x3] =	wrdreg s5  }
0xb0: {  	[dreg:$0x4] =	wrdreg $0xC0  }
0xb1: {  	_ =	task [dreg:s7], $0x5FFFF  }
0xb2: {  	[dreg:$0x1] =	wrdreg $0xFFFFFFFF  }
0xb3: {  	[dreg:$0x0] =	wrdreg $0x60  }
0xb4: {  	[dreg:$0x2] =	wrdreg s16  }
0xb5: {  	[dreg:$0x3] =	wrdreg s24  }
0xb6: {  	[dreg:$0x4] =	wrdreg $0x9  }
0xb7: {  	_ =	task.clear_ibuf [dreg:s7], $0x5FFFF;
	_ =	strace $0x90000049  }
0xb8: {  	s29 =	simm.s32 $0x9;
	_ =	strace $0x8000004B  }
0xb9: {  	_ =	swait.ge [sflag:s29], $0x1  }
0xba: {  	[sflag:s29] =	ssyncadd.s32 $0xFFFFFFFF  }
0xbb: {  	_ =	strace $0x9000004B  }
0xbc: {  	_ =	sfence  }
0xbd: {  	s30 =	sld [smem:$0x0];
	_ =	sdelay $0x2  }
0xbe: {  	s31 =	sshll.u32 s1, $0xD;
	s1 =	sshrl.u32 s1, $0x2  }
0xbf: {  	s3 =	sand.u32 $0x4000, s31;
	s1 =	sadd.s32 s1, s30  }
0xc0: {  	s0 =	sor.u32 s3, s0;
	s1 =	sshll.u32 s1, $0x11  }
0xc1: {  	s0 =	sor.u32 s1, s0  }
0xc2: {  	s0 =	sadd.s32 $0x8F2B, s0  }
0xc3: {  	[sflag:s0] =	ssyncadd.remote.s32 $0x1  }
0xc4: {  	_ =	sfence.sel $0xFFFF  }
0xc5: {  	[dreg:$0x0] =	wrdreg $0xFFFFFFFF;
	(pc) =	sbr.abs _section_cstart, $3  }
0xc6: {  	[dreg:$0x1] =	wrdreg $0xFFFFFFFF  }
0xc7: {  	_ =	task.clear_ibuf [dreg:s7], $0x2FFFF;
	_ =	strace $0x9FFFFFFF  }
0xc8: {  	(tm) =	ssettm $0x7FFFFFFF  }
0xc9: {  	_ =	shalt  }
tec
execute0_lowered:
.L_overlay_start_1:
0x0: {  	(tag) =	ssettag $0x1  }
0x1: {  	s2 =	rddreg [dreg:$0x0]  }
0x2: {  	s4 =	rddreg [dreg:$0x1]  }
0x3: {  	s0 =	rddreg [dreg:$0x2];
	s1 =	stileid.u32  }
0x4: {  	s5 =	srdreg.scid;
	s3 =	simm.s32 $0x0;
	s6 =	smul.u32 $0x1800, s1  }
0x5: {  	s10 =	simm.s32 $0x0;
	s5 =	sand.u32 $0x1, s5;
	s8 =	smul.u32 $0x18000, s1  }
0x6: {  	[smem:$0x7FF] =	sst s3;
	s7 =	smul.u32 $0xC00, s5;
	s9 =	ssub.s32 $0x2, s5  }
0x7: {  	_ =	strace $0x8000004A;
	s5 =	smul.u32 $0xC000, s5;
	s31 =	sshrl.u32 s9, $0x1  }
0x8: {  	s8 =	sadd.s32 s8, s4;
	s6 =	sadd.s32 s7, s6;
	s7 =	ssub.s32 s9, s31  }
0x9: {  	s5 =	sadd.s32 s5, s8;
	s8 =	simm.s32 $0x100;
	s6 =	sshrl.u32 s6, $0x3  }
0xa: {  	s9 =	simm.s32 $0x1;
	s5 =	sadd.s32 $0x69600, s5;
	s6 =	sadd.s32 s6, s4  }
0xb: {  	s4 =	smax.u32 s7, $0x1;
	s7 =	simm.s32 $0x2;
	s6 =	sadd.s32 $0x6F6E00, s6  }
.LBB2_1:
0xc: {  	s11 =	sadd.s32 $0x0, s6  }
0xd: {  	[tilespmem:s3], [sflag:$0x2] =	stream.linear.gather [hbm4b:s11+s3], $0x100, $0x38;
	[tilespmem:$0x8100] =	vst v63  }
0xe: {  	_ =	swait.ge [sflag:s7], $0x100  }
0xf: {  	[sflag:s7] =	ssyncset.done $0x0  }
0x10: {  	[sflag:s7] =	ssyncadd.s32 $0xFFFFFF00  }
0x11: {  	[tilespmem:s8], [sflag:$0x1] =	stream.indirect.gather [hbm4b:s2+s8], $0x80, s3, s8, $0xb8;
	[tilespmem:$0x8100] =	vst v63  }
0x12: {  	_ =	swait.ge [sflag:s9], $0x8000  }
0x13: {  	[sflag:s9] =	ssyncset.done $0x0  }
0x14: {  	[sflag:s9] =	ssyncadd.s32 $0xFFFF8000  }
0x15: {  	[hbm4b:s5+s3] =	stream.linear.scatter [tilespmem:s8], [sflag:$0x2], $0x8000, $0x38;
	[tilespmem:$0x8100] =	vst v63  }
0x16: {  	s12 =	simm.s32 $0x20;
	_ =	swait.ge [sflag:s7], $0x8000  }
0x17: {  	s13 =	simm.s32 $0x40;
	s11 =	sadd.s32 $0x1000, s5;
	[sflag:s7] =	ssyncset.done $0x0  }
.LBB2_2:
0x18: {  	s14 =	sadd.s32 s12, s6  }
0x19: {  	[sflag:s7] =	ssyncadd.s32 $0xFFFF8000;
	s12 =	smov.u32 s13;
	s15 =	sadd.s32 $0x20, s13  }
0x1a: {  	[tilespmem:s3], [sflag:$0x2] =	stream.linear.gather [hbm4b:s14+s3], $0x100, $0x38;
	[tilespmem:$0x8100] =	vst v63  }
0x1b: {  	p0 =	sne.s32 s13, $0x160;
	_ =	swait.ge [sflag:s7], $0x100  }
0x1c: {  	[sflag:s7] =	ssyncset.done $0x0  }
0x1d: {  	[sflag:s7] =	ssyncadd.s32 $0xFFFFFF00  }
0x1e: {  	[tilespmem:s8], [sflag:$0x1] =	stream.indirect.gather [hbm4b:s2+s8], $0x80, s3, s8, $0xb8;
	[tilespmem:$0x8100] =	vst v63  }
0x1f: {  	_ =	swait.ge [sflag:s9], $0x8000  }
.Ltmp0:
0x20: {  	[sflag:s9] =	ssyncset.done $0x0;
	(pc) =	sbr.rel @p0 .LBB2_2-.Ltmp0, $4  }
0x21: {  	[sflag:s9] =	ssyncadd.s32 $0xFFFF8000  }
0x22: {  	[hbm4b:s11+s3] =	stream.linear.scatter [tilespmem:s8], [sflag:$0x2], $0x8000, $0x38;
	[tilespmem:$0x8100] =	vst v63  }
0x23: {  	_ =	swait.ge [sflag:s7], $0x8000  }
0x24: {  	s13 =	smov.u32 s15;
	s11 =	sadd.s32 $0x1000, s11;
	[sflag:s7] =	ssyncset.done $0x0  }
0x25: {  	s12 =	sadd.s32 s12, s6;
	[sflag:s7] =	ssyncadd.s32 $0xFFFF8000  }
0x26: {  	[tilespmem:s3], [sflag:$0x2] =	stream.linear.gather [hbm4b:s12+s3], $0x100, $0x38;
	[tilespmem:$0x8100] =	vst v63  }
0x27: {  	_ =	swait.ge [sflag:s7], $0x100  }
0x28: {  	[sflag:s7] =	ssyncset.done $0x0  }
0x29: {  	[sflag:s7] =	ssyncadd.s32 $0xFFFFFF00  }
0x2a: {  	[tilespmem:s8], [sflag:$0x1] =	stream.indirect.gather [hbm4b:s2+s8], $0x80, s3, s8, $0xb8;
	[tilespmem:$0x8100] =	vst v63  }
0x2b: {  	s10 =	sadd.s32 $0x1, s10;
	_ =	swait.ge [sflag:s9], $0x8000  }
0x2c: {  	p0 =	sne.s32 s10, s4;
	[sflag:s9] =	ssyncset.done $0x0  }
.Ltmp1:
0x2d: {  	[sflag:s9] =	ssyncadd.s32 $0xFFFF8000;
	(pc) =	sbr.rel @p0 .LBB2_1-.Ltmp1, $4  }
0x2e: {  	[hbm4b:s11+s3] =	stream.linear.scatter [tilespmem:s8], [sflag:$0x2], $0x8000, $0x38;
	[tilespmem:$0x8100] =	vst v63  }
0x2f: {  	_ =	swait.ge [sflag:s7], $0x8000  }
0x30: {  	[sflag:s7] =	ssyncset.done $0x0  }
0x31: {  	[sflag:s7] =	ssyncadd.s32 $0xFFFF8000  }
0x32: {  	_ =	sfence.sel $0x180000  }
0x33: {  	[bflag:$0x0] =	sbarrier.arrive $0xFFFF  }
0x34: {  	p0 =	sne.s32 s1, $0x0;
	_ =	strace $0x9000004A  }
0x35: {  	s0 =	sadd.s32 @!p0 $0x100000, s0;
	[bflag:$0x2] =	sbarrier.arrive $0xFFFF  }
0x36: {  	[sflag:s0] =	ssyncadd.tile.s32 @!p0 $0x1;
	_ =	shalt  }
.Lfunc_end2:
_tile_overlayer_lowered:
.L_overlay_start_2:
0x37: {  	(tag) =	ssettag $0x2  }
0x38: {  	s0 =	rddreg [dreg:$0x0];
	s2 =	stileid.u32  }
0x39: {  	s1 =	rddreg [dreg:$0x1];
	p0 =	sne.s32 s2, $0x0  }
0x3a: {  	s3 =	rddreg [dreg:$0x2];
	[bflag:$0x3] =	sbarrier.arrive $0xFFFF;
	s2 =	simm.s32 @!p0 $0x1C02  }
0x3b: {  	[timem:s3], [sflag:s2] =	dma.local @!p0 [hbm:s0], s1  }
0x3c: {  	s0 =	simm.s32 @!p0 $0x2  }
0x3d: {  	_ =	swait.ge @!p0 [sflag:s0], s1  }
0x3e: {  	s1 =	ssub.s32 @!p0 $0x0, s1;
	[sflag:s0] =	ssyncset.done @!p0 $0x0  }
0x3f: {  	[sflag:s0] =	ssyncadd.s32 @!p0 s1  }
0x40: {  	[bflag:$0x3] =	sbarrier.arrive $0xFFFF  }
0x41: {  	_ =	shalt  }

// kernel: kernel.39.cloned.1.call-start
scs
__scs_entry_jumppad:
0x0: {  	(pc) =	sbr.rel $0x88, $3  }
0x1: {  	(tag) =	ssettag $0x0;
	lr =	simm.s32 $0x1  }
0x2: {  	[smem:$0x3F37] =	sst lr;
	_ =	strace $0xD0000000  }
0x3: {  	_ = 	snop  }
0x4: {  	_ = 	snop  }
0x5: {  	_ = 	snop  }
0x6: {  	_ = 	snop  }
0x7: {  	_ = 	snop  }
__scs_overlays_trampoline_lowered:
0x8: {  	[smem:$0x3F46] =	sst s0  }
0x9: {  	[smem:$0x3F47] =	sst s1  }
0xa: {  	[smem:$0x3F48] =	sst s2  }
0xb: {  	[smem:$0x3F49] =	sst s3  }
0xc: {  	[smem:$0x3F4A] =	sst s4  }
0xd: {  	[smem:$0x3F4B] =	sst s5  }
0xe: {  	[smem:$0x3F4C] =	sst s6  }
0xf: {  	[smem:$0x3F4D] =	sst s7  }
0x10: {  	[smem:$0x3F4E] =	sst s8  }
0x11: {  	[smem:$0x3F4F] =	sst s9;
	s0 =	simm.s32 @!p0 $0x0  }
0x12: {  	s1 =	sld [smem:$0x3F35];
	s0 =	simm.s32 @p0 $0x1  }
0x13: {  	[smem:$0x3F50] =	sst s0;
	s0 =	simm.s32 @!p1 $0x0  }
0x14: {  	s2 =	sld [smem:$0x3F34];
	s0 =	simm.s32 @p1 $0x1  }
0x15: {  	[smem:$0x3F51] =	sst s0;
	s0 =	simm.s32 @!p2 $0x0  }
0x16: {  	s3 =	sld [smem:$0x3FDB];
	s0 =	simm.s32 @p2 $0x1  }
0x17: {  	s4 =	simm.s32 $0x1BF5;
	[smem:$0x3F53] =	sst s0  }
0x18: {  	s0 =	sld [smem:$0x3F36];
	_ =	swait.ge [sflag:s4], $0x0  }
0x19: {  	s7 =	sld [smem:$0x3F37]  }
0x1a: {  	s8 =	sadd.s32 $0xFFFFE003, lr  }
0x1b: {  	s9 =	sadd.s32 $0xFFFFFEF7, lr;
	s5 =	simm.s32 $0xFFFFFFFF;
	p2 =	slt.u32 s8, $0xFFFFF086  }
0x1c: {  	p1 =	slt.u32 s9, $0xF7A;
	s5 =	simm.s32 @!p2 $0x0  }
0x1d: {  	s5 =	simm.s32 @p1 $0x1;
	p0 =	seq.s32 s7, s2  }
0x1e: {  	s7 =	smul.u32 @!p0 $0xF7A, s2;
	p2 =	seq.s32 @!p0 s5, $0x0  }
0x1f: {  	s9 =	smul.u32 $0xF7A, s1;
	s8 =	simm.s32 @!p0 $0x1BF5;
	p2 =	por !p2, p0  }
0x20: {  	[sflag:s8] =	ssyncset.s32 @!p0 $0xFFFFF086;
	s6 =	sadd.s32 @!p0 s3, s7;
	s7 =	simm.s32 @!p0 $0x108  }
0x21: {  	s3 =	sadd.s32 s3, s9;
	s6 =	sadd.s32 @!p0 $0x88, s6;
	s7 =	simm.s32 @p2 $0x1082  }
0x22: {  	[simem:s7], [sflag:s8] =	dma.local @!p0 [hbm:s6], $0xF7A  }
0x23: {  	s9 =	sor.u32 $0xD0000000, s2;
	s6 =	simm.s32 $0x108;
	_ =	swait.ge @!p0 [sflag:s8], $0x0  }
0x24: {  	s3 =	sadd.s32 $0x88, s3;
	s6 =	simm.s32 @!p1 $0x1082;
	[sflag:s4] =	ssyncset.s32 $0xFFFFF086  }
0x25: {  	[simem:s6], [sflag:s4] =	dma.local [hbm:s3], $0xF7A  }
0x26: {  	[smem:$0x3F37] =	sst s1;
	(tag) =	ssettag s2;
	_ =	strace s9  }
0x27: {  	s1 =	sld [smem:$0x3F47]  }
0x28: {  	s2 =	sld [smem:$0x3F48]  }
0x29: {  	s4 =	sld [smem:$0x3F4A]  }
0x2a: {  	p0 =	seq.s32 s5, $0x0;
	s5 =	sld [smem:$0x3F4B]  }
0x2b: {  	s6 =	sld [smem:$0x3F4C]  }
0x2c: {  	s7 =	sld [smem:$0x3F4D]  }
0x2d: {  	s3 =	simm.s32 $0x108;
	s8 =	sld [smem:$0x3F4E]  }
0x2e: {  	s3 =	simm.s32 @!p0 $0x1082;
	s9 =	sld [smem:$0x3F4F]  }
0x2f: {  	lr =	sadd.s32 s0, s3;
	s0 =	sld [smem:$0x3F46]  }
0x30: {  	s3 =	sld [smem:$0x3F49]  }
0x31: {  	[smem:$0x3F52] =	sst s10  }
0x32: {  	s10 =	sld [smem:$0x3F50];
	_ =	sdelay $0x3  }
0x33: {  	p0 =	seq.s32 s10, $0x1;
	s10 =	sld [smem:$0x3F52];
	_ =	sdelay $0x3  }
0x34: {  	[smem:$0x3F52] =	sst s10  }
0x35: {  	s10 =	sld [smem:$0x3F51];
	_ =	sdelay $0x3  }
0x36: {  	p1 =	seq.s32 s10, $0x1;
	s10 =	sld [smem:$0x3F52];
	_ =	sdelay $0x3  }
0x37: {  	[smem:$0x3F52] =	sst s10  }
0x38: {  	s10 =	sld [smem:$0x3F53]  }
0x39: {  	_ = 	snop;
	(pc) =	sbr.ind lr, $3  }
0x3a: {  	_ = 	snop  }
0x3b: {  	_ = 	snop  }
0x3c: {  	p2 =	seq.s32 s10, $0x1;
	s10 =	sld [smem:$0x3F52]  }
0x3d: {  	_ =	shalt  }
0x3e: {  	_ =	shalt  }
0x3f: {  	_ =	shalt  }
0x40: {  	_ =	shalt  }
0x41: {  	_ =	shalt  }
0x42: {  	_ =	shalt  }
0x43: {  	_ =	shalt  }
0x44: {  	_ =	shalt  }
0x45: {  	_ =	shalt  }
0x46: {  	_ =	shalt  }
0x47: {  	_ =	shalt  }
0x48: {  	_ =	shalt  }
0x49: {  	_ =	shalt  }
0x4a: {  	_ =	shalt  }
0x4b: {  	_ =	shalt  }
0x4c: {  	_ =	shalt  }
0x4d: {  	_ =	shalt  }
0x4e: {  	_ =	shalt  }
0x4f: {  	_ =	shalt  }
0x50: {  	_ =	shalt  }
0x51: {  	_ =	shalt  }
0x52: {  	_ =	shalt  }
0x53: {  	_ =	shalt  }
0x54: {  	_ =	shalt  }
0x55: {  	_ =	shalt  }
0x56: {  	_ =	shalt  }
0x57: {  	_ =	shalt  }
0x58: {  	_ =	shalt  }
0x59: {  	_ =	shalt  }
0x5a: {  	_ =	shalt  }
0x5b: {  	_ =	shalt  }
0x5c: {  	_ =	shalt  }
0x5d: {  	_ =	shalt  }
0x5e: {  	_ =	shalt  }
0x5f: {  	_ =	shalt  }
0x60: {  	_ =	shalt  }
0x61: {  	_ =	shalt  }
0x62: {  	_ =	shalt  }
0x63: {  	_ =	shalt  }
0x64: {  	_ =	shalt  }
0x65: {  	_ =	shalt  }
0x66: {  	_ =	shalt  }
0x67: {  	_ =	shalt  }
0x68: {  	_ =	shalt  }
0x69: {  	_ =	shalt  }
0x6a: {  	_ =	shalt  }
0x6b: {  	_ =	shalt  }
0x6c: {  	_ =	shalt  }
0x6d: {  	_ =	shalt  }
0x6e: {  	_ =	shalt  }
0x6f: {  	_ =	shalt  }
0x70: {  	_ =	shalt  }
0x71: {  	_ =	shalt  }
0x72: {  	_ =	shalt  }
0x73: {  	_ =	shalt  }
0x74: {  	_ =	shalt  }
0x75: {  	_ =	shalt  }
0x76: {  	_ =	shalt  }
0x77: {  	_ =	shalt  }
0x78: {  	_ =	shalt  }
0x79: {  	_ =	shalt  }
0x7a: {  	_ =	shalt  }
0x7b: {  	_ =	shalt  }
0x7c: {  	_ =	shalt  }
0x7d: {  	_ =	shalt  }
0x7e: {  	_ =	shalt  }
0x7f: {  	_ =	shalt  }
0x80: {  	_ =	shalt  }
0x81: {  	_ =	shalt  }
0x82: {  	_ =	shalt  }
0x83: {  	_ =	shalt  }
0x84: {  	_ =	shalt  }
0x85: {  	_ =	shalt  }
0x86: {  	_ =	shalt  }
0x87: {  	_ =	shalt  }
.Lfunc_end0:
.L_simem_size_0:
called_computation.2_lowered:
.L_overlay_start_0:
0x88: {  	s2 =	sld [smem:$0x3FD9]  }
0x89: {  	s3 =	sld [smem:$0x3FFE];
	_ =	sdelay $0x1  }
0x8a: {  	s1 =	srdreg.scid  }
0x8b: {  	s0 =	sand.u32 $0x1, s1  }
0x8c: {  	s14 =	sshll.u32 s0, $0xA;
	s2 =	sadd.s32 s3, s2  }
0x8d: {  	s2 =	sadd.s32 s2, s14  }
0x8e: {  	[smem:$0x3F5E] =	sst s2  }
0x8f: {  	_ = 	snop  }
0x90: {  	s2 =	sld [smem:$0x3FD0];
	_ =	sdelay $0x2  }
0x91: {  	s15 =	simm.s32 $0xA;
	s4 =	simm.s32 $0x10  }
0x92: {  	[smem:s4], [sflag:s15] =	dma.local [hbm:s2], $0x1  }
0x93: {  	_ =	swait.eq [sflag:s15], $0x1  }
0x94: {  	[sflag:s15] =	ssyncset.done $0x0  }
0x95: {  	[sflag:s15] =	ssyncadd.s32 $0xFFFFFFFF  }
0x96: {  	s16 =	sld [smem:$0x11];
	(tm) =	ssettm $0x1  }
0x97: {  	s17 =	sld [smem:$0x3FFB];
	_ =	sdelay $0x3  }
0x98: {  	_ =	strace s17  }
0x99: {  	s3 =	sld [smem:$0x3FFC];
	_ =	sdelay $0x3  }
0x9a: {  	_ =	strace s3  }
0x9b: {  	s3 =	sld [smem:$0x3FFD];
	_ =	sdelay $0x3  }
0x9c: {  	_ =	strace s3  }
0x9d: {  	_ =	strace $0x8FFFFFFF  }
0x9e: {  	s18 =	sld [smem:$0x3FDB];
	_ =	sdelay $0x1  }
0x9f: {  	s19 =	simm.s32 $_scs_section_size  }
0xa0: {  	s5 =	simm.s32 $_size__tile_overlayer_lowered;
	s6 =	simm.s32 $_tile_overlayer_lowered  }
0xa1: {  	s22 =	simm.s32 $0x1BFF;
	s21 =	sshll.u32 s6, $0x1;
	s3 =	sadd.s32 s19, s18  }
0xa2: {  	s7 =	simm.s32 $0x0;
	s20 =	sshll.u32 s5, $0x1;
	s5 =	sadd.s32 s21, s3  }
0xa3: {  	[timem:s7], [sflag:s22] =	dma.local [hbm:s5], s20  }
0xa4: {  	_ =	swait.ge [sflag:s22], s20  }
0xa5: {  	s4 =	ssub.s32 $0x0, s20;
	[sflag:s22] =	ssyncset.done $0x0  }
0xa6: {  	[sflag:s22] =	ssyncadd.s32 s4;
	_ =	sdelay $0x1  }
0xa7: {  	s23 =	simm.s32 $0x1B8B  }
0xa8: {  	_ =	swait.ge [sflag:s23], $0x1  }
0xa9: {  	[sflag:s23] =	ssyncset.done $0x0  }
0xaa: {  	s25 =	simm.s32 $0x1B8E;
	s24 =	sld [smem:$0x3FFE];
	[sflag:s23] =	ssyncadd.s32 $0xFFFFFFFF  }
0xab: {  	s26 =	simm.s32 $execute0_lowered;
	[smem:$0x3FD2] =	sst s25  }
0xac: {  	s5 =	sshll.u32 s26, $0x1;
	_ =	strace $0x8000004C;
	[dreg:$0x1] =	wrdreg $0xFFFFFFFF  }
0xad: {  	s28 =	simm.s32 $_size_execute0_lowered;
	s3 =	sadd.s32 s3, s5;
	[dreg:$0x0] =	wrdreg $0x0  }
0xae: {  	s5 =	sshll.u32 s28, $0x1;
	[dreg:$0x2] =	wrdreg s3  }
0xaf: {  	[dreg:$0x3] =	wrdreg s5  }
0xb0: {  	[dreg:$0x4] =	wrdreg $0xC0  }
0xb1: {  	_ =	task [dreg:s7], $0x5FFFF  }
0xb2: {  	[dreg:$0x1] =	wrdreg $0xFFFFFFFF  }
0xb3: {  	[dreg:$0x0] =	wrdreg $0x60  }
0xb4: {  	[dreg:$0x2] =	wrdreg s16  }
0xb5: {  	[dreg:$0x3] =	wrdreg s24  }
0xb6: {  	[dreg:$0x4] =	wrdreg $0x9  }
0xb7: {  	_ =	task.clear_ibuf [dreg:s7], $0x5FFFF;
	_ =	strace $0x9000004C  }
0xb8: {  	s29 =	simm.s32 $0x9;
	_ =	strace $0x8000004E  }
0xb9: {  	_ =	swait.ge [sflag:s29], $0x1  }
0xba: {  	[sflag:s29] =	ssyncadd.s32 $0xFFFFFFFF  }
0xbb: {  	_ =	strace $0x9000004E  }
0xbc: {  	_ =	sfence  }
0xbd: {  	s30 =	sld [smem:$0x0];
	_ =	sdelay $0x2  }
0xbe: {  	s31 =	sshll.u32 s1, $0xD;
	s1 =	sshrl.u32 s1, $0x2  }
0xbf: {  	s3 =	sand.u32 $0x4000, s31;
	s1 =	sadd.s32 s1, s30  }
0xc0: {  	s0 =	sor.u32 s3, s0;
	s1 =	sshll.u32 s1, $0x11  }
0xc1: {  	s0 =	sor.u32 s1, s0  }
0xc2: {  	s0 =	sadd.s32 $0x8F2B, s0  }
0xc3: {  	[sflag:s0] =	ssyncadd.remote.s32 $0x1  }
0xc4: {  	_ =	sfence.sel $0xFFFF  }
0xc5: {  	[dreg:$0x0] =	wrdreg $0xFFFFFFFF;
	(pc) =	sbr.abs _section_cstart, $3  }
0xc6: {  	[dreg:$0x1] =	wrdreg $0xFFFFFFFF  }
0xc7: {  	_ =	task.clear_ibuf [dreg:s7], $0x2FFFF;
	_ =	strace $0x9FFFFFFF  }
0xc8: {  	(tm) =	ssettm $0x7FFFFFFF  }
0xc9: {  	_ =	shalt  }
tec
execute0_lowered:
.L_overlay_start_1:
0x0: {  	(tag) =	ssettag $0x1  }
0x1: {  	s1 =	srdreg.scid  }
0x2: {  	s0 =	stileid.u32;
	s2 =	rddreg [dreg:$0x0]  }
0x3: {  	s6 =	rddreg [dreg:$0x1];
	s10 =	simm.s32 $0x880;
	s11 =	simm.s32 $0xC80  }
0x4: {  	s12 =	simm.s32 $0x1480;
	s13 =	simm.s32 $0x1880;
	s14 =	simm.s32 $0x2080  }
0x5: {  	s15 =	simm.s32 $0x2480;
	s16 =	simm.s32 $0x2C80;
	s17 =	simm.s32 $0x3080  }
0x6: {  	s18 =	simm.s32 $0x3880;
	s19 =	simm.s32 $0x3C80;
	s20 =	simm.s32 $0x4480  }
0x7: {  	s21 =	simm.s32 $0x4880;
	s4 =	sand.u32 $0x1, s1;
	s3 =	smul.u32 $0xC00, s0  }
0x8: {  	s22 =	simm.s32 $0x5080;
	s23 =	simm.s32 $0x5480;
	s5 =	smul.u32 $0x600, s4  }
0x9: {  	s24 =	simm.s32 $0x5C80;
	s25 =	simm.s32 $0x1;
	s26 =	simm.s32 $0x0  }
0xa: {  	s1 =	rddreg [dreg:$0x2];
	s4 =	ssub.s32 $0x2, s4;
	s5 =	sadd.s32 s5, s3  }
0xb: {  	s8 =	sshrl.u32 s4, $0x1;
	s3 =	simm.s32 $0x0;
	s5 =	sshrl.u32 s5, $0x3  }
0xc: {  	s31 =	ssub.s32 s4, s8;
	[smem:$0x7FF] =	sst s3;
	s7 =	smul.u32 $0x180, s5  }
0xd: {  	v2 =	vlaneseq.u32;
	s4 =	sadd.s32 $0x100, s2;
	s8 =	simm.s32 $0x2;
	_ =	strace $0x8000004D  }
0xe: {  	vm0 =	vmmov $0xffff;
	vm1 =	vmmov $0xff;
	v1 =	vshrl.u32 v2, $0x3;
	s9 =	sadd.s32 s5, s6;
	s5 =	smax.u32 s31, $0x1;
	s6 =	sadd.s32 s7, s6  }
0xf: {  	v0 =	vand.u32 $0x7, v2;
	v2 =	vor.u32 $0x8, v2;
	v1 =	vmul.u32 $0x8, v1;
	s7 =	sadd.s32 $0x1E9600, s9;
	s9 =	simm.s32 $0x80;
	s6 =	sadd.s32 $0x1EAE00, s6  }
.LBB2_1:
0x10: {  	s28 =	simm.s32 $0x0;
	s29 =	smov.u32 s6  }
.LBB2_2:
0x11: {  	s30 =	sadd.s32 s28, s7  }
0x12: {  	[tilespmem:s3], [sflag:$0x2] =	stream.linear.gather [hbm4b:s30+s3], $0x40, $0x38;
	[tilespmem:$0x6080] =	vst v63  }
0x13: {  	_ =	swait.ge [sflag:s8], $0x40  }
0x14: {  	[sflag:s8] =	ssyncset.done $0x0  }
0x15: {  	[sflag:s8] =	ssyncadd.s32 $0xFFFFFFC0  }
0x16: {  	v3 =	vld [tilespmem:$0x0];
	_ =	sdelay $0x4  }
0x17: {  	v4 =	vshrl.u32 v3, $0x3  }
0x18: {  	v4 =	vmul.u32 $0x18, v4  }
0x19: {  	v3 =	vand.u32 $0x7, v3  }
0x1a: {  	v3 =	vor.u32 v3, v4  }
0x1b: {  	v4 =	vperm.xlane v3, v0;
	_ =	sdelay $0x1  }
0x1c: {  	v4 =	vadd.s32 v1, v4;
	_ =	sdelay $0x1  }
0x1d: {  	v3 =	vperm.xlane v3, v2;
	_ =	sdelay $0x1  }
0x1e: {  	v3 =	vadd.s32 v1, v3  }
0x1f: {  	[tilespmem:s9], [sflag:$0x1] =	stream.indirect_vreg.gather [hbm4b:s2+s3], $0x80, v4, vm0, $0xb8;
	[tilespmem:$0x6080] =	vst v63  }
0x20: {  	_ = 	snop  }
0x21: {  	[tilespmem:s10], [sflag:$0x1] =	stream.indirect_vreg.gather [hbm4b:s4+s3], $0x80, v4, vm1, $0xb8;
	[tilespmem:$0x6080] =	vst v63  }
0x22: {  	_ = 	snop  }
0x23: {  	[tilespmem:s11], [sflag:$0x1] =	stream.indirect_vreg.gather [hbm4b:s2+s3], $0x80, v3, vm0, $0xb8;
	[tilespmem:$0x6080] =	vst v63  }
0x24: {  	_ = 	snop  }
0x25: {  	[tilespmem:s12], [sflag:$0x1] =	stream.indirect_vreg.gather [hbm4b:s4+s3], $0x80, v3, vm1, $0xb8;
	[tilespmem:$0x6080] =	vst v63  }
0x26: {  	v3 =	vld [tilespmem:$0x10];
	_ =	sdelay $0x4  }
0x27: {  	v61 =	vshrl.u32 v3, $0x3  }
0x28: {  	v4 =	vmul.u32 $0x18, v61  }
0x29: {  	v3 =	vand.u32 $0x7, v3  }
0x2a: {  	v3 =	vor.u32 v3, v4  }
0x2b: {  	v4 =	vperm.xlane v3, v0;
	_ =	sdelay $0x1  }
0x2c: {  	v4 =	vadd.s32 v1, v4;
	_ =	sdelay $0x1  }
0x2d: {  	v3 =	vperm.xlane v3, v2;
	_ =	sdelay $0x1  }
0x2e: {  	v3 =	vadd.s32 v1, v3  }
0x2f: {  	[tilespmem:s13], [sflag:$0x1] =	stream.indirect_vreg.gather [hbm4b:s2+s3], $0x80, v4, vm0, $0xb8;
	[tilespmem:$0x6080] =	vst v63  }
0x30: {  	_ = 	snop  }
0x31: {  	[tilespmem:s14], [sflag:$0x1] =	stream.indirect_vreg.gather [hbm4b:s4+s3], $0x80, v4, vm1, $0xb8;
	[tilespmem:$0x6080] =	vst v63  }
0x32: {  	_ = 	snop  }
0x33: {  	[tilespmem:s15], [sflag:$0x1] =	stream.indirect_vreg.gather [hbm4b:s2+s3], $0x80, v3, vm0, $0xb8;
	[tilespmem:$0x6080] =	vst v63  }
0x34: {  	_ = 	snop  }
0x35: {  	[tilespmem:s16], [sflag:$0x1] =	stream.indirect_vreg.gather [hbm4b:s4+s3], $0x80, v3, vm1, $0xb8;
	[tilespmem:$0x6080] =	vst v63  }
0x36: {  	v3 =	vld [tilespmem:$0x20];
	_ =	sdelay $0x4  }
0x37: {  	v62 =	vshrl.u32 v3, $0x3  }
0x38: {  	v4 =	vmul.u32 $0x18, v62  }
0x39: {  	v3 =	vand.u32 $0x7, v3  }
0x3a: {  	v3 =	vor.u32 v3, v4  }
0x3b: {  	v4 =	vperm.xlane v3, v0;
	_ =	sdelay $0x1  }
0x3c: {  	v4 =	vadd.s32 v1, v4;
	_ =	sdelay $0x1  }
0x3d: {  	v3 =	vperm.xlane v3, v2;
	_ =	sdelay $0x1  }
0x3e: {  	v3 =	vadd.s32 v1, v3  }
0x3f: {  	[tilespmem:s17], [sflag:$0x1] =	stream.indirect_vreg.gather [hbm4b:s2+s3], $0x80, v4, vm0, $0xb8;
	[tilespmem:$0x6080] =	vst v63  }
0x40: {  	_ = 	snop  }
0x41: {  	[tilespmem:s18], [sflag:$0x1] =	stream.indirect_vreg.gather [hbm4b:s4+s3], $0x80, v4, vm1, $0xb8;
	[tilespmem:$0x6080] =	vst v63  }
0x42: {  	_ = 	snop  }
0x43: {  	[tilespmem:s19], [sflag:$0x1] =	stream.indirect_vreg.gather [hbm4b:s2+s3], $0x80, v3, vm0, $0xb8;
	[tilespmem:$0x6080] =	vst v63  }
0x44: {  	_ = 	snop  }
0x45: {  	[tilespmem:s20], [sflag:$0x1] =	stream.indirect_vreg.gather [hbm4b:s4+s3], $0x80, v3, vm1, $0xb8;
	[tilespmem:$0x6080] =	vst v63  }
0x46: {  	v3 =	vld [tilespmem:$0x30];
	_ =	sdelay $0x4  }
0x47: {  	v63 =	vshrl.u32 v3, $0x3  }
0x48: {  	v4 =	vmul.u32 $0x18, v63  }
0x49: {  	v3 =	vand.u32 $0x7, v3  }
0x4a: {  	v3 =	vor.u32 v3, v4  }
0x4b: {  	v4 =	vperm.xlane v3, v0;
	_ =	sdelay $0x1  }
0x4c: {  	v4 =	vadd.s32 v1, v4;
	_ =	sdelay $0x1  }
0x4d: {  	v3 =	vperm.xlane v3, v2;
	_ =	sdelay $0x1  }
0x4e: {  	v3 =	vadd.s32 v1, v3  }
0x4f: {  	[tilespmem:s21], [sflag:$0x1] =	stream.indirect_vreg.gather [hbm4b:s2+s3], $0x80, v4, vm0, $0xb8;
	[tilespmem:$0x6080] =	vst v63  }
0x50: {  	_ = 	snop  }
0x51: {  	[tilespmem:s22], [sflag:$0x1] =	stream.indirect_vreg.gather [hbm4b:s4+s3], $0x80, v4, vm1, $0xb8;
	[tilespmem:$0x6080] =	vst v63  }
0x52: {  	_ = 	snop  }
0x53: {  	[tilespmem:s23], [sflag:$0x1] =	stream.indirect_vreg.gather [hbm4b:s2+s3], $0x80, v3, vm0, $0xb8;
	[tilespmem:$0x6080] =	vst v63  }
0x54: {  	_ = 	snop  }
0x55: {  	[tilespmem:s24], [sflag:$0x1] =	stream.indirect_vreg.gather [hbm4b:s4+s3], $0x80, v3, vm1, $0xb8;
	[tilespmem:$0x6080] =	vst v63  }
0x56: {  	_ =	swait.ge [sflag:s25], $0x6000  }
0x57: {  	p0 =	sne.s32 s28, $0xB8;
	[sflag:s25] =	ssyncset.done $0x0  }
.Ltmp0:
0x58: {  	[sflag:s25] =	ssyncadd.s32 $0xFFFFA000;
	(pc) =	sbr.rel @p0 .LBB2_2-.Ltmp0, $4  }
0x59: {  	[hbm4b:s29+s3] =	stream.linear.scatter [tilespmem:s9], [sflag:$0x2], $0x6000, $0x38;
	[tilespmem:$0x6080] =	vst v63  }
0x5a: {  	_ =	swait.ge [sflag:s8], $0x6000  }
0x5b: {  	[sflag:s8] =	ssyncset.done $0x0  }
0x5c: {  	s28 =	sadd.s32 $0x8, s28;
	s29 =	sadd.s32 $0xC00, s29;
	[sflag:s8] =	ssyncadd.s32 $0xFFFFA000  }
0x5d: {  	s26 =	sadd.s32 $0x1, s26  }
0x5e: {  	p0 =	sne.s32 s26, s5  }
.Ltmp1:
0x5f: {  	_ = 	snop;
	(pc) =	sbr.rel @p0 .LBB2_1-.Ltmp1, $1  }
0x60: {  	_ =	sdelay $0x3  }
0x61: {  	_ =	sfence.sel $0x180000  }
0x62: {  	[bflag:$0x0] =	sbarrier.arrive $0xFFFF  }
0x63: {  	p0 =	sne.s32 s0, $0x0;
	_ =	strace $0x9000004D  }
0x64: {  	s0 =	sadd.s32 @!p0 $0x100000, s1;
	[bflag:$0x2] =	sbarrier.arrive $0xFFFF  }
0x65: {  	[sflag:s0] =	ssyncadd.tile.s32 @!p0 $0x1;
	_ =	shalt  }
.Lfunc_end2:
_tile_overlayer_lowered:
.L_overlay_start_2:
0x66: {  	(tag) =	ssettag $0x2  }
0x67: {  	s0 =	rddreg [dreg:$0x0];
	s2 =	stileid.u32  }
0x68: {  	s1 =	rddreg [dreg:$0x1];
	p0 =	sne.s32 s2, $0x0  }
0x69: {  	s3 =	rddreg [dreg:$0x2];
	[bflag:$0x3] =	sbarrier.arrive $0xFFFF;
	s2 =	simm.s32 @!p0 $0x1C02  }
0x6a: {  	[timem:s3], [sflag:s2] =	dma.local @!p0 [hbm:s0], s1  }
0x6b: {  	s0 =	simm.s32 @!p0 $0x2  }
0x6c: {  	_ =	swait.ge @!p0 [sflag:s0], s1  }
0x6d: {  	s1 =	ssub.s32 @!p0 $0x0, s1;
	[sflag:s0] =	ssyncset.done @!p0 $0x0  }
0x6e: {  	[sflag:s0] =	ssyncadd.s32 @!p0 s1  }
0x6f: {  	[bflag:$0x3] =	sbarrier.arrive $0xFFFF  }
0x70: {  	_ =	shalt  }

// kernel: kernel.42.cloned.1.call-start
scs
__scs_entry_jumppad:
0x0: {  	(pc) =	sbr.rel $0x88, $3  }
0x1: {  	(tag) =	ssettag $0x0;
	lr =	simm.s32 $0x1  }
0x2: {  	[smem:$0x3F37] =	sst lr;
	_ =	strace $0xD0000000  }
0x3: {  	_ = 	snop  }
0x4: {  	_ = 	snop  }
0x5: {  	_ = 	snop  }
0x6: {  	_ = 	snop  }
0x7: {  	_ = 	snop  }
__scs_overlays_trampoline_lowered:
0x8: {  	[smem:$0x3F46] =	sst s0  }
0x9: {  	[smem:$0x3F47] =	sst s1  }
0xa: {  	[smem:$0x3F48] =	sst s2  }
0xb: {  	[smem:$0x3F49] =	sst s3  }
0xc: {  	[smem:$0x3F4A] =	sst s4  }
0xd: {  	[smem:$0x3F4B] =	sst s5  }
0xe: {  	[smem:$0x3F4C] =	sst s6  }
0xf: {  	[smem:$0x3F4D] =	sst s7  }
0x10: {  	[smem:$0x3F4E] =	sst s8  }
0x11: {  	[smem:$0x3F4F] =	sst s9;
	s0 =	simm.s32 @!p0 $0x0  }
0x12: {  	s1 =	sld [smem:$0x3F35];
	s0 =	simm.s32 @p0 $0x1  }
0x13: {  	[smem:$0x3F50] =	sst s0;
	s0 =	simm.s32 @!p1 $0x0  }
0x14: {  	s2 =	sld [smem:$0x3F34];
	s0 =	simm.s32 @p1 $0x1  }
0x15: {  	[smem:$0x3F51] =	sst s0;
	s0 =	simm.s32 @!p2 $0x0  }
0x16: {  	s3 =	sld [smem:$0x3FDB];
	s0 =	simm.s32 @p2 $0x1  }
0x17: {  	s4 =	simm.s32 $0x1BF5;
	[smem:$0x3F53] =	sst s0  }
0x18: {  	s0 =	sld [smem:$0x3F36];
	_ =	swait.ge [sflag:s4], $0x0  }
0x19: {  	s7 =	sld [smem:$0x3F37]  }
0x1a: {  	s8 =	sadd.s32 $0xFFFFE003, lr  }
0x1b: {  	s9 =	sadd.s32 $0xFFFFFEF7, lr;
	s5 =	simm.s32 $0xFFFFFFFF;
	p2 =	slt.u32 s8, $0xFFFFF086  }
0x1c: {  	p1 =	slt.u32 s9, $0xF7A;
	s5 =	simm.s32 @!p2 $0x0  }
0x1d: {  	s5 =	simm.s32 @p1 $0x1;
	p0 =	seq.s32 s7, s2  }
0x1e: {  	s7 =	smul.u32 @!p0 $0xF7A, s2;
	p2 =	seq.s32 @!p0 s5, $0x0  }
0x1f: {  	s9 =	smul.u32 $0xF7A, s1;
	s8 =	simm.s32 @!p0 $0x1BF5;
	p2 =	por !p2, p0  }
0x20: {  	[sflag:s8] =	ssyncset.s32 @!p0 $0xFFFFF086;
	s6 =	sadd.s32 @!p0 s3, s7;
	s7 =	simm.s32 @!p0 $0x108  }
0x21: {  	s3 =	sadd.s32 s3, s9;
	s6 =	sadd.s32 @!p0 $0x88, s6;
	s7 =	simm.s32 @p2 $0x1082  }
0x22: {  	[simem:s7], [sflag:s8] =	dma.local @!p0 [hbm:s6], $0xF7A  }
0x23: {  	s9 =	sor.u32 $0xD0000000, s2;
	s6 =	simm.s32 $0x108;
	_ =	swait.ge @!p0 [sflag:s8], $0x0  }
0x24: {  	s3 =	sadd.s32 $0x88, s3;
	s6 =	simm.s32 @!p1 $0x1082;
	[sflag:s4] =	ssyncset.s32 $0xFFFFF086  }
0x25: {  	[simem:s6], [sflag:s4] =	dma.local [hbm:s3], $0xF7A  }
0x26: {  	[smem:$0x3F37] =	sst s1;
	(tag) =	ssettag s2;
	_ =	strace s9  }
0x27: {  	s1 =	sld [smem:$0x3F47]  }
0x28: {  	s2 =	sld [smem:$0x3F48]  }
0x29: {  	s4 =	sld [smem:$0x3F4A]  }
0x2a: {  	p0 =	seq.s32 s5, $0x0;
	s5 =	sld [smem:$0x3F4B]  }
0x2b: {  	s6 =	sld [smem:$0x3F4C]  }
0x2c: {  	s7 =	sld [smem:$0x3F4D]  }
0x2d: {  	s3 =	simm.s32 $0x108;
	s8 =	sld [smem:$0x3F4E]  }
0x2e: {  	s3 =	simm.s32 @!p0 $0x1082;
	s9 =	sld [smem:$0x3F4F]  }
0x2f: {  	lr =	sadd.s32 s0, s3;
	s0 =	sld [smem:$0x3F46]  }
0x30: {  	s3 =	sld [smem:$0x3F49]  }
0x31: {  	[smem:$0x3F52] =	sst s10  }
0x32: {  	s10 =	sld [smem:$0x3F50];
	_ =	sdelay $0x3  }
0x33: {  	p0 =	seq.s32 s10, $0x1;
	s10 =	sld [smem:$0x3F52];
	_ =	sdelay $0x3  }
0x34: {  	[smem:$0x3F52] =	sst s10  }
0x35: {  	s10 =	sld [smem:$0x3F51];
	_ =	sdelay $0x3  }
0x36: {  	p1 =	seq.s32 s10, $0x1;
	s10 =	sld [smem:$0x3F52];
	_ =	sdelay $0x3  }
0x37: {  	[smem:$0x3F52] =	sst s10  }
0x38: {  	s10 =	sld [smem:$0x3F53]  }
0x39: {  	_ = 	snop;
	(pc) =	sbr.ind lr, $3  }
0x3a: {  	_ = 	snop  }
0x3b: {  	_ = 	snop  }
0x3c: {  	p2 =	seq.s32 s10, $0x1;
	s10 =	sld [smem:$0x3F52]  }
0x3d: {  	_ =	shalt  }
0x3e: {  	_ =	shalt  }
0x3f: {  	_ =	shalt  }
0x40: {  	_ =	shalt  }
0x41: {  	_ =	shalt  }
0x42: {  	_ =	shalt  }
0x43: {  	_ =	shalt  }
0x44: {  	_ =	shalt  }
0x45: {  	_ =	shalt  }
0x46: {  	_ =	shalt  }
0x47: {  	_ =	shalt  }
0x48: {  	_ =	shalt  }
0x49: {  	_ =	shalt  }
0x4a: {  	_ =	shalt  }
0x4b: {  	_ =	shalt  }
0x4c: {  	_ =	shalt  }
0x4d: {  	_ =	shalt  }
0x4e: {  	_ =	shalt  }
0x4f: {  	_ =	shalt  }
0x50: {  	_ =	shalt  }
0x51: {  	_ =	shalt  }
0x52: {  	_ =	shalt  }
0x53: {  	_ =	shalt  }
0x54: {  	_ =	shalt  }
0x55: {  	_ =	shalt  }
0x56: {  	_ =	shalt  }
0x57: {  	_ =	shalt  }
0x58: {  	_ =	shalt  }
0x59: {  	_ =	shalt  }
0x5a: {  	_ =	shalt  }
0x5b: {  	_ =	shalt  }
0x5c: {  	_ =	shalt  }
0x5d: {  	_ =	shalt  }
0x5e: {  	_ =	shalt  }
0x5f: {  	_ =	shalt  }
0x60: {  	_ =	shalt  }
0x61: {  	_ =	shalt  }
0x62: {  	_ =	shalt  }
0x63: {  	_ =	shalt  }
0x64: {  	_ =	shalt  }
0x65: {  	_ =	shalt  }
0x66: {  	_ =	shalt  }
0x67: {  	_ =	shalt  }
0x68: {  	_ =	shalt  }
0x69: {  	_ =	shalt  }
0x6a: {  	_ =	shalt  }
0x6b: {  	_ =	shalt  }
0x6c: {  	_ =	shalt  }
0x6d: {  	_ =	shalt  }
0x6e: {  	_ =	shalt  }
0x6f: {  	_ =	shalt  }
0x70: {  	_ =	shalt  }
0x71: {  	_ =	shalt  }
0x72: {  	_ =	shalt  }
0x73: {  	_ =	shalt  }
0x74: {  	_ =	shalt  }
0x75: {  	_ =	shalt  }
0x76: {  	_ =	shalt  }
0x77: {  	_ =	shalt  }
0x78: {  	_ =	shalt  }
0x79: {  	_ =	shalt  }
0x7a: {  	_ =	shalt  }
0x7b: {  	_ =	shalt  }
0x7c: {  	_ =	shalt  }
0x7d: {  	_ =	shalt  }
0x7e: {  	_ =	shalt  }
0x7f: {  	_ =	shalt  }
0x80: {  	_ =	shalt  }
0x81: {  	_ =	shalt  }
0x82: {  	_ =	shalt  }
0x83: {  	_ =	shalt  }
0x84: {  	_ =	shalt  }
0x85: {  	_ =	shalt  }
0x86: {  	_ =	shalt  }
0x87: {  	_ =	shalt  }
.Lfunc_end0:
.L_simem_size_0:
called_computation.3_lowered:
.L_overlay_start_0:
0x88: {  	s2 =	sld [smem:$0x3FD9]  }
0x89: {  	s3 =	sld [smem:$0x3FFE];
	_ =	sdelay $0x1  }
0x8a: {  	s1 =	srdreg.scid  }
0x8b: {  	s0 =	sand.u32 $0x1, s1  }
0x8c: {  	s14 =	sshll.u32 s0, $0xA;
	s2 =	sadd.s32 s3, s2  }
0x8d: {  	s2 =	sadd.s32 s2, s14  }
0x8e: {  	[smem:$0x3F5E] =	sst s2  }
0x8f: {  	_ = 	snop  }
0x90: {  	s2 =	sld [smem:$0x3FD0];
	_ =	sdelay $0x2  }
0x91: {  	s15 =	simm.s32 $0xA;
	s4 =	simm.s32 $0x10  }
0x92: {  	[smem:s4], [sflag:s15] =	dma.local [hbm:s2], $0x1  }
0x93: {  	_ =	swait.eq [sflag:s15], $0x1  }
0x94: {  	[sflag:s15] =	ssyncset.done $0x0  }
0x95: {  	[sflag:s15] =	ssyncadd.s32 $0xFFFFFFFF  }
0x96: {  	s16 =	sld [smem:$0x11];
	(tm) =	ssettm $0x1  }
0x97: {  	s17 =	sld [smem:$0x3FFB];
	_ =	sdelay $0x3  }
0x98: {  	_ =	strace s17  }
0x99: {  	s3 =	sld [smem:$0x3FFC];
	_ =	sdelay $0x3  }
0x9a: {  	_ =	strace s3  }
0x9b: {  	s3 =	sld [smem:$0x3FFD];
	_ =	sdelay $0x3  }
0x9c: {  	_ =	strace s3  }
0x9d: {  	_ =	strace $0x8FFFFFFF  }
0x9e: {  	s18 =	sld [smem:$0x3FDB];
	_ =	sdelay $0x1  }
0x9f: {  	s19 =	simm.s32 $_scs_section_size  }
0xa0: {  	s5 =	simm.s32 $_size__tile_overlayer_lowered;
	s6 =	simm.s32 $_tile_overlayer_lowered  }
0xa1: {  	s22 =	simm.s32 $0x1BFF;
	s21 =	sshll.u32 s6, $0x1;
	s3 =	sadd.s32 s19, s18  }
0xa2: {  	s7 =	simm.s32 $0x0;
	s20 =	sshll.u32 s5, $0x1;
	s5 =	sadd.s32 s21, s3  }
0xa3: {  	[timem:s7], [sflag:s22] =	dma.local [hbm:s5], s20  }
0xa4: {  	_ =	swait.ge [sflag:s22], s20  }
0xa5: {  	s4 =	ssub.s32 $0x0, s20;
	[sflag:s22] =	ssyncset.done $0x0  }
0xa6: {  	[sflag:s22] =	ssyncadd.s32 s4;
	_ =	sdelay $0x1  }
0xa7: {  	s23 =	simm.s32 $0x1B8B  }
0xa8: {  	_ =	swait.ge [sflag:s23], $0x1  }
0xa9: {  	[sflag:s23] =	ssyncset.done $0x0  }
0xaa: {  	s25 =	simm.s32 $0x1B8E;
	s24 =	sld [smem:$0x3FFE];
	[sflag:s23] =	ssyncadd.s32 $0xFFFFFFFF  }
0xab: {  	s26 =	simm.s32 $execute0_lowered;
	[smem:$0x3FD2] =	sst s25  }
0xac: {  	s5 =	sshll.u32 s26, $0x1;
	_ =	strace $0x8000004F;
	[dreg:$0x1] =	wrdreg $0xFFFFFFFF  }
0xad: {  	s28 =	simm.s32 $_size_execute0_lowered;
	s3 =	sadd.s32 s3, s5;
	[dreg:$0x0] =	wrdreg $0x0  }
0xae: {  	s5 =	sshll.u32 s28, $0x1;
	[dreg:$0x2] =	wrdreg s3  }
0xaf: {  	[dreg:$0x3] =	wrdreg s5  }
0xb0: {  	[dreg:$0x4] =	wrdreg $0xC0  }
0xb1: {  	_ =	task [dreg:s7], $0x5FFFF  }
0xb2: {  	[dreg:$0x1] =	wrdreg $0xFFFFFFFF  }
0xb3: {  	[dreg:$0x0] =	wrdreg $0x60  }
0xb4: {  	[dreg:$0x2] =	wrdreg s16  }
0xb5: {  	[dreg:$0x3] =	wrdreg s24  }
0xb6: {  	[dreg:$0x4] =	wrdreg $0x9  }
0xb7: {  	_ =	task.clear_ibuf [dreg:s7], $0x5FFFF;
	_ =	strace $0x9000004F  }
0xb8: {  	s29 =	simm.s32 $0x9;
	_ =	strace $0x80000051  }
0xb9: {  	_ =	swait.ge [sflag:s29], $0x1  }
0xba: {  	[sflag:s29] =	ssyncadd.s32 $0xFFFFFFFF  }
0xbb: {  	_ =	strace $0x90000051  }
0xbc: {  	_ =	sfence  }
0xbd: {  	s30 =	sld [smem:$0x0];
	_ =	sdelay $0x2  }
0xbe: {  	s31 =	sshll.u32 s1, $0xD;
	s1 =	sshrl.u32 s1, $0x2  }
0xbf: {  	s3 =	sand.u32 $0x4000, s31;
	s1 =	sadd.s32 s1, s30  }
0xc0: {  	s0 =	sor.u32 s3, s0;
	s1 =	sshll.u32 s1, $0x11  }
0xc1: {  	s0 =	sor.u32 s1, s0  }
0xc2: {  	s0 =	sadd.s32 $0x8F2B, s0  }
0xc3: {  	[sflag:s0] =	ssyncadd.remote.s32 $0x1  }
0xc4: {  	_ =	sfence.sel $0xFFFF  }
0xc5: {  	[dreg:$0x0] =	wrdreg $0xFFFFFFFF;
	(pc) =	sbr.abs _section_cstart, $3  }
0xc6: {  	[dreg:$0x1] =	wrdreg $0xFFFFFFFF  }
0xc7: {  	_ =	task.clear_ibuf [dreg:s7], $0x2FFFF;
	_ =	strace $0x9FFFFFFF  }
0xc8: {  	(tm) =	ssettm $0x7FFFFFFF  }
0xc9: {  	_ =	shalt  }
tec
execute0_lowered:
.L_overlay_start_1:
0x0: {  	(tag) =	ssettag $0x1  }
0x1: {  	s1 =	srdreg.scid;
	s2 =	rddreg [dreg:$0x0]  }
0x2: {  	s0 =	stileid.u32;
	s5 =	rddreg [dreg:$0x1];
	s9 =	simm.s32 $0x2  }
0x3: {  	s10 =	simm.s32 $0x80;
	s11 =	simm.s32 $0x880;
	s12 =	simm.s32 $0x1080  }
0x4: {  	s13 =	simm.s32 $0x1480;
	s14 =	simm.s32 $0x1C80;
	s15 =	simm.s32 $0x2480  }
0x5: {  	s16 =	simm.s32 $0x2880;
	s17 =	simm.s32 $0x3080;
	s18 =	simm.s32 $0x3880  }
0x6: {  	s19 =	simm.s32 $0x3C80;
	s20 =	simm.s32 $0x4480;
	s21 =	simm.s32 $0x4C80  }
0x7: {  	s22 =	simm.s32 $0x5080;
	s1 =	sand.u32 $0x1, s1;
	s3 =	smul.u32 $0x600, s0  }
0x8: {  	s23 =	simm.s32 $0x5880;
	s24 =	simm.s32 $0x6080;
	s4 =	smul.u32 $0x300, s1  }
0x9: {  	s25 =	simm.s32 $0x6480;
	s26 =	simm.s32 $0x6C80;
	s28 =	simm.s32 $0x7480  }
0xa: {  	s29 =	simm.s32 $0x1;
	s30 =	simm.s32 $0x0;
	s4 =	sadd.s32 s4, s3  }
0xb: {  	s1 =	ssub.s32 $0x2, s1;
	s3 =	simm.s32 $0x0;
	s4 =	sshrl.u32 s4, $0x3  }
0xc: {  	s31 =	sshrl.u32 s1, $0x1;
	[smem:$0x7FF] =	sst s3;
	s6 =	smul.u32 $0x280, s4  }
0xd: {  	v2 =	vlaneseq.u32;
	s1 =	ssub.s32 s1, s31;
	_ =	strace $0x80000050;
	s8 =	sadd.s32 s4, s5  }
0xe: {  	vm0 =	vmmov $0xffff;
	vm1 =	vmmov $0xff;
	v1 =	vshrl.u32 v2, $0x3;
	s4 =	sadd.s32 $0x100, s2;
	s8 =	sadd.s32 $0x6F8E00, s8;
	s7 =	sadd.s32 s6, s5  }
0xf: {  	v0 =	vand.u32 $0x7, v2;
	v2 =	vor.u32 $0x8, v2;
	v1 =	vmul.u32 $0x8, v1;
	s5 =	sadd.s32 $0x200, s2;
	s6 =	smax.u32 s1, $0x1;
	s7 =	sadd.s32 $0x79600, s7  }
.LBB2_1:
0x10: {  	s31 =	smov.u32 s7;
	s1 =	simm.s32 $0x0  }
.LBB2_2:
0x11: {  	s0 =	sadd.s32 s1, s8  }
0x12: {  	[tilespmem:s3], [sflag:$0x2] =	stream.linear.gather [hbm4b:s0+s3], $0x30, $0x38;
	[tilespmem:$0x7880] =	vst v63  }
0x13: {  	_ =	swait.ge [sflag:s9], $0x30  }
0x14: {  	[sflag:s9] =	ssyncset.done $0x0  }
0x15: {  	[sflag:s9] =	ssyncadd.s32 $0xFFFFFFD0  }
0x16: {  	v3 =	vld [tilespmem:$0x0];
	_ =	sdelay $0x4  }
0x17: {  	v4 =	vshrl.u32 v3, $0x3  }
0x18: {  	v4 =	vmul.u32 $0x28, v4  }
0x19: {  	v3 =	vand.u32 $0x7, v3  }
0x1a: {  	v3 =	vor.u32 v3, v4  }
0x1b: {  	v4 =	vperm.xlane v3, v0;
	_ =	sdelay $0x1  }
0x1c: {  	v4 =	vadd.s32 v1, v4;
	_ =	sdelay $0x3  }
0x1d: {  	v3 =	vperm.xlane v3, v2  }
0x1e: {  	[tilespmem:s10], [sflag:$0x1] =	stream.indirect_vreg.gather [hbm4b:s2+s3], $0x80, v4, vm0, $0xb8;
	[tilespmem:$0x7880] =	vst v63  }
0x1f: {  	v3 =	vadd.s32 v1, v3  }
0x20: {  	[tilespmem:s11], [sflag:$0x1] =	stream.indirect_vreg.gather [hbm4b:s4+s3], $0x80, v4, vm0, $0xb8;
	[tilespmem:$0x7880] =	vst v63  }
0x21: {  	_ = 	snop  }
0x22: {  	[tilespmem:s12], [sflag:$0x1] =	stream.indirect_vreg.gather [hbm4b:s5+s3], $0x80, v4, vm1, $0xb8;
	[tilespmem:$0x7880] =	vst v63  }
0x23: {  	_ = 	snop  }
0x24: {  	[tilespmem:s13], [sflag:$0x1] =	stream.indirect_vreg.gather [hbm4b:s2+s3], $0x80, v3, vm0, $0xb8;
	[tilespmem:$0x7880] =	vst v63  }
0x25: {  	_ = 	snop  }
0x26: {  	[tilespmem:s14], [sflag:$0x1] =	stream.indirect_vreg.gather [hbm4b:s4+s3], $0x80, v3, vm0, $0xb8;
	[tilespmem:$0x7880] =	vst v63  }
0x27: {  	_ = 	snop  }
0x28: {  	[tilespmem:s15], [sflag:$0x1] =	stream.indirect_vreg.gather [hbm4b:s5+s3], $0x80, v3, vm1, $0xb8;
	[tilespmem:$0x7880] =	vst v63  }
0x29: {  	v3 =	vld [tilespmem:$0x10];
	_ =	sdelay $0x4  }
0x2a: {  	v62 =	vshrl.u32 v3, $0x3  }
0x2b: {  	v4 =	vmul.u32 $0x28, v62  }
0x2c: {  	v3 =	vand.u32 $0x7, v3  }
0x2d: {  	v3 =	vor.u32 v3, v4  }
0x2e: {  	v4 =	vperm.xlane v3, v0;
	_ =	sdelay $0x1  }
0x2f: {  	v4 =	vadd.s32 v1, v4;
	_ =	sdelay $0x3  }
0x30: {  	v3 =	vperm.xlane v3, v2  }
0x31: {  	[tilespmem:s16], [sflag:$0x1] =	stream.indirect_vreg.gather [hbm4b:s2+s3], $0x80, v4, vm0, $0xb8;
	[tilespmem:$0x7880] =	vst v63  }
0x32: {  	v3 =	vadd.s32 v1, v3  }
0x33: {  	[tilespmem:s17], [sflag:$0x1] =	stream.indirect_vreg.gather [hbm4b:s4+s3], $0x80, v4, vm0, $0xb8;
	[tilespmem:$0x7880] =	vst v63  }
0x34: {  	_ = 	snop  }
0x35: {  	[tilespmem:s18], [sflag:$0x1] =	stream.indirect_vreg.gather [hbm4b:s5+s3], $0x80, v4, vm1, $0xb8;
	[tilespmem:$0x7880] =	vst v63  }
0x36: {  	_ = 	snop  }
0x37: {  	[tilespmem:s19], [sflag:$0x1] =	stream.indirect_vreg.gather [hbm4b:s2+s3], $0x80, v3, vm0, $0xb8;
	[tilespmem:$0x7880] =	vst v63  }
0x38: {  	_ = 	snop  }
0x39: {  	[tilespmem:s20], [sflag:$0x1] =	stream.indirect_vreg.gather [hbm4b:s4+s3], $0x80, v3, vm0, $0xb8;
	[tilespmem:$0x7880] =	vst v63  }
0x3a: {  	_ = 	snop  }
0x3b: {  	[tilespmem:s21], [sflag:$0x1] =	stream.indirect_vreg.gather [hbm4b:s5+s3], $0x80, v3, vm1, $0xb8;
	[tilespmem:$0x7880] =	vst v63  }
0x3c: {  	v3 =	vld [tilespmem:$0x20];
	_ =	sdelay $0x4  }
0x3d: {  	v63 =	vshrl.u32 v3, $0x3  }
0x3e: {  	v4 =	vmul.u32 $0x28, v63  }
0x3f: {  	v3 =	vand.u32 $0x7, v3  }
0x40: {  	v3 =	vor.u32 v3, v4  }
0x41: {  	v4 =	vperm.xlane v3, v0;
	_ =	sdelay $0x1  }
0x42: {  	v4 =	vadd.s32 v1, v4;
	_ =	sdelay $0x3  }
0x43: {  	v3 =	vperm.xlane v3, v2  }
0x44: {  	[tilespmem:s22], [sflag:$0x1] =	stream.indirect_vreg.gather [hbm4b:s2+s3], $0x80, v4, vm0, $0xb8;
	[tilespmem:$0x7880] =	vst v63  }
0x45: {  	v3 =	vadd.s32 v1, v3  }
0x46: {  	[tilespmem:s23], [sflag:$0x1] =	stream.indirect_vreg.gather [hbm4b:s4+s3], $0x80, v4, vm0, $0xb8;
	[tilespmem:$0x7880] =	vst v63  }
0x47: {  	_ = 	snop  }
0x48: {  	[tilespmem:s24], [sflag:$0x1] =	stream.indirect_vreg.gather [hbm4b:s5+s3], $0x80, v4, vm1, $0xb8;
	[tilespmem:$0x7880] =	vst v63  }
0x49: {  	_ = 	snop  }
0x4a: {  	[tilespmem:s25], [sflag:$0x1] =	stream.indirect_vreg.gather [hbm4b:s2+s3], $0x80, v3, vm0, $0xb8;
	[tilespmem:$0x7880] =	vst v63  }
0x4b: {  	_ = 	snop  }
0x4c: {  	[tilespmem:s26], [sflag:$0x1] =	stream.indirect_vreg.gather [hbm4b:s4+s3], $0x80, v3, vm0, $0xb8;
	[tilespmem:$0x7880] =	vst v63  }
0x4d: {  	_ = 	snop  }
0x4e: {  	[tilespmem:s28], [sflag:$0x1] =	stream.indirect_vreg.gather [hbm4b:s5+s3], $0x80, v3, vm1, $0xb8;
	[tilespmem:$0x7880] =	vst v63  }
0x4f: {  	_ =	swait.ge [sflag:s29], $0x7800  }
0x50: {  	p0 =	sne.s32 s1, $0x5A;
	[sflag:s29] =	ssyncset.done $0x0  }
.Ltmp0:
0x51: {  	[sflag:s29] =	ssyncadd.s32 $0xFFFF8800;
	(pc) =	sbr.rel @p0 .LBB2_2-.Ltmp0, $4  }
0x52: {  	[hbm4b:s31+s3] =	stream.linear.scatter [tilespmem:s10], [sflag:$0x2], $0x7800, $0x38;
	[tilespmem:$0x7880] =	vst v63  }
0x53: {  	_ =	swait.ge [sflag:s9], $0x7800  }
0x54: {  	[sflag:s9] =	ssyncset.done $0x0  }
0x55: {  	s1 =	sadd.s32 $0x6, s1;
	s31 =	sadd.s32 $0xF00, s31;
	[sflag:s9] =	ssyncadd.s32 $0xFFFF8800  }
0x56: {  	s30 =	sadd.s32 $0x1, s30  }
0x57: {  	p0 =	sne.s32 s30, s6  }
.Ltmp1:
0x58: {  	_ = 	snop;
	(pc) =	sbr.rel @p0 .LBB2_1-.Ltmp1, $1  }
0x59: {  	_ =	sdelay $0x3  }
0x5a: {  	_ =	sfence.sel $0x180000  }
0x5b: {  	[bflag:$0x0] =	sbarrier.arrive $0xFFFF  }
0x5c: {  	_ =	strace $0x90000050  }
0x5d: {  	s0 =	stileid.u32;
	[bflag:$0x2] =	sbarrier.arrive $0xFFFF  }
0x5e: {  	p0 =	sne.s32 s0, $0x0;
	s0 =	rddreg [dreg:$0x2]  }
0x5f: {  	s0 =	sadd.s32 @!p0 $0x100000, s0  }
0x60: {  	[sflag:s0] =	ssyncadd.tile.s32 @!p0 $0x1;
	_ =	shalt  }
.Lfunc_end2:
_tile_overlayer_lowered:
.L_overlay_start_2:
0x61: {  	(tag) =	ssettag $0x2  }
0x62: {  	s0 =	rddreg [dreg:$0x0];
	s2 =	stileid.u32  }
0x63: {  	s1 =	rddreg [dreg:$0x1];
	p0 =	sne.s32 s2, $0x0  }
0x64: {  	s3 =	rddreg [dreg:$0x2];
	[bflag:$0x3] =	sbarrier.arrive $0xFFFF;
	s2 =	simm.s32 @!p0 $0x1C02  }
0x65: {  	[timem:s3], [sflag:s2] =	dma.local @!p0 [hbm:s0], s1  }
0x66: {  	s0 =	simm.s32 @!p0 $0x2  }
0x67: {  	_ =	swait.ge @!p0 [sflag:s0], s1  }
0x68: {  	s1 =	ssub.s32 @!p0 $0x0, s1;
	[sflag:s0] =	ssyncset.done @!p0 $0x0  }
0x69: {  	[sflag:s0] =	ssyncadd.s32 @!p0 s1  }
0x6a: {  	[bflag:$0x3] =	sbarrier.arrive $0xFFFF  }
0x6b: {  	_ =	shalt  }

</sc_bundles>
